<compile_context>
chip_gen: v7x
topology: tpu7x:2x2x1
jax: 0.10.2.dev20260603
libtpu: 0.0.44.dev20260713+nightly
codegen_flags: <defaults>
</compile_context>

<pallas_src>
import math

import jax
import jax.numpy as jnp
from jax import lax
from jax.experimental import pallas as pl
from jax.experimental.pallas import tpu as pltpu
from jax.experimental.pallas import tpu_sc as plsc

N = 10000
E = 320000
D = 128

NC = 2
NS = 16
NW = NC * NS
EPW = E // NW
K = 80
NCHUNK = EPW // K
NROWCH = N // K
QMAX = -(-NROWCH // NS)
F32 = jnp.float32

_MESH = dict(core_axis_name="c", subcore_axis_name="s")


def _worker_ids():
    cid = lax.axis_index("c")
    tid = lax.axis_index("s")
    return cid, tid, tid * NC + cid


def _for_owned_row_chunks(tid, fn):
    for q in range(QMAX):
        m = tid + NS * q

        @pl.when(m < NROWCH)
        def _(m=m):
            fn(pl.multiple_of(m * K, 8))


def _fill(ref, rows, width, val):
    def body(i, _):
        for j in range(width // 16):
            ref[i, pl.ds(j * 16, 16)] = jnp.full((16,), val, F32)
        return 0
    lax.fori_loop(0, rows, body, 0)


IBUF = 4


def _make_sc_segsum(width, nbuf):
    unroll = nbuf * IBUF // math.gcd(nbuf, IBUF)
    nfull = NCHUNK // unroll
    ntail = NCHUNK % unroll

    def body(x_hbm, src_hbm, dst_hbm, p_out, *refs):
        rows = refs[:nbuf]
        sem_g = refs[nbuf:2 * nbuf]
        o = 2 * nbuf
        sbuf = refs[o:o + IBUF]
        sem_s = refs[o + IBUF:o + 2 * IBUF]
        dbuf = refs[o + 2 * IBUF:o + 3 * IBUF]
        sem_d = refs[o + 3 * IBUF:o + 4 * IBUF]
        acc = refs[o + 4 * IBUF]
        cid, tid, wid = _worker_ids()

        _fill(rows[0], K, width, 0.0)
        _for_owned_row_chunks(
            tid, lambda off: pltpu.sync_copy(rows[0], acc.at[pl.ds(off, K)]))
        plsc.subcore_barrier()

        base = wid * EPW

        def idx_load(c, q):
            off = pl.multiple_of(base + c * K, 8)
            pltpu.async_copy(src_hbm.at[pl.ds(off, K)], sbuf[q], sem_s[q])
            pltpu.async_copy(dst_hbm.at[pl.ds(off, K)], dbuf[q], sem_d[q])

        def gather(c, j, q):
            off = pl.multiple_of(base + c * K, 8)
            pltpu.make_async_copy(src_hbm.at[pl.ds(off, K)], sbuf[q],
                                  sem_s[q]).wait()
            pltpu.async_copy(x_hbm.at[sbuf[q]], rows[j], sem_g[j])

        def wait_scatter(c, j, q):
            off = pl.multiple_of(base + c * K, 8)
            pltpu.make_async_copy(x_hbm.at[sbuf[q]], rows[j], sem_g[j]).wait()
            pltpu.make_async_copy(dst_hbm.at[pl.ds(off, K)], dbuf[q],
                                  sem_d[q]).wait()
            pltpu.sync_copy(rows[j], acc.at[dbuf[q]], add=True)

        for q in range(IBUF):
            idx_load(q, q)
        for j in range(nbuf):
            gather(j, j, j)

        def group(i, _):
            for u in range(unroll):
                c = i * unroll + u
                j = u % nbuf
                q = u % IBUF
                wait_scatter(c, j, q)
                idx_load(c + IBUF, q)
                gather(c + nbuf, j, (u + nbuf) % IBUF)
            return 0
        lax.fori_loop(0, nfull, group, 0)

        for t in range(ntail):
            c = nfull * unroll + t
            wait_scatter(c, t % nbuf, t % IBUF)
            if c + IBUF < NCHUNK:
                idx_load(c + IBUF, t % IBUF)
            if c + nbuf < NCHUNK:
                gather(c + nbuf, (c + nbuf) % nbuf, (t + nbuf) % IBUF)

        plsc.subcore_barrier()
        _for_owned_row_chunks(
            tid, lambda off: pltpu.sync_copy(acc.at[pl.ds(off, K)],
                                             p_out.at[cid, pl.ds(off, K)]))

    return pl.kernel(
        body,
        out_type=[jax.ShapeDtypeStruct((NC, N, width), F32)],
        mesh=plsc.VectorSubcoreMesh(**_MESH),
        scratch_types=[
            *[pltpu.VMEM((K, width), F32) for _ in range(nbuf)],
            *[pltpu.SemaphoreType.DMA for _ in range(nbuf)],
            *[pltpu.VMEM((K,), jnp.int32) for _ in range(IBUF)],
            *[pltpu.SemaphoreType.DMA for _ in range(IBUF)],
            *[pltpu.VMEM((K,), jnp.int32) for _ in range(IBUF)],
            *[pltpu.SemaphoreType.DMA for _ in range(IBUF)],
            pltpu.VMEM_SHARED((N, width), F32),
        ],
    )


_sc_segsum = _make_sc_segsum(D, 3)


CW = 128


def _sc_counts_body(dst_hbm, c_out, dst_all, ones_v, zcnt_v, accc):
    cid, tid, wid = _worker_ids()

    _fill(ones_v, K, CW, 1.0)
    _fill(zcnt_v, K, CW, 0.0)
    _for_owned_row_chunks(
        tid, lambda off: pltpu.sync_copy(zcnt_v, accc.at[pl.ds(off, K)]))
    plsc.subcore_barrier()

    pltpu.sync_copy(dst_hbm.at[wid], dst_all)

    def chunk(c, _):
        pltpu.sync_copy(ones_v, accc.at[dst_all.at[c]], add=True)
        return 0
    lax.fori_loop(0, NCHUNK, chunk, 0)

    plsc.subcore_barrier()
    _for_owned_row_chunks(
        tid, lambda off: pltpu.sync_copy(accc.at[pl.ds(off, K)],
                                         c_out.at[cid, pl.ds(off, K)]))


_sc_counts = pl.kernel(
    _sc_counts_body,
    out_type=[jax.ShapeDtypeStruct((NC, N, CW), F32)],
    mesh=plsc.VectorSubcoreMesh(**_MESH),
    scratch_types=[
        pltpu.VMEM((NCHUNK, K), jnp.int32),
        pltpu.VMEM((K, CW), F32),
        pltpu.VMEM((K, CW), F32),
        pltpu.VMEM_SHARED((N, CW), F32),
    ],
)


R = 2000


def _tc_layer(x, P, C, Wn, Ws, b, relu):
    cw = C.shape[2]

    def body(p_ref, c_ref, x_ref, wn_ref, ws_ref, b_ref, o_ref):
        s = p_ref[0] + p_ref[1]
        cnt = c_ref[0, :, 0:1] + c_ref[1, :, 0:1]
        agg = s / jnp.maximum(cnt, 1.0)
        acc = (jnp.dot(agg, wn_ref[...], preferred_element_type=F32)
               + jnp.dot(x_ref[...], ws_ref[...], preferred_element_type=F32)
               + b_ref[...])
        if relu:
            acc = jnp.maximum(acc, 0.0)
        o_ref[...] = acc

    return pl.pallas_call(
        body,
        grid=(N // R,),
        in_specs=[
            pl.BlockSpec((2, R, D), lambda i: (0, i, 0)),
            pl.BlockSpec((2, R, cw), lambda i: (0, i, 0)),
            pl.BlockSpec((R, D), lambda i: (i, 0)),
            pl.BlockSpec((D, D), lambda i: (0, 0)),
            pl.BlockSpec((D, D), lambda i: (0, 0)),
            pl.BlockSpec((1, D), lambda i: (0, 0)),
        ],
        out_specs=pl.BlockSpec((R, D), lambda i: (i, 0)),
        out_shape=jax.ShapeDtypeStruct((N, D), F32),
    )(P, C, x, Wn, Ws, b.reshape(1, D))


def kernel(x, edge_index, W_neigh1, W_self1, b1, W_neigh2, W_self2, b2):
    src1 = edge_index[0]
    dst1 = edge_index[1]
    dst3 = dst1.reshape(NW, NCHUNK, K)
    (C,) = _sc_counts(dst3)
    (P1,) = _sc_segsum(x, src1, dst1)
    h = _tc_layer(x, P1, C, W_neigh1, W_self1, b1, relu=True)
    (P2,) = _sc_segsum(h, src1, dst1)
    out = _tc_layer(h, P2, C, W_neigh2, W_self2, b2, relu=False)
    return out

# --- scband reference (transcript-rebuilt; emitter-appended) ---
"""Pipeline reference for scband-gnnbackbone-7327214207620 (READ-ONLY COPY).

The authoritative reference and input builder live on the scoring server;
editing this copy changes nothing except your own understanding.
"""

import jax, jax.numpy as jnp
import numpy as np

N = 10000
E = 320000
D = 128
H = 128


def _sage_conv(x, edge_index, W_neigh, W_self, b):
    # PyG SAGEConv (mean aggr, root_weight=True):
    #   out = lin_l(mean_{j in N(i)} x_j) + lin_r(x_i)
    src = edge_index[0]
    dst = edge_index[1]
    msg = jnp.take(x, src, axis=0)
    agg = jax.ops.segment_sum(msg, dst, num_segments=x.shape[0])
    cnt = jax.ops.segment_sum(jnp.ones((src.shape[0], 1), dtype=x.dtype), dst, num_segments=x.shape[0])
    agg = agg / jnp.maximum(cnt, 1.0)
    return agg @ W_neigh + x @ W_self + b


def setup_inputs(seed: int = 0) -> dict:
    key = jax.random.key(seed)
    ks = jax.random.split(key, 9)
    x = jax.random.normal(ks[0], (N, D), dtype=jnp.float32)
    edge_index = jax.random.randint(ks[1], (2, E), 0, N, dtype=jnp.int32)
    s1 = 1.0 / np.sqrt(D)
    s2 = 1.0 / np.sqrt(H)
    W_neigh1 = jax.random.normal(ks[2], (D, H), dtype=jnp.float32) * s1
    W_self1 = jax.random.normal(ks[3], (D, H), dtype=jnp.float32) * s1
    b1 = jnp.zeros((H,), dtype=jnp.float32)
    W_neigh2 = jax.random.normal(ks[4], (H, H), dtype=jnp.float32) * s2
    W_self2 = jax.random.normal(ks[5], (H, H), dtype=jnp.float32) * s2
    b2 = jnp.zeros((H,), dtype=jnp.float32)
    return {
        "x": x,
        "edge_index": edge_index,
        "W_neigh1": W_neigh1,
        "W_self1": W_self1,
        "b1": b1,
        "W_neigh2": W_neigh2,
        "W_self2": W_self2,
        "b2": b2,
    }


def reference(x, edge_index, W_neigh1, W_self1, b1, W_neigh2, W_self2, b2):
    # Layer 1 + ReLU (dropout is identity in eval mode)
    h = _sage_conv(x, edge_index, W_neigh1, W_self1, b1)
    h = jax.nn.relu(h)
    # Layer 2 (last layer: no activation)
    out = _sage_conv(h, edge_index, W_neigh2, W_self2, b2)
    return out

if __name__ == "__main__":
    import jax
    _d = setup_inputs()
    print(jax.jit(kernel)(*tuple(_d.values())))

</pallas_src>

<mosaic_0001>
#map = affine_map<(d0, d1) -> (0, 0, 0)>
module attributes {stable_mosaic.version = 14 : i64} {
  func.func @_sc_counts_body(%arg0: i32, %arg1: i32, %arg2: memref<32x125x80xi32, #tpu.memory_space<hbm>>, %arg3: memref<2x10000x128xf32, #tpu.memory_space<hbm>>, %arg4: memref<125x80xi32, #tpu.memory_space<vmem>>, %arg5: memref<80x128xf32, #tpu.memory_space<vmem>>, %arg6: memref<80x128xf32, #tpu.memory_space<vmem>>, %arg7: memref<10000x128xf32, #tpu.memory_space<vmem_shared>>) attributes {dimension_semantics = [#tpu.dimension_semantics<core_parallel>, #tpu.dimension_semantics<subcore_parallel>], iteration_bounds = array<i64: 2, 16>, scalar_prefetch = 0 : i64, scratch_operands = 4 : i64, tpu.core_type = #tpu.core_type<sc_vector_subcore>, window_params = [{transform_indices = #map}, {transform_indices = #map}]} {
    %mul3A = arith.constant 2 : i32
    %mul3A_0 = arith.muli %arg1, %mul3A : i32
    %add3A = arith.addi %mul3A_0, %arg0 : i32
    %scan3A = arith.constant 0 : i32
    %scan3A_1 = arith.constant 0 : i32
    %scan3A_2 = arith.constant 80 : i32
    %scan3A_3 = arith.addi %scan3A_1, %scan3A_2 : i32
    %scan3A_4 = arith.constant 1 : i32
    %scan3A_5 = scf.for %scan3A_131 = %scan3A_1 to %scan3A_3 step %scan3A_4 iter_args(%scan3A_132 = %scan3A) -> (i32)  : i32 {
      %broadcast_in_dim3A = arith.constant 1.000000e+00 : f32
      %broadcast_in_dim3A_133 = vector.broadcast %broadcast_in_dim3A : f32 to vector<16xf32>
      %swap3A = arith.index_cast %scan3A_131 : i32 to index
      %swap3A_134 = arith.constant 0 : index
      %swap3A_135 = tpu.vector_load %arg5[%swap3A, %swap3A_134] {strides = array<i32>} : memref<80x128xf32, #tpu.memory_space<vmem>>, vector<1x16xf32>,
      %swap3A_136 = vector.shape_cast %swap3A_135 : vector<1x16xf32> to vector<16xf32>
      %swap3A_137 = vector.shape_cast %broadcast_in_dim3A_133 : vector<16xf32> to vector<1x16xf32>
      tpu.vector_store %arg5[%swap3A, %swap3A_134], %swap3A_137 {strides = array<i32>} : memref<80x128xf32, #tpu.memory_space<vmem>>, vector<1x16xf32>,
      %broadcast_in_dim3A_138 = arith.constant 1.000000e+00 : f32
      %broadcast_in_dim3A_139 = vector.broadcast %broadcast_in_dim3A_138 : f32 to vector<16xf32>
      %swap3A_140 = arith.index_cast %scan3A_131 : i32 to index
      %swap3A_141 = arith.constant 16 : index
      %swap3A_142 = tpu.vector_load %arg5[%swap3A_140, %swap3A_141] {strides = array<i32>} : memref<80x128xf32, #tpu.memory_space<vmem>>, vector<1x16xf32>,
      %swap3A_143 = vector.shape_cast %swap3A_142 : vector<1x16xf32> to vector<16xf32>
      %swap3A_144 = vector.shape_cast %broadcast_in_dim3A_139 : vector<16xf32> to vector<1x16xf32>
      tpu.vector_store %arg5[%swap3A_140, %swap3A_141], %swap3A_144 {strides = array<i32>} : memref<80x128xf32, #tpu.memory_space<vmem>>, vector<1x16xf32>,
      %broadcast_in_dim3A_145 = arith.constant 1.000000e+00 : f32
      %broadcast_in_dim3A_146 = vector.broadcast %broadcast_in_dim3A_145 : f32 to vector<16xf32>
      %swap3A_147 = arith.index_cast %scan3A_131 : i32 to index
      %swap3A_148 = arith.constant 32 : index
      %swap3A_149 = tpu.vector_load %arg5[%swap3A_147, %swap3A_148] {strides = array<i32>} : memref<80x128xf32, #tpu.memory_space<vmem>>, vector<1x16xf32>,
      %swap3A_150 = vector.shape_cast %swap3A_149 : vector<1x16xf32> to vector<16xf32>
      %swap3A_151 = vector.shape_cast %broadcast_in_dim3A_146 : vector<16xf32> to vector<1x16xf32>
      tpu.vector_store %arg5[%swap3A_147, %swap3A_148], %swap3A_151 {strides = array<i32>} : memref<80x128xf32, #tpu.memory_space<vmem>>, vector<1x16xf32>,
      %broadcast_in_dim3A_152 = arith.constant 1.000000e+00 : f32
      %broadcast_in_dim3A_153 = vector.broadcast %broadcast_in_dim3A_152 : f32 to vector<16xf32>
      %swap3A_154 = arith.index_cast %scan3A_131 : i32 to index
      %swap3A_155 = arith.constant 48 : index
      %swap3A_156 = tpu.vector_load %arg5[%swap3A_154, %swap3A_155] {strides = array<i32>} : memref<80x128xf32, #tpu.memory_space<vmem>>, vector<1x16xf32>,
      %swap3A_157 = vector.shape_cast %swap3A_156 : vector<1x16xf32> to vector<16xf32>
      %swap3A_158 = vector.shape_cast %broadcast_in_dim3A_153 : vector<16xf32> to vector<1x16xf32>
      tpu.vector_store %arg5[%swap3A_154, %swap3A_155], %swap3A_158 {strides = array<i32>} : memref<80x128xf32, #tpu.memory_space<vmem>>, vector<1x16xf32>,
      %broadcast_in_dim3A_159 = arith.constant 1.000000e+00 : f32
      %broadcast_in_dim3A_160 = vector.broadcast %broadcast_in_dim3A_159 : f32 to vector<16xf32>
      %swap3A_161 = arith.index_cast %scan3A_131 : i32 to index
      %swap3A_162 = arith.constant 64 : index
      %swap3A_163 = tpu.vector_load %arg5[%swap3A_161, %swap3A_162] {strides = array<i32>} : memref<80x128xf32, #tpu.memory_space<vmem>>, vector<1x16xf32>,
      %swap3A_164 = vector.shape_cast %swap3A_163 : vector<1x16xf32> to vector<16xf32>
      %swap3A_165 = vector.shape_cast %broadcast_in_dim3A_160 : vector<16xf32> to vector<1x16xf32>
      tpu.vector_store %arg5[%swap3A_161, %swap3A_162], %swap3A_165 {strides = array<i32>} : memref<80x128xf32, #tpu.memory_space<vmem>>, vector<1x16xf32>,
      %broadcast_in_dim3A_166 = arith.constant 1.000000e+00 : f32
      %broadcast_in_dim3A_167 = vector.broadcast %broadcast_in_dim3A_166 : f32 to vector<16xf32>
      %swap3A_168 = arith.index_cast %scan3A_131 : i32 to index
      %swap3A_169 = arith.constant 80 : index
      %swap3A_170 = tpu.vector_load %arg5[%swap3A_168, %swap3A_169] {strides = array<i32>} : memref<80x128xf32, #tpu.memory_space<vmem>>, vector<1x16xf32>,
      %swap3A_171 = vector.shape_cast %swap3A_170 : vector<1x16xf32> to vector<16xf32>
      %swap3A_172 = vector.shape_cast %broadcast_in_dim3A_167 : vector<16xf32> to vector<1x16xf32>
      tpu.vector_store %arg5[%swap3A_168, %swap3A_169], %swap3A_172 {strides = array<i32>} : memref<80x128xf32, #tpu.memory_space<vmem>>, vector<1x16xf32>,
      %broadcast_in_dim3A_173 = arith.constant 1.000000e+00 : f32
      %broadcast_in_dim3A_174 = vector.broadcast %broadcast_in_dim3A_173 : f32 to vector<16xf32>
      %swap3A_175 = arith.index_cast %scan3A_131 : i32 to index
      %swap3A_176 = arith.constant 96 : index
      %swap3A_177 = tpu.vector_load %arg5[%swap3A_175, %swap3A_176] {strides = array<i32>} : memref<80x128xf32, #tpu.memory_space<vmem>>, vector<1x16xf32>,
      %swap3A_178 = vector.shape_cast %swap3A_177 : vector<1x16xf32> to vector<16xf32>
      %swap3A_179 = vector.shape_cast %broadcast_in_dim3A_174 : vector<16xf32> to vector<1x16xf32>
      tpu.vector_store %arg5[%swap3A_175, %swap3A_176], %swap3A_179 {strides = array<i32>} : memref<80x128xf32, #tpu.memory_space<vmem>>, vector<1x16xf32>,
      %broadcast_in_dim3A_180 = arith.constant 1.000000e+00 : f32
      %broadcast_in_dim3A_181 = vector.broadcast %broadcast_in_dim3A_180 : f32 to vector<16xf32>
      %swap3A_182 = arith.index_cast %scan3A_131 : i32 to index
      %swap3A_183 = arith.constant 112 : index
      %swap3A_184 = tpu.vector_load %arg5[%swap3A_182, %swap3A_183] {strides = array<i32>} : memref<80x128xf32, #tpu.memory_space<vmem>>, vector<1x16xf32>,
      %swap3A_185 = vector.shape_cast %swap3A_184 : vector<1x16xf32> to vector<16xf32>
      %swap3A_186 = vector.shape_cast %broadcast_in_dim3A_181 : vector<16xf32> to vector<1x16xf32>
      tpu.vector_store %arg5[%swap3A_182, %swap3A_183], %swap3A_186 {strides = array<i32>} : memref<80x128xf32, #tpu.memory_space<vmem>>, vector<1x16xf32>,
      %scan3A_187 = arith.constant 0 : i32
      scf.yield %scan3A_187 : i32
    }
    %scan3A_6 = arith.constant 80 : i32
    %scan3A_7 = arith.constant 0 : i32
    %scan3A_8 = arith.constant 0 : i32
    %scan3A_9 = arith.constant 80 : i32
    %scan3A_10 = arith.addi %scan3A_8, %scan3A_9 : i32
    %scan3A_11 = arith.constant 1 : i32
    %scan3A_12 = scf.for %scan3A_131 = %scan3A_8 to %scan3A_10 step %scan3A_11 iter_args(%scan3A_132 = %scan3A_7) -> (i32)  : i32 {
      %broadcast_in_dim3A = arith.constant 0.000000e+00 : f32
      %broadcast_in_dim3A_133 = vector.broadcast %broadcast_in_dim3A : f32 to vector<16xf32>
      %swap3A = arith.index_cast %scan3A_131 : i32 to index
      %swap3A_134 = arith.constant 0 : index
      %swap3A_135 = tpu.vector_load %arg6[%swap3A, %swap3A_134] {strides = array<i32>} : memref<80x128xf32, #tpu.memory_space<vmem>>, vector<1x16xf32>,
      %swap3A_136 = vector.shape_cast %swap3A_135 : vector<1x16xf32> to vector<16xf32>
      %swap3A_137 = vector.shape_cast %broadcast_in_dim3A_133 : vector<16xf32> to vector<1x16xf32>
      tpu.vector_store %arg6[%swap3A, %swap3A_134], %swap3A_137 {strides = array<i32>} : memref<80x128xf32, #tpu.memory_space<vmem>>, vector<1x16xf32>,
      %broadcast_in_dim3A_138 = arith.constant 0.000000e+00 : f32
      %broadcast_in_dim3A_139 = vector.broadcast %broadcast_in_dim3A_138 : f32 to vector<16xf32>
      %swap3A_140 = arith.index_cast %scan3A_131 : i32 to index
      %swap3A_141 = arith.constant 16 : index
      %swap3A_142 = tpu.vector_load %arg6[%swap3A_140, %swap3A_141] {strides = array<i32>} : memref<80x128xf32, #tpu.memory_space<vmem>>, vector<1x16xf32>,
      %swap3A_143 = vector.shape_cast %swap3A_142 : vector<1x16xf32> to vector<16xf32>
      %swap3A_144 = vector.shape_cast %broadcast_in_dim3A_139 : vector<16xf32> to vector<1x16xf32>
      tpu.vector_store %arg6[%swap3A_140, %swap3A_141], %swap3A_144 {strides = array<i32>} : memref<80x128xf32, #tpu.memory_space<vmem>>, vector<1x16xf32>,
      %broadcast_in_dim3A_145 = arith.constant 0.000000e+00 : f32
      %broadcast_in_dim3A_146 = vector.broadcast %broadcast_in_dim3A_145 : f32 to vector<16xf32>
      %swap3A_147 = arith.index_cast %scan3A_131 : i32 to index
      %swap3A_148 = arith.constant 32 : index
      %swap3A_149 = tpu.vector_load %arg6[%swap3A_147, %swap3A_148] {strides = array<i32>} : memref<80x128xf32, #tpu.memory_space<vmem>>, vector<1x16xf32>,
      %swap3A_150 = vector.shape_cast %swap3A_149 : vector<1x16xf32> to vector<16xf32>
      %swap3A_151 = vector.shape_cast %broadcast_in_dim3A_146 : vector<16xf32> to vector<1x16xf32>
      tpu.vector_store %arg6[%swap3A_147, %swap3A_148], %swap3A_151 {strides = array<i32>} : memref<80x128xf32, #tpu.memory_space<vmem>>, vector<1x16xf32>,
      %broadcast_in_dim3A_152 = arith.constant 0.000000e+00 : f32
      %broadcast_in_dim3A_153 = vector.broadcast %broadcast_in_dim3A_152 : f32 to vector<16xf32>
      %swap3A_154 = arith.index_cast %scan3A_131 : i32 to index
      %swap3A_155 = arith.constant 48 : index
      %swap3A_156 = tpu.vector_load %arg6[%swap3A_154, %swap3A_155] {strides = array<i32>} : memref<80x128xf32, #tpu.memory_space<vmem>>, vector<1x16xf32>,
      %swap3A_157 = vector.shape_cast %swap3A_156 : vector<1x16xf32> to vector<16xf32>
      %swap3A_158 = vector.shape_cast %broadcast_in_dim3A_153 : vector<16xf32> to vector<1x16xf32>
      tpu.vector_store %arg6[%swap3A_154, %swap3A_155], %swap3A_158 {strides = array<i32>} : memref<80x128xf32, #tpu.memory_space<vmem>>, vector<1x16xf32>,
      %broadcast_in_dim3A_159 = arith.constant 0.000000e+00 : f32
      %broadcast_in_dim3A_160 = vector.broadcast %broadcast_in_dim3A_159 : f32 to vector<16xf32>
      %swap3A_161 = arith.index_cast %scan3A_131 : i32 to index
      %swap3A_162 = arith.constant 64 : index
      %swap3A_163 = tpu.vector_load %arg6[%swap3A_161, %swap3A_162] {strides = array<i32>} : memref<80x128xf32, #tpu.memory_space<vmem>>, vector<1x16xf32>,
      %swap3A_164 = vector.shape_cast %swap3A_163 : vector<1x16xf32> to vector<16xf32>
      %swap3A_165 = vector.shape_cast %broadcast_in_dim3A_160 : vector<16xf32> to vector<1x16xf32>
      tpu.vector_store %arg6[%swap3A_161, %swap3A_162], %swap3A_165 {strides = array<i32>} : memref<80x128xf32, #tpu.memory_space<vmem>>, vector<1x16xf32>,
      %broadcast_in_dim3A_166 = arith.constant 0.000000e+00 : f32
      %broadcast_in_dim3A_167 = vector.broadcast %broadcast_in_dim3A_166 : f32 to vector<16xf32>
      %swap3A_168 = arith.index_cast %scan3A_131 : i32 to index
      %swap3A_169 = arith.constant 80 : index
      %swap3A_170 = tpu.vector_load %arg6[%swap3A_168, %swap3A_169] {strides = array<i32>} : memref<80x128xf32, #tpu.memory_space<vmem>>, vector<1x16xf32>,
      %swap3A_171 = vector.shape_cast %swap3A_170 : vector<1x16xf32> to vector<16xf32>
      %swap3A_172 = vector.shape_cast %broadcast_in_dim3A_167 : vector<16xf32> to vector<1x16xf32>
      tpu.vector_store %arg6[%swap3A_168, %swap3A_169], %swap3A_172 {strides = array<i32>} : memref<80x128xf32, #tpu.memory_space<vmem>>, vector<1x16xf32>,
      %broadcast_in_dim3A_173 = arith.constant 0.000000e+00 : f32
      %broadcast_in_dim3A_174 = vector.broadcast %broadcast_in_dim3A_173 : f32 to vector<16xf32>
      %swap3A_175 = arith.index_cast %scan3A_131 : i32 to index
      %swap3A_176 = arith.constant 96 : index
      %swap3A_177 = tpu.vector_load %arg6[%swap3A_175, %swap3A_176] {strides = array<i32>} : memref<80x128xf32, #tpu.memory_space<vmem>>, vector<1x16xf32>,
      %swap3A_178 = vector.shape_cast %swap3A_177 : vector<1x16xf32> to vector<16xf32>
      %swap3A_179 = vector.shape_cast %broadcast_in_dim3A_174 : vector<16xf32> to vector<1x16xf32>
      tpu.vector_store %arg6[%swap3A_175, %swap3A_176], %swap3A_179 {strides = array<i32>} : memref<80x128xf32, #tpu.memory_space<vmem>>, vector<1x16xf32>,
      %broadcast_in_dim3A_180 = arith.constant 0.000000e+00 : f32
      %broadcast_in_dim3A_181 = vector.broadcast %broadcast_in_dim3A_180 : f32 to vector<16xf32>
      %swap3A_182 = arith.index_cast %scan3A_131 : i32 to index
      %swap3A_183 = arith.constant 112 : index
      %swap3A_184 = tpu.vector_load %arg6[%swap3A_182, %swap3A_183] {strides = array<i32>} : memref<80x128xf32, #tpu.memory_space<vmem>>, vector<1x16xf32>,
      %swap3A_185 = vector.shape_cast %swap3A_184 : vector<1x16xf32> to vector<16xf32>
      %swap3A_186 = vector.shape_cast %broadcast_in_dim3A_181 : vector<16xf32> to vector<1x16xf32>
      tpu.vector_store %arg6[%swap3A_182, %swap3A_183], %swap3A_186 {strides = array<i32>} : memref<80x128xf32, #tpu.memory_space<vmem>>, vector<1x16xf32>,
      %scan3A_187 = arith.constant 0 : i32
      scf.yield %scan3A_187 : i32
    }
    %scan3A_13 = arith.constant 80 : i32
    %add3A_14 = arith.constant 0 : i32
    %add3A_15 = arith.addi %arg1, %add3A_14 : i32
    %lt3A = arith.constant 125 : i32
    %lt3A_16 = arith.cmpi slt, %add3A_15, %lt3A : i32
    %convert_element_type3A = arith.extui %lt3A_16 : i1 to i32
    %cond3A = arith.constant 0 : i32
    %cond3A_17 = arith.cmpi ne, %convert_element_type3A, %cond3A : i32
    scf.if %cond3A_17 {
      %mul3A_131 = arith.constant 80 : i32
      %mul3A_132 = arith.muli %add3A_15, %mul3A_131 : i32
      %multiple_of3A = tpu.assume_multiple %mul3A_132, 8 : i32
      "tpu.region"() ({
        %run_scoped3A = tpu.sem_alloc : memref<!tpu.dma_semaphore, #tpu.memory_space<semaphore_mem>>
        %dma_start3A = arith.constant 0 : i32
        %dma_start3A_133 = tpu.memref_slice %arg7[%multiple_of3A, %dma_start3A] : memref<10000x128xf32, #tpu.memory_space<vmem_shared>> -> memref<80x128xf32, #tpu.memory_space<vmem_shared>>
        %dma_start3A_134 = arith.constant 0 : i32
        %dma_start3A_135 = tpu.memref_slice %arg7[%multiple_of3A, %dma_start3A_134] : memref<10000x128xf32, #tpu.memory_space<vmem_shared>> -> memref<80x128xf32, #tpu.memory_space<vmem_shared>>
        tpu.enqueue_dma source(%arg6 : memref<80x128xf32, #tpu.memory_space<vmem>>) target(%dma_start3A_135 : memref<80x128xf32, #tpu.memory_space<vmem_shared>>) target_semaphore(%run_scoped3A : memref<!tpu.dma_semaphore, #tpu.memory_space<semaphore_mem>>)
        %dma_wait3A = arith.constant 0 : i32
        %dma_wait3A_136 = tpu.memref_slice %arg7[%multiple_of3A, %dma_wait3A] : memref<10000x128xf32, #tpu.memory_space<vmem_shared>> -> memref<80x128xf32, #tpu.memory_space<vmem_shared>>
        %dma_wait3A_137 = arith.constant 0 : i32
        %dma_wait3A_138 = tpu.memref_slice %arg7[%multiple_of3A, %dma_wait3A_137] : memref<10000x128xf32, #tpu.memory_space<vmem_shared>> -> memref<80x128xf32, #tpu.memory_space<vmem_shared>>
        tpu.wait_dma2 semaphore(%run_scoped3A : memref<!tpu.dma_semaphore, #tpu.memory_space<semaphore_mem>>) src(%arg6 : memref<80x128xf32, #tpu.memory_space<vmem>>) dst(%dma_wait3A_138 : memref<80x128xf32, #tpu.memory_space<vmem_shared>>)
        tpu.yield
      }) : () -> ()
    } else {
    }
    %add3A_18 = arith.constant 16 : i32
    %add3A_19 = arith.addi %arg1, %add3A_18 : i32
    %lt3A_20 = arith.constant 125 : i32
    %lt3A_21 = arith.cmpi slt, %add3A_19, %lt3A_20 : i32
    %convert_element_type3A_22 = arith.extui %lt3A_21 : i1 to i32
    %cond3A_23 = arith.constant 0 : i32
    %cond3A_24 = arith.cmpi ne, %convert_element_type3A_22, %cond3A_23 : i32
    scf.if %cond3A_24 {
      %mul3A_131 = arith.constant 80 : i32
      %mul3A_132 = arith.muli %add3A_19, %mul3A_131 : i32
      %multiple_of3A = tpu.assume_multiple %mul3A_132, 8 : i32
      "tpu.region"() ({
        %run_scoped3A = tpu.sem_alloc : memref<!tpu.dma_semaphore, #tpu.memory_space<semaphore_mem>>
        %dma_start3A = arith.constant 0 : i32
        %dma_start3A_133 = tpu.memref_slice %arg7[%multiple_of3A, %dma_start3A] : memref<10000x128xf32, #tpu.memory_space<vmem_shared>> -> memref<80x128xf32, #tpu.memory_space<vmem_shared>>
        %dma_start3A_134 = arith.constant 0 : i32
        %dma_start3A_135 = tpu.memref_slice %arg7[%multiple_of3A, %dma_start3A_134] : memref<10000x128xf32, #tpu.memory_space<vmem_shared>> -> memref<80x128xf32, #tpu.memory_space<vmem_shared>>
        tpu.enqueue_dma source(%arg6 : memref<80x128xf32, #tpu.memory_space<vmem>>) target(%dma_start3A_135 : memref<80x128xf32, #tpu.memory_space<vmem_shared>>) target_semaphore(%run_scoped3A : memref<!tpu.dma_semaphore, #tpu.memory_space<semaphore_mem>>)
        %dma_wait3A = arith.constant 0 : i32
        %dma_wait3A_136 = tpu.memref_slice %arg7[%multiple_of3A, %dma_wait3A] : memref<10000x128xf32, #tpu.memory_space<vmem_shared>> -> memref<80x128xf32, #tpu.memory_space<vmem_shared>>
        %dma_wait3A_137 = arith.constant 0 : i32
        %dma_wait3A_138 = tpu.memref_slice %arg7[%multiple_of3A, %dma_wait3A_137] : memref<10000x128xf32, #tpu.memory_space<vmem_shared>> -> memref<80x128xf32, #tpu.memory_space<vmem_shared>>
        tpu.wait_dma2 semaphore(%run_scoped3A : memref<!tpu.dma_semaphore, #tpu.memory_space<semaphore_mem>>) src(%arg6 : memref<80x128xf32, #tpu.memory_space<vmem>>) dst(%dma_wait3A_138 : memref<80x128xf32, #tpu.memory_space<vmem_shared>>)
        tpu.yield
      }) : () -> ()
    } else {
    }
    %add3A_25 = arith.constant 32 : i32
    %add3A_26 = arith.addi %arg1, %add3A_25 : i32
    %lt3A_27 = arith.constant 125 : i32
    %lt3A_28 = arith.cmpi slt, %add3A_26, %lt3A_27 : i32
    %convert_element_type3A_29 = arith.extui %lt3A_28 : i1 to i32
    %cond3A_30 = arith.constant 0 : i32
    %cond3A_31 = arith.cmpi ne, %convert_element_type3A_29, %cond3A_30 : i32
    scf.if %cond3A_31 {
      %mul3A_131 = arith.constant 80 : i32
      %mul3A_132 = arith.muli %add3A_26, %mul3A_131 : i32
      %multiple_of3A = tpu.assume_multiple %mul3A_132, 8 : i32
      "tpu.region"() ({
        %run_scoped3A = tpu.sem_alloc : memref<!tpu.dma_semaphore, #tpu.memory_space<semaphore_mem>>
        %dma_start3A = arith.constant 0 : i32
        %dma_start3A_133 = tpu.memref_slice %arg7[%multiple_of3A, %dma_start3A] : memref<10000x128xf32, #tpu.memory_space<vmem_shared>> -> memref<80x128xf32, #tpu.memory_space<vmem_shared>>
        %dma_start3A_134 = arith.constant 0 : i32
        %dma_start3A_135 = tpu.memref_slice %arg7[%multiple_of3A, %dma_start3A_134] : memref<10000x128xf32, #tpu.memory_space<vmem_shared>> -> memref<80x128xf32, #tpu.memory_space<vmem_shared>>
        tpu.enqueue_dma source(%arg6 : memref<80x128xf32, #tpu.memory_space<vmem>>) target(%dma_start3A_135 : memref<80x128xf32, #tpu.memory_space<vmem_shared>>) target_semaphore(%run_scoped3A : memref<!tpu.dma_semaphore, #tpu.memory_space<semaphore_mem>>)
        %dma_wait3A = arith.constant 0 : i32
        %dma_wait3A_136 = tpu.memref_slice %arg7[%multiple_of3A, %dma_wait3A] : memref<10000x128xf32, #tpu.memory_space<vmem_shared>> -> memref<80x128xf32, #tpu.memory_space<vmem_shared>>
        %dma_wait3A_137 = arith.constant 0 : i32
        %dma_wait3A_138 = tpu.memref_slice %arg7[%multiple_of3A, %dma_wait3A_137] : memref<10000x128xf32, #tpu.memory_space<vmem_shared>> -> memref<80x128xf32, #tpu.memory_space<vmem_shared>>
        tpu.wait_dma2 semaphore(%run_scoped3A : memref<!tpu.dma_semaphore, #tpu.memory_space<semaphore_mem>>) src(%arg6 : memref<80x128xf32, #tpu.memory_space<vmem>>) dst(%dma_wait3A_138 : memref<80x128xf32, #tpu.memory_space<vmem_shared>>)
        tpu.yield
      }) : () -> ()
    } else {
    }
    %add3A_32 = arith.constant 48 : i32
    %add3A_33 = arith.addi %arg1, %add3A_32 : i32
    %lt3A_34 = arith.constant 125 : i32
    %lt3A_35 = arith.cmpi slt, %add3A_33, %lt3A_34 : i32
    %convert_element_type3A_36 = arith.extui %lt3A_35 : i1 to i32
    %cond3A_37 = arith.constant 0 : i32
    %cond3A_38 = arith.cmpi ne, %convert_element_type3A_36, %cond3A_37 : i32
    scf.if %cond3A_38 {
      %mul3A_131 = arith.constant 80 : i32
      %mul3A_132 = arith.muli %add3A_33, %mul3A_131 : i32
      %multiple_of3A = tpu.assume_multiple %mul3A_132, 8 : i32
      "tpu.region"() ({
        %run_scoped3A = tpu.sem_alloc : memref<!tpu.dma_semaphore, #tpu.memory_space<semaphore_mem>>
        %dma_start3A = arith.constant 0 : i32
        %dma_start3A_133 = tpu.memref_slice %arg7[%multiple_of3A, %dma_start3A] : memref<10000x128xf32, #tpu.memory_space<vmem_shared>> -> memref<80x128xf32, #tpu.memory_space<vmem_shared>>
        %dma_start3A_134 = arith.constant 0 : i32
        %dma_start3A_135 = tpu.memref_slice %arg7[%multiple_of3A, %dma_start3A_134] : memref<10000x128xf32, #tpu.memory_space<vmem_shared>> -> memref<80x128xf32, #tpu.memory_space<vmem_shared>>
        tpu.enqueue_dma source(%arg6 : memref<80x128xf32, #tpu.memory_space<vmem>>) target(%dma_start3A_135 : memref<80x128xf32, #tpu.memory_space<vmem_shared>>) target_semaphore(%run_scoped3A : memref<!tpu.dma_semaphore, #tpu.memory_space<semaphore_mem>>)
        %dma_wait3A = arith.constant 0 : i32
        %dma_wait3A_136 = tpu.memref_slice %arg7[%multiple_of3A, %dma_wait3A] : memref<10000x128xf32, #tpu.memory_space<vmem_shared>> -> memref<80x128xf32, #tpu.memory_space<vmem_shared>>
        %dma_wait3A_137 = arith.constant 0 : i32
        %dma_wait3A_138 = tpu.memref_slice %arg7[%multiple_of3A, %dma_wait3A_137] : memref<10000x128xf32, #tpu.memory_space<vmem_shared>> -> memref<80x128xf32, #tpu.memory_space<vmem_shared>>
        tpu.wait_dma2 semaphore(%run_scoped3A : memref<!tpu.dma_semaphore, #tpu.memory_space<semaphore_mem>>) src(%arg6 : memref<80x128xf32, #tpu.memory_space<vmem>>) dst(%dma_wait3A_138 : memref<80x128xf32, #tpu.memory_space<vmem_shared>>)
        tpu.yield
      }) : () -> ()
    } else {
    }
    %add3A_39 = arith.constant 64 : i32
    %add3A_40 = arith.addi %arg1, %add3A_39 : i32
    %lt3A_41 = arith.constant 125 : i32
    %lt3A_42 = arith.cmpi slt, %add3A_40, %lt3A_41 : i32
    %convert_element_type3A_43 = arith.extui %lt3A_42 : i1 to i32
    %cond3A_44 = arith.constant 0 : i32
    %cond3A_45 = arith.cmpi ne, %convert_element_type3A_43, %cond3A_44 : i32
    scf.if %cond3A_45 {
      %mul3A_131 = arith.constant 80 : i32
      %mul3A_132 = arith.muli %add3A_40, %mul3A_131 : i32
      %multiple_of3A = tpu.assume_multiple %mul3A_132, 8 : i32
      "tpu.region"() ({
        %run_scoped3A = tpu.sem_alloc : memref<!tpu.dma_semaphore, #tpu.memory_space<semaphore_mem>>
        %dma_start3A = arith.constant 0 : i32
        %dma_start3A_133 = tpu.memref_slice %arg7[%multiple_of3A, %dma_start3A] : memref<10000x128xf32, #tpu.memory_space<vmem_shared>> -> memref<80x128xf32, #tpu.memory_space<vmem_shared>>
        %dma_start3A_134 = arith.constant 0 : i32
        %dma_start3A_135 = tpu.memref_slice %arg7[%multiple_of3A, %dma_start3A_134] : memref<10000x128xf32, #tpu.memory_space<vmem_shared>> -> memref<80x128xf32, #tpu.memory_space<vmem_shared>>
        tpu.enqueue_dma source(%arg6 : memref<80x128xf32, #tpu.memory_space<vmem>>) target(%dma_start3A_135 : memref<80x128xf32, #tpu.memory_space<vmem_shared>>) target_semaphore(%run_scoped3A : memref<!tpu.dma_semaphore, #tpu.memory_space<semaphore_mem>>)
        %dma_wait3A = arith.constant 0 : i32
        %dma_wait3A_136 = tpu.memref_slice %arg7[%multiple_of3A, %dma_wait3A] : memref<10000x128xf32, #tpu.memory_space<vmem_shared>> -> memref<80x128xf32, #tpu.memory_space<vmem_shared>>
        %dma_wait3A_137 = arith.constant 0 : i32
        %dma_wait3A_138 = tpu.memref_slice %arg7[%multiple_of3A, %dma_wait3A_137] : memref<10000x128xf32, #tpu.memory_space<vmem_shared>> -> memref<80x128xf32, #tpu.memory_space<vmem_shared>>
        tpu.wait_dma2 semaphore(%run_scoped3A : memref<!tpu.dma_semaphore, #tpu.memory_space<semaphore_mem>>) src(%arg6 : memref<80x128xf32, #tpu.memory_space<vmem>>) dst(%dma_wait3A_138 : memref<80x128xf32, #tpu.memory_space<vmem_shared>>)
        tpu.yield
      }) : () -> ()
    } else {
    }
    %add3A_46 = arith.constant 80 : i32
    %add3A_47 = arith.addi %arg1, %add3A_46 : i32
    %lt3A_48 = arith.constant 125 : i32
    %lt3A_49 = arith.cmpi slt, %add3A_47, %lt3A_48 : i32
    %convert_element_type3A_50 = arith.extui %lt3A_49 : i1 to i32
    %cond3A_51 = arith.constant 0 : i32
    %cond3A_52 = arith.cmpi ne, %convert_element_type3A_50, %cond3A_51 : i32
    scf.if %cond3A_52 {
      %mul3A_131 = arith.constant 80 : i32
      %mul3A_132 = arith.muli %add3A_47, %mul3A_131 : i32
      %multiple_of3A = tpu.assume_multiple %mul3A_132, 8 : i32
      "tpu.region"() ({
        %run_scoped3A = tpu.sem_alloc : memref<!tpu.dma_semaphore, #tpu.memory_space<semaphore_mem>>
        %dma_start3A = arith.constant 0 : i32
        %dma_start3A_133 = tpu.memref_slice %arg7[%multiple_of3A, %dma_start3A] : memref<10000x128xf32, #tpu.memory_space<vmem_shared>> -> memref<80x128xf32, #tpu.memory_space<vmem_shared>>
        %dma_start3A_134 = arith.constant 0 : i32
        %dma_start3A_135 = tpu.memref_slice %arg7[%multiple_of3A, %dma_start3A_134] : memref<10000x128xf32, #tpu.memory_space<vmem_shared>> -> memref<80x128xf32, #tpu.memory_space<vmem_shared>>
        tpu.enqueue_dma source(%arg6 : memref<80x128xf32, #tpu.memory_space<vmem>>) target(%dma_start3A_135 : memref<80x128xf32, #tpu.memory_space<vmem_shared>>) target_semaphore(%run_scoped3A : memref<!tpu.dma_semaphore, #tpu.memory_space<semaphore_mem>>)
        %dma_wait3A = arith.constant 0 : i32
        %dma_wait3A_136 = tpu.memref_slice %arg7[%multiple_of3A, %dma_wait3A] : memref<10000x128xf32, #tpu.memory_space<vmem_shared>> -> memref<80x128xf32, #tpu.memory_space<vmem_shared>>
        %dma_wait3A_137 = arith.constant 0 : i32
        %dma_wait3A_138 = tpu.memref_slice %arg7[%multiple_of3A, %dma_wait3A_137] : memref<10000x128xf32, #tpu.memory_space<vmem_shared>> -> memref<80x128xf32, #tpu.memory_space<vmem_shared>>
        tpu.wait_dma2 semaphore(%run_scoped3A : memref<!tpu.dma_semaphore, #tpu.memory_space<semaphore_mem>>) src(%arg6 : memref<80x128xf32, #tpu.memory_space<vmem>>) dst(%dma_wait3A_138 : memref<80x128xf32, #tpu.memory_space<vmem_shared>>)
        tpu.yield
      }) : () -> ()
    } else {
    }
    %add3A_53 = arith.constant 96 : i32
    %add3A_54 = arith.addi %arg1, %add3A_53 : i32
    %lt3A_55 = arith.constant 125 : i32
    %lt3A_56 = arith.cmpi slt, %add3A_54, %lt3A_55 : i32
    %convert_element_type3A_57 = arith.extui %lt3A_56 : i1 to i32
    %cond3A_58 = arith.constant 0 : i32
    %cond3A_59 = arith.cmpi ne, %convert_element_type3A_57, %cond3A_58 : i32
    scf.if %cond3A_59 {
      %mul3A_131 = arith.constant 80 : i32
      %mul3A_132 = arith.muli %add3A_54, %mul3A_131 : i32
      %multiple_of3A = tpu.assume_multiple %mul3A_132, 8 : i32
      "tpu.region"() ({
        %run_scoped3A = tpu.sem_alloc : memref<!tpu.dma_semaphore, #tpu.memory_space<semaphore_mem>>
        %dma_start3A = arith.constant 0 : i32
        %dma_start3A_133 = tpu.memref_slice %arg7[%multiple_of3A, %dma_start3A] : memref<10000x128xf32, #tpu.memory_space<vmem_shared>> -> memref<80x128xf32, #tpu.memory_space<vmem_shared>>
        %dma_start3A_134 = arith.constant 0 : i32
        %dma_start3A_135 = tpu.memref_slice %arg7[%multiple_of3A, %dma_start3A_134] : memref<10000x128xf32, #tpu.memory_space<vmem_shared>> -> memref<80x128xf32, #tpu.memory_space<vmem_shared>>
        tpu.enqueue_dma source(%arg6 : memref<80x128xf32, #tpu.memory_space<vmem>>) target(%dma_start3A_135 : memref<80x128xf32, #tpu.memory_space<vmem_shared>>) target_semaphore(%run_scoped3A : memref<!tpu.dma_semaphore, #tpu.memory_space<semaphore_mem>>)
        %dma_wait3A = arith.constant 0 : i32
        %dma_wait3A_136 = tpu.memref_slice %arg7[%multiple_of3A, %dma_wait3A] : memref<10000x128xf32, #tpu.memory_space<vmem_shared>> -> memref<80x128xf32, #tpu.memory_space<vmem_shared>>
        %dma_wait3A_137 = arith.constant 0 : i32
        %dma_wait3A_138 = tpu.memref_slice %arg7[%multiple_of3A, %dma_wait3A_137] : memref<10000x128xf32, #tpu.memory_space<vmem_shared>> -> memref<80x128xf32, #tpu.memory_space<vmem_shared>>
        tpu.wait_dma2 semaphore(%run_scoped3A : memref<!tpu.dma_semaphore, #tpu.memory_space<semaphore_mem>>) src(%arg6 : memref<80x128xf32, #tpu.memory_space<vmem>>) dst(%dma_wait3A_138 : memref<80x128xf32, #tpu.memory_space<vmem_shared>>)
        tpu.yield
      }) : () -> ()
    } else {
    }
    %add3A_60 = arith.constant 112 : i32
    %add3A_61 = arith.addi %arg1, %add3A_60 : i32
    %lt3A_62 = arith.constant 125 : i32
    %lt3A_63 = arith.cmpi slt, %add3A_61, %lt3A_62 : i32
    %convert_element_type3A_64 = arith.extui %lt3A_63 : i1 to i32
    %cond3A_65 = arith.constant 0 : i32
    %cond3A_66 = arith.cmpi ne, %convert_element_type3A_64, %cond3A_65 : i32
    scf.if %cond3A_66 {
      %mul3A_131 = arith.constant 80 : i32
      %mul3A_132 = arith.muli %add3A_61, %mul3A_131 : i32
      %multiple_of3A = tpu.assume_multiple %mul3A_132, 8 : i32
      "tpu.region"() ({
        %run_scoped3A = tpu.sem_alloc : memref<!tpu.dma_semaphore, #tpu.memory_space<semaphore_mem>>
        %dma_start3A = arith.constant 0 : i32
        %dma_start3A_133 = tpu.memref_slice %arg7[%multiple_of3A, %dma_start3A] : memref<10000x128xf32, #tpu.memory_space<vmem_shared>> -> memref<80x128xf32, #tpu.memory_space<vmem_shared>>
        %dma_start3A_134 = arith.constant 0 : i32
        %dma_start3A_135 = tpu.memref_slice %arg7[%multiple_of3A, %dma_start3A_134] : memref<10000x128xf32, #tpu.memory_space<vmem_shared>> -> memref<80x128xf32, #tpu.memory_space<vmem_shared>>
        tpu.enqueue_dma source(%arg6 : memref<80x128xf32, #tpu.memory_space<vmem>>) target(%dma_start3A_135 : memref<80x128xf32, #tpu.memory_space<vmem_shared>>) target_semaphore(%run_scoped3A : memref<!tpu.dma_semaphore, #tpu.memory_space<semaphore_mem>>)
        %dma_wait3A = arith.constant 0 : i32
        %dma_wait3A_136 = tpu.memref_slice %arg7[%multiple_of3A, %dma_wait3A] : memref<10000x128xf32, #tpu.memory_space<vmem_shared>> -> memref<80x128xf32, #tpu.memory_space<vmem_shared>>
        %dma_wait3A_137 = arith.constant 0 : i32
        %dma_wait3A_138 = tpu.memref_slice %arg7[%multiple_of3A, %dma_wait3A_137] : memref<10000x128xf32, #tpu.memory_space<vmem_shared>> -> memref<80x128xf32, #tpu.memory_space<vmem_shared>>
        tpu.wait_dma2 semaphore(%run_scoped3A : memref<!tpu.dma_semaphore, #tpu.memory_space<semaphore_mem>>) src(%arg6 : memref<80x128xf32, #tpu.memory_space<vmem>>) dst(%dma_wait3A_138 : memref<80x128xf32, #tpu.memory_space<vmem_shared>>)
        tpu.yield
      }) : () -> ()
    } else {
    }
    %barrier3A = arith.constant 0 : index
    tpu.barrier barrier_id(%barrier3A)
    "tpu.region"() ({
      %run_scoped3A = tpu.sem_alloc : memref<!tpu.dma_semaphore, #tpu.memory_space<semaphore_mem>>
      %dma_start3A = arith.constant 0 : i32
      %dma_start3A_131 = arith.constant 0 : i32
      %dma_start3A_132 = tpu.memref_slice %arg2[%add3A, %dma_start3A, %dma_start3A_131] : memref<32x125x80xi32, #tpu.memory_space<hbm>> -> memref<1x125x80xi32, #tpu.memory_space<hbm>>
      %dma_start3A_133 = tpu.memref_squeeze %dma_start3A_132 : memref<1x125x80xi32, #tpu.memory_space<hbm>> -> memref<125x80xi32, #tpu.memory_space<hbm>>
      %dma_start3A_134 = arith.constant 0 : i32
      %dma_start3A_135 = arith.constant 0 : i32
      %dma_start3A_136 = tpu.memref_slice %arg2[%add3A, %dma_start3A_134, %dma_start3A_135] : memref<32x125x80xi32, #tpu.memory_space<hbm>> -> memref<1x125x80xi32, #tpu.memory_space<hbm>>
      %dma_start3A_137 = tpu.memref_squeeze %dma_start3A_136 : memref<1x125x80xi32, #tpu.memory_space<hbm>> -> memref<125x80xi32, #tpu.memory_space<hbm>>
      tpu.enqueue_dma source(%dma_start3A_137 : memref<125x80xi32, #tpu.memory_space<hbm>>) target(%arg4 : memref<125x80xi32, #tpu.memory_space<vmem>>) target_semaphore(%run_scoped3A : memref<!tpu.dma_semaphore, #tpu.memory_space<semaphore_mem>>)
      %dma_wait3A = arith.constant 0 : i32
      %dma_wait3A_138 = arith.constant 0 : i32
      %dma_wait3A_139 = tpu.memref_slice %arg2[%add3A, %dma_wait3A, %dma_wait3A_138] : memref<32x125x80xi32, #tpu.memory_space<hbm>> -> memref<1x125x80xi32, #tpu.memory_space<hbm>>
      %dma_wait3A_140 = tpu.memref_squeeze %dma_wait3A_139 : memref<1x125x80xi32, #tpu.memory_space<hbm>> -> memref<125x80xi32, #tpu.memory_space<hbm>>
      %dma_wait3A_141 = arith.constant 0 : i32
      %dma_wait3A_142 = arith.constant 0 : i32
      %dma_wait3A_143 = tpu.memref_slice %arg2[%add3A, %dma_wait3A_141, %dma_wait3A_142] : memref<32x125x80xi32, #tpu.memory_space<hbm>> -> memref<1x125x80xi32, #tpu.memory_space<hbm>>
      %dma_wait3A_144 = tpu.memref_squeeze %dma_wait3A_143 : memref<1x125x80xi32, #tpu.memory_space<hbm>> -> memref<125x80xi32, #tpu.memory_space<hbm>>
      tpu.wait_dma2 semaphore(%run_scoped3A : memref<!tpu.dma_semaphore, #tpu.memory_space<semaphore_mem>>) src(%dma_wait3A_144 : memref<125x80xi32, #tpu.memory_space<hbm>>) dst(%arg4 : memref<125x80xi32, #tpu.memory_space<vmem>>)
      tpu.yield
    }) : () -> ()
    %scan3A_67 = arith.constant 0 : i32
    %scan3A_68 = arith.constant 0 : i32
    %scan3A_69 = arith.constant 125 : i32
    %scan3A_70 = arith.addi %scan3A_68, %scan3A_69 : i32
    %scan3A_71 = arith.constant 1 : i32
    %scan3A_72 = scf.for %scan3A_131 = %scan3A_68 to %scan3A_70 step %scan3A_71 iter_args(%scan3A_132 = %scan3A_67) -> (i32)  : i32 {
      "tpu.region"() ({
        %run_scoped3A = tpu.sem_alloc : memref<!tpu.dma_semaphore, #tpu.memory_space<semaphore_mem>>
        %dma_start3A = arith.constant 0 : i32
        %dma_start3A_134 = tpu.memref_slice %arg4[%scan3A_131, %dma_start3A] : memref<125x80xi32, #tpu.memory_space<vmem>> -> memref<1x80xi32, #tpu.memory_space<vmem>>
        %dma_start3A_135 = tpu.memref_squeeze %dma_start3A_134 : memref<1x80xi32, #tpu.memory_space<vmem>> -> memref<80xi32, #tpu.memory_space<vmem>>
        %dma_start3A_136 = arith.constant 0 : i32
        %dma_start3A_137 = arith.constant 0 : i32
        %dma_start3A_138 = tpu.memref_slice %arg7[%dma_start3A_136, %dma_start3A_137] : memref<10000x128xf32, #tpu.memory_space<vmem_shared>> -> memref<10000x128xf32, #tpu.memory_space<vmem_shared>>
        tpu.enqueue_indirect_dma source(%arg5 : memref<80x128xf32, #tpu.memory_space<vmem>>) target(%dma_start3A_138 : memref<10000x128xf32, #tpu.memory_space<vmem_shared>>) offsets(%dma_start3A_135 : memref<80xi32, #tpu.memory_space<vmem>>) semaphore(%run_scoped3A : memref<!tpu.dma_semaphore, #tpu.memory_space<semaphore_mem>>) {add = true}
        %dma_wait3A = arith.constant 0 : i32
        %dma_wait3A_139 = tpu.memref_slice %arg4[%scan3A_131, %dma_wait3A] : memref<125x80xi32, #tpu.memory_space<vmem>> -> memref<1x80xi32, #tpu.memory_space<vmem>>
        %dma_wait3A_140 = tpu.memref_squeeze %dma_wait3A_139 : memref<1x80xi32, #tpu.memory_space<vmem>> -> memref<80xi32, #tpu.memory_space<vmem>>
        %dma_wait3A_141 = arith.constant 0 : i32
        %dma_wait3A_142 = arith.constant 0 : i32
        %dma_wait3A_143 = tpu.memref_slice %arg7[%dma_wait3A_141, %dma_wait3A_142] : memref<10000x128xf32, #tpu.memory_space<vmem_shared>> -> memref<10000x128xf32, #tpu.memory_space<vmem_shared>>
        tpu.wait_indirect_dma semaphore(%run_scoped3A : memref<!tpu.dma_semaphore, #tpu.memory_space<semaphore_mem>>) src(%arg5 : memref<80x128xf32, #tpu.memory_space<vmem>>) dst(%dma_wait3A_143 : memref<10000x128xf32, #tpu.memory_space<vmem_shared>>)
        tpu.yield
      }) : () -> ()
      %scan3A_133 = arith.constant 0 : i32
      scf.yield %scan3A_133 : i32
    }
    %scan3A_73 = arith.constant 125 : i32
    %barrier3A_74 = arith.constant 0 : index
    tpu.barrier barrier_id(%barrier3A_74)
    %add3A_75 = arith.constant 0 : i32
    %add3A_76 = arith.addi %arg1, %add3A_75 : i32
    %lt3A_77 = arith.constant 125 : i32
    %lt3A_78 = arith.cmpi slt, %add3A_76, %lt3A_77 : i32
    %convert_element_type3A_79 = arith.extui %lt3A_78 : i1 to i32
    %cond3A_80 = arith.constant 0 : i32
    %cond3A_81 = arith.cmpi ne, %convert_element_type3A_79, %cond3A_80 : i32
    scf.if %cond3A_81 {
      %mul3A_131 = arith.constant 80 : i32
      %mul3A_132 = arith.muli %add3A_76, %mul3A_131 : i32
      %multiple_of3A = tpu.assume_multiple %mul3A_132, 8 : i32
      "tpu.region"() ({
        %run_scoped3A = tpu.sem_alloc : memref<!tpu.dma_semaphore, #tpu.memory_space<semaphore_mem>>
        %dma_start3A = arith.constant 0 : i32
        %dma_start3A_133 = tpu.memref_slice %arg3[%arg0, %multiple_of3A, %dma_start3A] : memref<2x10000x128xf32, #tpu.memory_space<hbm>> -> memref<1x80x128xf32, #tpu.memory_space<hbm>>
        %dma_start3A_134 = tpu.memref_squeeze %dma_start3A_133 : memref<1x80x128xf32, #tpu.memory_space<hbm>> -> memref<80x128xf32, #tpu.memory_space<hbm>>
        %dma_start3A_135 = arith.constant 0 : i32
        %dma_start3A_136 = tpu.memref_slice %arg7[%multiple_of3A, %dma_start3A_135] : memref<10000x128xf32, #tpu.memory_space<vmem_shared>> -> memref<80x128xf32, #tpu.memory_space<vmem_shared>>
        tpu.enqueue_dma source(%dma_start3A_136 : memref<80x128xf32, #tpu.memory_space<vmem_shared>>) target(%dma_start3A_134 : memref<80x128xf32, #tpu.memory_space<hbm>>) target_semaphore(%run_scoped3A : memref<!tpu.dma_semaphore, #tpu.memory_space<semaphore_mem>>)
        %dma_wait3A = arith.constant 0 : i32
        %dma_wait3A_137 = tpu.memref_slice %arg3[%arg0, %multiple_of3A, %dma_wait3A] : memref<2x10000x128xf32, #tpu.memory_space<hbm>> -> memref<1x80x128xf32, #tpu.memory_space<hbm>>
        %dma_wait3A_138 = tpu.memref_squeeze %dma_wait3A_137 : memref<1x80x128xf32, #tpu.memory_space<hbm>> -> memref<80x128xf32, #tpu.memory_space<hbm>>
        %dma_wait3A_139 = arith.constant 0 : i32
        %dma_wait3A_140 = tpu.memref_slice %arg7[%multiple_of3A, %dma_wait3A_139] : memref<10000x128xf32, #tpu.memory_space<vmem_shared>> -> memref<80x128xf32, #tpu.memory_space<vmem_shared>>
        tpu.wait_dma2 semaphore(%run_scoped3A : memref<!tpu.dma_semaphore, #tpu.memory_space<semaphore_mem>>) src(%dma_wait3A_140 : memref<80x128xf32, #tpu.memory_space<vmem_shared>>) dst(%dma_wait3A_138 : memref<80x128xf32, #tpu.memory_space<hbm>>)
        tpu.yield
      }) : () -> ()
    } else {
    }
    %add3A_82 = arith.constant 16 : i32
    %add3A_83 = arith.addi %arg1, %add3A_82 : i32
    %lt3A_84 = arith.constant 125 : i32
    %lt3A_85 = arith.cmpi slt, %add3A_83, %lt3A_84 : i32
    %convert_element_type3A_86 = arith.extui %lt3A_85 : i1 to i32
    %cond3A_87 = arith.constant 0 : i32
    %cond3A_88 = arith.cmpi ne, %convert_element_type3A_86, %cond3A_87 : i32
    scf.if %cond3A_88 {
      %mul3A_131 = arith.constant 80 : i32
      %mul3A_132 = arith.muli %add3A_83, %mul3A_131 : i32
      %multiple_of3A = tpu.assume_multiple %mul3A_132, 8 : i32
      "tpu.region"() ({
        %run_scoped3A = tpu.sem_alloc : memref<!tpu.dma_semaphore, #tpu.memory_space<semaphore_mem>>
        %dma_start3A = arith.constant 0 : i32
        %dma_start3A_133 = tpu.memref_slice %arg3[%arg0, %multiple_of3A, %dma_start3A] : memref<2x10000x128xf32, #tpu.memory_space<hbm>> -> memref<1x80x128xf32, #tpu.memory_space<hbm>>
        %dma_start3A_134 = tpu.memref_squeeze %dma_start3A_133 : memref<1x80x128xf32, #tpu.memory_space<hbm>> -> memref<80x128xf32, #tpu.memory_space<hbm>>
        %dma_start3A_135 = arith.constant 0 : i32
        %dma_start3A_136 = tpu.memref_slice %arg7[%multiple_of3A, %dma_start3A_135] : memref<10000x128xf32, #tpu.memory_space<vmem_shared>> -> memref<80x128xf32, #tpu.memory_space<vmem_shared>>
        tpu.enqueue_dma source(%dma_start3A_136 : memref<80x128xf32, #tpu.memory_space<vmem_shared>>) target(%dma_start3A_134 : memref<80x128xf32, #tpu.memory_space<hbm>>) target_semaphore(%run_scoped3A : memref<!tpu.dma_semaphore, #tpu.memory_space<semaphore_mem>>)
        %dma_wait3A = arith.constant 0 : i32
        %dma_wait3A_137 = tpu.memref_slice %arg3[%arg0, %multiple_of3A, %dma_wait3A] : memref<2x10000x128xf32, #tpu.memory_space<hbm>> -> memref<1x80x128xf32, #tpu.memory_space<hbm>>
        %dma_wait3A_138 = tpu.memref_squeeze %dma_wait3A_137 : memref<1x80x128xf32, #tpu.memory_space<hbm>> -> memref<80x128xf32, #tpu.memory_space<hbm>>
        %dma_wait3A_139 = arith.constant 0 : i32
        %dma_wait3A_140 = tpu.memref_slice %arg7[%multiple_of3A, %dma_wait3A_139] : memref<10000x128xf32, #tpu.memory_space<vmem_shared>> -> memref<80x128xf32, #tpu.memory_space<vmem_shared>>
        tpu.wait_dma2 semaphore(%run_scoped3A : memref<!tpu.dma_semaphore, #tpu.memory_space<semaphore_mem>>) src(%dma_wait3A_140 : memref<80x128xf32, #tpu.memory_space<vmem_shared>>) dst(%dma_wait3A_138 : memref<80x128xf32, #tpu.memory_space<hbm>>)
        tpu.yield
      }) : () -> ()
    } else {
    }
    %add3A_89 = arith.constant 32 : i32
    %add3A_90 = arith.addi %arg1, %add3A_89 : i32
    %lt3A_91 = arith.constant 125 : i32
    %lt3A_92 = arith.cmpi slt, %add3A_90, %lt3A_91 : i32
    %convert_element_type3A_93 = arith.extui %lt3A_92 : i1 to i32
    %cond3A_94 = arith.constant 0 : i32
    %cond3A_95 = arith.cmpi ne, %convert_element_type3A_93, %cond3A_94 : i32
    scf.if %cond3A_95 {
      %mul3A_131 = arith.constant 80 : i32
      %mul3A_132 = arith.muli %add3A_90, %mul3A_131 : i32
      %multiple_of3A = tpu.assume_multiple %mul3A_132, 8 : i32
      "tpu.region"() ({
        %run_scoped3A = tpu.sem_alloc : memref<!tpu.dma_semaphore, #tpu.memory_space<semaphore_mem>>
        %dma_start3A = arith.constant 0 : i32
        %dma_start3A_133 = tpu.memref_slice %arg3[%arg0, %multiple_of3A, %dma_start3A] : memref<2x10000x128xf32, #tpu.memory_space<hbm>> -> memref<1x80x128xf32, #tpu.memory_space<hbm>>
        %dma_start3A_134 = tpu.memref_squeeze %dma_start3A_133 : memref<1x80x128xf32, #tpu.memory_space<hbm>> -> memref<80x128xf32, #tpu.memory_space<hbm>>
        %dma_start3A_135 = arith.constant 0 : i32
        %dma_start3A_136 = tpu.memref_slice %arg7[%multiple_of3A, %dma_start3A_135] : memref<10000x128xf32, #tpu.memory_space<vmem_shared>> -> memref<80x128xf32, #tpu.memory_space<vmem_shared>>
        tpu.enqueue_dma source(%dma_start3A_136 : memref<80x128xf32, #tpu.memory_space<vmem_shared>>) target(%dma_start3A_134 : memref<80x128xf32, #tpu.memory_space<hbm>>) target_semaphore(%run_scoped3A : memref<!tpu.dma_semaphore, #tpu.memory_space<semaphore_mem>>)
        %dma_wait3A = arith.constant 0 : i32
        %dma_wait3A_137 = tpu.memref_slice %arg3[%arg0, %multiple_of3A, %dma_wait3A] : memref<2x10000x128xf32, #tpu.memory_space<hbm>> -> memref<1x80x128xf32, #tpu.memory_space<hbm>>
        %dma_wait3A_138 = tpu.memref_squeeze %dma_wait3A_137 : memref<1x80x128xf32, #tpu.memory_space<hbm>> -> memref<80x128xf32, #tpu.memory_space<hbm>>
        %dma_wait3A_139 = arith.constant 0 : i32
        %dma_wait3A_140 = tpu.memref_slice %arg7[%multiple_of3A, %dma_wait3A_139] : memref<10000x128xf32, #tpu.memory_space<vmem_shared>> -> memref<80x128xf32, #tpu.memory_space<vmem_shared>>
        tpu.wait_dma2 semaphore(%run_scoped3A : memref<!tpu.dma_semaphore, #tpu.memory_space<semaphore_mem>>) src(%dma_wait3A_140 : memref<80x128xf32, #tpu.memory_space<vmem_shared>>) dst(%dma_wait3A_138 : memref<80x128xf32, #tpu.memory_space<hbm>>)
        tpu.yield
      }) : () -> ()
    } else {
    }
    %add3A_96 = arith.constant 48 : i32
    %add3A_97 = arith.addi %arg1, %add3A_96 : i32
    %lt3A_98 = arith.constant 125 : i32
    %lt3A_99 = arith.cmpi slt, %add3A_97, %lt3A_98 : i32
    %convert_element_type3A_100 = arith.extui %lt3A_99 : i1 to i32
    %cond3A_101 = arith.constant 0 : i32
    %cond3A_102 = arith.cmpi ne, %convert_element_type3A_100, %cond3A_101 : i32
    scf.if %cond3A_102 {
      %mul3A_131 = arith.constant 80 : i32
      %mul3A_132 = arith.muli %add3A_97, %mul3A_131 : i32
      %multiple_of3A = tpu.assume_multiple %mul3A_132, 8 : i32
      "tpu.region"() ({
        %run_scoped3A = tpu.sem_alloc : memref<!tpu.dma_semaphore, #tpu.memory_space<semaphore_mem>>
        %dma_start3A = arith.constant 0 : i32
        %dma_start3A_133 = tpu.memref_slice %arg3[%arg0, %multiple_of3A, %dma_start3A] : memref<2x10000x128xf32, #tpu.memory_space<hbm>> -> memref<1x80x128xf32, #tpu.memory_space<hbm>>
        %dma_start3A_134 = tpu.memref_squeeze %dma_start3A_133 : memref<1x80x128xf32, #tpu.memory_space<hbm>> -> memref<80x128xf32, #tpu.memory_space<hbm>>
        %dma_start3A_135 = arith.constant 0 : i32
        %dma_start3A_136 = tpu.memref_slice %arg7[%multiple_of3A, %dma_start3A_135] : memref<10000x128xf32, #tpu.memory_space<vmem_shared>> -> memref<80x128xf32, #tpu.memory_space<vmem_shared>>
        tpu.enqueue_dma source(%dma_start3A_136 : memref<80x128xf32, #tpu.memory_space<vmem_shared>>) target(%dma_start3A_134 : memref<80x128xf32, #tpu.memory_space<hbm>>) target_semaphore(%run_scoped3A : memref<!tpu.dma_semaphore, #tpu.memory_space<semaphore_mem>>)
        %dma_wait3A = arith.constant 0 : i32
        %dma_wait3A_137 = tpu.memref_slice %arg3[%arg0, %multiple_of3A, %dma_wait3A] : memref<2x10000x128xf32, #tpu.memory_space<hbm>> -> memref<1x80x128xf32, #tpu.memory_space<hbm>>
        %dma_wait3A_138 = tpu.memref_squeeze %dma_wait3A_137 : memref<1x80x128xf32, #tpu.memory_space<hbm>> -> memref<80x128xf32, #tpu.memory_space<hbm>>
        %dma_wait3A_139 = arith.constant 0 : i32
        %dma_wait3A_140 = tpu.memref_slice %arg7[%multiple_of3A, %dma_wait3A_139] : memref<10000x128xf32, #tpu.memory_space<vmem_shared>> -> memref<80x128xf32, #tpu.memory_space<vmem_shared>>
        tpu.wait_dma2 semaphore(%run_scoped3A : memref<!tpu.dma_semaphore, #tpu.memory_space<semaphore_mem>>) src(%dma_wait3A_140 : memref<80x128xf32, #tpu.memory_space<vmem_shared>>) dst(%dma_wait3A_138 : memref<80x128xf32, #tpu.memory_space<hbm>>)
        tpu.yield
      }) : () -> ()
    } else {
    }
    %add3A_103 = arith.constant 64 : i32
    %add3A_104 = arith.addi %arg1, %add3A_103 : i32
    %lt3A_105 = arith.constant 125 : i32
    %lt3A_106 = arith.cmpi slt, %add3A_104, %lt3A_105 : i32
    %convert_element_type3A_107 = arith.extui %lt3A_106 : i1 to i32
    %cond3A_108 = arith.constant 0 : i32
    %cond3A_109 = arith.cmpi ne, %convert_element_type3A_107, %cond3A_108 : i32
    scf.if %cond3A_109 {
      %mul3A_131 = arith.constant 80 : i32
      %mul3A_132 = arith.muli %add3A_104, %mul3A_131 : i32
      %multiple_of3A = tpu.assume_multiple %mul3A_132, 8 : i32
      "tpu.region"() ({
        %run_scoped3A = tpu.sem_alloc : memref<!tpu.dma_semaphore, #tpu.memory_space<semaphore_mem>>
        %dma_start3A = arith.constant 0 : i32
        %dma_start3A_133 = tpu.memref_slice %arg3[%arg0, %multiple_of3A, %dma_start3A] : memref<2x10000x128xf32, #tpu.memory_space<hbm>> -> memref<1x80x128xf32, #tpu.memory_space<hbm>>
        %dma_start3A_134 = tpu.memref_squeeze %dma_start3A_133 : memref<1x80x128xf32, #tpu.memory_space<hbm>> -> memref<80x128xf32, #tpu.memory_space<hbm>>
        %dma_start3A_135 = arith.constant 0 : i32
        %dma_start3A_136 = tpu.memref_slice %arg7[%multiple_of3A, %dma_start3A_135] : memref<10000x128xf32, #tpu.memory_space<vmem_shared>> -> memref<80x128xf32, #tpu.memory_space<vmem_shared>>
        tpu.enqueue_dma source(%dma_start3A_136 : memref<80x128xf32, #tpu.memory_space<vmem_shared>>) target(%dma_start3A_134 : memref<80x128xf32, #tpu.memory_space<hbm>>) target_semaphore(%run_scoped3A : memref<!tpu.dma_semaphore, #tpu.memory_space<semaphore_mem>>)
        %dma_wait3A = arith.constant 0 : i32
        %dma_wait3A_137 = tpu.memref_slice %arg3[%arg0, %multiple_of3A, %dma_wait3A] : memref<2x10000x128xf32, #tpu.memory_space<hbm>> -> memref<1x80x128xf32, #tpu.memory_space<hbm>>
        %dma_wait3A_138 = tpu.memref_squeeze %dma_wait3A_137 : memref<1x80x128xf32, #tpu.memory_space<hbm>> -> memref<80x128xf32, #tpu.memory_space<hbm>>
        %dma_wait3A_139 = arith.constant 0 : i32
        %dma_wait3A_140 = tpu.memref_slice %arg7[%multiple_of3A, %dma_wait3A_139] : memref<10000x128xf32, #tpu.memory_space<vmem_shared>> -> memref<80x128xf32, #tpu.memory_space<vmem_shared>>
        tpu.wait_dma2 semaphore(%run_scoped3A : memref<!tpu.dma_semaphore, #tpu.memory_space<semaphore_mem>>) src(%dma_wait3A_140 : memref<80x128xf32, #tpu.memory_space<vmem_shared>>) dst(%dma_wait3A_138 : memref<80x128xf32, #tpu.memory_space<hbm>>)
        tpu.yield
      }) : () -> ()
    } else {
    }
    %add3A_110 = arith.constant 80 : i32
    %add3A_111 = arith.addi %arg1, %add3A_110 : i32
    %lt3A_112 = arith.constant 125 : i32
    %lt3A_113 = arith.cmpi slt, %add3A_111, %lt3A_112 : i32
    %convert_element_type3A_114 = arith.extui %lt3A_113 : i1 to i32
    %cond3A_115 = arith.constant 0 : i32
    %cond3A_116 = arith.cmpi ne, %convert_element_type3A_114, %cond3A_115 : i32
    scf.if %cond3A_116 {
      %mul3A_131 = arith.constant 80 : i32
      %mul3A_132 = arith.muli %add3A_111, %mul3A_131 : i32
      %multiple_of3A = tpu.assume_multiple %mul3A_132, 8 : i32
      "tpu.region"() ({
        %run_scoped3A = tpu.sem_alloc : memref<!tpu.dma_semaphore, #tpu.memory_space<semaphore_mem>>
        %dma_start3A = arith.constant 0 : i32
        %dma_start3A_133 = tpu.memref_slice %arg3[%arg0, %multiple_of3A, %dma_start3A] : memref<2x10000x128xf32, #tpu.memory_space<hbm>> -> memref<1x80x128xf32, #tpu.memory_space<hbm>>
        %dma_start3A_134 = tpu.memref_squeeze %dma_start3A_133 : memref<1x80x128xf32, #tpu.memory_space<hbm>> -> memref<80x128xf32, #tpu.memory_space<hbm>>
        %dma_start3A_135 = arith.constant 0 : i32
        %dma_start3A_136 = tpu.memref_slice %arg7[%multiple_of3A, %dma_start3A_135] : memref<10000x128xf32, #tpu.memory_space<vmem_shared>> -> memref<80x128xf32, #tpu.memory_space<vmem_shared>>
        tpu.enqueue_dma source(%dma_start3A_136 : memref<80x128xf32, #tpu.memory_space<vmem_shared>>) target(%dma_start3A_134 : memref<80x128xf32, #tpu.memory_space<hbm>>) target_semaphore(%run_scoped3A : memref<!tpu.dma_semaphore, #tpu.memory_space<semaphore_mem>>)
        %dma_wait3A = arith.constant 0 : i32
        %dma_wait3A_137 = tpu.memref_slice %arg3[%arg0, %multiple_of3A, %dma_wait3A] : memref<2x10000x128xf32, #tpu.memory_space<hbm>> -> memref<1x80x128xf32, #tpu.memory_space<hbm>>
        %dma_wait3A_138 = tpu.memref_squeeze %dma_wait3A_137 : memref<1x80x128xf32, #tpu.memory_space<hbm>> -> memref<80x128xf32, #tpu.memory_space<hbm>>
        %dma_wait3A_139 = arith.constant 0 : i32
        %dma_wait3A_140 = tpu.memref_slice %arg7[%multiple_of3A, %dma_wait3A_139] : memref<10000x128xf32, #tpu.memory_space<vmem_shared>> -> memref<80x128xf32, #tpu.memory_space<vmem_shared>>
        tpu.wait_dma2 semaphore(%run_scoped3A : memref<!tpu.dma_semaphore, #tpu.memory_space<semaphore_mem>>) src(%dma_wait3A_140 : memref<80x128xf32, #tpu.memory_space<vmem_shared>>) dst(%dma_wait3A_138 : memref<80x128xf32, #tpu.memory_space<hbm>>)
        tpu.yield
      }) : () -> ()
    } else {
    }
    %add3A_117 = arith.constant 96 : i32
    %add3A_118 = arith.addi %arg1, %add3A_117 : i32
    %lt3A_119 = arith.constant 125 : i32
    %lt3A_120 = arith.cmpi slt, %add3A_118, %lt3A_119 : i32
    %convert_element_type3A_121 = arith.extui %lt3A_120 : i1 to i32
    %cond3A_122 = arith.constant 0 : i32
    %cond3A_123 = arith.cmpi ne, %convert_element_type3A_121, %cond3A_122 : i32
    scf.if %cond3A_123 {
      %mul3A_131 = arith.constant 80 : i32
      %mul3A_132 = arith.muli %add3A_118, %mul3A_131 : i32
      %multiple_of3A = tpu.assume_multiple %mul3A_132, 8 : i32
      "tpu.region"() ({
        %run_scoped3A = tpu.sem_alloc : memref<!tpu.dma_semaphore, #tpu.memory_space<semaphore_mem>>
        %dma_start3A = arith.constant 0 : i32
        %dma_start3A_133 = tpu.memref_slice %arg3[%arg0, %multiple_of3A, %dma_start3A] : memref<2x10000x128xf32, #tpu.memory_space<hbm>> -> memref<1x80x128xf32, #tpu.memory_space<hbm>>
        %dma_start3A_134 = tpu.memref_squeeze %dma_start3A_133 : memref<1x80x128xf32, #tpu.memory_space<hbm>> -> memref<80x128xf32, #tpu.memory_space<hbm>>
        %dma_start3A_135 = arith.constant 0 : i32
        %dma_start3A_136 = tpu.memref_slice %arg7[%multiple_of3A, %dma_start3A_135] : memref<10000x128xf32, #tpu.memory_space<vmem_shared>> -> memref<80x128xf32, #tpu.memory_space<vmem_shared>>
        tpu.enqueue_dma source(%dma_start3A_136 : memref<80x128xf32, #tpu.memory_space<vmem_shared>>) target(%dma_start3A_134 : memref<80x128xf32, #tpu.memory_space<hbm>>) target_semaphore(%run_scoped3A : memref<!tpu.dma_semaphore, #tpu.memory_space<semaphore_mem>>)
        %dma_wait3A = arith.constant 0 : i32
        %dma_wait3A_137 = tpu.memref_slice %arg3[%arg0, %multiple_of3A, %dma_wait3A] : memref<2x10000x128xf32, #tpu.memory_space<hbm>> -> memref<1x80x128xf32, #tpu.memory_space<hbm>>
        %dma_wait3A_138 = tpu.memref_squeeze %dma_wait3A_137 : memref<1x80x128xf32, #tpu.memory_space<hbm>> -> memref<80x128xf32, #tpu.memory_space<hbm>>
        %dma_wait3A_139 = arith.constant 0 : i32
        %dma_wait3A_140 = tpu.memref_slice %arg7[%multiple_of3A, %dma_wait3A_139] : memref<10000x128xf32, #tpu.memory_space<vmem_shared>> -> memref<80x128xf32, #tpu.memory_space<vmem_shared>>
        tpu.wait_dma2 semaphore(%run_scoped3A : memref<!tpu.dma_semaphore, #tpu.memory_space<semaphore_mem>>) src(%dma_wait3A_140 : memref<80x128xf32, #tpu.memory_space<vmem_shared>>) dst(%dma_wait3A_138 : memref<80x128xf32, #tpu.memory_space<hbm>>)
        tpu.yield
      }) : () -> ()
    } else {
    }
    %add3A_124 = arith.constant 112 : i32
    %add3A_125 = arith.addi %arg1, %add3A_124 : i32
    %lt3A_126 = arith.constant 125 : i32
    %lt3A_127 = arith.cmpi slt, %add3A_125, %lt3A_126 : i32
    %convert_element_type3A_128 = arith.extui %lt3A_127 : i1 to i32
    %cond3A_129 = arith.constant 0 : i32
    %cond3A_130 = arith.cmpi ne, %convert_element_type3A_128, %cond3A_129 : i32
    scf.if %cond3A_130 {
      %mul3A_131 = arith.constant 80 : i32
      %mul3A_132 = arith.muli %add3A_125, %mul3A_131 : i32
      %multiple_of3A = tpu.assume_multiple %mul3A_132, 8 : i32
      "tpu.region"() ({
        %run_scoped3A = tpu.sem_alloc : memref<!tpu.dma_semaphore, #tpu.memory_space<semaphore_mem>>
        %dma_start3A = arith.constant 0 : i32
        %dma_start3A_133 = tpu.memref_slice %arg3[%arg0, %multiple_of3A, %dma_start3A] : memref<2x10000x128xf32, #tpu.memory_space<hbm>> -> memref<1x80x128xf32, #tpu.memory_space<hbm>>
        %dma_start3A_134 = tpu.memref_squeeze %dma_start3A_133 : memref<1x80x128xf32, #tpu.memory_space<hbm>> -> memref<80x128xf32, #tpu.memory_space<hbm>>
        %dma_start3A_135 = arith.constant 0 : i32
        %dma_start3A_136 = tpu.memref_slice %arg7[%multiple_of3A, %dma_start3A_135] : memref<10000x128xf32, #tpu.memory_space<vmem_shared>> -> memref<80x128xf32, #tpu.memory_space<vmem_shared>>
        tpu.enqueue_dma source(%dma_start3A_136 : memref<80x128xf32, #tpu.memory_space<vmem_shared>>) target(%dma_start3A_134 : memref<80x128xf32, #tpu.memory_space<hbm>>) target_semaphore(%run_scoped3A : memref<!tpu.dma_semaphore, #tpu.memory_space<semaphore_mem>>)
        %dma_wait3A = arith.constant 0 : i32
        %dma_wait3A_137 = tpu.memref_slice %arg3[%arg0, %multiple_of3A, %dma_wait3A] : memref<2x10000x128xf32, #tpu.memory_space<hbm>> -> memref<1x80x128xf32, #tpu.memory_space<hbm>>
        %dma_wait3A_138 = tpu.memref_squeeze %dma_wait3A_137 : memref<1x80x128xf32, #tpu.memory_space<hbm>> -> memref<80x128xf32, #tpu.memory_space<hbm>>
        %dma_wait3A_139 = arith.constant 0 : i32
        %dma_wait3A_140 = tpu.memref_slice %arg7[%multiple_of3A, %dma_wait3A_139] : memref<10000x128xf32, #tpu.memory_space<vmem_shared>> -> memref<80x128xf32, #tpu.memory_space<vmem_shared>>
        tpu.wait_dma2 semaphore(%run_scoped3A : memref<!tpu.dma_semaphore, #tpu.memory_space<semaphore_mem>>) src(%dma_wait3A_140 : memref<80x128xf32, #tpu.memory_space<vmem_shared>>) dst(%dma_wait3A_138 : memref<80x128xf32, #tpu.memory_space<hbm>>)
        tpu.yield
      }) : () -> ()
    } else {
    }
    return
  }
}

#map = affine_map<(d0, d1) -> (0, 0)>
#map1 = affine_map<(d0, d1) -> (0)>
#map2 = affine_map<(d0, d1) -> (0, 0, 0)>
module attributes {stable_mosaic.version = 14 : i64} {
  func.func @body(%arg0: i32, %arg1: i32, %arg2: memref<10000x128xf32, #tpu.memory_space<hbm>>, %arg3: memref<320000xi32, #tpu.memory_space<hbm>>, %arg4: memref<320000xi32, #tpu.memory_space<hbm>>, %arg5: memref<2x10000x128xf32, #tpu.memory_space<hbm>>, %arg6: memref<80x128xf32, #tpu.memory_space<vmem>>, %arg7: memref<80x128xf32, #tpu.memory_space<vmem>>, %arg8: memref<80x128xf32, #tpu.memory_space<vmem>>, %arg9: memref<!tpu.dma_semaphore, #tpu.memory_space<semaphore_mem>>, %arg10: memref<!tpu.dma_semaphore, #tpu.memory_space<semaphore_mem>>, %arg11: memref<!tpu.dma_semaphore, #tpu.memory_space<semaphore_mem>>, %arg12: memref<80xi32, #tpu.memory_space<vmem>>, %arg13: memref<80xi32, #tpu.memory_space<vmem>>, %arg14: memref<80xi32, #tpu.memory_space<vmem>>, %arg15: memref<80xi32, #tpu.memory_space<vmem>>, %arg16: memref<!tpu.dma_semaphore, #tpu.memory_space<semaphore_mem>>, %arg17: memref<!tpu.dma_semaphore, #tpu.memory_space<semaphore_mem>>, %arg18: memref<!tpu.dma_semaphore, #tpu.memory_space<semaphore_mem>>, %arg19: memref<!tpu.dma_semaphore, #tpu.memory_space<semaphore_mem>>, %arg20: memref<80xi32, #tpu.memory_space<vmem>>, %arg21: memref<80xi32, #tpu.memory_space<vmem>>, %arg22: memref<80xi32, #tpu.memory_space<vmem>>, %arg23: memref<80xi32, #tpu.memory_space<vmem>>, %arg24: memref<!tpu.dma_semaphore, #tpu.memory_space<semaphore_mem>>, %arg25: memref<!tpu.dma_semaphore, #tpu.memory_space<semaphore_mem>>, %arg26: memref<!tpu.dma_semaphore, #tpu.memory_space<semaphore_mem>>, %arg27: memref<!tpu.dma_semaphore, #tpu.memory_space<semaphore_mem>>, %arg28: memref<10000x128xf32, #tpu.memory_space<vmem_shared>>) attributes {dimension_semantics = [#tpu.dimension_semantics<core_parallel>, #tpu.dimension_semantics<subcore_parallel>], iteration_bounds = array<i64: 2, 16>, scalar_prefetch = 0 : i64, scratch_operands = 23 : i64, tpu.core_type = #tpu.core_type<sc_vector_subcore>, window_params = [{transform_indices = #map}, {transform_indices = #map1}, {transform_indices = #map1}, {transform_indices = #map2}]} {
    %mul3A = arith.constant 2 : i32
    %mul3A_0 = arith.muli %arg1, %mul3A : i32
    %add3A = arith.addi %mul3A_0, %arg0 : i32
    %scan3A = arith.constant 0 : i32
    %scan3A_1 = arith.constant 0 : i32
    %scan3A_2 = arith.constant 80 : i32
    %scan3A_3 = arith.addi %scan3A_1, %scan3A_2 : i32
    %scan3A_4 = arith.constant 1 : i32
    %scan3A_5 = scf.for %scan3A_238 = %scan3A_1 to %scan3A_3 step %scan3A_4 iter_args(%scan3A_239 = %scan3A) -> (i32)  : i32 {
      %broadcast_in_dim3A = arith.constant 0.000000e+00 : f32
      %broadcast_in_dim3A_240 = vector.broadcast %broadcast_in_dim3A : f32 to vector<16xf32>
      %swap3A = arith.index_cast %scan3A_238 : i32 to index
      %swap3A_241 = arith.constant 0 : index
      %swap3A_242 = tpu.vector_load %arg6[%swap3A, %swap3A_241] {strides = array<i32>} : memref<80x128xf32, #tpu.memory_space<vmem>>, vector<1x16xf32>,
      %swap3A_243 = vector.shape_cast %swap3A_242 : vector<1x16xf32> to vector<16xf32>
      %swap3A_244 = vector.shape_cast %broadcast_in_dim3A_240 : vector<16xf32> to vector<1x16xf32>
      tpu.vector_store %arg6[%swap3A, %swap3A_241], %swap3A_244 {strides = array<i32>} : memref<80x128xf32, #tpu.memory_space<vmem>>, vector<1x16xf32>,
      %broadcast_in_dim3A_245 = arith.constant 0.000000e+00 : f32
      %broadcast_in_dim3A_246 = vector.broadcast %broadcast_in_dim3A_245 : f32 to vector<16xf32>
      %swap3A_247 = arith.index_cast %scan3A_238 : i32 to index
      %swap3A_248 = arith.constant 16 : index
      %swap3A_249 = tpu.vector_load %arg6[%swap3A_247, %swap3A_248] {strides = array<i32>} : memref<80x128xf32, #tpu.memory_space<vmem>>, vector<1x16xf32>,
      %swap3A_250 = vector.shape_cast %swap3A_249 : vector<1x16xf32> to vector<16xf32>
      %swap3A_251 = vector.shape_cast %broadcast_in_dim3A_246 : vector<16xf32> to vector<1x16xf32>
      tpu.vector_store %arg6[%swap3A_247, %swap3A_248], %swap3A_251 {strides = array<i32>} : memref<80x128xf32, #tpu.memory_space<vmem>>, vector<1x16xf32>,
      %broadcast_in_dim3A_252 = arith.constant 0.000000e+00 : f32
      %broadcast_in_dim3A_253 = vector.broadcast %broadcast_in_dim3A_252 : f32 to vector<16xf32>
      %swap3A_254 = arith.index_cast %scan3A_238 : i32 to index
      %swap3A_255 = arith.constant 32 : index
      %swap3A_256 = tpu.vector_load %arg6[%swap3A_254, %swap3A_255] {strides = array<i32>} : memref<80x128xf32, #tpu.memory_space<vmem>>, vector<1x16xf32>,
      %swap3A_257 = vector.shape_cast %swap3A_256 : vector<1x16xf32> to vector<16xf32>
      %swap3A_258 = vector.shape_cast %broadcast_in_dim3A_253 : vector<16xf32> to vector<1x16xf32>
      tpu.vector_store %arg6[%swap3A_254, %swap3A_255], %swap3A_258 {strides = array<i32>} : memref<80x128xf32, #tpu.memory_space<vmem>>, vector<1x16xf32>,
      %broadcast_in_dim3A_259 = arith.constant 0.000000e+00 : f32
      %broadcast_in_dim3A_260 = vector.broadcast %broadcast_in_dim3A_259 : f32 to vector<16xf32>
      %swap3A_261 = arith.index_cast %scan3A_238 : i32 to index
      %swap3A_262 = arith.constant 48 : index
      %swap3A_263 = tpu.vector_load %arg6[%swap3A_261, %swap3A_262] {strides = array<i32>} : memref<80x128xf32, #tpu.memory_space<vmem>>, vector<1x16xf32>,
      %swap3A_264 = vector.shape_cast %swap3A_263 : vector<1x16xf32> to vector<16xf32>
      %swap3A_265 = vector.shape_cast %broadcast_in_dim3A_260 : vector<16xf32> to vector<1x16xf32>
      tpu.vector_store %arg6[%swap3A_261, %swap3A_262], %swap3A_265 {strides = array<i32>} : memref<80x128xf32, #tpu.memory_space<vmem>>, vector<1x16xf32>,
      %broadcast_in_dim3A_266 = arith.constant 0.000000e+00 : f32
      %broadcast_in_dim3A_267 = vector.broadcast %broadcast_in_dim3A_266 : f32 to vector<16xf32>
      %swap3A_268 = arith.index_cast %scan3A_238 : i32 to index
      %swap3A_269 = arith.constant 64 : index
      %swap3A_270 = tpu.vector_load %arg6[%swap3A_268, %swap3A_269] {strides = array<i32>} : memref<80x128xf32, #tpu.memory_space<vmem>>, vector<1x16xf32>,
      %swap3A_271 = vector.shape_cast %swap3A_270 : vector<1x16xf32> to vector<16xf32>
      %swap3A_272 = vector.shape_cast %broadcast_in_dim3A_267 : vector<16xf32> to vector<1x16xf32>
      tpu.vector_store %arg6[%swap3A_268, %swap3A_269], %swap3A_272 {strides = array<i32>} : memref<80x128xf32, #tpu.memory_space<vmem>>, vector<1x16xf32>,
      %broadcast_in_dim3A_273 = arith.constant 0.000000e+00 : f32
      %broadcast_in_dim3A_274 = vector.broadcast %broadcast_in_dim3A_273 : f32 to vector<16xf32>
      %swap3A_275 = arith.index_cast %scan3A_238 : i32 to index
      %swap3A_276 = arith.constant 80 : index
      %swap3A_277 = tpu.vector_load %arg6[%swap3A_275, %swap3A_276] {strides = array<i32>} : memref<80x128xf32, #tpu.memory_space<vmem>>, vector<1x16xf32>,
      %swap3A_278 = vector.shape_cast %swap3A_277 : vector<1x16xf32> to vector<16xf32>
      %swap3A_279 = vector.shape_cast %broadcast_in_dim3A_274 : vector<16xf32> to vector<1x16xf32>
      tpu.vector_store %arg6[%swap3A_275, %swap3A_276], %swap3A_279 {strides = array<i32>} : memref<80x128xf32, #tpu.memory_space<vmem>>, vector<1x16xf32>,
      %broadcast_in_dim3A_280 = arith.constant 0.000000e+00 : f32
      %broadcast_in_dim3A_281 = vector.broadcast %broadcast_in_dim3A_280 : f32 to vector<16xf32>
      %swap3A_282 = arith.index_cast %scan3A_238 : i32 to index
      %swap3A_283 = arith.constant 96 : index
      %swap3A_284 = tpu.vector_load %arg6[%swap3A_282, %swap3A_283] {strides = array<i32>} : memref<80x128xf32, #tpu.memory_space<vmem>>, vector<1x16xf32>,
      %swap3A_285 = vector.shape_cast %swap3A_284 : vector<1x16xf32> to vector<16xf32>
      %swap3A_286 = vector.shape_cast %broadcast_in_dim3A_281 : vector<16xf32> to vector<1x16xf32>
      tpu.vector_store %arg6[%swap3A_282, %swap3A_283], %swap3A_286 {strides = array<i32>} : memref<80x128xf32, #tpu.memory_space<vmem>>, vector<1x16xf32>,
      %broadcast_in_dim3A_287 = arith.constant 0.000000e+00 : f32
      %broadcast_in_dim3A_288 = vector.broadcast %broadcast_in_dim3A_287 : f32 to vector<16xf32>
      %swap3A_289 = arith.index_cast %scan3A_238 : i32 to index
      %swap3A_290 = arith.constant 112 : index
      %swap3A_291 = tpu.vector_load %arg6[%swap3A_289, %swap3A_290] {strides = array<i32>} : memref<80x128xf32, #tpu.memory_space<vmem>>, vector<1x16xf32>,
      %swap3A_292 = vector.shape_cast %swap3A_291 : vector<1x16xf32> to vector<16xf32>
      %swap3A_293 = vector.shape_cast %broadcast_in_dim3A_288 : vector<16xf32> to vector<1x16xf32>
      tpu.vector_store %arg6[%swap3A_289, %swap3A_290], %swap3A_293 {strides = array<i32>} : memref<80x128xf32, #tpu.memory_space<vmem>>, vector<1x16xf32>,
      %scan3A_294 = arith.constant 0 : i32
      scf.yield %scan3A_294 : i32
    }
    %scan3A_6 = arith.constant 80 : i32
    %add3A_7 = arith.constant 0 : i32
    %add3A_8 = arith.addi %arg1, %add3A_7 : i32
    %lt3A = arith.constant 125 : i32
    %lt3A_9 = arith.cmpi slt, %add3A_8, %lt3A : i32
    %convert_element_type3A = arith.extui %lt3A_9 : i1 to i32
    %cond3A = arith.constant 0 : i32
    %cond3A_10 = arith.cmpi ne, %convert_element_type3A, %cond3A : i32
    scf.if %cond3A_10 {
      %mul3A_238 = arith.constant 80 : i32
      %mul3A_239 = arith.muli %add3A_8, %mul3A_238 : i32
      %multiple_of3A_240 = tpu.assume_multiple %mul3A_239, 8 : i32
      "tpu.region"() ({
        %run_scoped3A = tpu.sem_alloc : memref<!tpu.dma_semaphore, #tpu.memory_space<semaphore_mem>>
        %dma_start3A_241 = arith.constant 0 : i32
        %dma_start3A_242 = tpu.memref_slice %arg28[%multiple_of3A_240, %dma_start3A_241] : memref<10000x128xf32, #tpu.memory_space<vmem_shared>> -> memref<80x128xf32, #tpu.memory_space<vmem_shared>>
        %dma_start3A_243 = arith.constant 0 : i32
        %dma_start3A_244 = tpu.memref_slice %arg28[%multiple_of3A_240, %dma_start3A_243] : memref<10000x128xf32, #tpu.memory_space<vmem_shared>> -> memref<80x128xf32, #tpu.memory_space<vmem_shared>>
        tpu.enqueue_dma source(%arg6 : memref<80x128xf32, #tpu.memory_space<vmem>>) target(%dma_start3A_244 : memref<80x128xf32, #tpu.memory_space<vmem_shared>>) target_semaphore(%run_scoped3A : memref<!tpu.dma_semaphore, #tpu.memory_space<semaphore_mem>>)
        %dma_wait3A_245 = arith.constant 0 : i32
        %dma_wait3A_246 = tpu.memref_slice %arg28[%multiple_of3A_240, %dma_wait3A_245] : memref<10000x128xf32, #tpu.memory_space<vmem_shared>> -> memref<80x128xf32, #tpu.memory_space<vmem_shared>>
        %dma_wait3A_247 = arith.constant 0 : i32
        %dma_wait3A_248 = tpu.memref_slice %arg28[%multiple_of3A_240, %dma_wait3A_247] : memref<10000x128xf32, #tpu.memory_space<vmem_shared>> -> memref<80x128xf32, #tpu.memory_space<vmem_shared>>
        tpu.wait_dma2 semaphore(%run_scoped3A : memref<!tpu.dma_semaphore, #tpu.memory_space<semaphore_mem>>) src(%arg6 : memref<80x128xf32, #tpu.memory_space<vmem>>) dst(%dma_wait3A_248 : memref<80x128xf32, #tpu.memory_space<vmem_shared>>)
        tpu.yield
      }) : () -> ()
    } else {
    }
    %add3A_11 = arith.constant 16 : i32
    %add3A_12 = arith.addi %arg1, %add3A_11 : i32
    %lt3A_13 = arith.constant 125 : i32
    %lt3A_14 = arith.cmpi slt, %add3A_12, %lt3A_13 : i32
    %convert_element_type3A_15 = arith.extui %lt3A_14 : i1 to i32
    %cond3A_16 = arith.constant 0 : i32
    %cond3A_17 = arith.cmpi ne, %convert_element_type3A_15, %cond3A_16 : i32
    scf.if %cond3A_17 {
      %mul3A_238 = arith.constant 80 : i32
      %mul3A_239 = arith.muli %add3A_12, %mul3A_238 : i32
      %multiple_of3A_240 = tpu.assume_multiple %mul3A_239, 8 : i32
      "tpu.region"() ({
        %run_scoped3A = tpu.sem_alloc : memref<!tpu.dma_semaphore, #tpu.memory_space<semaphore_mem>>
        %dma_start3A_241 = arith.constant 0 : i32
        %dma_start3A_242 = tpu.memref_slice %arg28[%multiple_of3A_240, %dma_start3A_241] : memref<10000x128xf32, #tpu.memory_space<vmem_shared>> -> memref<80x128xf32, #tpu.memory_space<vmem_shared>>
        %dma_start3A_243 = arith.constant 0 : i32
        %dma_start3A_244 = tpu.memref_slice %arg28[%multiple_of3A_240, %dma_start3A_243] : memref<10000x128xf32, #tpu.memory_space<vmem_shared>> -> memref<80x128xf32, #tpu.memory_space<vmem_shared>>
        tpu.enqueue_dma source(%arg6 : memref<80x128xf32, #tpu.memory_space<vmem>>) target(%dma_start3A_244 : memref<80x128xf32, #tpu.memory_space<vmem_shared>>) target_semaphore(%run_scoped3A : memref<!tpu.dma_semaphore, #tpu.memory_space<semaphore_mem>>)
        %dma_wait3A_245 = arith.constant 0 : i32
        %dma_wait3A_246 = tpu.memref_slice %arg28[%multiple_of3A_240, %dma_wait3A_245] : memref<10000x128xf32, #tpu.memory_space<vmem_shared>> -> memref<80x128xf32, #tpu.memory_space<vmem_shared>>
        %dma_wait3A_247 = arith.constant 0 : i32
        %dma_wait3A_248 = tpu.memref_slice %arg28[%multiple_of3A_240, %dma_wait3A_247] : memref<10000x128xf32, #tpu.memory_space<vmem_shared>> -> memref<80x128xf32, #tpu.memory_space<vmem_shared>>
        tpu.wait_dma2 semaphore(%run_scoped3A : memref<!tpu.dma_semaphore, #tpu.memory_space<semaphore_mem>>) src(%arg6 : memref<80x128xf32, #tpu.memory_space<vmem>>) dst(%dma_wait3A_248 : memref<80x128xf32, #tpu.memory_space<vmem_shared>>)
        tpu.yield
      }) : () -> ()
    } else {
    }
    %add3A_18 = arith.constant 32 : i32
    %add3A_19 = arith.addi %arg1, %add3A_18 : i32
    %lt3A_20 = arith.constant 125 : i32
    %lt3A_21 = arith.cmpi slt, %add3A_19, %lt3A_20 : i32
    %convert_element_type3A_22 = arith.extui %lt3A_21 : i1 to i32
    %cond3A_23 = arith.constant 0 : i32
    %cond3A_24 = arith.cmpi ne, %convert_element_type3A_22, %cond3A_23 : i32
    scf.if %cond3A_24 {
      %mul3A_238 = arith.constant 80 : i32
      %mul3A_239 = arith.muli %add3A_19, %mul3A_238 : i32
      %multiple_of3A_240 = tpu.assume_multiple %mul3A_239, 8 : i32
      "tpu.region"() ({
        %run_scoped3A = tpu.sem_alloc : memref<!tpu.dma_semaphore, #tpu.memory_space<semaphore_mem>>
        %dma_start3A_241 = arith.constant 0 : i32
        %dma_start3A_242 = tpu.memref_slice %arg28[%multiple_of3A_240, %dma_start3A_241] : memref<10000x128xf32, #tpu.memory_space<vmem_shared>> -> memref<80x128xf32, #tpu.memory_space<vmem_shared>>
        %dma_start3A_243 = arith.constant 0 : i32
        %dma_start3A_244 = tpu.memref_slice %arg28[%multiple_of3A_240, %dma_start3A_243] : memref<10000x128xf32, #tpu.memory_space<vmem_shared>> -> memref<80x128xf32, #tpu.memory_space<vmem_shared>>
        tpu.enqueue_dma source(%arg6 : memref<80x128xf32, #tpu.memory_space<vmem>>) target(%dma_start3A_244 : memref<80x128xf32, #tpu.memory_space<vmem_shared>>) target_semaphore(%run_scoped3A : memref<!tpu.dma_semaphore, #tpu.memory_space<semaphore_mem>>)
        %dma_wait3A_245 = arith.constant 0 : i32
        %dma_wait3A_246 = tpu.memref_slice %arg28[%multiple_of3A_240, %dma_wait3A_245] : memref<10000x128xf32, #tpu.memory_space<vmem_shared>> -> memref<80x128xf32, #tpu.memory_space<vmem_shared>>
        %dma_wait3A_247 = arith.constant 0 : i32
        %dma_wait3A_248 = tpu.memref_slice %arg28[%multiple_of3A_240, %dma_wait3A_247] : memref<10000x128xf32, #tpu.memory_space<vmem_shared>> -> memref<80x128xf32, #tpu.memory_space<vmem_shared>>
        tpu.wait_dma2 semaphore(%run_scoped3A : memref<!tpu.dma_semaphore, #tpu.memory_space<semaphore_mem>>) src(%arg6 : memref<80x128xf32, #tpu.memory_space<vmem>>) dst(%dma_wait3A_248 : memref<80x128xf32, #tpu.memory_space<vmem_shared>>)
        tpu.yield
      }) : () -> ()
    } else {
    }
    %add3A_25 = arith.constant 48 : i32
    %add3A_26 = arith.addi %arg1, %add3A_25 : i32
    %lt3A_27 = arith.constant 125 : i32
    %lt3A_28 = arith.cmpi slt, %add3A_26, %lt3A_27 : i32
    %convert_element_type3A_29 = arith.extui %lt3A_28 : i1 to i32
    %cond3A_30 = arith.constant 0 : i32
    %cond3A_31 = arith.cmpi ne, %convert_element_type3A_29, %cond3A_30 : i32
    scf.if %cond3A_31 {
      %mul3A_238 = arith.constant 80 : i32
      %mul3A_239 = arith.muli %add3A_26, %mul3A_238 : i32
      %multiple_of3A_240 = tpu.assume_multiple %mul3A_239, 8 : i32
      "tpu.region"() ({
        %run_scoped3A = tpu.sem_alloc : memref<!tpu.dma_semaphore, #tpu.memory_space<semaphore_mem>>
        %dma_start3A_241 = arith.constant 0 : i32
        %dma_start3A_242 = tpu.memref_slice %arg28[%multiple_of3A_240, %dma_start3A_241] : memref<10000x128xf32, #tpu.memory_space<vmem_shared>> -> memref<80x128xf32, #tpu.memory_space<vmem_shared>>
        %dma_start3A_243 = arith.constant 0 : i32
        %dma_start3A_244 = tpu.memref_slice %arg28[%multiple_of3A_240, %dma_start3A_243] : memref<10000x128xf32, #tpu.memory_space<vmem_shared>> -> memref<80x128xf32, #tpu.memory_space<vmem_shared>>
        tpu.enqueue_dma source(%arg6 : memref<80x128xf32, #tpu.memory_space<vmem>>) target(%dma_start3A_244 : memref<80x128xf32, #tpu.memory_space<vmem_shared>>) target_semaphore(%run_scoped3A : memref<!tpu.dma_semaphore, #tpu.memory_space<semaphore_mem>>)
        %dma_wait3A_245 = arith.constant 0 : i32
        %dma_wait3A_246 = tpu.memref_slice %arg28[%multiple_of3A_240, %dma_wait3A_245] : memref<10000x128xf32, #tpu.memory_space<vmem_shared>> -> memref<80x128xf32, #tpu.memory_space<vmem_shared>>
        %dma_wait3A_247 = arith.constant 0 : i32
        %dma_wait3A_248 = tpu.memref_slice %arg28[%multiple_of3A_240, %dma_wait3A_247] : memref<10000x128xf32, #tpu.memory_space<vmem_shared>> -> memref<80x128xf32, #tpu.memory_space<vmem_shared>>
        tpu.wait_dma2 semaphore(%run_scoped3A : memref<!tpu.dma_semaphore, #tpu.memory_space<semaphore_mem>>) src(%arg6 : memref<80x128xf32, #tpu.memory_space<vmem>>) dst(%dma_wait3A_248 : memref<80x128xf32, #tpu.memory_space<vmem_shared>>)
        tpu.yield
      }) : () -> ()
    } else {
    }
    %add3A_32 = arith.constant 64 : i32
    %add3A_33 = arith.addi %arg1, %add3A_32 : i32
    %lt3A_34 = arith.constant 125 : i32
    %lt3A_35 = arith.cmpi slt, %add3A_33, %lt3A_34 : i32
    %convert_element_type3A_36 = arith.extui %lt3A_35 : i1 to i32
    %cond3A_37 = arith.constant 0 : i32
    %cond3A_38 = arith.cmpi ne, %convert_element_type3A_36, %cond3A_37 : i32
    scf.if %cond3A_38 {
      %mul3A_238 = arith.constant 80 : i32
      %mul3A_239 = arith.muli %add3A_33, %mul3A_238 : i32
      %multiple_of3A_240 = tpu.assume_multiple %mul3A_239, 8 : i32
      "tpu.region"() ({
        %run_scoped3A = tpu.sem_alloc : memref<!tpu.dma_semaphore, #tpu.memory_space<semaphore_mem>>
        %dma_start3A_241 = arith.constant 0 : i32
        %dma_start3A_242 = tpu.memref_slice %arg28[%multiple_of3A_240, %dma_start3A_241] : memref<10000x128xf32, #tpu.memory_space<vmem_shared>> -> memref<80x128xf32, #tpu.memory_space<vmem_shared>>
        %dma_start3A_243 = arith.constant 0 : i32
        %dma_start3A_244 = tpu.memref_slice %arg28[%multiple_of3A_240, %dma_start3A_243] : memref<10000x128xf32, #tpu.memory_space<vmem_shared>> -> memref<80x128xf32, #tpu.memory_space<vmem_shared>>
        tpu.enqueue_dma source(%arg6 : memref<80x128xf32, #tpu.memory_space<vmem>>) target(%dma_start3A_244 : memref<80x128xf32, #tpu.memory_space<vmem_shared>>) target_semaphore(%run_scoped3A : memref<!tpu.dma_semaphore, #tpu.memory_space<semaphore_mem>>)
        %dma_wait3A_245 = arith.constant 0 : i32
        %dma_wait3A_246 = tpu.memref_slice %arg28[%multiple_of3A_240, %dma_wait3A_245] : memref<10000x128xf32, #tpu.memory_space<vmem_shared>> -> memref<80x128xf32, #tpu.memory_space<vmem_shared>>
        %dma_wait3A_247 = arith.constant 0 : i32
        %dma_wait3A_248 = tpu.memref_slice %arg28[%multiple_of3A_240, %dma_wait3A_247] : memref<10000x128xf32, #tpu.memory_space<vmem_shared>> -> memref<80x128xf32, #tpu.memory_space<vmem_shared>>
        tpu.wait_dma2 semaphore(%run_scoped3A : memref<!tpu.dma_semaphore, #tpu.memory_space<semaphore_mem>>) src(%arg6 : memref<80x128xf32, #tpu.memory_space<vmem>>) dst(%dma_wait3A_248 : memref<80x128xf32, #tpu.memory_space<vmem_shared>>)
        tpu.yield
      }) : () -> ()
    } else {
    }
    %add3A_39 = arith.constant 80 : i32
    %add3A_40 = arith.addi %arg1, %add3A_39 : i32
    %lt3A_41 = arith.constant 125 : i32
    %lt3A_42 = arith.cmpi slt, %add3A_40, %lt3A_41 : i32
    %convert_element_type3A_43 = arith.extui %lt3A_42 : i1 to i32
    %cond3A_44 = arith.constant 0 : i32
    %cond3A_45 = arith.cmpi ne, %convert_element_type3A_43, %cond3A_44 : i32
    scf.if %cond3A_45 {
      %mul3A_238 = arith.constant 80 : i32
      %mul3A_239 = arith.muli %add3A_40, %mul3A_238 : i32
      %multiple_of3A_240 = tpu.assume_multiple %mul3A_239, 8 : i32
      "tpu.region"() ({
        %run_scoped3A = tpu.sem_alloc : memref<!tpu.dma_semaphore, #tpu.memory_space<semaphore_mem>>
        %dma_start3A_241 = arith.constant 0 : i32
        %dma_start3A_242 = tpu.memref_slice %arg28[%multiple_of3A_240, %dma_start3A_241] : memref<10000x128xf32, #tpu.memory_space<vmem_shared>> -> memref<80x128xf32, #tpu.memory_space<vmem_shared>>
        %dma_start3A_243 = arith.constant 0 : i32
        %dma_start3A_244 = tpu.memref_slice %arg28[%multiple_of3A_240, %dma_start3A_243] : memref<10000x128xf32, #tpu.memory_space<vmem_shared>> -> memref<80x128xf32, #tpu.memory_space<vmem_shared>>
        tpu.enqueue_dma source(%arg6 : memref<80x128xf32, #tpu.memory_space<vmem>>) target(%dma_start3A_244 : memref<80x128xf32, #tpu.memory_space<vmem_shared>>) target_semaphore(%run_scoped3A : memref<!tpu.dma_semaphore, #tpu.memory_space<semaphore_mem>>)
        %dma_wait3A_245 = arith.constant 0 : i32
        %dma_wait3A_246 = tpu.memref_slice %arg28[%multiple_of3A_240, %dma_wait3A_245] : memref<10000x128xf32, #tpu.memory_space<vmem_shared>> -> memref<80x128xf32, #tpu.memory_space<vmem_shared>>
        %dma_wait3A_247 = arith.constant 0 : i32
        %dma_wait3A_248 = tpu.memref_slice %arg28[%multiple_of3A_240, %dma_wait3A_247] : memref<10000x128xf32, #tpu.memory_space<vmem_shared>> -> memref<80x128xf32, #tpu.memory_space<vmem_shared>>
        tpu.wait_dma2 semaphore(%run_scoped3A : memref<!tpu.dma_semaphore, #tpu.memory_space<semaphore_mem>>) src(%arg6 : memref<80x128xf32, #tpu.memory_space<vmem>>) dst(%dma_wait3A_248 : memref<80x128xf32, #tpu.memory_space<vmem_shared>>)
        tpu.yield
      }) : () -> ()
    } else {
    }
    %add3A_46 = arith.constant 96 : i32
    %add3A_47 = arith.addi %arg1, %add3A_46 : i32
    %lt3A_48 = arith.constant 125 : i32
    %lt3A_49 = arith.cmpi slt, %add3A_47, %lt3A_48 : i32
    %convert_element_type3A_50 = arith.extui %lt3A_49 : i1 to i32
    %cond3A_51 = arith.constant 0 : i32
    %cond3A_52 = arith.cmpi ne, %convert_element_type3A_50, %cond3A_51 : i32
    scf.if %cond3A_52 {
      %mul3A_238 = arith.constant 80 : i32
      %mul3A_239 = arith.muli %add3A_47, %mul3A_238 : i32
      %multiple_of3A_240 = tpu.assume_multiple %mul3A_239, 8 : i32
      "tpu.region"() ({
        %run_scoped3A = tpu.sem_alloc : memref<!tpu.dma_semaphore, #tpu.memory_space<semaphore_mem>>
        %dma_start3A_241 = arith.constant 0 : i32
        %dma_start3A_242 = tpu.memref_slice %arg28[%multiple_of3A_240, %dma_start3A_241] : memref<10000x128xf32, #tpu.memory_space<vmem_shared>> -> memref<80x128xf32, #tpu.memory_space<vmem_shared>>
        %dma_start3A_243 = arith.constant 0 : i32
        %dma_start3A_244 = tpu.memref_slice %arg28[%multiple_of3A_240, %dma_start3A_243] : memref<10000x128xf32, #tpu.memory_space<vmem_shared>> -> memref<80x128xf32, #tpu.memory_space<vmem_shared>>
        tpu.enqueue_dma source(%arg6 : memref<80x128xf32, #tpu.memory_space<vmem>>) target(%dma_start3A_244 : memref<80x128xf32, #tpu.memory_space<vmem_shared>>) target_semaphore(%run_scoped3A : memref<!tpu.dma_semaphore, #tpu.memory_space<semaphore_mem>>)
        %dma_wait3A_245 = arith.constant 0 : i32
        %dma_wait3A_246 = tpu.memref_slice %arg28[%multiple_of3A_240, %dma_wait3A_245] : memref<10000x128xf32, #tpu.memory_space<vmem_shared>> -> memref<80x128xf32, #tpu.memory_space<vmem_shared>>
        %dma_wait3A_247 = arith.constant 0 : i32
        %dma_wait3A_248 = tpu.memref_slice %arg28[%multiple_of3A_240, %dma_wait3A_247] : memref<10000x128xf32, #tpu.memory_space<vmem_shared>> -> memref<80x128xf32, #tpu.memory_space<vmem_shared>>
        tpu.wait_dma2 semaphore(%run_scoped3A : memref<!tpu.dma_semaphore, #tpu.memory_space<semaphore_mem>>) src(%arg6 : memref<80x128xf32, #tpu.memory_space<vmem>>) dst(%dma_wait3A_248 : memref<80x128xf32, #tpu.memory_space<vmem_shared>>)
        tpu.yield
      }) : () -> ()
    } else {
    }
    %add3A_53 = arith.constant 112 : i32
    %add3A_54 = arith.addi %arg1, %add3A_53 : i32
    %lt3A_55 = arith.constant 125 : i32
    %lt3A_56 = arith.cmpi slt, %add3A_54, %lt3A_55 : i32
    %convert_element_type3A_57 = arith.extui %lt3A_56 : i1 to i32
    %cond3A_58 = arith.constant 0 : i32
    %cond3A_59 = arith.cmpi ne, %convert_element_type3A_57, %cond3A_58 : i32
    scf.if %cond3A_59 {
      %mul3A_238 = arith.constant 80 : i32
      %mul3A_239 = arith.muli %add3A_54, %mul3A_238 : i32
      %multiple_of3A_240 = tpu.assume_multiple %mul3A_239, 8 : i32
      "tpu.region"() ({
        %run_scoped3A = tpu.sem_alloc : memref<!tpu.dma_semaphore, #tpu.memory_space<semaphore_mem>>
        %dma_start3A_241 = arith.constant 0 : i32
        %dma_start3A_242 = tpu.memref_slice %arg28[%multiple_of3A_240, %dma_start3A_241] : memref<10000x128xf32, #tpu.memory_space<vmem_shared>> -> memref<80x128xf32, #tpu.memory_space<vmem_shared>>
        %dma_start3A_243 = arith.constant 0 : i32
        %dma_start3A_244 = tpu.memref_slice %arg28[%multiple_of3A_240, %dma_start3A_243] : memref<10000x128xf32, #tpu.memory_space<vmem_shared>> -> memref<80x128xf32, #tpu.memory_space<vmem_shared>>
        tpu.enqueue_dma source(%arg6 : memref<80x128xf32, #tpu.memory_space<vmem>>) target(%dma_start3A_244 : memref<80x128xf32, #tpu.memory_space<vmem_shared>>) target_semaphore(%run_scoped3A : memref<!tpu.dma_semaphore, #tpu.memory_space<semaphore_mem>>)
        %dma_wait3A_245 = arith.constant 0 : i32
        %dma_wait3A_246 = tpu.memref_slice %arg28[%multiple_of3A_240, %dma_wait3A_245] : memref<10000x128xf32, #tpu.memory_space<vmem_shared>> -> memref<80x128xf32, #tpu.memory_space<vmem_shared>>
        %dma_wait3A_247 = arith.constant 0 : i32
        %dma_wait3A_248 = tpu.memref_slice %arg28[%multiple_of3A_240, %dma_wait3A_247] : memref<10000x128xf32, #tpu.memory_space<vmem_shared>> -> memref<80x128xf32, #tpu.memory_space<vmem_shared>>
        tpu.wait_dma2 semaphore(%run_scoped3A : memref<!tpu.dma_semaphore, #tpu.memory_space<semaphore_mem>>) src(%arg6 : memref<80x128xf32, #tpu.memory_space<vmem>>) dst(%dma_wait3A_248 : memref<80x128xf32, #tpu.memory_space<vmem_shared>>)
        tpu.yield
      }) : () -> ()
    } else {
    }
    %barrier3A = arith.constant 0 : index
    tpu.barrier barrier_id(%barrier3A)
    %mul3A_60 = arith.constant 10000 : i32
    %mul3A_61 = arith.muli %add3A, %mul3A_60 : i32
    %add3A_62 = arith.constant 0 : i32
    %add3A_63 = arith.addi %mul3A_61, %add3A_62 : i32
    %multiple_of3A = tpu.assume_multiple %add3A_63, 8 : i32
    %dma_start3A = tpu.memref_slice %arg3[%multiple_of3A] : memref<320000xi32, #tpu.memory_space<hbm>> -> memref<80xi32, #tpu.memory_space<hbm>>
    %dma_start3A_64 = tpu.memref_slice %arg3[%multiple_of3A] : memref<320000xi32, #tpu.memory_space<hbm>> -> memref<80xi32, #tpu.memory_space<hbm>>
    tpu.enqueue_dma source(%dma_start3A_64 : memref<80xi32, #tpu.memory_space<hbm>>) target(%arg12 : memref<80xi32, #tpu.memory_space<vmem>>) target_semaphore(%arg16 : memref<!tpu.dma_semaphore, #tpu.memory_space<semaphore_mem>>)
    %dma_start3A_65 = tpu.memref_slice %arg4[%multiple_of3A] : memref<320000xi32, #tpu.memory_space<hbm>> -> memref<80xi32, #tpu.memory_space<hbm>>
    %dma_start3A_66 = tpu.memref_slice %arg4[%multiple_of3A] : memref<320000xi32, #tpu.memory_space<hbm>> -> memref<80xi32, #tpu.memory_space<hbm>>
    tpu.enqueue_dma source(%dma_start3A_66 : memref<80xi32, #tpu.memory_space<hbm>>) target(%arg20 : memref<80xi32, #tpu.memory_space<vmem>>) target_semaphore(%arg24 : memref<!tpu.dma_semaphore, #tpu.memory_space<semaphore_mem>>)
    %add3A_67 = arith.constant 80 : i32
    %add3A_68 = arith.addi %mul3A_61, %add3A_67 : i32
    %multiple_of3A_69 = tpu.assume_multiple %add3A_68, 8 : i32
    %dma_start3A_70 = tpu.memref_slice %arg3[%multiple_of3A_69] : memref<320000xi32, #tpu.memory_space<hbm>> -> memref<80xi32, #tpu.memory_space<hbm>>
    %dma_start3A_71 = tpu.memref_slice %arg3[%multiple_of3A_69] : memref<320000xi32, #tpu.memory_space<hbm>> -> memref<80xi32, #tpu.memory_space<hbm>>
    tpu.enqueue_dma source(%dma_start3A_71 : memref<80xi32, #tpu.memory_space<hbm>>) target(%arg13 : memref<80xi32, #tpu.memory_space<vmem>>) target_semaphore(%arg17 : memref<!tpu.dma_semaphore, #tpu.memory_space<semaphore_mem>>)
    %dma_start3A_72 = tpu.memref_slice %arg4[%multiple_of3A_69] : memref<320000xi32, #tpu.memory_space<hbm>> -> memref<80xi32, #tpu.memory_space<hbm>>
    %dma_start3A_73 = tpu.memref_slice %arg4[%multiple_of3A_69] : memref<320000xi32, #tpu.memory_space<hbm>> -> memref<80xi32, #tpu.memory_space<hbm>>
    tpu.enqueue_dma source(%dma_start3A_73 : memref<80xi32, #tpu.memory_space<hbm>>) target(%arg21 : memref<80xi32, #tpu.memory_space<vmem>>) target_semaphore(%arg25 : memref<!tpu.dma_semaphore, #tpu.memory_space<semaphore_mem>>)
    %add3A_74 = arith.constant 160 : i32
    %add3A_75 = arith.addi %mul3A_61, %add3A_74 : i32
    %multiple_of3A_76 = tpu.assume_multiple %add3A_75, 8 : i32
    %dma_start3A_77 = tpu.memref_slice %arg3[%multiple_of3A_76] : memref<320000xi32, #tpu.memory_space<hbm>> -> memref<80xi32, #tpu.memory_space<hbm>>
    %dma_start3A_78 = tpu.memref_slice %arg3[%multiple_of3A_76] : memref<320000xi32, #tpu.memory_space<hbm>> -> memref<80xi32, #tpu.memory_space<hbm>>
    tpu.enqueue_dma source(%dma_start3A_78 : memref<80xi32, #tpu.memory_space<hbm>>) target(%arg14 : memref<80xi32, #tpu.memory_space<vmem>>) target_semaphore(%arg18 : memref<!tpu.dma_semaphore, #tpu.memory_space<semaphore_mem>>)
    %dma_start3A_79 = tpu.memref_slice %arg4[%multiple_of3A_76] : memref<320000xi32, #tpu.memory_space<hbm>> -> memref<80xi32, #tpu.memory_space<hbm>>
    %dma_start3A_80 = tpu.memref_slice %arg4[%multiple_of3A_76] : memref<320000xi32, #tpu.memory_space<hbm>> -> memref<80xi32, #tpu.memory_space<hbm>>
    tpu.enqueue_dma source(%dma_start3A_80 : memref<80xi32, #tpu.memory_space<hbm>>) target(%arg22 : memref<80xi32, #tpu.memory_space<vmem>>) target_semaphore(%arg26 : memref<!tpu.dma_semaphore, #tpu.memory_space<semaphore_mem>>)
    %add3A_81 = arith.constant 240 : i32
    %add3A_82 = arith.addi %mul3A_61, %add3A_81 : i32
    %multiple_of3A_83 = tpu.assume_multiple %add3A_82, 8 : i32
    %dma_start3A_84 = tpu.memref_slice %arg3[%multiple_of3A_83] : memref<320000xi32, #tpu.memory_space<hbm>> -> memref<80xi32, #tpu.memory_space<hbm>>
    %dma_start3A_85 = tpu.memref_slice %arg3[%multiple_of3A_83] : memref<320000xi32, #tpu.memory_space<hbm>> -> memref<80xi32, #tpu.memory_space<hbm>>
    tpu.enqueue_dma source(%dma_start3A_85 : memref<80xi32, #tpu.memory_space<hbm>>) target(%arg15 : memref<80xi32, #tpu.memory_space<vmem>>) target_semaphore(%arg19 : memref<!tpu.dma_semaphore, #tpu.memory_space<semaphore_mem>>)
    %dma_start3A_86 = tpu.memref_slice %arg4[%multiple_of3A_83] : memref<320000xi32, #tpu.memory_space<hbm>> -> memref<80xi32, #tpu.memory_space<hbm>>
    %dma_start3A_87 = tpu.memref_slice %arg4[%multiple_of3A_83] : memref<320000xi32, #tpu.memory_space<hbm>> -> memref<80xi32, #tpu.memory_space<hbm>>
    tpu.enqueue_dma source(%dma_start3A_87 : memref<80xi32, #tpu.memory_space<hbm>>) target(%arg23 : memref<80xi32, #tpu.memory_space<vmem>>) target_semaphore(%arg27 : memref<!tpu.dma_semaphore, #tpu.memory_space<semaphore_mem>>)
    %add3A_88 = arith.constant 0 : i32
    %add3A_89 = arith.addi %mul3A_61, %add3A_88 : i32
    %multiple_of3A_90 = tpu.assume_multiple %add3A_89, 8 : i32
    %dma_wait3A = tpu.memref_slice %arg3[%multiple_of3A_90] : memref<320000xi32, #tpu.memory_space<hbm>> -> memref<80xi32, #tpu.memory_space<hbm>>
    %dma_wait3A_91 = tpu.memref_slice %arg3[%multiple_of3A_90] : memref<320000xi32, #tpu.memory_space<hbm>> -> memref<80xi32, #tpu.memory_space<hbm>>
    tpu.wait_dma2 semaphore(%arg16 : memref<!tpu.dma_semaphore, #tpu.memory_space<semaphore_mem>>) src(%dma_wait3A_91 : memref<80xi32, #tpu.memory_space<hbm>>) dst(%arg12 : memref<80xi32, #tpu.memory_space<vmem>>)
    %dma_start3A_92 = arith.constant 0 : i32
    %dma_start3A_93 = arith.constant 0 : i32
    %dma_start3A_94 = tpu.memref_slice %arg2[%dma_start3A_92, %dma_start3A_93] : memref<10000x128xf32, #tpu.memory_space<hbm>> -> memref<10000x128xf32, #tpu.memory_space<hbm>>
    tpu.enqueue_indirect_dma source(%dma_start3A_94 : memref<10000x128xf32, #tpu.memory_space<hbm>>) target(%arg6 : memref<80x128xf32, #tpu.memory_space<vmem>>) offsets(%arg12 : memref<80xi32, #tpu.memory_space<vmem>>) semaphore(%arg9 : memref<!tpu.dma_semaphore, #tpu.memory_space<semaphore_mem>>)
    %add3A_95 = arith.constant 80 : i32
    %add3A_96 = arith.addi %mul3A_61, %add3A_95 : i32
    %multiple_of3A_97 = tpu.assume_multiple %add3A_96, 8 : i32
    %dma_wait3A_98 = tpu.memref_slice %arg3[%multiple_of3A_97] : memref<320000xi32, #tpu.memory_space<hbm>> -> memref<80xi32, #tpu.memory_space<hbm>>
    %dma_wait3A_99 = tpu.memref_slice %arg3[%multiple_of3A_97] : memref<320000xi32, #tpu.memory_space<hbm>> -> memref<80xi32, #tpu.memory_space<hbm>>
    tpu.wait_dma2 semaphore(%arg17 : memref<!tpu.dma_semaphore, #tpu.memory_space<semaphore_mem>>) src(%dma_wait3A_99 : memref<80xi32, #tpu.memory_space<hbm>>) dst(%arg13 : memref<80xi32, #tpu.memory_space<vmem>>)
    %dma_start3A_100 = arith.constant 0 : i32
    %dma_start3A_101 = arith.constant 0 : i32
    %dma_start3A_102 = tpu.memref_slice %arg2[%dma_start3A_100, %dma_start3A_101] : memref<10000x128xf32, #tpu.memory_space<hbm>> -> memref<10000x128xf32, #tpu.memory_space<hbm>>
    tpu.enqueue_indirect_dma source(%dma_start3A_102 : memref<10000x128xf32, #tpu.memory_space<hbm>>) target(%arg7 : memref<80x128xf32, #tpu.memory_space<vmem>>) offsets(%arg13 : memref<80xi32, #tpu.memory_space<vmem>>) semaphore(%arg10 : memref<!tpu.dma_semaphore, #tpu.memory_space<semaphore_mem>>)
    %add3A_103 = arith.constant 160 : i32
    %add3A_104 = arith.addi %mul3A_61, %add3A_103 : i32
    %multiple_of3A_105 = tpu.assume_multiple %add3A_104, 8 : i32
    %dma_wait3A_106 = tpu.memref_slice %arg3[%multiple_of3A_105] : memref<320000xi32, #tpu.memory_space<hbm>> -> memref<80xi32, #tpu.memory_space<hbm>>
    %dma_wait3A_107 = tpu.memref_slice %arg3[%multiple_of3A_105] : memref<320000xi32, #tpu.memory_space<hbm>> -> memref<80xi32, #tpu.memory_space<hbm>>
    tpu.wait_dma2 semaphore(%arg18 : memref<!tpu.dma_semaphore, #tpu.memory_space<semaphore_mem>>) src(%dma_wait3A_107 : memref<80xi32, #tpu.memory_space<hbm>>) dst(%arg14 : memref<80xi32, #tpu.memory_space<vmem>>)
    %dma_start3A_108 = arith.constant 0 : i32
    %dma_start3A_109 = arith.constant 0 : i32
    %dma_start3A_110 = tpu.memref_slice %arg2[%dma_start3A_108, %dma_start3A_109] : memref<10000x128xf32, #tpu.memory_space<hbm>> -> memref<10000x128xf32, #tpu.memory_space<hbm>>
    tpu.enqueue_indirect_dma source(%dma_start3A_110 : memref<10000x128xf32, #tpu.memory_space<hbm>>) target(%arg8 : memref<80x128xf32, #tpu.memory_space<vmem>>) offsets(%arg14 : memref<80xi32, #tpu.memory_space<vmem>>) semaphore(%arg11 : memref<!tpu.dma_semaphore, #tpu.memory_space<semaphore_mem>>)
    %scan3A_111 = arith.constant 0 : i32
    %scan3A_112 = arith.constant 0 : i32
    %scan3A_113 = arith.constant 10 : i32
    %scan3A_114 = arith.addi %scan3A_112, %scan3A_113 : i32
    %scan3A_115 = arith.constant 1 : i32
    %scan3A_116 = scf.for %scan3A_238 = %scan3A_112 to %scan3A_114 step %scan3A_115 iter_args(%scan3A_239 = %scan3A_111) -> (i32)  : i32 {
      %mul3A_240 = arith.constant 12 : i32
      %mul3A_241 = arith.muli %scan3A_238, %mul3A_240 : i32
      %add3A_242 = arith.constant 0 : i32
      %add3A_243 = arith.addi %mul3A_241, %add3A_242 : i32
      %mul3A_244 = arith.constant 80 : i32
      %mul3A_245 = arith.muli %add3A_243, %mul3A_244 : i32
      %add3A_246 = arith.addi %mul3A_61, %mul3A_245 : i32
      %multiple_of3A_247 = tpu.assume_multiple %add3A_246, 8 : i32
      %dma_wait3A_248 = arith.constant 0 : i32
      %dma_wait3A_249 = arith.constant 0 : i32
      %dma_wait3A_250 = tpu.memref_slice %arg2[%dma_wait3A_248, %dma_wait3A_249] : memref<10000x128xf32, #tpu.memory_space<hbm>> -> memref<10000x128xf32, #tpu.memory_space<hbm>>
      tpu.wait_indirect_dma semaphore(%arg9 : memref<!tpu.dma_semaphore, #tpu.memory_space<semaphore_mem>>) src(%dma_wait3A_250 : memref<10000x128xf32, #tpu.memory_space<hbm>>) dst(%arg6 : memref<80x128xf32, #tpu.memory_space<vmem>>)
      %dma_wait3A_251 = tpu.memref_slice %arg4[%multiple_of3A_247] : memref<320000xi32, #tpu.memory_space<hbm>> -> memref<80xi32, #tpu.memory_space<hbm>>
      %dma_wait3A_252 = tpu.memref_slice %arg4[%multiple_of3A_247] : memref<320000xi32, #tpu.memory_space<hbm>> -> memref<80xi32, #tpu.memory_space<hbm>>
      tpu.wait_dma2 semaphore(%arg24 : memref<!tpu.dma_semaphore, #tpu.memory_space<semaphore_mem>>) src(%dma_wait3A_252 : memref<80xi32, #tpu.memory_space<hbm>>) dst(%arg20 : memref<80xi32, #tpu.memory_space<vmem>>)
      "tpu.region"() ({
        %run_scoped3A = tpu.sem_alloc : memref<!tpu.dma_semaphore, #tpu.memory_space<semaphore_mem>>
        %dma_start3A_649 = arith.constant 0 : i32
        %dma_start3A_650 = arith.constant 0 : i32
        %dma_start3A_651 = tpu.memref_slice %arg28[%dma_start3A_649, %dma_start3A_650] : memref<10000x128xf32, #tpu.memory_space<vmem_shared>> -> memref<10000x128xf32, #tpu.memory_space<vmem_shared>>
        tpu.enqueue_indirect_dma source(%arg6 : memref<80x128xf32, #tpu.memory_space<vmem>>) target(%dma_start3A_651 : memref<10000x128xf32, #tpu.memory_space<vmem_shared>>) offsets(%arg20 : memref<80xi32, #tpu.memory_space<vmem>>) semaphore(%run_scoped3A : memref<!tpu.dma_semaphore, #tpu.memory_space<semaphore_mem>>) {add = true}
        %dma_wait3A_652 = arith.constant 0 : i32
        %dma_wait3A_653 = arith.constant 0 : i32
        %dma_wait3A_654 = tpu.memref_slice %arg28[%dma_wait3A_652, %dma_wait3A_653] : memref<10000x128xf32, #tpu.memory_space<vmem_shared>> -> memref<10000x128xf32, #tpu.memory_space<vmem_shared>>
        tpu.wait_indirect_dma semaphore(%run_scoped3A : memref<!tpu.dma_semaphore, #tpu.memory_space<semaphore_mem>>) src(%arg6 : memref<80x128xf32, #tpu.memory_space<vmem>>) dst(%dma_wait3A_654 : memref<10000x128xf32, #tpu.memory_space<vmem_shared>>)
        tpu.yield
      }) : () -> ()
      %add3A_253 = arith.constant 4 : i32
      %add3A_254 = arith.addi %add3A_243, %add3A_253 : i32
      %mul3A_255 = arith.constant 80 : i32
      %mul3A_256 = arith.muli %add3A_254, %mul3A_255 : i32
      %add3A_257 = arith.addi %mul3A_61, %mul3A_256 : i32
      %multiple_of3A_258 = tpu.assume_multiple %add3A_257, 8 : i32
      %dma_start3A_259 = tpu.memref_slice %arg3[%multiple_of3A_258] : memref<320000xi32, #tpu.memory_space<hbm>> -> memref<80xi32, #tpu.memory_space<hbm>>
      %dma_start3A_260 = tpu.memref_slice %arg3[%multiple_of3A_258] : memref<320000xi32, #tpu.memory_space<hbm>> -> memref<80xi32, #tpu.memory_space<hbm>>
      tpu.enqueue_dma source(%dma_start3A_260 : memref<80xi32, #tpu.memory_space<hbm>>) target(%arg12 : memref<80xi32, #tpu.memory_space<vmem>>) target_semaphore(%arg16 : memref<!tpu.dma_semaphore, #tpu.memory_space<semaphore_mem>>)
      %dma_start3A_261 = tpu.memref_slice %arg4[%multiple_of3A_258] : memref<320000xi32, #tpu.memory_space<hbm>> -> memref<80xi32, #tpu.memory_space<hbm>>
      %dma_start3A_262 = tpu.memref_slice %arg4[%multiple_of3A_258] : memref<320000xi32, #tpu.memory_space<hbm>> -> memref<80xi32, #tpu.memory_space<hbm>>
      tpu.enqueue_dma source(%dma_start3A_262 : memref<80xi32, #tpu.memory_space<hbm>>) target(%arg20 : memref<80xi32, #tpu.memory_space<vmem>>) target_semaphore(%arg24 : memref<!tpu.dma_semaphore, #tpu.memory_space<semaphore_mem>>)
      %add3A_263 = arith.constant 3 : i32
      %add3A_264 = arith.addi %add3A_243, %add3A_263 : i32
      %mul3A_265 = arith.constant 80 : i32
      %mul3A_266 = arith.muli %add3A_264, %mul3A_265 : i32
      %add3A_267 = arith.addi %mul3A_61, %mul3A_266 : i32
      %multiple_of3A_268 = tpu.assume_multiple %add3A_267, 8 : i32
      %dma_wait3A_269 = tpu.memref_slice %arg3[%multiple_of3A_268] : memref<320000xi32, #tpu.memory_space<hbm>> -> memref<80xi32, #tpu.memory_space<hbm>>
      %dma_wait3A_270 = tpu.memref_slice %arg3[%multiple_of3A_268] : memref<320000xi32, #tpu.memory_space<hbm>> -> memref<80xi32, #tpu.memory_space<hbm>>
      tpu.wait_dma2 semaphore(%arg19 : memref<!tpu.dma_semaphore, #tpu.memory_space<semaphore_mem>>) src(%dma_wait3A_270 : memref<80xi32, #tpu.memory_space<hbm>>) dst(%arg15 : memref<80xi32, #tpu.memory_space<vmem>>)
      %dma_start3A_271 = arith.constant 0 : i32
      %dma_start3A_272 = arith.constant 0 : i32
      %dma_start3A_273 = tpu.memref_slice %arg2[%dma_start3A_271, %dma_start3A_272] : memref<10000x128xf32, #tpu.memory_space<hbm>> -> memref<10000x128xf32, #tpu.memory_space<hbm>>
      tpu.enqueue_indirect_dma source(%dma_start3A_273 : memref<10000x128xf32, #tpu.memory_space<hbm>>) target(%arg6 : memref<80x128xf32, #tpu.memory_space<vmem>>) offsets(%arg15 : memref<80xi32, #tpu.memory_space<vmem>>) semaphore(%arg9 : memref<!tpu.dma_semaphore, #tpu.memory_space<semaphore_mem>>)
      %mul3A_274 = arith.constant 12 : i32
      %mul3A_275 = arith.muli %scan3A_238, %mul3A_274 : i32
      %add3A_276 = arith.constant 1 : i32
      %add3A_277 = arith.addi %mul3A_275, %add3A_276 : i32
      %mul3A_278 = arith.constant 80 : i32
      %mul3A_279 = arith.muli %add3A_277, %mul3A_278 : i32
      %add3A_280 = arith.addi %mul3A_61, %mul3A_279 : i32
      %multiple_of3A_281 = tpu.assume_multiple %add3A_280, 8 : i32
      %dma_wait3A_282 = arith.constant 0 : i32
      %dma_wait3A_283 = arith.constant 0 : i32
      %dma_wait3A_284 = tpu.memref_slice %arg2[%dma_wait3A_282, %dma_wait3A_283] : memref<10000x128xf32, #tpu.memory_space<hbm>> -> memref<10000x128xf32, #tpu.memory_space<hbm>>
      tpu.wait_indirect_dma semaphore(%arg10 : memref<!tpu.dma_semaphore, #tpu.memory_space<semaphore_mem>>) src(%dma_wait3A_284 : memref<10000x128xf32, #tpu.memory_space<hbm>>) dst(%arg7 : memref<80x128xf32, #tpu.memory_space<vmem>>)
      %dma_wait3A_285 = tpu.memref_slice %arg4[%multiple_of3A_281] : memref<320000xi32, #tpu.memory_space<hbm>> -> memref<80xi32, #tpu.memory_space<hbm>>
      %dma_wait3A_286 = tpu.memref_slice %arg4[%multiple_of3A_281] : memref<320000xi32, #tpu.memory_space<hbm>> -> memref<80xi32, #tpu.memory_space<hbm>>
      tpu.wait_dma2 semaphore(%arg25 : memref<!tpu.dma_semaphore, #tpu.memory_space<semaphore_mem>>) src(%dma_wait3A_286 : memref<80xi32, #tpu.memory_space<hbm>>) dst(%arg21 : memref<80xi32, #tpu.memory_space<vmem>>)
      "tpu.region"() ({
        %run_scoped3A = tpu.sem_alloc : memref<!tpu.dma_semaphore, #tpu.memory_space<semaphore_mem>>
        %dma_start3A_649 = arith.constant 0 : i32
        %dma_start3A_650 = arith.constant 0 : i32
        %dma_start3A_651 = tpu.memref_slice %arg28[%dma_start3A_649, %dma_start3A_650] : memref<10000x128xf32, #tpu.memory_space<vmem_shared>> -> memref<10000x128xf32, #tpu.memory_space<vmem_shared>>
        tpu.enqueue_indirect_dma source(%arg7 : memref<80x128xf32, #tpu.memory_space<vmem>>) target(%dma_start3A_651 : memref<10000x128xf32, #tpu.memory_space<vmem_shared>>) offsets(%arg21 : memref<80xi32, #tpu.memory_space<vmem>>) semaphore(%run_scoped3A : memref<!tpu.dma_semaphore, #tpu.memory_space<semaphore_mem>>) {add = true}
        %dma_wait3A_652 = arith.constant 0 : i32
        %dma_wait3A_653 = arith.constant 0 : i32
        %dma_wait3A_654 = tpu.memref_slice %arg28[%dma_wait3A_652, %dma_wait3A_653] : memref<10000x128xf32, #tpu.memory_space<vmem_shared>> -> memref<10000x128xf32, #tpu.memory_space<vmem_shared>>
        tpu.wait_indirect_dma semaphore(%run_scoped3A : memref<!tpu.dma_semaphore, #tpu.memory_space<semaphore_mem>>) src(%arg7 : memref<80x128xf32, #tpu.memory_space<vmem>>) dst(%dma_wait3A_654 : memref<10000x128xf32, #tpu.memory_space<vmem_shared>>)
        tpu.yield
      }) : () -> ()
      %add3A_287 = arith.constant 4 : i32
      %add3A_288 = arith.addi %add3A_277, %add3A_287 : i32
      %mul3A_289 = arith.constant 80 : i32
      %mul3A_290 = arith.muli %add3A_288, %mul3A_289 : i32
      %add3A_291 = arith.addi %mul3A_61, %mul3A_290 : i32
      %multiple_of3A_292 = tpu.assume_multiple %add3A_291, 8 : i32
      %dma_start3A_293 = tpu.memref_slice %arg3[%multiple_of3A_292] : memref<320000xi32, #tpu.memory_space<hbm>> -> memref<80xi32, #tpu.memory_space<hbm>>
      %dma_start3A_294 = tpu.memref_slice %arg3[%multiple_of3A_292] : memref<320000xi32, #tpu.memory_space<hbm>> -> memref<80xi32, #tpu.memory_space<hbm>>
      tpu.enqueue_dma source(%dma_start3A_294 : memref<80xi32, #tpu.memory_space<hbm>>) target(%arg13 : memref<80xi32, #tpu.memory_space<vmem>>) target_semaphore(%arg17 : memref<!tpu.dma_semaphore, #tpu.memory_space<semaphore_mem>>)
      %dma_start3A_295 = tpu.memref_slice %arg4[%multiple_of3A_292] : memref<320000xi32, #tpu.memory_space<hbm>> -> memref<80xi32, #tpu.memory_space<hbm>>
      %dma_start3A_296 = tpu.memref_slice %arg4[%multiple_of3A_292] : memref<320000xi32, #tpu.memory_space<hbm>> -> memref<80xi32, #tpu.memory_space<hbm>>
      tpu.enqueue_dma source(%dma_start3A_296 : memref<80xi32, #tpu.memory_space<hbm>>) target(%arg21 : memref<80xi32, #tpu.memory_space<vmem>>) target_semaphore(%arg25 : memref<!tpu.dma_semaphore, #tpu.memory_space<semaphore_mem>>)
      %add3A_297 = arith.constant 3 : i32
      %add3A_298 = arith.addi %add3A_277, %add3A_297 : i32
      %mul3A_299 = arith.constant 80 : i32
      %mul3A_300 = arith.muli %add3A_298, %mul3A_299 : i32
      %add3A_301 = arith.addi %mul3A_61, %mul3A_300 : i32
      %multiple_of3A_302 = tpu.assume_multiple %add3A_301, 8 : i32
      %dma_wait3A_303 = tpu.memref_slice %arg3[%multiple_of3A_302] : memref<320000xi32, #tpu.memory_space<hbm>> -> memref<80xi32, #tpu.memory_space<hbm>>
      %dma_wait3A_304 = tpu.memref_slice %arg3[%multiple_of3A_302] : memref<320000xi32, #tpu.memory_space<hbm>> -> memref<80xi32, #tpu.memory_space<hbm>>
      tpu.wait_dma2 semaphore(%arg16 : memref<!tpu.dma_semaphore, #tpu.memory_space<semaphore_mem>>) src(%dma_wait3A_304 : memref<80xi32, #tpu.memory_space<hbm>>) dst(%arg12 : memref<80xi32, #tpu.memory_space<vmem>>)
      %dma_start3A_305 = arith.constant 0 : i32
      %dma_start3A_306 = arith.constant 0 : i32
      %dma_start3A_307 = tpu.memref_slice %arg2[%dma_start3A_305, %dma_start3A_306] : memref<10000x128xf32, #tpu.memory_space<hbm>> -> memref<10000x128xf32, #tpu.memory_space<hbm>>
      tpu.enqueue_indirect_dma source(%dma_start3A_307 : memref<10000x128xf32, #tpu.memory_space<hbm>>) target(%arg7 : memref<80x128xf32, #tpu.memory_space<vmem>>) offsets(%arg12 : memref<80xi32, #tpu.memory_space<vmem>>) semaphore(%arg10 : memref<!tpu.dma_semaphore, #tpu.memory_space<semaphore_mem>>)
      %mul3A_308 = arith.constant 12 : i32
      %mul3A_309 = arith.muli %scan3A_238, %mul3A_308 : i32
      %add3A_310 = arith.constant 2 : i32
      %add3A_311 = arith.addi %mul3A_309, %add3A_310 : i32
      %mul3A_312 = arith.constant 80 : i32
      %mul3A_313 = arith.muli %add3A_311, %mul3A_312 : i32
      %add3A_314 = arith.addi %mul3A_61, %mul3A_313 : i32
      %multiple_of3A_315 = tpu.assume_multiple %add3A_314, 8 : i32
      %dma_wait3A_316 = arith.constant 0 : i32
      %dma_wait3A_317 = arith.constant 0 : i32
      %dma_wait3A_318 = tpu.memref_slice %arg2[%dma_wait3A_316, %dma_wait3A_317] : memref<10000x128xf32, #tpu.memory_space<hbm>> -> memref<10000x128xf32, #tpu.memory_space<hbm>>
      tpu.wait_indirect_dma semaphore(%arg11 : memref<!tpu.dma_semaphore, #tpu.memory_space<semaphore_mem>>) src(%dma_wait3A_318 : memref<10000x128xf32, #tpu.memory_space<hbm>>) dst(%arg8 : memref<80x128xf32, #tpu.memory_space<vmem>>)
      %dma_wait3A_319 = tpu.memref_slice %arg4[%multiple_of3A_315] : memref<320000xi32, #tpu.memory_space<hbm>> -> memref<80xi32, #tpu.memory_space<hbm>>
      %dma_wait3A_320 = tpu.memref_slice %arg4[%multiple_of3A_315] : memref<320000xi32, #tpu.memory_space<hbm>> -> memref<80xi32, #tpu.memory_space<hbm>>
      tpu.wait_dma2 semaphore(%arg26 : memref<!tpu.dma_semaphore, #tpu.memory_space<semaphore_mem>>) src(%dma_wait3A_320 : memref<80xi32, #tpu.memory_space<hbm>>) dst(%arg22 : memref<80xi32, #tpu.memory_space<vmem>>)
      "tpu.region"() ({
        %run_scoped3A = tpu.sem_alloc : memref<!tpu.dma_semaphore, #tpu.memory_space<semaphore_mem>>
        %dma_start3A_649 = arith.constant 0 : i32
        %dma_start3A_650 = arith.constant 0 : i32
        %dma_start3A_651 = tpu.memref_slice %arg28[%dma_start3A_649, %dma_start3A_650] : memref<10000x128xf32, #tpu.memory_space<vmem_shared>> -> memref<10000x128xf32, #tpu.memory_space<vmem_shared>>
        tpu.enqueue_indirect_dma source(%arg8 : memref<80x128xf32, #tpu.memory_space<vmem>>) target(%dma_start3A_651 : memref<10000x128xf32, #tpu.memory_space<vmem_shared>>) offsets(%arg22 : memref<80xi32, #tpu.memory_space<vmem>>) semaphore(%run_scoped3A : memref<!tpu.dma_semaphore, #tpu.memory_space<semaphore_mem>>) {add = true}
        %dma_wait3A_652 = arith.constant 0 : i32
        %dma_wait3A_653 = arith.constant 0 : i32
        %dma_wait3A_654 = tpu.memref_slice %arg28[%dma_wait3A_652, %dma_wait3A_653] : memref<10000x128xf32, #tpu.memory_space<vmem_shared>> -> memref<10000x128xf32, #tpu.memory_space<vmem_shared>>
        tpu.wait_indirect_dma semaphore(%run_scoped3A : memref<!tpu.dma_semaphore, #tpu.memory_space<semaphore_mem>>) src(%arg8 : memref<80x128xf32, #tpu.memory_space<vmem>>) dst(%dma_wait3A_654 : memref<10000x128xf32, #tpu.memory_space<vmem_shared>>)
        tpu.yield
      }) : () -> ()
      %add3A_321 = arith.constant 4 : i32
      %add3A_322 = arith.addi %add3A_311, %add3A_321 : i32
      %mul3A_323 = arith.constant 80 : i32
      %mul3A_324 = arith.muli %add3A_322, %mul3A_323 : i32
      %add3A_325 = arith.addi %mul3A_61, %mul3A_324 : i32
      %multiple_of3A_326 = tpu.assume_multiple %add3A_325, 8 : i32
      %dma_start3A_327 = tpu.memref_slice %arg3[%multiple_of3A_326] : memref<320000xi32, #tpu.memory_space<hbm>> -> memref<80xi32, #tpu.memory_space<hbm>>
      %dma_start3A_328 = tpu.memref_slice %arg3[%multiple_of3A_326] : memref<320000xi32, #tpu.memory_space<hbm>> -> memref<80xi32, #tpu.memory_space<hbm>>
      tpu.enqueue_dma source(%dma_start3A_328 : memref<80xi32, #tpu.memory_space<hbm>>) target(%arg14 : memref<80xi32, #tpu.memory_space<vmem>>) target_semaphore(%arg18 : memref<!tpu.dma_semaphore, #tpu.memory_space<semaphore_mem>>)
      %dma_start3A_329 = tpu.memref_slice %arg4[%multiple_of3A_326] : memref<320000xi32, #tpu.memory_space<hbm>> -> memref<80xi32, #tpu.memory_space<hbm>>
      %dma_start3A_330 = tpu.memref_slice %arg4[%multiple_of3A_326] : memref<320000xi32, #tpu.memory_space<hbm>> -> memref<80xi32, #tpu.memory_space<hbm>>
      tpu.enqueue_dma source(%dma_start3A_330 : memref<80xi32, #tpu.memory_space<hbm>>) target(%arg22 : memref<80xi32, #tpu.memory_space<vmem>>) target_semaphore(%arg26 : memref<!tpu.dma_semaphore, #tpu.memory_space<semaphore_mem>>)
      %add3A_331 = arith.constant 3 : i32
      %add3A_332 = arith.addi %add3A_311, %add3A_331 : i32
      %mul3A_333 = arith.constant 80 : i32
      %mul3A_334 = arith.muli %add3A_332, %mul3A_333 : i32
      %add3A_335 = arith.addi %mul3A_61, %mul3A_334 : i32
      %multiple_of3A_336 = tpu.assume_multiple %add3A_335, 8 : i32
      %dma_wait3A_337 = tpu.memref_slice %arg3[%multiple_of3A_336] : memref<320000xi32, #tpu.memory_space<hbm>> -> memref<80xi32, #tpu.memory_space<hbm>>
      %dma_wait3A_338 = tpu.memref_slice %arg3[%multiple_of3A_336] : memref<320000xi32, #tpu.memory_space<hbm>> -> memref<80xi32, #tpu.memory_space<hbm>>
      tpu.wait_dma2 semaphore(%arg17 : memref<!tpu.dma_semaphore, #tpu.memory_space<semaphore_mem>>) src(%dma_wait3A_338 : memref<80xi32, #tpu.memory_space<hbm>>) dst(%arg13 : memref<80xi32, #tpu.memory_space<vmem>>)
      %dma_start3A_339 = arith.constant 0 : i32
      %dma_start3A_340 = arith.constant 0 : i32
      %dma_start3A_341 = tpu.memref_slice %arg2[%dma_start3A_339, %dma_start3A_340] : memref<10000x128xf32, #tpu.memory_space<hbm>> -> memref<10000x128xf32, #tpu.memory_space<hbm>>
      tpu.enqueue_indirect_dma source(%dma_start3A_341 : memref<10000x128xf32, #tpu.memory_space<hbm>>) target(%arg8 : memref<80x128xf32, #tpu.memory_space<vmem>>) offsets(%arg13 : memref<80xi32, #tpu.memory_space<vmem>>) semaphore(%arg11 : memref<!tpu.dma_semaphore, #tpu.memory_space<semaphore_mem>>)
      %mul3A_342 = arith.constant 12 : i32
      %mul3A_343 = arith.muli %scan3A_238, %mul3A_342 : i32
      %add3A_344 = arith.constant 3 : i32
      %add3A_345 = arith.addi %mul3A_343, %add3A_344 : i32
      %mul3A_346 = arith.constant 80 : i32
      %mul3A_347 = arith.muli %add3A_345, %mul3A_346 : i32
      %add3A_348 = arith.addi %mul3A_61, %mul3A_347 : i32
      %multiple_of3A_349 = tpu.assume_multiple %add3A_348, 8 : i32
      %dma_wait3A_350 = arith.constant 0 : i32
      %dma_wait3A_351 = arith.constant 0 : i32
      %dma_wait3A_352 = tpu.memref_slice %arg2[%dma_wait3A_350, %dma_wait3A_351] : memref<10000x128xf32, #tpu.memory_space<hbm>> -> memref<10000x128xf32, #tpu.memory_space<hbm>>
      tpu.wait_indirect_dma semaphore(%arg9 : memref<!tpu.dma_semaphore, #tpu.memory_space<semaphore_mem>>) src(%dma_wait3A_352 : memref<10000x128xf32, #tpu.memory_space<hbm>>) dst(%arg6 : memref<80x128xf32, #tpu.memory_space<vmem>>)
      %dma_wait3A_353 = tpu.memref_slice %arg4[%multiple_of3A_349] : memref<320000xi32, #tpu.memory_space<hbm>> -> memref<80xi32, #tpu.memory_space<hbm>>
      %dma_wait3A_354 = tpu.memref_slice %arg4[%multiple_of3A_349] : memref<320000xi32, #tpu.memory_space<hbm>> -> memref<80xi32, #tpu.memory_space<hbm>>
      tpu.wait_dma2 semaphore(%arg27 : memref<!tpu.dma_semaphore, #tpu.memory_space<semaphore_mem>>) src(%dma_wait3A_354 : memref<80xi32, #tpu.memory_space<hbm>>) dst(%arg23 : memref<80xi32, #tpu.memory_space<vmem>>)
      "tpu.region"() ({
        %run_scoped3A = tpu.sem_alloc : memref<!tpu.dma_semaphore, #tpu.memory_space<semaphore_mem>>
        %dma_start3A_649 = arith.constant 0 : i32
        %dma_start3A_650 = arith.constant 0 : i32
        %dma_start3A_651 = tpu.memref_slice %arg28[%dma_start3A_649, %dma_start3A_650] : memref<10000x128xf32, #tpu.memory_space<vmem_shared>> -> memref<10000x128xf32, #tpu.memory_space<vmem_shared>>
        tpu.enqueue_indirect_dma source(%arg6 : memref<80x128xf32, #tpu.memory_space<vmem>>) target(%dma_start3A_651 : memref<10000x128xf32, #tpu.memory_space<vmem_shared>>) offsets(%arg23 : memref<80xi32, #tpu.memory_space<vmem>>) semaphore(%run_scoped3A : memref<!tpu.dma_semaphore, #tpu.memory_space<semaphore_mem>>) {add = true}
        %dma_wait3A_652 = arith.constant 0 : i32
        %dma_wait3A_653 = arith.constant 0 : i32
        %dma_wait3A_654 = tpu.memref_slice %arg28[%dma_wait3A_652, %dma_wait3A_653] : memref<10000x128xf32, #tpu.memory_space<vmem_shared>> -> memref<10000x128xf32, #tpu.memory_space<vmem_shared>>
        tpu.wait_indirect_dma semaphore(%run_scoped3A : memref<!tpu.dma_semaphore, #tpu.memory_space<semaphore_mem>>) src(%arg6 : memref<80x128xf32, #tpu.memory_space<vmem>>) dst(%dma_wait3A_654 : memref<10000x128xf32, #tpu.memory_space<vmem_shared>>)
        tpu.yield
      }) : () -> ()
      %add3A_355 = arith.constant 4 : i32
      %add3A_356 = arith.addi %add3A_345, %add3A_355 : i32
      %mul3A_357 = arith.constant 80 : i32
      %mul3A_358 = arith.muli %add3A_356, %mul3A_357 : i32
      %add3A_359 = arith.addi %mul3A_61, %mul3A_358 : i32
      %multiple_of3A_360 = tpu.assume_multiple %add3A_359, 8 : i32
      %dma_start3A_361 = tpu.memref_slice %arg3[%multiple_of3A_360] : memref<320000xi32, #tpu.memory_space<hbm>> -> memref<80xi32, #tpu.memory_space<hbm>>
      %dma_start3A_362 = tpu.memref_slice %arg3[%multiple_of3A_360] : memref<320000xi32, #tpu.memory_space<hbm>> -> memref<80xi32, #tpu.memory_space<hbm>>
      tpu.enqueue_dma source(%dma_start3A_362 : memref<80xi32, #tpu.memory_space<hbm>>) target(%arg15 : memref<80xi32, #tpu.memory_space<vmem>>) target_semaphore(%arg19 : memref<!tpu.dma_semaphore, #tpu.memory_space<semaphore_mem>>)
      %dma_start3A_363 = tpu.memref_slice %arg4[%multiple_of3A_360] : memref<320000xi32, #tpu.memory_space<hbm>> -> memref<80xi32, #tpu.memory_space<hbm>>
      %dma_start3A_364 = tpu.memref_slice %arg4[%multiple_of3A_360] : memref<320000xi32, #tpu.memory_space<hbm>> -> memref<80xi32, #tpu.memory_space<hbm>>
      tpu.enqueue_dma source(%dma_start3A_364 : memref<80xi32, #tpu.memory_space<hbm>>) target(%arg23 : memref<80xi32, #tpu.memory_space<vmem>>) target_semaphore(%arg27 : memref<!tpu.dma_semaphore, #tpu.memory_space<semaphore_mem>>)
      %add3A_365 = arith.constant 3 : i32
      %add3A_366 = arith.addi %add3A_345, %add3A_365 : i32
      %mul3A_367 = arith.constant 80 : i32
      %mul3A_368 = arith.muli %add3A_366, %mul3A_367 : i32
      %add3A_369 = arith.addi %mul3A_61, %mul3A_368 : i32
      %multiple_of3A_370 = tpu.assume_multiple %add3A_369, 8 : i32
      %dma_wait3A_371 = tpu.memref_slice %arg3[%multiple_of3A_370] : memref<320000xi32, #tpu.memory_space<hbm>> -> memref<80xi32, #tpu.memory_space<hbm>>
      %dma_wait3A_372 = tpu.memref_slice %arg3[%multiple_of3A_370] : memref<320000xi32, #tpu.memory_space<hbm>> -> memref<80xi32, #tpu.memory_space<hbm>>
      tpu.wait_dma2 semaphore(%arg18 : memref<!tpu.dma_semaphore, #tpu.memory_space<semaphore_mem>>) src(%dma_wait3A_372 : memref<80xi32, #tpu.memory_space<hbm>>) dst(%arg14 : memref<80xi32, #tpu.memory_space<vmem>>)
      %dma_start3A_373 = arith.constant 0 : i32
      %dma_start3A_374 = arith.constant 0 : i32
      %dma_start3A_375 = tpu.memref_slice %arg2[%dma_start3A_373, %dma_start3A_374] : memref<10000x128xf32, #tpu.memory_space<hbm>> -> memref<10000x128xf32, #tpu.memory_space<hbm>>
      tpu.enqueue_indirect_dma source(%dma_start3A_375 : memref<10000x128xf32, #tpu.memory_space<hbm>>) target(%arg6 : memref<80x128xf32, #tpu.memory_space<vmem>>) offsets(%arg14 : memref<80xi32, #tpu.memory_space<vmem>>) semaphore(%arg9 : memref<!tpu.dma_semaphore, #tpu.memory_space<semaphore_mem>>)
      %mul3A_376 = arith.constant 12 : i32
      %mul3A_377 = arith.muli %scan3A_238, %mul3A_376 : i32
      %add3A_378 = arith.constant 4 : i32
      %add3A_379 = arith.addi %mul3A_377, %add3A_378 : i32
      %mul3A_380 = arith.constant 80 : i32
      %mul3A_381 = arith.muli %add3A_379, %mul3A_380 : i32
      %add3A_382 = arith.addi %mul3A_61, %mul3A_381 : i32
      %multiple_of3A_383 = tpu.assume_multiple %add3A_382, 8 : i32
      %dma_wait3A_384 = arith.constant 0 : i32
      %dma_wait3A_385 = arith.constant 0 : i32
      %dma_wait3A_386 = tpu.memref_slice %arg2[%dma_wait3A_384, %dma_wait3A_385] : memref<10000x128xf32, #tpu.memory_space<hbm>> -> memref<10000x128xf32, #tpu.memory_space<hbm>>
      tpu.wait_indirect_dma semaphore(%arg10 : memref<!tpu.dma_semaphore, #tpu.memory_space<semaphore_mem>>) src(%dma_wait3A_386 : memref<10000x128xf32, #tpu.memory_space<hbm>>) dst(%arg7 : memref<80x128xf32, #tpu.memory_space<vmem>>)
      %dma_wait3A_387 = tpu.memref_slice %arg4[%multiple_of3A_383] : memref<320000xi32, #tpu.memory_space<hbm>> -> memref<80xi32, #tpu.memory_space<hbm>>
      %dma_wait3A_388 = tpu.memref_slice %arg4[%multiple_of3A_383] : memref<320000xi32, #tpu.memory_space<hbm>> -> memref<80xi32, #tpu.memory_space<hbm>>
      tpu.wait_dma2 semaphore(%arg24 : memref<!tpu.dma_semaphore, #tpu.memory_space<semaphore_mem>>) src(%dma_wait3A_388 : memref<80xi32, #tpu.memory_space<hbm>>) dst(%arg20 : memref<80xi32, #tpu.memory_space<vmem>>)
      "tpu.region"() ({
        %run_scoped3A = tpu.sem_alloc : memref<!tpu.dma_semaphore, #tpu.memory_space<semaphore_mem>>
        %dma_start3A_649 = arith.constant 0 : i32
        %dma_start3A_650 = arith.constant 0 : i32
        %dma_start3A_651 = tpu.memref_slice %arg28[%dma_start3A_649, %dma_start3A_650] : memref<10000x128xf32, #tpu.memory_space<vmem_shared>> -> memref<10000x128xf32, #tpu.memory_space<vmem_shared>>
        tpu.enqueue_indirect_dma source(%arg7 : memref<80x128xf32, #tpu.memory_space<vmem>>) target(%dma_start3A_651 : memref<10000x128xf32, #tpu.memory_space<vmem_shared>>) offsets(%arg20 : memref<80xi32, #tpu.memory_space<vmem>>) semaphore(%run_scoped3A : memref<!tpu.dma_semaphore, #tpu.memory_space<semaphore_mem>>) {add = true}
        %dma_wait3A_652 = arith.constant 0 : i32
        %dma_wait3A_653 = arith.constant 0 : i32
        %dma_wait3A_654 = tpu.memref_slice %arg28[%dma_wait3A_652, %dma_wait3A_653] : memref<10000x128xf32, #tpu.memory_space<vmem_shared>> -> memref<10000x128xf32, #tpu.memory_space<vmem_shared>>
        tpu.wait_indirect_dma semaphore(%run_scoped3A : memref<!tpu.dma_semaphore, #tpu.memory_space<semaphore_mem>>) src(%arg7 : memref<80x128xf32, #tpu.memory_space<vmem>>) dst(%dma_wait3A_654 : memref<10000x128xf32, #tpu.memory_space<vmem_shared>>)
        tpu.yield
      }) : () -> ()
      %add3A_389 = arith.constant 4 : i32
      %add3A_390 = arith.addi %add3A_379, %add3A_389 : i32
      %mul3A_391 = arith.constant 80 : i32
      %mul3A_392 = arith.muli %add3A_390, %mul3A_391 : i32
      %add3A_393 = arith.addi %mul3A_61, %mul3A_392 : i32
      %multiple_of3A_394 = tpu.assume_multiple %add3A_393, 8 : i32
      %dma_start3A_395 = tpu.memref_slice %arg3[%multiple_of3A_394] : memref<320000xi32, #tpu.memory_space<hbm>> -> memref<80xi32, #tpu.memory_space<hbm>>
      %dma_start3A_396 = tpu.memref_slice %arg3[%multiple_of3A_394] : memref<320000xi32, #tpu.memory_space<hbm>> -> memref<80xi32, #tpu.memory_space<hbm>>
      tpu.enqueue_dma source(%dma_start3A_396 : memref<80xi32, #tpu.memory_space<hbm>>) target(%arg12 : memref<80xi32, #tpu.memory_space<vmem>>) target_semaphore(%arg16 : memref<!tpu.dma_semaphore, #tpu.memory_space<semaphore_mem>>)
      %dma_start3A_397 = tpu.memref_slice %arg4[%multiple_of3A_394] : memref<320000xi32, #tpu.memory_space<hbm>> -> memref<80xi32, #tpu.memory_space<hbm>>
      %dma_start3A_398 = tpu.memref_slice %arg4[%multiple_of3A_394] : memref<320000xi32, #tpu.memory_space<hbm>> -> memref<80xi32, #tpu.memory_space<hbm>>
      tpu.enqueue_dma source(%dma_start3A_398 : memref<80xi32, #tpu.memory_space<hbm>>) target(%arg20 : memref<80xi32, #tpu.memory_space<vmem>>) target_semaphore(%arg24 : memref<!tpu.dma_semaphore, #tpu.memory_space<semaphore_mem>>)
      %add3A_399 = arith.constant 3 : i32
      %add3A_400 = arith.addi %add3A_379, %add3A_399 : i32
      %mul3A_401 = arith.constant 80 : i32
      %mul3A_402 = arith.muli %add3A_400, %mul3A_401 : i32
      %add3A_403 = arith.addi %mul3A_61, %mul3A_402 : i32
      %multiple_of3A_404 = tpu.assume_multiple %add3A_403, 8 : i32
      %dma_wait3A_405 = tpu.memref_slice %arg3[%multiple_of3A_404] : memref<320000xi32, #tpu.memory_space<hbm>> -> memref<80xi32, #tpu.memory_space<hbm>>
      %dma_wait3A_406 = tpu.memref_slice %arg3[%multiple_of3A_404] : memref<320000xi32, #tpu.memory_space<hbm>> -> memref<80xi32, #tpu.memory_space<hbm>>
      tpu.wait_dma2 semaphore(%arg19 : memref<!tpu.dma_semaphore, #tpu.memory_space<semaphore_mem>>) src(%dma_wait3A_406 : memref<80xi32, #tpu.memory_space<hbm>>) dst(%arg15 : memref<80xi32, #tpu.memory_space<vmem>>)
      %dma_start3A_407 = arith.constant 0 : i32
      %dma_start3A_408 = arith.constant 0 : i32
      %dma_start3A_409 = tpu.memref_slice %arg2[%dma_start3A_407, %dma_start3A_408] : memref<10000x128xf32, #tpu.memory_space<hbm>> -> memref<10000x128xf32, #tpu.memory_space<hbm>>
      tpu.enqueue_indirect_dma source(%dma_start3A_409 : memref<10000x128xf32, #tpu.memory_space<hbm>>) target(%arg7 : memref<80x128xf32, #tpu.memory_space<vmem>>) offsets(%arg15 : memref<80xi32, #tpu.memory_space<vmem>>) semaphore(%arg10 : memref<!tpu.dma_semaphore, #tpu.memory_space<semaphore_mem>>)
      %mul3A_410 = arith.constant 12 : i32
      %mul3A_411 = arith.muli %scan3A_238, %mul3A_410 : i32
      %add3A_412 = arith.constant 5 : i32
      %add3A_413 = arith.addi %mul3A_411, %add3A_412 : i32
      %mul3A_414 = arith.constant 80 : i32
      %mul3A_415 = arith.muli %add3A_413, %mul3A_414 : i32
      %add3A_416 = arith.addi %mul3A_61, %mul3A_415 : i32
      %multiple_of3A_417 = tpu.assume_multiple %add3A_416, 8 : i32
      %dma_wait3A_418 = arith.constant 0 : i32
      %dma_wait3A_419 = arith.constant 0 : i32
      %dma_wait3A_420 = tpu.memref_slice %arg2[%dma_wait3A_418, %dma_wait3A_419] : memref<10000x128xf32, #tpu.memory_space<hbm>> -> memref<10000x128xf32, #tpu.memory_space<hbm>>
      tpu.wait_indirect_dma semaphore(%arg11 : memref<!tpu.dma_semaphore, #tpu.memory_space<semaphore_mem>>) src(%dma_wait3A_420 : memref<10000x128xf32, #tpu.memory_space<hbm>>) dst(%arg8 : memref<80x128xf32, #tpu.memory_space<vmem>>)
      %dma_wait3A_421 = tpu.memref_slice %arg4[%multiple_of3A_417] : memref<320000xi32, #tpu.memory_space<hbm>> -> memref<80xi32, #tpu.memory_space<hbm>>
      %dma_wait3A_422 = tpu.memref_slice %arg4[%multiple_of3A_417] : memref<320000xi32, #tpu.memory_space<hbm>> -> memref<80xi32, #tpu.memory_space<hbm>>
      tpu.wait_dma2 semaphore(%arg25 : memref<!tpu.dma_semaphore, #tpu.memory_space<semaphore_mem>>) src(%dma_wait3A_422 : memref<80xi32, #tpu.memory_space<hbm>>) dst(%arg21 : memref<80xi32, #tpu.memory_space<vmem>>)
      "tpu.region"() ({
        %run_scoped3A = tpu.sem_alloc : memref<!tpu.dma_semaphore, #tpu.memory_space<semaphore_mem>>
        %dma_start3A_649 = arith.constant 0 : i32
        %dma_start3A_650 = arith.constant 0 : i32
        %dma_start3A_651 = tpu.memref_slice %arg28[%dma_start3A_649, %dma_start3A_650] : memref<10000x128xf32, #tpu.memory_space<vmem_shared>> -> memref<10000x128xf32, #tpu.memory_space<vmem_shared>>
        tpu.enqueue_indirect_dma source(%arg8 : memref<80x128xf32, #tpu.memory_space<vmem>>) target(%dma_start3A_651 : memref<10000x128xf32, #tpu.memory_space<vmem_shared>>) offsets(%arg21 : memref<80xi32, #tpu.memory_space<vmem>>) semaphore(%run_scoped3A : memref<!tpu.dma_semaphore, #tpu.memory_space<semaphore_mem>>) {add = true}
        %dma_wait3A_652 = arith.constant 0 : i32
        %dma_wait3A_653 = arith.constant 0 : i32
        %dma_wait3A_654 = tpu.memref_slice %arg28[%dma_wait3A_652, %dma_wait3A_653] : memref<10000x128xf32, #tpu.memory_space<vmem_shared>> -> memref<10000x128xf32, #tpu.memory_space<vmem_shared>>
        tpu.wait_indirect_dma semaphore(%run_scoped3A : memref<!tpu.dma_semaphore, #tpu.memory_space<semaphore_mem>>) src(%arg8 : memref<80x128xf32, #tpu.memory_space<vmem>>) dst(%dma_wait3A_654 : memref<10000x128xf32, #tpu.memory_space<vmem_shared>>)
        tpu.yield
      }) : () -> ()
      %add3A_423 = arith.constant 4 : i32
      %add3A_424 = arith.addi %add3A_413, %add3A_423 : i32
      %mul3A_425 = arith.constant 80 : i32
      %mul3A_426 = arith.muli %add3A_424, %mul3A_425 : i32
      %add3A_427 = arith.addi %mul3A_61, %mul3A_426 : i32
      %multiple_of3A_428 = tpu.assume_multiple %add3A_427, 8 : i32
      %dma_start3A_429 = tpu.memref_slice %arg3[%multiple_of3A_428] : memref<320000xi32, #tpu.memory_space<hbm>> -> memref<80xi32, #tpu.memory_space<hbm>>
      %dma_start3A_430 = tpu.memref_slice %arg3[%multiple_of3A_428] : memref<320000xi32, #tpu.memory_space<hbm>> -> memref<80xi32, #tpu.memory_space<hbm>>
      tpu.enqueue_dma source(%dma_start3A_430 : memref<80xi32, #tpu.memory_space<hbm>>) target(%arg13 : memref<80xi32, #tpu.memory_space<vmem>>) target_semaphore(%arg17 : memref<!tpu.dma_semaphore, #tpu.memory_space<semaphore_mem>>)
      %dma_start3A_431 = tpu.memref_slice %arg4[%multiple_of3A_428] : memref<320000xi32, #tpu.memory_space<hbm>> -> memref<80xi32, #tpu.memory_space<hbm>>
      %dma_start3A_432 = tpu.memref_slice %arg4[%multiple_of3A_428] : memref<320000xi32, #tpu.memory_space<hbm>> -> memref<80xi32, #tpu.memory_space<hbm>>
      tpu.enqueue_dma source(%dma_start3A_432 : memref<80xi32, #tpu.memory_space<hbm>>) target(%arg21 : memref<80xi32, #tpu.memory_space<vmem>>) target_semaphore(%arg25 : memref<!tpu.dma_semaphore, #tpu.memory_space<semaphore_mem>>)
      %add3A_433 = arith.constant 3 : i32
      %add3A_434 = arith.addi %add3A_413, %add3A_433 : i32
      %mul3A_435 = arith.constant 80 : i32
      %mul3A_436 = arith.muli %add3A_434, %mul3A_435 : i32
      %add3A_437 = arith.addi %mul3A_61, %mul3A_436 : i32
      %multiple_of3A_438 = tpu.assume_multiple %add3A_437, 8 : i32
      %dma_wait3A_439 = tpu.memref_slice %arg3[%multiple_of3A_438] : memref<320000xi32, #tpu.memory_space<hbm>> -> memref<80xi32, #tpu.memory_space<hbm>>
      %dma_wait3A_440 = tpu.memref_slice %arg3[%multiple_of3A_438] : memref<320000xi32, #tpu.memory_space<hbm>> -> memref<80xi32, #tpu.memory_space<hbm>>
      tpu.wait_dma2 semaphore(%arg16 : memref<!tpu.dma_semaphore, #tpu.memory_space<semaphore_mem>>) src(%dma_wait3A_440 : memref<80xi32, #tpu.memory_space<hbm>>) dst(%arg12 : memref<80xi32, #tpu.memory_space<vmem>>)
      %dma_start3A_441 = arith.constant 0 : i32
      %dma_start3A_442 = arith.constant 0 : i32
      %dma_start3A_443 = tpu.memref_slice %arg2[%dma_start3A_441, %dma_start3A_442] : memref<10000x128xf32, #tpu.memory_space<hbm>> -> memref<10000x128xf32, #tpu.memory_space<hbm>>
      tpu.enqueue_indirect_dma source(%dma_start3A_443 : memref<10000x128xf32, #tpu.memory_space<hbm>>) target(%arg8 : memref<80x128xf32, #tpu.memory_space<vmem>>) offsets(%arg12 : memref<80xi32, #tpu.memory_space<vmem>>) semaphore(%arg11 : memref<!tpu.dma_semaphore, #tpu.memory_space<semaphore_mem>>)
      %mul3A_444 = arith.constant 12 : i32
      %mul3A_445 = arith.muli %scan3A_238, %mul3A_444 : i32
      %add3A_446 = arith.constant 6 : i32
      %add3A_447 = arith.addi %mul3A_445, %add3A_446 : i32
      %mul3A_448 = arith.constant 80 : i32
      %mul3A_449 = arith.muli %add3A_447, %mul3A_448 : i32
      %add3A_450 = arith.addi %mul3A_61, %mul3A_449 : i32
      %multiple_of3A_451 = tpu.assume_multiple %add3A_450, 8 : i32
      %dma_wait3A_452 = arith.constant 0 : i32
      %dma_wait3A_453 = arith.constant 0 : i32
      %dma_wait3A_454 = tpu.memref_slice %arg2[%dma_wait3A_452, %dma_wait3A_453] : memref<10000x128xf32, #tpu.memory_space<hbm>> -> memref<10000x128xf32, #tpu.memory_space<hbm>>
      tpu.wait_indirect_dma semaphore(%arg9 : memref<!tpu.dma_semaphore, #tpu.memory_space<semaphore_mem>>) src(%dma_wait3A_454 : memref<10000x128xf32, #tpu.memory_space<hbm>>) dst(%arg6 : memref<80x128xf32, #tpu.memory_space<vmem>>)
      %dma_wait3A_455 = tpu.memref_slice %arg4[%multiple_of3A_451] : memref<320000xi32, #tpu.memory_space<hbm>> -> memref<80xi32, #tpu.memory_space<hbm>>
      %dma_wait3A_456 = tpu.memref_slice %arg4[%multiple_of3A_451] : memref<320000xi32, #tpu.memory_space<hbm>> -> memref<80xi32, #tpu.memory_space<hbm>>
      tpu.wait_dma2 semaphore(%arg26 : memref<!tpu.dma_semaphore, #tpu.memory_space<semaphore_mem>>) src(%dma_wait3A_456 : memref<80xi32, #tpu.memory_space<hbm>>) dst(%arg22 : memref<80xi32, #tpu.memory_space<vmem>>)
      "tpu.region"() ({
        %run_scoped3A = tpu.sem_alloc : memref<!tpu.dma_semaphore, #tpu.memory_space<semaphore_mem>>
        %dma_start3A_649 = arith.constant 0 : i32
        %dma_start3A_650 = arith.constant 0 : i32
        %dma_start3A_651 = tpu.memref_slice %arg28[%dma_start3A_649, %dma_start3A_650] : memref<10000x128xf32, #tpu.memory_space<vmem_shared>> -> memref<10000x128xf32, #tpu.memory_space<vmem_shared>>
        tpu.enqueue_indirect_dma source(%arg6 : memref<80x128xf32, #tpu.memory_space<vmem>>) target(%dma_start3A_651 : memref<10000x128xf32, #tpu.memory_space<vmem_shared>>) offsets(%arg22 : memref<80xi32, #tpu.memory_space<vmem>>) semaphore(%run_scoped3A : memref<!tpu.dma_semaphore, #tpu.memory_space<semaphore_mem>>) {add = true}
        %dma_wait3A_652 = arith.constant 0 : i32
        %dma_wait3A_653 = arith.constant 0 : i32
        %dma_wait3A_654 = tpu.memref_slice %arg28[%dma_wait3A_652, %dma_wait3A_653] : memref<10000x128xf32, #tpu.memory_space<vmem_shared>> -> memref<10000x128xf32, #tpu.memory_space<vmem_shared>>
        tpu.wait_indirect_dma semaphore(%run_scoped3A : memref<!tpu.dma_semaphore, #tpu.memory_space<semaphore_mem>>) src(%arg6 : memref<80x128xf32, #tpu.memory_space<vmem>>) dst(%dma_wait3A_654 : memref<10000x128xf32, #tpu.memory_space<vmem_shared>>)
        tpu.yield
      }) : () -> ()
      %add3A_457 = arith.constant 4 : i32
      %add3A_458 = arith.addi %add3A_447, %add3A_457 : i32
      %mul3A_459 = arith.constant 80 : i32
      %mul3A_460 = arith.muli %add3A_458, %mul3A_459 : i32
      %add3A_461 = arith.addi %mul3A_61, %mul3A_460 : i32
      %multiple_of3A_462 = tpu.assume_multiple %add3A_461, 8 : i32
      %dma_start3A_463 = tpu.memref_slice %arg3[%multiple_of3A_462] : memref<320000xi32, #tpu.memory_space<hbm>> -> memref<80xi32, #tpu.memory_space<hbm>>
      %dma_start3A_464 = tpu.memref_slice %arg3[%multiple_of3A_462] : memref<320000xi32, #tpu.memory_space<hbm>> -> memref<80xi32, #tpu.memory_space<hbm>>
      tpu.enqueue_dma source(%dma_start3A_464 : memref<80xi32, #tpu.memory_space<hbm>>) target(%arg14 : memref<80xi32, #tpu.memory_space<vmem>>) target_semaphore(%arg18 : memref<!tpu.dma_semaphore, #tpu.memory_space<semaphore_mem>>)
      %dma_start3A_465 = tpu.memref_slice %arg4[%multiple_of3A_462] : memref<320000xi32, #tpu.memory_space<hbm>> -> memref<80xi32, #tpu.memory_space<hbm>>
      %dma_start3A_466 = tpu.memref_slice %arg4[%multiple_of3A_462] : memref<320000xi32, #tpu.memory_space<hbm>> -> memref<80xi32, #tpu.memory_space<hbm>>
      tpu.enqueue_dma source(%dma_start3A_466 : memref<80xi32, #tpu.memory_space<hbm>>) target(%arg22 : memref<80xi32, #tpu.memory_space<vmem>>) target_semaphore(%arg26 : memref<!tpu.dma_semaphore, #tpu.memory_space<semaphore_mem>>)
      %add3A_467 = arith.constant 3 : i32
      %add3A_468 = arith.addi %add3A_447, %add3A_467 : i32
      %mul3A_469 = arith.constant 80 : i32
      %mul3A_470 = arith.muli %add3A_468, %mul3A_469 : i32
      %add3A_471 = arith.addi %mul3A_61, %mul3A_470 : i32
      %multiple_of3A_472 = tpu.assume_multiple %add3A_471, 8 : i32
      %dma_wait3A_473 = tpu.memref_slice %arg3[%multiple_of3A_472] : memref<320000xi32, #tpu.memory_space<hbm>> -> memref<80xi32, #tpu.memory_space<hbm>>
      %dma_wait3A_474 = tpu.memref_slice %arg3[%multiple_of3A_472] : memref<320000xi32, #tpu.memory_space<hbm>> -> memref<80xi32, #tpu.memory_space<hbm>>
      tpu.wait_dma2 semaphore(%arg17 : memref<!tpu.dma_semaphore, #tpu.memory_space<semaphore_mem>>) src(%dma_wait3A_474 : memref<80xi32, #tpu.memory_space<hbm>>) dst(%arg13 : memref<80xi32, #tpu.memory_space<vmem>>)
      %dma_start3A_475 = arith.constant 0 : i32
      %dma_start3A_476 = arith.constant 0 : i32
      %dma_start3A_477 = tpu.memref_slice %arg2[%dma_start3A_475, %dma_start3A_476] : memref<10000x128xf32, #tpu.memory_space<hbm>> -> memref<10000x128xf32, #tpu.memory_space<hbm>>
      tpu.enqueue_indirect_dma source(%dma_start3A_477 : memref<10000x128xf32, #tpu.memory_space<hbm>>) target(%arg6 : memref<80x128xf32, #tpu.memory_space<vmem>>) offsets(%arg13 : memref<80xi32, #tpu.memory_space<vmem>>) semaphore(%arg9 : memref<!tpu.dma_semaphore, #tpu.memory_space<semaphore_mem>>)
      %mul3A_478 = arith.constant 12 : i32
      %mul3A_479 = arith.muli %scan3A_238, %mul3A_478 : i32
      %add3A_480 = arith.constant 7 : i32
      %add3A_481 = arith.addi %mul3A_479, %add3A_480 : i32
      %mul3A_482 = arith.constant 80 : i32
      %mul3A_483 = arith.muli %add3A_481, %mul3A_482 : i32
      %add3A_484 = arith.addi %mul3A_61, %mul3A_483 : i32
      %multiple_of3A_485 = tpu.assume_multiple %add3A_484, 8 : i32
      %dma_wait3A_486 = arith.constant 0 : i32
      %dma_wait3A_487 = arith.constant 0 : i32
      %dma_wait3A_488 = tpu.memref_slice %arg2[%dma_wait3A_486, %dma_wait3A_487] : memref<10000x128xf32, #tpu.memory_space<hbm>> -> memref<10000x128xf32, #tpu.memory_space<hbm>>
      tpu.wait_indirect_dma semaphore(%arg10 : memref<!tpu.dma_semaphore, #tpu.memory_space<semaphore_mem>>) src(%dma_wait3A_488 : memref<10000x128xf32, #tpu.memory_space<hbm>>) dst(%arg7 : memref<80x128xf32, #tpu.memory_space<vmem>>)
      %dma_wait3A_489 = tpu.memref_slice %arg4[%multiple_of3A_485] : memref<320000xi32, #tpu.memory_space<hbm>> -> memref<80xi32, #tpu.memory_space<hbm>>
      %dma_wait3A_490 = tpu.memref_slice %arg4[%multiple_of3A_485] : memref<320000xi32, #tpu.memory_space<hbm>> -> memref<80xi32, #tpu.memory_space<hbm>>
      tpu.wait_dma2 semaphore(%arg27 : memref<!tpu.dma_semaphore, #tpu.memory_space<semaphore_mem>>) src(%dma_wait3A_490 : memref<80xi32, #tpu.memory_space<hbm>>) dst(%arg23 : memref<80xi32, #tpu.memory_space<vmem>>)
      "tpu.region"() ({
        %run_scoped3A = tpu.sem_alloc : memref<!tpu.dma_semaphore, #tpu.memory_space<semaphore_mem>>
        %dma_start3A_649 = arith.constant 0 : i32
        %dma_start3A_650 = arith.constant 0 : i32
        %dma_start3A_651 = tpu.memref_slice %arg28[%dma_start3A_649, %dma_start3A_650] : memref<10000x128xf32, #tpu.memory_space<vmem_shared>> -> memref<10000x128xf32, #tpu.memory_space<vmem_shared>>
        tpu.enqueue_indirect_dma source(%arg7 : memref<80x128xf32, #tpu.memory_space<vmem>>) target(%dma_start3A_651 : memref<10000x128xf32, #tpu.memory_space<vmem_shared>>) offsets(%arg23 : memref<80xi32, #tpu.memory_space<vmem>>) semaphore(%run_scoped3A : memref<!tpu.dma_semaphore, #tpu.memory_space<semaphore_mem>>) {add = true}
        %dma_wait3A_652 = arith.constant 0 : i32
        %dma_wait3A_653 = arith.constant 0 : i32
        %dma_wait3A_654 = tpu.memref_slice %arg28[%dma_wait3A_652, %dma_wait3A_653] : memref<10000x128xf32, #tpu.memory_space<vmem_shared>> -> memref<10000x128xf32, #tpu.memory_space<vmem_shared>>
        tpu.wait_indirect_dma semaphore(%run_scoped3A : memref<!tpu.dma_semaphore, #tpu.memory_space<semaphore_mem>>) src(%arg7 : memref<80x128xf32, #tpu.memory_space<vmem>>) dst(%dma_wait3A_654 : memref<10000x128xf32, #tpu.memory_space<vmem_shared>>)
        tpu.yield
      }) : () -> ()
      %add3A_491 = arith.constant 4 : i32
      %add3A_492 = arith.addi %add3A_481, %add3A_491 : i32
      %mul3A_493 = arith.constant 80 : i32
      %mul3A_494 = arith.muli %add3A_492, %mul3A_493 : i32
      %add3A_495 = arith.addi %mul3A_61, %mul3A_494 : i32
      %multiple_of3A_496 = tpu.assume_multiple %add3A_495, 8 : i32
      %dma_start3A_497 = tpu.memref_slice %arg3[%multiple_of3A_496] : memref<320000xi32, #tpu.memory_space<hbm>> -> memref<80xi32, #tpu.memory_space<hbm>>
      %dma_start3A_498 = tpu.memref_slice %arg3[%multiple_of3A_496] : memref<320000xi32, #tpu.memory_space<hbm>> -> memref<80xi32, #tpu.memory_space<hbm>>
      tpu.enqueue_dma source(%dma_start3A_498 : memref<80xi32, #tpu.memory_space<hbm>>) target(%arg15 : memref<80xi32, #tpu.memory_space<vmem>>) target_semaphore(%arg19 : memref<!tpu.dma_semaphore, #tpu.memory_space<semaphore_mem>>)
      %dma_start3A_499 = tpu.memref_slice %arg4[%multiple_of3A_496] : memref<320000xi32, #tpu.memory_space<hbm>> -> memref<80xi32, #tpu.memory_space<hbm>>
      %dma_start3A_500 = tpu.memref_slice %arg4[%multiple_of3A_496] : memref<320000xi32, #tpu.memory_space<hbm>> -> memref<80xi32, #tpu.memory_space<hbm>>
      tpu.enqueue_dma source(%dma_start3A_500 : memref<80xi32, #tpu.memory_space<hbm>>) target(%arg23 : memref<80xi32, #tpu.memory_space<vmem>>) target_semaphore(%arg27 : memref<!tpu.dma_semaphore, #tpu.memory_space<semaphore_mem>>)
      %add3A_501 = arith.constant 3 : i32
      %add3A_502 = arith.addi %add3A_481, %add3A_501 : i32
      %mul3A_503 = arith.constant 80 : i32
      %mul3A_504 = arith.muli %add3A_502, %mul3A_503 : i32
      %add3A_505 = arith.addi %mul3A_61, %mul3A_504 : i32
      %multiple_of3A_506 = tpu.assume_multiple %add3A_505, 8 : i32
      %dma_wait3A_507 = tpu.memref_slice %arg3[%multiple_of3A_506] : memref<320000xi32, #tpu.memory_space<hbm>> -> memref<80xi32, #tpu.memory_space<hbm>>
      %dma_wait3A_508 = tpu.memref_slice %arg3[%multiple_of3A_506] : memref<320000xi32, #tpu.memory_space<hbm>> -> memref<80xi32, #tpu.memory_space<hbm>>
      tpu.wait_dma2 semaphore(%arg18 : memref<!tpu.dma_semaphore, #tpu.memory_space<semaphore_mem>>) src(%dma_wait3A_508 : memref<80xi32, #tpu.memory_space<hbm>>) dst(%arg14 : memref<80xi32, #tpu.memory_space<vmem>>)
      %dma_start3A_509 = arith.constant 0 : i32
      %dma_start3A_510 = arith.constant 0 : i32
      %dma_start3A_511 = tpu.memref_slice %arg2[%dma_start3A_509, %dma_start3A_510] : memref<10000x128xf32, #tpu.memory_space<hbm>> -> memref<10000x128xf32, #tpu.memory_space<hbm>>
      tpu.enqueue_indirect_dma source(%dma_start3A_511 : memref<10000x128xf32, #tpu.memory_space<hbm>>) target(%arg7 : memref<80x128xf32, #tpu.memory_space<vmem>>) offsets(%arg14 : memref<80xi32, #tpu.memory_space<vmem>>) semaphore(%arg10 : memref<!tpu.dma_semaphore, #tpu.memory_space<semaphore_mem>>)
      %mul3A_512 = arith.constant 12 : i32
      %mul3A_513 = arith.muli %scan3A_238, %mul3A_512 : i32
      %add3A_514 = arith.constant 8 : i32
      %add3A_515 = arith.addi %mul3A_513, %add3A_514 : i32
      %mul3A_516 = arith.constant 80 : i32
      %mul3A_517 = arith.muli %add3A_515, %mul3A_516 : i32
      %add3A_518 = arith.addi %mul3A_61, %mul3A_517 : i32
      %multiple_of3A_519 = tpu.assume_multiple %add3A_518, 8 : i32
      %dma_wait3A_520 = arith.constant 0 : i32
      %dma_wait3A_521 = arith.constant 0 : i32
      %dma_wait3A_522 = tpu.memref_slice %arg2[%dma_wait3A_520, %dma_wait3A_521] : memref<10000x128xf32, #tpu.memory_space<hbm>> -> memref<10000x128xf32, #tpu.memory_space<hbm>>
      tpu.wait_indirect_dma semaphore(%arg11 : memref<!tpu.dma_semaphore, #tpu.memory_space<semaphore_mem>>) src(%dma_wait3A_522 : memref<10000x128xf32, #tpu.memory_space<hbm>>) dst(%arg8 : memref<80x128xf32, #tpu.memory_space<vmem>>)
      %dma_wait3A_523 = tpu.memref_slice %arg4[%multiple_of3A_519] : memref<320000xi32, #tpu.memory_space<hbm>> -> memref<80xi32, #tpu.memory_space<hbm>>
      %dma_wait3A_524 = tpu.memref_slice %arg4[%multiple_of3A_519] : memref<320000xi32, #tpu.memory_space<hbm>> -> memref<80xi32, #tpu.memory_space<hbm>>
      tpu.wait_dma2 semaphore(%arg24 : memref<!tpu.dma_semaphore, #tpu.memory_space<semaphore_mem>>) src(%dma_wait3A_524 : memref<80xi32, #tpu.memory_space<hbm>>) dst(%arg20 : memref<80xi32, #tpu.memory_space<vmem>>)
      "tpu.region"() ({
        %run_scoped3A = tpu.sem_alloc : memref<!tpu.dma_semaphore, #tpu.memory_space<semaphore_mem>>
        %dma_start3A_649 = arith.constant 0 : i32
        %dma_start3A_650 = arith.constant 0 : i32
        %dma_start3A_651 = tpu.memref_slice %arg28[%dma_start3A_649, %dma_start3A_650] : memref<10000x128xf32, #tpu.memory_space<vmem_shared>> -> memref<10000x128xf32, #tpu.memory_space<vmem_shared>>
        tpu.enqueue_indirect_dma source(%arg8 : memref<80x128xf32, #tpu.memory_space<vmem>>) target(%dma_start3A_651 : memref<10000x128xf32, #tpu.memory_space<vmem_shared>>) offsets(%arg20 : memref<80xi32, #tpu.memory_space<vmem>>) semaphore(%run_scoped3A : memref<!tpu.dma_semaphore, #tpu.memory_space<semaphore_mem>>) {add = true}
        %dma_wait3A_652 = arith.constant 0 : i32
        %dma_wait3A_653 = arith.constant 0 : i32
        %dma_wait3A_654 = tpu.memref_slice %arg28[%dma_wait3A_652, %dma_wait3A_653] : memref<10000x128xf32, #tpu.memory_space<vmem_shared>> -> memref<10000x128xf32, #tpu.memory_space<vmem_shared>>
        tpu.wait_indirect_dma semaphore(%run_scoped3A : memref<!tpu.dma_semaphore, #tpu.memory_space<semaphore_mem>>) src(%arg8 : memref<80x128xf32, #tpu.memory_space<vmem>>) dst(%dma_wait3A_654 : memref<10000x128xf32, #tpu.memory_space<vmem_shared>>)
        tpu.yield
      }) : () -> ()
      %add3A_525 = arith.constant 4 : i32
      %add3A_526 = arith.addi %add3A_515, %add3A_525 : i32
      %mul3A_527 = arith.constant 80 : i32
      %mul3A_528 = arith.muli %add3A_526, %mul3A_527 : i32
      %add3A_529 = arith.addi %mul3A_61, %mul3A_528 : i32
      %multiple_of3A_530 = tpu.assume_multiple %add3A_529, 8 : i32
      %dma_start3A_531 = tpu.memref_slice %arg3[%multiple_of3A_530] : memref<320000xi32, #tpu.memory_space<hbm>> -> memref<80xi32, #tpu.memory_space<hbm>>
      %dma_start3A_532 = tpu.memref_slice %arg3[%multiple_of3A_530] : memref<320000xi32, #tpu.memory_space<hbm>> -> memref<80xi32, #tpu.memory_space<hbm>>
      tpu.enqueue_dma source(%dma_start3A_532 : memref<80xi32, #tpu.memory_space<hbm>>) target(%arg12 : memref<80xi32, #tpu.memory_space<vmem>>) target_semaphore(%arg16 : memref<!tpu.dma_semaphore, #tpu.memory_space<semaphore_mem>>)
      %dma_start3A_533 = tpu.memref_slice %arg4[%multiple_of3A_530] : memref<320000xi32, #tpu.memory_space<hbm>> -> memref<80xi32, #tpu.memory_space<hbm>>
      %dma_start3A_534 = tpu.memref_slice %arg4[%multiple_of3A_530] : memref<320000xi32, #tpu.memory_space<hbm>> -> memref<80xi32, #tpu.memory_space<hbm>>
      tpu.enqueue_dma source(%dma_start3A_534 : memref<80xi32, #tpu.memory_space<hbm>>) target(%arg20 : memref<80xi32, #tpu.memory_space<vmem>>) target_semaphore(%arg24 : memref<!tpu.dma_semaphore, #tpu.memory_space<semaphore_mem>>)
      %add3A_535 = arith.constant 3 : i32
      %add3A_536 = arith.addi %add3A_515, %add3A_535 : i32
      %mul3A_537 = arith.constant 80 : i32
      %mul3A_538 = arith.muli %add3A_536, %mul3A_537 : i32
      %add3A_539 = arith.addi %mul3A_61, %mul3A_538 : i32
      %multiple_of3A_540 = tpu.assume_multiple %add3A_539, 8 : i32
      %dma_wait3A_541 = tpu.memref_slice %arg3[%multiple_of3A_540] : memref<320000xi32, #tpu.memory_space<hbm>> -> memref<80xi32, #tpu.memory_space<hbm>>
      %dma_wait3A_542 = tpu.memref_slice %arg3[%multiple_of3A_540] : memref<320000xi32, #tpu.memory_space<hbm>> -> memref<80xi32, #tpu.memory_space<hbm>>
      tpu.wait_dma2 semaphore(%arg19 : memref<!tpu.dma_semaphore, #tpu.memory_space<semaphore_mem>>) src(%dma_wait3A_542 : memref<80xi32, #tpu.memory_space<hbm>>) dst(%arg15 : memref<80xi32, #tpu.memory_space<vmem>>)
      %dma_start3A_543 = arith.constant 0 : i32
      %dma_start3A_544 = arith.constant 0 : i32
      %dma_start3A_545 = tpu.memref_slice %arg2[%dma_start3A_543, %dma_start3A_544] : memref<10000x128xf32, #tpu.memory_space<hbm>> -> memref<10000x128xf32, #tpu.memory_space<hbm>>
      tpu.enqueue_indirect_dma source(%dma_start3A_545 : memref<10000x128xf32, #tpu.memory_space<hbm>>) target(%arg8 : memref<80x128xf32, #tpu.memory_space<vmem>>) offsets(%arg15 : memref<80xi32, #tpu.memory_space<vmem>>) semaphore(%arg11 : memref<!tpu.dma_semaphore, #tpu.memory_space<semaphore_mem>>)
      %mul3A_546 = arith.constant 12 : i32
      %mul3A_547 = arith.muli %scan3A_238, %mul3A_546 : i32
      %add3A_548 = arith.constant 9 : i32
      %add3A_549 = arith.addi %mul3A_547, %add3A_548 : i32
      %mul3A_550 = arith.constant 80 : i32
      %mul3A_551 = arith.muli %add3A_549, %mul3A_550 : i32
      %add3A_552 = arith.addi %mul3A_61, %mul3A_551 : i32
      %multiple_of3A_553 = tpu.assume_multiple %add3A_552, 8 : i32
      %dma_wait3A_554 = arith.constant 0 : i32
      %dma_wait3A_555 = arith.constant 0 : i32
      %dma_wait3A_556 = tpu.memref_slice %arg2[%dma_wait3A_554, %dma_wait3A_555] : memref<10000x128xf32, #tpu.memory_space<hbm>> -> memref<10000x128xf32, #tpu.memory_space<hbm>>
      tpu.wait_indirect_dma semaphore(%arg9 : memref<!tpu.dma_semaphore, #tpu.memory_space<semaphore_mem>>) src(%dma_wait3A_556 : memref<10000x128xf32, #tpu.memory_space<hbm>>) dst(%arg6 : memref<80x128xf32, #tpu.memory_space<vmem>>)
      %dma_wait3A_557 = tpu.memref_slice %arg4[%multiple_of3A_553] : memref<320000xi32, #tpu.memory_space<hbm>> -> memref<80xi32, #tpu.memory_space<hbm>>
      %dma_wait3A_558 = tpu.memref_slice %arg4[%multiple_of3A_553] : memref<320000xi32, #tpu.memory_space<hbm>> -> memref<80xi32, #tpu.memory_space<hbm>>
      tpu.wait_dma2 semaphore(%arg25 : memref<!tpu.dma_semaphore, #tpu.memory_space<semaphore_mem>>) src(%dma_wait3A_558 : memref<80xi32, #tpu.memory_space<hbm>>) dst(%arg21 : memref<80xi32, #tpu.memory_space<vmem>>)
      "tpu.region"() ({
        %run_scoped3A = tpu.sem_alloc : memref<!tpu.dma_semaphore, #tpu.memory_space<semaphore_mem>>
        %dma_start3A_649 = arith.constant 0 : i32
        %dma_start3A_650 = arith.constant 0 : i32
        %dma_start3A_651 = tpu.memref_slice %arg28[%dma_start3A_649, %dma_start3A_650] : memref<10000x128xf32, #tpu.memory_space<vmem_shared>> -> memref<10000x128xf32, #tpu.memory_space<vmem_shared>>
        tpu.enqueue_indirect_dma source(%arg6 : memref<80x128xf32, #tpu.memory_space<vmem>>) target(%dma_start3A_651 : memref<10000x128xf32, #tpu.memory_space<vmem_shared>>) offsets(%arg21 : memref<80xi32, #tpu.memory_space<vmem>>) semaphore(%run_scoped3A : memref<!tpu.dma_semaphore, #tpu.memory_space<semaphore_mem>>) {add = true}
        %dma_wait3A_652 = arith.constant 0 : i32
        %dma_wait3A_653 = arith.constant 0 : i32
        %dma_wait3A_654 = tpu.memref_slice %arg28[%dma_wait3A_652, %dma_wait3A_653] : memref<10000x128xf32, #tpu.memory_space<vmem_shared>> -> memref<10000x128xf32, #tpu.memory_space<vmem_shared>>
        tpu.wait_indirect_dma semaphore(%run_scoped3A : memref<!tpu.dma_semaphore, #tpu.memory_space<semaphore_mem>>) src(%arg6 : memref<80x128xf32, #tpu.memory_space<vmem>>) dst(%dma_wait3A_654 : memref<10000x128xf32, #tpu.memory_space<vmem_shared>>)
        tpu.yield
      }) : () -> ()
      %add3A_559 = arith.constant 4 : i32
      %add3A_560 = arith.addi %add3A_549, %add3A_559 : i32
      %mul3A_561 = arith.constant 80 : i32
      %mul3A_562 = arith.muli %add3A_560, %mul3A_561 : i32
      %add3A_563 = arith.addi %mul3A_61, %mul3A_562 : i32
      %multiple_of3A_564 = tpu.assume_multiple %add3A_563, 8 : i32
      %dma_start3A_565 = tpu.memref_slice %arg3[%multiple_of3A_564] : memref<320000xi32, #tpu.memory_space<hbm>> -> memref<80xi32, #tpu.memory_space<hbm>>
      %dma_start3A_566 = tpu.memref_slice %arg3[%multiple_of3A_564] : memref<320000xi32, #tpu.memory_space<hbm>> -> memref<80xi32, #tpu.memory_space<hbm>>
      tpu.enqueue_dma source(%dma_start3A_566 : memref<80xi32, #tpu.memory_space<hbm>>) target(%arg13 : memref<80xi32, #tpu.memory_space<vmem>>) target_semaphore(%arg17 : memref<!tpu.dma_semaphore, #tpu.memory_space<semaphore_mem>>)
      %dma_start3A_567 = tpu.memref_slice %arg4[%multiple_of3A_564] : memref<320000xi32, #tpu.memory_space<hbm>> -> memref<80xi32, #tpu.memory_space<hbm>>
      %dma_start3A_568 = tpu.memref_slice %arg4[%multiple_of3A_564] : memref<320000xi32, #tpu.memory_space<hbm>> -> memref<80xi32, #tpu.memory_space<hbm>>
      tpu.enqueue_dma source(%dma_start3A_568 : memref<80xi32, #tpu.memory_space<hbm>>) target(%arg21 : memref<80xi32, #tpu.memory_space<vmem>>) target_semaphore(%arg25 : memref<!tpu.dma_semaphore, #tpu.memory_space<semaphore_mem>>)
      %add3A_569 = arith.constant 3 : i32
      %add3A_570 = arith.addi %add3A_549, %add3A_569 : i32
      %mul3A_571 = arith.constant 80 : i32
      %mul3A_572 = arith.muli %add3A_570, %mul3A_571 : i32
      %add3A_573 = arith.addi %mul3A_61, %mul3A_572 : i32
      %multiple_of3A_574 = tpu.assume_multiple %add3A_573, 8 : i32
      %dma_wait3A_575 = tpu.memref_slice %arg3[%multiple_of3A_574] : memref<320000xi32, #tpu.memory_space<hbm>> -> memref<80xi32, #tpu.memory_space<hbm>>
      %dma_wait3A_576 = tpu.memref_slice %arg3[%multiple_of3A_574] : memref<320000xi32, #tpu.memory_space<hbm>> -> memref<80xi32, #tpu.memory_space<hbm>>
      tpu.wait_dma2 semaphore(%arg16 : memref<!tpu.dma_semaphore, #tpu.memory_space<semaphore_mem>>) src(%dma_wait3A_576 : memref<80xi32, #tpu.memory_space<hbm>>) dst(%arg12 : memref<80xi32, #tpu.memory_space<vmem>>)
      %dma_start3A_577 = arith.constant 0 : i32
      %dma_start3A_578 = arith.constant 0 : i32
      %dma_start3A_579 = tpu.memref_slice %arg2[%dma_start3A_577, %dma_start3A_578] : memref<10000x128xf32, #tpu.memory_space<hbm>> -> memref<10000x128xf32, #tpu.memory_space<hbm>>
      tpu.enqueue_indirect_dma source(%dma_start3A_579 : memref<10000x128xf32, #tpu.memory_space<hbm>>) target(%arg6 : memref<80x128xf32, #tpu.memory_space<vmem>>) offsets(%arg12 : memref<80xi32, #tpu.memory_space<vmem>>) semaphore(%arg9 : memref<!tpu.dma_semaphore, #tpu.memory_space<semaphore_mem>>)
      %mul3A_580 = arith.constant 12 : i32
      %mul3A_581 = arith.muli %scan3A_238, %mul3A_580 : i32
      %add3A_582 = arith.constant 10 : i32
      %add3A_583 = arith.addi %mul3A_581, %add3A_582 : i32
      %mul3A_584 = arith.constant 80 : i32
      %mul3A_585 = arith.muli %add3A_583, %mul3A_584 : i32
      %add3A_586 = arith.addi %mul3A_61, %mul3A_585 : i32
      %multiple_of3A_587 = tpu.assume_multiple %add3A_586, 8 : i32
      %dma_wait3A_588 = arith.constant 0 : i32
      %dma_wait3A_589 = arith.constant 0 : i32
      %dma_wait3A_590 = tpu.memref_slice %arg2[%dma_wait3A_588, %dma_wait3A_589] : memref<10000x128xf32, #tpu.memory_space<hbm>> -> memref<10000x128xf32, #tpu.memory_space<hbm>>
      tpu.wait_indirect_dma semaphore(%arg10 : memref<!tpu.dma_semaphore, #tpu.memory_space<semaphore_mem>>) src(%dma_wait3A_590 : memref<10000x128xf32, #tpu.memory_space<hbm>>) dst(%arg7 : memref<80x128xf32, #tpu.memory_space<vmem>>)
      %dma_wait3A_591 = tpu.memref_slice %arg4[%multiple_of3A_587] : memref<320000xi32, #tpu.memory_space<hbm>> -> memref<80xi32, #tpu.memory_space<hbm>>
      %dma_wait3A_592 = tpu.memref_slice %arg4[%multiple_of3A_587] : memref<320000xi32, #tpu.memory_space<hbm>> -> memref<80xi32, #tpu.memory_space<hbm>>
      tpu.wait_dma2 semaphore(%arg26 : memref<!tpu.dma_semaphore, #tpu.memory_space<semaphore_mem>>) src(%dma_wait3A_592 : memref<80xi32, #tpu.memory_space<hbm>>) dst(%arg22 : memref<80xi32, #tpu.memory_space<vmem>>)
      "tpu.region"() ({
        %run_scoped3A = tpu.sem_alloc : memref<!tpu.dma_semaphore, #tpu.memory_space<semaphore_mem>>
        %dma_start3A_649 = arith.constant 0 : i32
        %dma_start3A_650 = arith.constant 0 : i32
        %dma_start3A_651 = tpu.memref_slice %arg28[%dma_start3A_649, %dma_start3A_650] : memref<10000x128xf32, #tpu.memory_space<vmem_shared>> -> memref<10000x128xf32, #tpu.memory_space<vmem_shared>>
        tpu.enqueue_indirect_dma source(%arg7 : memref<80x128xf32, #tpu.memory_space<vmem>>) target(%dma_start3A_651 : memref<10000x128xf32, #tpu.memory_space<vmem_shared>>) offsets(%arg22 : memref<80xi32, #tpu.memory_space<vmem>>) semaphore(%run_scoped3A : memref<!tpu.dma_semaphore, #tpu.memory_space<semaphore_mem>>) {add = true}
        %dma_wait3A_652 = arith.constant 0 : i32
        %dma_wait3A_653 = arith.constant 0 : i32
        %dma_wait3A_654 = tpu.memref_slice %arg28[%dma_wait3A_652, %dma_wait3A_653] : memref<10000x128xf32, #tpu.memory_space<vmem_shared>> -> memref<10000x128xf32, #tpu.memory_space<vmem_shared>>
        tpu.wait_indirect_dma semaphore(%run_scoped3A : memref<!tpu.dma_semaphore, #tpu.memory_space<semaphore_mem>>) src(%arg7 : memref<80x128xf32, #tpu.memory_space<vmem>>) dst(%dma_wait3A_654 : memref<10000x128xf32, #tpu.memory_space<vmem_shared>>)
        tpu.yield
      }) : () -> ()
      %add3A_593 = arith.constant 4 : i32
      %add3A_594 = arith.addi %add3A_583, %add3A_593 : i32
      %mul3A_595 = arith.constant 80 : i32
      %mul3A_596 = arith.muli %add3A_594, %mul3A_595 : i32
      %add3A_597 = arith.addi %mul3A_61, %mul3A_596 : i32
      %multiple_of3A_598 = tpu.assume_multiple %add3A_597, 8 : i32
      %dma_start3A_599 = tpu.memref_slice %arg3[%multiple_of3A_598] : memref<320000xi32, #tpu.memory_space<hbm>> -> memref<80xi32, #tpu.memory_space<hbm>>
      %dma_start3A_600 = tpu.memref_slice %arg3[%multiple_of3A_598] : memref<320000xi32, #tpu.memory_space<hbm>> -> memref<80xi32, #tpu.memory_space<hbm>>
      tpu.enqueue_dma source(%dma_start3A_600 : memref<80xi32, #tpu.memory_space<hbm>>) target(%arg14 : memref<80xi32, #tpu.memory_space<vmem>>) target_semaphore(%arg18 : memref<!tpu.dma_semaphore, #tpu.memory_space<semaphore_mem>>)
      %dma_start3A_601 = tpu.memref_slice %arg4[%multiple_of3A_598] : memref<320000xi32, #tpu.memory_space<hbm>> -> memref<80xi32, #tpu.memory_space<hbm>>
      %dma_start3A_602 = tpu.memref_slice %arg4[%multiple_of3A_598] : memref<320000xi32, #tpu.memory_space<hbm>> -> memref<80xi32, #tpu.memory_space<hbm>>
      tpu.enqueue_dma source(%dma_start3A_602 : memref<80xi32, #tpu.memory_space<hbm>>) target(%arg22 : memref<80xi32, #tpu.memory_space<vmem>>) target_semaphore(%arg26 : memref<!tpu.dma_semaphore, #tpu.memory_space<semaphore_mem>>)
      %add3A_603 = arith.constant 3 : i32
      %add3A_604 = arith.addi %add3A_583, %add3A_603 : i32
      %mul3A_605 = arith.constant 80 : i32
      %mul3A_606 = arith.muli %add3A_604, %mul3A_605 : i32
      %add3A_607 = arith.addi %mul3A_61, %mul3A_606 : i32
      %multiple_of3A_608 = tpu.assume_multiple %add3A_607, 8 : i32
      %dma_wait3A_609 = tpu.memref_slice %arg3[%multiple_of3A_608] : memref<320000xi32, #tpu.memory_space<hbm>> -> memref<80xi32, #tpu.memory_space<hbm>>
      %dma_wait3A_610 = tpu.memref_slice %arg3[%multiple_of3A_608] : memref<320000xi32, #tpu.memory_space<hbm>> -> memref<80xi32, #tpu.memory_space<hbm>>
      tpu.wait_dma2 semaphore(%arg17 : memref<!tpu.dma_semaphore, #tpu.memory_space<semaphore_mem>>) src(%dma_wait3A_610 : memref<80xi32, #tpu.memory_space<hbm>>) dst(%arg13 : memref<80xi32, #tpu.memory_space<vmem>>)
      %dma_start3A_611 = arith.constant 0 : i32
      %dma_start3A_612 = arith.constant 0 : i32
      %dma_start3A_613 = tpu.memref_slice %arg2[%dma_start3A_611, %dma_start3A_612] : memref<10000x128xf32, #tpu.memory_space<hbm>> -> memref<10000x128xf32, #tpu.memory_space<hbm>>
      tpu.enqueue_indirect_dma source(%dma_start3A_613 : memref<10000x128xf32, #tpu.memory_space<hbm>>) target(%arg7 : memref<80x128xf32, #tpu.memory_space<vmem>>) offsets(%arg13 : memref<80xi32, #tpu.memory_space<vmem>>) semaphore(%arg10 : memref<!tpu.dma_semaphore, #tpu.memory_space<semaphore_mem>>)
      %mul3A_614 = arith.constant 12 : i32
      %mul3A_615 = arith.muli %scan3A_238, %mul3A_614 : i32
      %add3A_616 = arith.constant 11 : i32
      %add3A_617 = arith.addi %mul3A_615, %add3A_616 : i32
      %mul3A_618 = arith.constant 80 : i32
      %mul3A_619 = arith.muli %add3A_617, %mul3A_618 : i32
      %add3A_620 = arith.addi %mul3A_61, %mul3A_619 : i32
      %multiple_of3A_621 = tpu.assume_multiple %add3A_620, 8 : i32
      %dma_wait3A_622 = arith.constant 0 : i32
      %dma_wait3A_623 = arith.constant 0 : i32
      %dma_wait3A_624 = tpu.memref_slice %arg2[%dma_wait3A_622, %dma_wait3A_623] : memref<10000x128xf32, #tpu.memory_space<hbm>> -> memref<10000x128xf32, #tpu.memory_space<hbm>>
      tpu.wait_indirect_dma semaphore(%arg11 : memref<!tpu.dma_semaphore, #tpu.memory_space<semaphore_mem>>) src(%dma_wait3A_624 : memref<10000x128xf32, #tpu.memory_space<hbm>>) dst(%arg8 : memref<80x128xf32, #tpu.memory_space<vmem>>)
      %dma_wait3A_625 = tpu.memref_slice %arg4[%multiple_of3A_621] : memref<320000xi32, #tpu.memory_space<hbm>> -> memref<80xi32, #tpu.memory_space<hbm>>
      %dma_wait3A_626 = tpu.memref_slice %arg4[%multiple_of3A_621] : memref<320000xi32, #tpu.memory_space<hbm>> -> memref<80xi32, #tpu.memory_space<hbm>>
      tpu.wait_dma2 semaphore(%arg27 : memref<!tpu.dma_semaphore, #tpu.memory_space<semaphore_mem>>) src(%dma_wait3A_626 : memref<80xi32, #tpu.memory_space<hbm>>) dst(%arg23 : memref<80xi32, #tpu.memory_space<vmem>>)
      "tpu.region"() ({
        %run_scoped3A = tpu.sem_alloc : memref<!tpu.dma_semaphore, #tpu.memory_space<semaphore_mem>>
        %dma_start3A_649 = arith.constant 0 : i32
        %dma_start3A_650 = arith.constant 0 : i32
        %dma_start3A_651 = tpu.memref_slice %arg28[%dma_start3A_649, %dma_start3A_650] : memref<10000x128xf32, #tpu.memory_space<vmem_shared>> -> memref<10000x128xf32, #tpu.memory_space<vmem_shared>>
        tpu.enqueue_indirect_dma source(%arg8 : memref<80x128xf32, #tpu.memory_space<vmem>>) target(%dma_start3A_651 : memref<10000x128xf32, #tpu.memory_space<vmem_shared>>) offsets(%arg23 : memref<80xi32, #tpu.memory_space<vmem>>) semaphore(%run_scoped3A : memref<!tpu.dma_semaphore, #tpu.memory_space<semaphore_mem>>) {add = true}
        %dma_wait3A_652 = arith.constant 0 : i32
        %dma_wait3A_653 = arith.constant 0 : i32
        %dma_wait3A_654 = tpu.memref_slice %arg28[%dma_wait3A_652, %dma_wait3A_653] : memref<10000x128xf32, #tpu.memory_space<vmem_shared>> -> memref<10000x128xf32, #tpu.memory_space<vmem_shared>>
        tpu.wait_indirect_dma semaphore(%run_scoped3A : memref<!tpu.dma_semaphore, #tpu.memory_space<semaphore_mem>>) src(%arg8 : memref<80x128xf32, #tpu.memory_space<vmem>>) dst(%dma_wait3A_654 : memref<10000x128xf32, #tpu.memory_space<vmem_shared>>)
        tpu.yield
      }) : () -> ()
      %add3A_627 = arith.constant 4 : i32
      %add3A_628 = arith.addi %add3A_617, %add3A_627 : i32
      %mul3A_629 = arith.constant 80 : i32
      %mul3A_630 = arith.muli %add3A_628, %mul3A_629 : i32
      %add3A_631 = arith.addi %mul3A_61, %mul3A_630 : i32
      %multiple_of3A_632 = tpu.assume_multiple %add3A_631, 8 : i32
      %dma_start3A_633 = tpu.memref_slice %arg3[%multiple_of3A_632] : memref<320000xi32, #tpu.memory_space<hbm>> -> memref<80xi32, #tpu.memory_space<hbm>>
      %dma_start3A_634 = tpu.memref_slice %arg3[%multiple_of3A_632] : memref<320000xi32, #tpu.memory_space<hbm>> -> memref<80xi32, #tpu.memory_space<hbm>>
      tpu.enqueue_dma source(%dma_start3A_634 : memref<80xi32, #tpu.memory_space<hbm>>) target(%arg15 : memref<80xi32, #tpu.memory_space<vmem>>) target_semaphore(%arg19 : memref<!tpu.dma_semaphore, #tpu.memory_space<semaphore_mem>>)
      %dma_start3A_635 = tpu.memref_slice %arg4[%multiple_of3A_632] : memref<320000xi32, #tpu.memory_space<hbm>> -> memref<80xi32, #tpu.memory_space<hbm>>
      %dma_start3A_636 = tpu.memref_slice %arg4[%multiple_of3A_632] : memref<320000xi32, #tpu.memory_space<hbm>> -> memref<80xi32, #tpu.memory_space<hbm>>
      tpu.enqueue_dma source(%dma_start3A_636 : memref<80xi32, #tpu.memory_space<hbm>>) target(%arg23 : memref<80xi32, #tpu.memory_space<vmem>>) target_semaphore(%arg27 : memref<!tpu.dma_semaphore, #tpu.memory_space<semaphore_mem>>)
      %add3A_637 = arith.constant 3 : i32
      %add3A_638 = arith.addi %add3A_617, %add3A_637 : i32
      %mul3A_639 = arith.constant 80 : i32
      %mul3A_640 = arith.muli %add3A_638, %mul3A_639 : i32
      %add3A_641 = arith.addi %mul3A_61, %mul3A_640 : i32
      %multiple_of3A_642 = tpu.assume_multiple %add3A_641, 8 : i32
      %dma_wait3A_643 = tpu.memref_slice %arg3[%multiple_of3A_642] : memref<320000xi32, #tpu.memory_space<hbm>> -> memref<80xi32, #tpu.memory_space<hbm>>
      %dma_wait3A_644 = tpu.memref_slice %arg3[%multiple_of3A_642] : memref<320000xi32, #tpu.memory_space<hbm>> -> memref<80xi32, #tpu.memory_space<hbm>>
      tpu.wait_dma2 semaphore(%arg18 : memref<!tpu.dma_semaphore, #tpu.memory_space<semaphore_mem>>) src(%dma_wait3A_644 : memref<80xi32, #tpu.memory_space<hbm>>) dst(%arg14 : memref<80xi32, #tpu.memory_space<vmem>>)
      %dma_start3A_645 = arith.constant 0 : i32
      %dma_start3A_646 = arith.constant 0 : i32
      %dma_start3A_647 = tpu.memref_slice %arg2[%dma_start3A_645, %dma_start3A_646] : memref<10000x128xf32, #tpu.memory_space<hbm>> -> memref<10000x128xf32, #tpu.memory_space<hbm>>
      tpu.enqueue_indirect_dma source(%dma_start3A_647 : memref<10000x128xf32, #tpu.memory_space<hbm>>) target(%arg8 : memref<80x128xf32, #tpu.memory_space<vmem>>) offsets(%arg14 : memref<80xi32, #tpu.memory_space<vmem>>) semaphore(%arg11 : memref<!tpu.dma_semaphore, #tpu.memory_space<semaphore_mem>>)
      %scan3A_648 = arith.constant 0 : i32
      scf.yield %scan3A_648 : i32
    }
    %scan3A_117 = arith.constant 10 : i32
    %add3A_118 = arith.constant 9600 : i32
    %add3A_119 = arith.addi %mul3A_61, %add3A_118 : i32
    %multiple_of3A_120 = tpu.assume_multiple %add3A_119, 8 : i32
    %dma_wait3A_121 = arith.constant 0 : i32
    %dma_wait3A_122 = arith.constant 0 : i32
    %dma_wait3A_123 = tpu.memref_slice %arg2[%dma_wait3A_121, %dma_wait3A_122] : memref<10000x128xf32, #tpu.memory_space<hbm>> -> memref<10000x128xf32, #tpu.memory_space<hbm>>
    tpu.wait_indirect_dma semaphore(%arg9 : memref<!tpu.dma_semaphore, #tpu.memory_space<semaphore_mem>>) src(%dma_wait3A_123 : memref<10000x128xf32, #tpu.memory_space<hbm>>) dst(%arg6 : memref<80x128xf32, #tpu.memory_space<vmem>>)
    %dma_wait3A_124 = tpu.memref_slice %arg4[%multiple_of3A_120] : memref<320000xi32, #tpu.memory_space<hbm>> -> memref<80xi32, #tpu.memory_space<hbm>>
    %dma_wait3A_125 = tpu.memref_slice %arg4[%multiple_of3A_120] : memref<320000xi32, #tpu.memory_space<hbm>> -> memref<80xi32, #tpu.memory_space<hbm>>
    tpu.wait_dma2 semaphore(%arg24 : memref<!tpu.dma_semaphore, #tpu.memory_space<semaphore_mem>>) src(%dma_wait3A_125 : memref<80xi32, #tpu.memory_space<hbm>>) dst(%arg20 : memref<80xi32, #tpu.memory_space<vmem>>)
    "tpu.region"() ({
      %run_scoped3A = tpu.sem_alloc : memref<!tpu.dma_semaphore, #tpu.memory_space<semaphore_mem>>
      %dma_start3A_238 = arith.constant 0 : i32
      %dma_start3A_239 = arith.constant 0 : i32
      %dma_start3A_240 = tpu.memref_slice %arg28[%dma_start3A_238, %dma_start3A_239] : memref<10000x128xf32, #tpu.memory_space<vmem_shared>> -> memref<10000x128xf32, #tpu.memory_space<vmem_shared>>
      tpu.enqueue_indirect_dma source(%arg6 : memref<80x128xf32, #tpu.memory_space<vmem>>) target(%dma_start3A_240 : memref<10000x128xf32, #tpu.memory_space<vmem_shared>>) offsets(%arg20 : memref<80xi32, #tpu.memory_space<vmem>>) semaphore(%run_scoped3A : memref<!tpu.dma_semaphore, #tpu.memory_space<semaphore_mem>>) {add = true}
      %dma_wait3A_241 = arith.constant 0 : i32
      %dma_wait3A_242 = arith.constant 0 : i32
      %dma_wait3A_243 = tpu.memref_slice %arg28[%dma_wait3A_241, %dma_wait3A_242] : memref<10000x128xf32, #tpu.memory_space<vmem_shared>> -> memref<10000x128xf32, #tpu.memory_space<vmem_shared>>
      tpu.wait_indirect_dma semaphore(%run_scoped3A : memref<!tpu.dma_semaphore, #tpu.memory_space<semaphore_mem>>) src(%arg6 : memref<80x128xf32, #tpu.memory_space<vmem>>) dst(%dma_wait3A_243 : memref<10000x128xf32, #tpu.memory_space<vmem_shared>>)
      tpu.yield
    }) : () -> ()
    %add3A_126 = arith.constant 9920 : i32
    %add3A_127 = arith.addi %mul3A_61, %add3A_126 : i32
    %multiple_of3A_128 = tpu.assume_multiple %add3A_127, 8 : i32
    %dma_start3A_129 = tpu.memref_slice %arg3[%multiple_of3A_128] : memref<320000xi32, #tpu.memory_space<hbm>> -> memref<80xi32, #tpu.memory_space<hbm>>
    %dma_start3A_130 = tpu.memref_slice %arg3[%multiple_of3A_128] : memref<320000xi32, #tpu.memory_space<hbm>> -> memref<80xi32, #tpu.memory_space<hbm>>
    tpu.enqueue_dma source(%dma_start3A_130 : memref<80xi32, #tpu.memory_space<hbm>>) target(%arg12 : memref<80xi32, #tpu.memory_space<vmem>>) target_semaphore(%arg16 : memref<!tpu.dma_semaphore, #tpu.memory_space<semaphore_mem>>)
    %dma_start3A_131 = tpu.memref_slice %arg4[%multiple_of3A_128] : memref<320000xi32, #tpu.memory_space<hbm>> -> memref<80xi32, #tpu.memory_space<hbm>>
    %dma_start3A_132 = tpu.memref_slice %arg4[%multiple_of3A_128] : memref<320000xi32, #tpu.memory_space<hbm>> -> memref<80xi32, #tpu.memory_space<hbm>>
    tpu.enqueue_dma source(%dma_start3A_132 : memref<80xi32, #tpu.memory_space<hbm>>) target(%arg20 : memref<80xi32, #tpu.memory_space<vmem>>) target_semaphore(%arg24 : memref<!tpu.dma_semaphore, #tpu.memory_space<semaphore_mem>>)
    %add3A_133 = arith.constant 9840 : i32
    %add3A_134 = arith.addi %mul3A_61, %add3A_133 : i32
    %multiple_of3A_135 = tpu.assume_multiple %add3A_134, 8 : i32
    %dma_wait3A_136 = tpu.memref_slice %arg3[%multiple_of3A_135] : memref<320000xi32, #tpu.memory_space<hbm>> -> memref<80xi32, #tpu.memory_space<hbm>>
    %dma_wait3A_137 = tpu.memref_slice %arg3[%multiple_of3A_135] : memref<320000xi32, #tpu.memory_space<hbm>> -> memref<80xi32, #tpu.memory_space<hbm>>
    tpu.wait_dma2 semaphore(%arg19 : memref<!tpu.dma_semaphore, #tpu.memory_space<semaphore_mem>>) src(%dma_wait3A_137 : memref<80xi32, #tpu.memory_space<hbm>>) dst(%arg15 : memref<80xi32, #tpu.memory_space<vmem>>)
    %dma_start3A_138 = arith.constant 0 : i32
    %dma_start3A_139 = arith.constant 0 : i32
    %dma_start3A_140 = tpu.memref_slice %arg2[%dma_start3A_138, %dma_start3A_139] : memref<10000x128xf32, #tpu.memory_space<hbm>> -> memref<10000x128xf32, #tpu.memory_space<hbm>>
    tpu.enqueue_indirect_dma source(%dma_start3A_140 : memref<10000x128xf32, #tpu.memory_space<hbm>>) target(%arg6 : memref<80x128xf32, #tpu.memory_space<vmem>>) offsets(%arg15 : memref<80xi32, #tpu.memory_space<vmem>>) semaphore(%arg9 : memref<!tpu.dma_semaphore, #tpu.memory_space<semaphore_mem>>)
    %add3A_141 = arith.constant 9680 : i32
    %add3A_142 = arith.addi %mul3A_61, %add3A_141 : i32
    %multiple_of3A_143 = tpu.assume_multiple %add3A_142, 8 : i32
    %dma_wait3A_144 = arith.constant 0 : i32
    %dma_wait3A_145 = arith.constant 0 : i32
    %dma_wait3A_146 = tpu.memref_slice %arg2[%dma_wait3A_144, %dma_wait3A_145] : memref<10000x128xf32, #tpu.memory_space<hbm>> -> memref<10000x128xf32, #tpu.memory_space<hbm>>
    tpu.wait_indirect_dma semaphore(%arg10 : memref<!tpu.dma_semaphore, #tpu.memory_space<semaphore_mem>>) src(%dma_wait3A_146 : memref<10000x128xf32, #tpu.memory_space<hbm>>) dst(%arg7 : memref<80x128xf32, #tpu.memory_space<vmem>>)
    %dma_wait3A_147 = tpu.memref_slice %arg4[%multiple_of3A_143] : memref<320000xi32, #tpu.memory_space<hbm>> -> memref<80xi32, #tpu.memory_space<hbm>>
    %dma_wait3A_148 = tpu.memref_slice %arg4[%multiple_of3A_143] : memref<320000xi32, #tpu.memory_space<hbm>> -> memref<80xi32, #tpu.memory_space<hbm>>
    tpu.wait_dma2 semaphore(%arg25 : memref<!tpu.dma_semaphore, #tpu.memory_space<semaphore_mem>>) src(%dma_wait3A_148 : memref<80xi32, #tpu.memory_space<hbm>>) dst(%arg21 : memref<80xi32, #tpu.memory_space<vmem>>)
    "tpu.region"() ({
      %run_scoped3A = tpu.sem_alloc : memref<!tpu.dma_semaphore, #tpu.memory_space<semaphore_mem>>
      %dma_start3A_238 = arith.constant 0 : i32
      %dma_start3A_239 = arith.constant 0 : i32
      %dma_start3A_240 = tpu.memref_slice %arg28[%dma_start3A_238, %dma_start3A_239] : memref<10000x128xf32, #tpu.memory_space<vmem_shared>> -> memref<10000x128xf32, #tpu.memory_space<vmem_shared>>
      tpu.enqueue_indirect_dma source(%arg7 : memref<80x128xf32, #tpu.memory_space<vmem>>) target(%dma_start3A_240 : memref<10000x128xf32, #tpu.memory_space<vmem_shared>>) offsets(%arg21 : memref<80xi32, #tpu.memory_space<vmem>>) semaphore(%run_scoped3A : memref<!tpu.dma_semaphore, #tpu.memory_space<semaphore_mem>>) {add = true}
      %dma_wait3A_241 = arith.constant 0 : i32
      %dma_wait3A_242 = arith.constant 0 : i32
      %dma_wait3A_243 = tpu.memref_slice %arg28[%dma_wait3A_241, %dma_wait3A_242] : memref<10000x128xf32, #tpu.memory_space<vmem_shared>> -> memref<10000x128xf32, #tpu.memory_space<vmem_shared>>
      tpu.wait_indirect_dma semaphore(%run_scoped3A : memref<!tpu.dma_semaphore, #tpu.memory_space<semaphore_mem>>) src(%arg7 : memref<80x128xf32, #tpu.memory_space<vmem>>) dst(%dma_wait3A_243 : memref<10000x128xf32, #tpu.memory_space<vmem_shared>>)
      tpu.yield
    }) : () -> ()
    %add3A_149 = arith.constant 9920 : i32
    %add3A_150 = arith.addi %mul3A_61, %add3A_149 : i32
    %multiple_of3A_151 = tpu.assume_multiple %add3A_150, 8 : i32
    %dma_wait3A_152 = tpu.memref_slice %arg3[%multiple_of3A_151] : memref<320000xi32, #tpu.memory_space<hbm>> -> memref<80xi32, #tpu.memory_space<hbm>>
    %dma_wait3A_153 = tpu.memref_slice %arg3[%multiple_of3A_151] : memref<320000xi32, #tpu.memory_space<hbm>> -> memref<80xi32, #tpu.memory_space<hbm>>
    tpu.wait_dma2 semaphore(%arg16 : memref<!tpu.dma_semaphore, #tpu.memory_space<semaphore_mem>>) src(%dma_wait3A_153 : memref<80xi32, #tpu.memory_space<hbm>>) dst(%arg12 : memref<80xi32, #tpu.memory_space<vmem>>)
    %dma_start3A_154 = arith.constant 0 : i32
    %dma_start3A_155 = arith.constant 0 : i32
    %dma_start3A_156 = tpu.memref_slice %arg2[%dma_start3A_154, %dma_start3A_155] : memref<10000x128xf32, #tpu.memory_space<hbm>> -> memref<10000x128xf32, #tpu.memory_space<hbm>>
    tpu.enqueue_indirect_dma source(%dma_start3A_156 : memref<10000x128xf32, #tpu.memory_space<hbm>>) target(%arg7 : memref<80x128xf32, #tpu.memory_space<vmem>>) offsets(%arg12 : memref<80xi32, #tpu.memory_space<vmem>>) semaphore(%arg10 : memref<!tpu.dma_semaphore, #tpu.memory_space<semaphore_mem>>)
    %add3A_157 = arith.constant 9760 : i32
    %add3A_158 = arith.addi %mul3A_61, %add3A_157 : i32
    %multiple_of3A_159 = tpu.assume_multiple %add3A_158, 8 : i32
    %dma_wait3A_160 = arith.constant 0 : i32
    %dma_wait3A_161 = arith.constant 0 : i32
    %dma_wait3A_162 = tpu.memref_slice %arg2[%dma_wait3A_160, %dma_wait3A_161] : memref<10000x128xf32, #tpu.memory_space<hbm>> -> memref<10000x128xf32, #tpu.memory_space<hbm>>
    tpu.wait_indirect_dma semaphore(%arg11 : memref<!tpu.dma_semaphore, #tpu.memory_space<semaphore_mem>>) src(%dma_wait3A_162 : memref<10000x128xf32, #tpu.memory_space<hbm>>) dst(%arg8 : memref<80x128xf32, #tpu.memory_space<vmem>>)
    %dma_wait3A_163 = tpu.memref_slice %arg4[%multiple_of3A_159] : memref<320000xi32, #tpu.memory_space<hbm>> -> memref<80xi32, #tpu.memory_space<hbm>>
    %dma_wait3A_164 = tpu.memref_slice %arg4[%multiple_of3A_159] : memref<320000xi32, #tpu.memory_space<hbm>> -> memref<80xi32, #tpu.memory_space<hbm>>
    tpu.wait_dma2 semaphore(%arg26 : memref<!tpu.dma_semaphore, #tpu.memory_space<semaphore_mem>>) src(%dma_wait3A_164 : memref<80xi32, #tpu.memory_space<hbm>>) dst(%arg22 : memref<80xi32, #tpu.memory_space<vmem>>)
    "tpu.region"() ({
      %run_scoped3A = tpu.sem_alloc : memref<!tpu.dma_semaphore, #tpu.memory_space<semaphore_mem>>
      %dma_start3A_238 = arith.constant 0 : i32
      %dma_start3A_239 = arith.constant 0 : i32
      %dma_start3A_240 = tpu.memref_slice %arg28[%dma_start3A_238, %dma_start3A_239] : memref<10000x128xf32, #tpu.memory_space<vmem_shared>> -> memref<10000x128xf32, #tpu.memory_space<vmem_shared>>
      tpu.enqueue_indirect_dma source(%arg8 : memref<80x128xf32, #tpu.memory_space<vmem>>) target(%dma_start3A_240 : memref<10000x128xf32, #tpu.memory_space<vmem_shared>>) offsets(%arg22 : memref<80xi32, #tpu.memory_space<vmem>>) semaphore(%run_scoped3A : memref<!tpu.dma_semaphore, #tpu.memory_space<semaphore_mem>>) {add = true}
      %dma_wait3A_241 = arith.constant 0 : i32
      %dma_wait3A_242 = arith.constant 0 : i32
      %dma_wait3A_243 = tpu.memref_slice %arg28[%dma_wait3A_241, %dma_wait3A_242] : memref<10000x128xf32, #tpu.memory_space<vmem_shared>> -> memref<10000x128xf32, #tpu.memory_space<vmem_shared>>
      tpu.wait_indirect_dma semaphore(%run_scoped3A : memref<!tpu.dma_semaphore, #tpu.memory_space<semaphore_mem>>) src(%arg8 : memref<80x128xf32, #tpu.memory_space<vmem>>) dst(%dma_wait3A_243 : memref<10000x128xf32, #tpu.memory_space<vmem_shared>>)
      tpu.yield
    }) : () -> ()
    %add3A_165 = arith.constant 9840 : i32
    %add3A_166 = arith.addi %mul3A_61, %add3A_165 : i32
    %multiple_of3A_167 = tpu.assume_multiple %add3A_166, 8 : i32
    %dma_wait3A_168 = arith.constant 0 : i32
    %dma_wait3A_169 = arith.constant 0 : i32
    %dma_wait3A_170 = tpu.memref_slice %arg2[%dma_wait3A_168, %dma_wait3A_169] : memref<10000x128xf32, #tpu.memory_space<hbm>> -> memref<10000x128xf32, #tpu.memory_space<hbm>>
    tpu.wait_indirect_dma semaphore(%arg9 : memref<!tpu.dma_semaphore, #tpu.memory_space<semaphore_mem>>) src(%dma_wait3A_170 : memref<10000x128xf32, #tpu.memory_space<hbm>>) dst(%arg6 : memref<80x128xf32, #tpu.memory_space<vmem>>)
    %dma_wait3A_171 = tpu.memref_slice %arg4[%multiple_of3A_167] : memref<320000xi32, #tpu.memory_space<hbm>> -> memref<80xi32, #tpu.memory_space<hbm>>
    %dma_wait3A_172 = tpu.memref_slice %arg4[%multiple_of3A_167] : memref<320000xi32, #tpu.memory_space<hbm>> -> memref<80xi32, #tpu.memory_space<hbm>>
    tpu.wait_dma2 semaphore(%arg27 : memref<!tpu.dma_semaphore, #tpu.memory_space<semaphore_mem>>) src(%dma_wait3A_172 : memref<80xi32, #tpu.memory_space<hbm>>) dst(%arg23 : memref<80xi32, #tpu.memory_space<vmem>>)
    "tpu.region"() ({
      %run_scoped3A = tpu.sem_alloc : memref<!tpu.dma_semaphore, #tpu.memory_space<semaphore_mem>>
      %dma_start3A_238 = arith.constant 0 : i32
      %dma_start3A_239 = arith.constant 0 : i32
      %dma_start3A_240 = tpu.memref_slice %arg28[%dma_start3A_238, %dma_start3A_239] : memref<10000x128xf32, #tpu.memory_space<vmem_shared>> -> memref<10000x128xf32, #tpu.memory_space<vmem_shared>>
      tpu.enqueue_indirect_dma source(%arg6 : memref<80x128xf32, #tpu.memory_space<vmem>>) target(%dma_start3A_240 : memref<10000x128xf32, #tpu.memory_space<vmem_shared>>) offsets(%arg23 : memref<80xi32, #tpu.memory_space<vmem>>) semaphore(%run_scoped3A : memref<!tpu.dma_semaphore, #tpu.memory_space<semaphore_mem>>) {add = true}
      %dma_wait3A_241 = arith.constant 0 : i32
      %dma_wait3A_242 = arith.constant 0 : i32
      %dma_wait3A_243 = tpu.memref_slice %arg28[%dma_wait3A_241, %dma_wait3A_242] : memref<10000x128xf32, #tpu.memory_space<vmem_shared>> -> memref<10000x128xf32, #tpu.memory_space<vmem_shared>>
      tpu.wait_indirect_dma semaphore(%run_scoped3A : memref<!tpu.dma_semaphore, #tpu.memory_space<semaphore_mem>>) src(%arg6 : memref<80x128xf32, #tpu.memory_space<vmem>>) dst(%dma_wait3A_243 : memref<10000x128xf32, #tpu.memory_space<vmem_shared>>)
      tpu.yield
    }) : () -> ()
    %add3A_173 = arith.constant 9920 : i32
    %add3A_174 = arith.addi %mul3A_61, %add3A_173 : i32
    %multiple_of3A_175 = tpu.assume_multiple %add3A_174, 8 : i32
    %dma_wait3A_176 = arith.constant 0 : i32
    %dma_wait3A_177 = arith.constant 0 : i32
    %dma_wait3A_178 = tpu.memref_slice %arg2[%dma_wait3A_176, %dma_wait3A_177] : memref<10000x128xf32, #tpu.memory_space<hbm>> -> memref<10000x128xf32, #tpu.memory_space<hbm>>
    tpu.wait_indirect_dma semaphore(%arg10 : memref<!tpu.dma_semaphore, #tpu.memory_space<semaphore_mem>>) src(%dma_wait3A_178 : memref<10000x128xf32, #tpu.memory_space<hbm>>) dst(%arg7 : memref<80x128xf32, #tpu.memory_space<vmem>>)
    %dma_wait3A_179 = tpu.memref_slice %arg4[%multiple_of3A_175] : memref<320000xi32, #tpu.memory_space<hbm>> -> memref<80xi32, #tpu.memory_space<hbm>>
    %dma_wait3A_180 = tpu.memref_slice %arg4[%multiple_of3A_175] : memref<320000xi32, #tpu.memory_space<hbm>> -> memref<80xi32, #tpu.memory_space<hbm>>
    tpu.wait_dma2 semaphore(%arg24 : memref<!tpu.dma_semaphore, #tpu.memory_space<semaphore_mem>>) src(%dma_wait3A_180 : memref<80xi32, #tpu.memory_space<hbm>>) dst(%arg20 : memref<80xi32, #tpu.memory_space<vmem>>)
    "tpu.region"() ({
      %run_scoped3A = tpu.sem_alloc : memref<!tpu.dma_semaphore, #tpu.memory_space<semaphore_mem>>
      %dma_start3A_238 = arith.constant 0 : i32
      %dma_start3A_239 = arith.constant 0 : i32
      %dma_start3A_240 = tpu.memref_slice %arg28[%dma_start3A_238, %dma_start3A_239] : memref<10000x128xf32, #tpu.memory_space<vmem_shared>> -> memref<10000x128xf32, #tpu.memory_space<vmem_shared>>
      tpu.enqueue_indirect_dma source(%arg7 : memref<80x128xf32, #tpu.memory_space<vmem>>) target(%dma_start3A_240 : memref<10000x128xf32, #tpu.memory_space<vmem_shared>>) offsets(%arg20 : memref<80xi32, #tpu.memory_space<vmem>>) semaphore(%run_scoped3A : memref<!tpu.dma_semaphore, #tpu.memory_space<semaphore_mem>>) {add = true}
      %dma_wait3A_241 = arith.constant 0 : i32
      %dma_wait3A_242 = arith.constant 0 : i32
      %dma_wait3A_243 = tpu.memref_slice %arg28[%dma_wait3A_241, %dma_wait3A_242] : memref<10000x128xf32, #tpu.memory_space<vmem_shared>> -> memref<10000x128xf32, #tpu.memory_space<vmem_shared>>
      tpu.wait_indirect_dma semaphore(%run_scoped3A : memref<!tpu.dma_semaphore, #tpu.memory_space<semaphore_mem>>) src(%arg7 : memref<80x128xf32, #tpu.memory_space<vmem>>) dst(%dma_wait3A_243 : memref<10000x128xf32, #tpu.memory_space<vmem_shared>>)
      tpu.yield
    }) : () -> ()
    %barrier3A_181 = arith.constant 0 : index
    tpu.barrier barrier_id(%barrier3A_181)
    %add3A_182 = arith.constant 0 : i32
    %add3A_183 = arith.addi %arg1, %add3A_182 : i32
    %lt3A_184 = arith.constant 125 : i32
    %lt3A_185 = arith.cmpi slt, %add3A_183, %lt3A_184 : i32
    %convert_element_type3A_186 = arith.extui %lt3A_185 : i1 to i32
    %cond3A_187 = arith.constant 0 : i32
    %cond3A_188 = arith.cmpi ne, %convert_element_type3A_186, %cond3A_187 : i32
    scf.if %cond3A_188 {
      %mul3A_238 = arith.constant 80 : i32
      %mul3A_239 = arith.muli %add3A_183, %mul3A_238 : i32
      %multiple_of3A_240 = tpu.assume_multiple %mul3A_239, 8 : i32
      "tpu.region"() ({
        %run_scoped3A = tpu.sem_alloc : memref<!tpu.dma_semaphore, #tpu.memory_space<semaphore_mem>>
        %dma_start3A_241 = arith.constant 0 : i32
        %dma_start3A_242 = tpu.memref_slice %arg5[%arg0, %multiple_of3A_240, %dma_start3A_241] : memref<2x10000x128xf32, #tpu.memory_space<hbm>> -> memref<1x80x128xf32, #tpu.memory_space<hbm>>
        %dma_start3A_243 = tpu.memref_squeeze %dma_start3A_242 : memref<1x80x128xf32, #tpu.memory_space<hbm>> -> memref<80x128xf32, #tpu.memory_space<hbm>>
        %dma_start3A_244 = arith.constant 0 : i32
        %dma_start3A_245 = tpu.memref_slice %arg28[%multiple_of3A_240, %dma_start3A_244] : memref<10000x128xf32, #tpu.memory_space<vmem_shared>> -> memref<80x128xf32, #tpu.memory_space<vmem_shared>>
        tpu.enqueue_dma source(%dma_start3A_245 : memref<80x128xf32, #tpu.memory_space<vmem_shared>>) target(%dma_start3A_243 : memref<80x128xf32, #tpu.memory_space<hbm>>) target_semaphore(%run_scoped3A : memref<!tpu.dma_semaphore, #tpu.memory_space<semaphore_mem>>)
        %dma_wait3A_246 = arith.constant 0 : i32
        %dma_wait3A_247 = tpu.memref_slice %arg5[%arg0, %multiple_of3A_240, %dma_wait3A_246] : memref<2x10000x128xf32, #tpu.memory_space<hbm>> -> memref<1x80x128xf32, #tpu.memory_space<hbm>>
        %dma_wait3A_248 = tpu.memref_squeeze %dma_wait3A_247 : memref<1x80x128xf32, #tpu.memory_space<hbm>> -> memref<80x128xf32, #tpu.memory_space<hbm>>
        %dma_wait3A_249 = arith.constant 0 : i32
        %dma_wait3A_250 = tpu.memref_slice %arg28[%multiple_of3A_240, %dma_wait3A_249] : memref<10000x128xf32, #tpu.memory_space<vmem_shared>> -> memref<80x128xf32, #tpu.memory_space<vmem_shared>>
        tpu.wait_dma2 semaphore(%run_scoped3A : memref<!tpu.dma_semaphore, #tpu.memory_space<semaphore_mem>>) src(%dma_wait3A_250 : memref<80x128xf32, #tpu.memory_space<vmem_shared>>) dst(%dma_wait3A_248 : memref<80x128xf32, #tpu.memory_space<hbm>>)
        tpu.yield
      }) : () -> ()
    } else {
    }
    %add3A_189 = arith.constant 16 : i32
    %add3A_190 = arith.addi %arg1, %add3A_189 : i32
    %lt3A_191 = arith.constant 125 : i32
    %lt3A_192 = arith.cmpi slt, %add3A_190, %lt3A_191 : i32
    %convert_element_type3A_193 = arith.extui %lt3A_192 : i1 to i32
    %cond3A_194 = arith.constant 0 : i32
    %cond3A_195 = arith.cmpi ne, %convert_element_type3A_193, %cond3A_194 : i32
    scf.if %cond3A_195 {
      %mul3A_238 = arith.constant 80 : i32
      %mul3A_239 = arith.muli %add3A_190, %mul3A_238 : i32
      %multiple_of3A_240 = tpu.assume_multiple %mul3A_239, 8 : i32
      "tpu.region"() ({
        %run_scoped3A = tpu.sem_alloc : memref<!tpu.dma_semaphore, #tpu.memory_space<semaphore_mem>>
        %dma_start3A_241 = arith.constant 0 : i32
        %dma_start3A_242 = tpu.memref_slice %arg5[%arg0, %multiple_of3A_240, %dma_start3A_241] : memref<2x10000x128xf32, #tpu.memory_space<hbm>> -> memref<1x80x128xf32, #tpu.memory_space<hbm>>
        %dma_start3A_243 = tpu.memref_squeeze %dma_start3A_242 : memref<1x80x128xf32, #tpu.memory_space<hbm>> -> memref<80x128xf32, #tpu.memory_space<hbm>>
        %dma_start3A_244 = arith.constant 0 : i32
        %dma_start3A_245 = tpu.memref_slice %arg28[%multiple_of3A_240, %dma_start3A_244] : memref<10000x128xf32, #tpu.memory_space<vmem_shared>> -> memref<80x128xf32, #tpu.memory_space<vmem_shared>>
        tpu.enqueue_dma source(%dma_start3A_245 : memref<80x128xf32, #tpu.memory_space<vmem_shared>>) target(%dma_start3A_243 : memref<80x128xf32, #tpu.memory_space<hbm>>) target_semaphore(%run_scoped3A : memref<!tpu.dma_semaphore, #tpu.memory_space<semaphore_mem>>)
        %dma_wait3A_246 = arith.constant 0 : i32
        %dma_wait3A_247 = tpu.memref_slice %arg5[%arg0, %multiple_of3A_240, %dma_wait3A_246] : memref<2x10000x128xf32, #tpu.memory_space<hbm>> -> memref<1x80x128xf32, #tpu.memory_space<hbm>>
        %dma_wait3A_248 = tpu.memref_squeeze %dma_wait3A_247 : memref<1x80x128xf32, #tpu.memory_space<hbm>> -> memref<80x128xf32, #tpu.memory_space<hbm>>
        %dma_wait3A_249 = arith.constant 0 : i32
        %dma_wait3A_250 = tpu.memref_slice %arg28[%multiple_of3A_240, %dma_wait3A_249] : memref<10000x128xf32, #tpu.memory_space<vmem_shared>> -> memref<80x128xf32, #tpu.memory_space<vmem_shared>>
        tpu.wait_dma2 semaphore(%run_scoped3A : memref<!tpu.dma_semaphore, #tpu.memory_space<semaphore_mem>>) src(%dma_wait3A_250 : memref<80x128xf32, #tpu.memory_space<vmem_shared>>) dst(%dma_wait3A_248 : memref<80x128xf32, #tpu.memory_space<hbm>>)
        tpu.yield
      }) : () -> ()
    } else {
    }
    %add3A_196 = arith.constant 32 : i32
    %add3A_197 = arith.addi %arg1, %add3A_196 : i32
    %lt3A_198 = arith.constant 125 : i32
    %lt3A_199 = arith.cmpi slt, %add3A_197, %lt3A_198 : i32
    %convert_element_type3A_200 = arith.extui %lt3A_199 : i1 to i32
    %cond3A_201 = arith.constant 0 : i32
    %cond3A_202 = arith.cmpi ne, %convert_element_type3A_200, %cond3A_201 : i32
    scf.if %cond3A_202 {
      %mul3A_238 = arith.constant 80 : i32
      %mul3A_239 = arith.muli %add3A_197, %mul3A_238 : i32
      %multiple_of3A_240 = tpu.assume_multiple %mul3A_239, 8 : i32
      "tpu.region"() ({
        %run_scoped3A = tpu.sem_alloc : memref<!tpu.dma_semaphore, #tpu.memory_space<semaphore_mem>>
        %dma_start3A_241 = arith.constant 0 : i32
        %dma_start3A_242 = tpu.memref_slice %arg5[%arg0, %multiple_of3A_240, %dma_start3A_241] : memref<2x10000x128xf32, #tpu.memory_space<hbm>> -> memref<1x80x128xf32, #tpu.memory_space<hbm>>
        %dma_start3A_243 = tpu.memref_squeeze %dma_start3A_242 : memref<1x80x128xf32, #tpu.memory_space<hbm>> -> memref<80x128xf32, #tpu.memory_space<hbm>>
        %dma_start3A_244 = arith.constant 0 : i32
        %dma_start3A_245 = tpu.memref_slice %arg28[%multiple_of3A_240, %dma_start3A_244] : memref<10000x128xf32, #tpu.memory_space<vmem_shared>> -> memref<80x128xf32, #tpu.memory_space<vmem_shared>>
        tpu.enqueue_dma source(%dma_start3A_245 : memref<80x128xf32, #tpu.memory_space<vmem_shared>>) target(%dma_start3A_243 : memref<80x128xf32, #tpu.memory_space<hbm>>) target_semaphore(%run_scoped3A : memref<!tpu.dma_semaphore, #tpu.memory_space<semaphore_mem>>)
        %dma_wait3A_246 = arith.constant 0 : i32
        %dma_wait3A_247 = tpu.memref_slice %arg5[%arg0, %multiple_of3A_240, %dma_wait3A_246] : memref<2x10000x128xf32, #tpu.memory_space<hbm>> -> memref<1x80x128xf32, #tpu.memory_space<hbm>>
        %dma_wait3A_248 = tpu.memref_squeeze %dma_wait3A_247 : memref<1x80x128xf32, #tpu.memory_space<hbm>> -> memref<80x128xf32, #tpu.memory_space<hbm>>
        %dma_wait3A_249 = arith.constant 0 : i32
        %dma_wait3A_250 = tpu.memref_slice %arg28[%multiple_of3A_240, %dma_wait3A_249] : memref<10000x128xf32, #tpu.memory_space<vmem_shared>> -> memref<80x128xf32, #tpu.memory_space<vmem_shared>>
        tpu.wait_dma2 semaphore(%run_scoped3A : memref<!tpu.dma_semaphore, #tpu.memory_space<semaphore_mem>>) src(%dma_wait3A_250 : memref<80x128xf32, #tpu.memory_space<vmem_shared>>) dst(%dma_wait3A_248 : memref<80x128xf32, #tpu.memory_space<hbm>>)
        tpu.yield
      }) : () -> ()
    } else {
    }
    %add3A_203 = arith.constant 48 : i32
    %add3A_204 = arith.addi %arg1, %add3A_203 : i32
    %lt3A_205 = arith.constant 125 : i32
    %lt3A_206 = arith.cmpi slt, %add3A_204, %lt3A_205 : i32
    %convert_element_type3A_207 = arith.extui %lt3A_206 : i1 to i32
    %cond3A_208 = arith.constant 0 : i32
    %cond3A_209 = arith.cmpi ne, %convert_element_type3A_207, %cond3A_208 : i32
    scf.if %cond3A_209 {
      %mul3A_238 = arith.constant 80 : i32
      %mul3A_239 = arith.muli %add3A_204, %mul3A_238 : i32
      %multiple_of3A_240 = tpu.assume_multiple %mul3A_239, 8 : i32
      "tpu.region"() ({
        %run_scoped3A = tpu.sem_alloc : memref<!tpu.dma_semaphore, #tpu.memory_space<semaphore_mem>>
        %dma_start3A_241 = arith.constant 0 : i32
        %dma_start3A_242 = tpu.memref_slice %arg5[%arg0, %multiple_of3A_240, %dma_start3A_241] : memref<2x10000x128xf32, #tpu.memory_space<hbm>> -> memref<1x80x128xf32, #tpu.memory_space<hbm>>
        %dma_start3A_243 = tpu.memref_squeeze %dma_start3A_242 : memref<1x80x128xf32, #tpu.memory_space<hbm>> -> memref<80x128xf32, #tpu.memory_space<hbm>>
        %dma_start3A_244 = arith.constant 0 : i32
        %dma_start3A_245 = tpu.memref_slice %arg28[%multiple_of3A_240, %dma_start3A_244] : memref<10000x128xf32, #tpu.memory_space<vmem_shared>> -> memref<80x128xf32, #tpu.memory_space<vmem_shared>>
        tpu.enqueue_dma source(%dma_start3A_245 : memref<80x128xf32, #tpu.memory_space<vmem_shared>>) target(%dma_start3A_243 : memref<80x128xf32, #tpu.memory_space<hbm>>) target_semaphore(%run_scoped3A : memref<!tpu.dma_semaphore, #tpu.memory_space<semaphore_mem>>)
        %dma_wait3A_246 = arith.constant 0 : i32
        %dma_wait3A_247 = tpu.memref_slice %arg5[%arg0, %multiple_of3A_240, %dma_wait3A_246] : memref<2x10000x128xf32, #tpu.memory_space<hbm>> -> memref<1x80x128xf32, #tpu.memory_space<hbm>>
        %dma_wait3A_248 = tpu.memref_squeeze %dma_wait3A_247 : memref<1x80x128xf32, #tpu.memory_space<hbm>> -> memref<80x128xf32, #tpu.memory_space<hbm>>
        %dma_wait3A_249 = arith.constant 0 : i32
        %dma_wait3A_250 = tpu.memref_slice %arg28[%multiple_of3A_240, %dma_wait3A_249] : memref<10000x128xf32, #tpu.memory_space<vmem_shared>> -> memref<80x128xf32, #tpu.memory_space<vmem_shared>>
        tpu.wait_dma2 semaphore(%run_scoped3A : memref<!tpu.dma_semaphore, #tpu.memory_space<semaphore_mem>>) src(%dma_wait3A_250 : memref<80x128xf32, #tpu.memory_space<vmem_shared>>) dst(%dma_wait3A_248 : memref<80x128xf32, #tpu.memory_space<hbm>>)
        tpu.yield
      }) : () -> ()
    } else {
    }
    %add3A_210 = arith.constant 64 : i32
    %add3A_211 = arith.addi %arg1, %add3A_210 : i32
    %lt3A_212 = arith.constant 125 : i32
    %lt3A_213 = arith.cmpi slt, %add3A_211, %lt3A_212 : i32
    %convert_element_type3A_214 = arith.extui %lt3A_213 : i1 to i32
    %cond3A_215 = arith.constant 0 : i32
    %cond3A_216 = arith.cmpi ne, %convert_element_type3A_214, %cond3A_215 : i32
    scf.if %cond3A_216 {
      %mul3A_238 = arith.constant 80 : i32
      %mul3A_239 = arith.muli %add3A_211, %mul3A_238 : i32
      %multiple_of3A_240 = tpu.assume_multiple %mul3A_239, 8 : i32
      "tpu.region"() ({
        %run_scoped3A = tpu.sem_alloc : memref<!tpu.dma_semaphore, #tpu.memory_space<semaphore_mem>>
        %dma_start3A_241 = arith.constant 0 : i32
        %dma_start3A_242 = tpu.memref_slice %arg5[%arg0, %multiple_of3A_240, %dma_start3A_241] : memref<2x10000x128xf32, #tpu.memory_space<hbm>> -> memref<1x80x128xf32, #tpu.memory_space<hbm>>
        %dma_start3A_243 = tpu.memref_squeeze %dma_start3A_242 : memref<1x80x128xf32, #tpu.memory_space<hbm>> -> memref<80x128xf32, #tpu.memory_space<hbm>>
        %dma_start3A_244 = arith.constant 0 : i32
        %dma_start3A_245 = tpu.memref_slice %arg28[%multiple_of3A_240, %dma_start3A_244] : memref<10000x128xf32, #tpu.memory_space<vmem_shared>> -> memref<80x128xf32, #tpu.memory_space<vmem_shared>>
        tpu.enqueue_dma source(%dma_start3A_245 : memref<80x128xf32, #tpu.memory_space<vmem_shared>>) target(%dma_start3A_243 : memref<80x128xf32, #tpu.memory_space<hbm>>) target_semaphore(%run_scoped3A : memref<!tpu.dma_semaphore, #tpu.memory_space<semaphore_mem>>)
        %dma_wait3A_246 = arith.constant 0 : i32
        %dma_wait3A_247 = tpu.memref_slice %arg5[%arg0, %multiple_of3A_240, %dma_wait3A_246] : memref<2x10000x128xf32, #tpu.memory_space<hbm>> -> memref<1x80x128xf32, #tpu.memory_space<hbm>>
        %dma_wait3A_248 = tpu.memref_squeeze %dma_wait3A_247 : memref<1x80x128xf32, #tpu.memory_space<hbm>> -> memref<80x128xf32, #tpu.memory_space<hbm>>
        %dma_wait3A_249 = arith.constant 0 : i32
        %dma_wait3A_250 = tpu.memref_slice %arg28[%multiple_of3A_240, %dma_wait3A_249] : memref<10000x128xf32, #tpu.memory_space<vmem_shared>> -> memref<80x128xf32, #tpu.memory_space<vmem_shared>>
        tpu.wait_dma2 semaphore(%run_scoped3A : memref<!tpu.dma_semaphore, #tpu.memory_space<semaphore_mem>>) src(%dma_wait3A_250 : memref<80x128xf32, #tpu.memory_space<vmem_shared>>) dst(%dma_wait3A_248 : memref<80x128xf32, #tpu.memory_space<hbm>>)
        tpu.yield
      }) : () -> ()
    } else {
    }
    %add3A_217 = arith.constant 80 : i32
    %add3A_218 = arith.addi %arg1, %add3A_217 : i32
    %lt3A_219 = arith.constant 125 : i32
    %lt3A_220 = arith.cmpi slt, %add3A_218, %lt3A_219 : i32
    %convert_element_type3A_221 = arith.extui %lt3A_220 : i1 to i32
    %cond3A_222 = arith.constant 0 : i32
    %cond3A_223 = arith.cmpi ne, %convert_element_type3A_221, %cond3A_222 : i32
    scf.if %cond3A_223 {
      %mul3A_238 = arith.constant 80 : i32
      %mul3A_239 = arith.muli %add3A_218, %mul3A_238 : i32
      %multiple_of3A_240 = tpu.assume_multiple %mul3A_239, 8 : i32
      "tpu.region"() ({
        %run_scoped3A = tpu.sem_alloc : memref<!tpu.dma_semaphore, #tpu.memory_space<semaphore_mem>>
        %dma_start3A_241 = arith.constant 0 : i32
        %dma_start3A_242 = tpu.memref_slice %arg5[%arg0, %multiple_of3A_240, %dma_start3A_241] : memref<2x10000x128xf32, #tpu.memory_space<hbm>> -> memref<1x80x128xf32, #tpu.memory_space<hbm>>
        %dma_start3A_243 = tpu.memref_squeeze %dma_start3A_242 : memref<1x80x128xf32, #tpu.memory_space<hbm>> -> memref<80x128xf32, #tpu.memory_space<hbm>>
        %dma_start3A_244 = arith.constant 0 : i32
        %dma_start3A_245 = tpu.memref_slice %arg28[%multiple_of3A_240, %dma_start3A_244] : memref<10000x128xf32, #tpu.memory_space<vmem_shared>> -> memref<80x128xf32, #tpu.memory_space<vmem_shared>>
        tpu.enqueue_dma source(%dma_start3A_245 : memref<80x128xf32, #tpu.memory_space<vmem_shared>>) target(%dma_start3A_243 : memref<80x128xf32, #tpu.memory_space<hbm>>) target_semaphore(%run_scoped3A : memref<!tpu.dma_semaphore, #tpu.memory_space<semaphore_mem>>)
        %dma_wait3A_246 = arith.constant 0 : i32
        %dma_wait3A_247 = tpu.memref_slice %arg5[%arg0, %multiple_of3A_240, %dma_wait3A_246] : memref<2x10000x128xf32, #tpu.memory_space<hbm>> -> memref<1x80x128xf32, #tpu.memory_space<hbm>>
        %dma_wait3A_248 = tpu.memref_squeeze %dma_wait3A_247 : memref<1x80x128xf32, #tpu.memory_space<hbm>> -> memref<80x128xf32, #tpu.memory_space<hbm>>
        %dma_wait3A_249 = arith.constant 0 : i32
        %dma_wait3A_250 = tpu.memref_slice %arg28[%multiple_of3A_240, %dma_wait3A_249] : memref<10000x128xf32, #tpu.memory_space<vmem_shared>> -> memref<80x128xf32, #tpu.memory_space<vmem_shared>>
        tpu.wait_dma2 semaphore(%run_scoped3A : memref<!tpu.dma_semaphore, #tpu.memory_space<semaphore_mem>>) src(%dma_wait3A_250 : memref<80x128xf32, #tpu.memory_space<vmem_shared>>) dst(%dma_wait3A_248 : memref<80x128xf32, #tpu.memory_space<hbm>>)
        tpu.yield
      }) : () -> ()
    } else {
    }
    %add3A_224 = arith.constant 96 : i32
    %add3A_225 = arith.addi %arg1, %add3A_224 : i32
    %lt3A_226 = arith.constant 125 : i32
    %lt3A_227 = arith.cmpi slt, %add3A_225, %lt3A_226 : i32
    %convert_element_type3A_228 = arith.extui %lt3A_227 : i1 to i32
    %cond3A_229 = arith.constant 0 : i32
    %cond3A_230 = arith.cmpi ne, %convert_element_type3A_228, %cond3A_229 : i32
    scf.if %cond3A_230 {
      %mul3A_238 = arith.constant 80 : i32
      %mul3A_239 = arith.muli %add3A_225, %mul3A_238 : i32
      %multiple_of3A_240 = tpu.assume_multiple %mul3A_239, 8 : i32
      "tpu.region"() ({
        %run_scoped3A = tpu.sem_alloc : memref<!tpu.dma_semaphore, #tpu.memory_space<semaphore_mem>>
        %dma_start3A_241 = arith.constant 0 : i32
        %dma_start3A_242 = tpu.memref_slice %arg5[%arg0, %multiple_of3A_240, %dma_start3A_241] : memref<2x10000x128xf32, #tpu.memory_space<hbm>> -> memref<1x80x128xf32, #tpu.memory_space<hbm>>
        %dma_start3A_243 = tpu.memref_squeeze %dma_start3A_242 : memref<1x80x128xf32, #tpu.memory_space<hbm>> -> memref<80x128xf32, #tpu.memory_space<hbm>>
        %dma_start3A_244 = arith.constant 0 : i32
        %dma_start3A_245 = tpu.memref_slice %arg28[%multiple_of3A_240, %dma_start3A_244] : memref<10000x128xf32, #tpu.memory_space<vmem_shared>> -> memref<80x128xf32, #tpu.memory_space<vmem_shared>>
        tpu.enqueue_dma source(%dma_start3A_245 : memref<80x128xf32, #tpu.memory_space<vmem_shared>>) target(%dma_start3A_243 : memref<80x128xf32, #tpu.memory_space<hbm>>) target_semaphore(%run_scoped3A : memref<!tpu.dma_semaphore, #tpu.memory_space<semaphore_mem>>)
        %dma_wait3A_246 = arith.constant 0 : i32
        %dma_wait3A_247 = tpu.memref_slice %arg5[%arg0, %multiple_of3A_240, %dma_wait3A_246] : memref<2x10000x128xf32, #tpu.memory_space<hbm>> -> memref<1x80x128xf32, #tpu.memory_space<hbm>>
        %dma_wait3A_248 = tpu.memref_squeeze %dma_wait3A_247 : memref<1x80x128xf32, #tpu.memory_space<hbm>> -> memref<80x128xf32, #tpu.memory_space<hbm>>
        %dma_wait3A_249 = arith.constant 0 : i32
        %dma_wait3A_250 = tpu.memref_slice %arg28[%multiple_of3A_240, %dma_wait3A_249] : memref<10000x128xf32, #tpu.memory_space<vmem_shared>> -> memref<80x128xf32, #tpu.memory_space<vmem_shared>>
        tpu.wait_dma2 semaphore(%run_scoped3A : memref<!tpu.dma_semaphore, #tpu.memory_space<semaphore_mem>>) src(%dma_wait3A_250 : memref<80x128xf32, #tpu.memory_space<vmem_shared>>) dst(%dma_wait3A_248 : memref<80x128xf32, #tpu.memory_space<hbm>>)
        tpu.yield
      }) : () -> ()
    } else {
    }
    %add3A_231 = arith.constant 112 : i32
    %add3A_232 = arith.addi %arg1, %add3A_231 : i32
    %lt3A_233 = arith.constant 125 : i32
    %lt3A_234 = arith.cmpi slt, %add3A_232, %lt3A_233 : i32
    %convert_element_type3A_235 = arith.extui %lt3A_234 : i1 to i32
    %cond3A_236 = arith.constant 0 : i32
    %cond3A_237 = arith.cmpi ne, %convert_element_type3A_235, %cond3A_236 : i32
    scf.if %cond3A_237 {
      %mul3A_238 = arith.constant 80 : i32
      %mul3A_239 = arith.muli %add3A_232, %mul3A_238 : i32
      %multiple_of3A_240 = tpu.assume_multiple %mul3A_239, 8 : i32
      "tpu.region"() ({
        %run_scoped3A = tpu.sem_alloc : memref<!tpu.dma_semaphore, #tpu.memory_space<semaphore_mem>>
        %dma_start3A_241 = arith.constant 0 : i32
        %dma_start3A_242 = tpu.memref_slice %arg5[%arg0, %multiple_of3A_240, %dma_start3A_241] : memref<2x10000x128xf32, #tpu.memory_space<hbm>> -> memref<1x80x128xf32, #tpu.memory_space<hbm>>
        %dma_start3A_243 = tpu.memref_squeeze %dma_start3A_242 : memref<1x80x128xf32, #tpu.memory_space<hbm>> -> memref<80x128xf32, #tpu.memory_space<hbm>>
        %dma_start3A_244 = arith.constant 0 : i32
        %dma_start3A_245 = tpu.memref_slice %arg28[%multiple_of3A_240, %dma_start3A_244] : memref<10000x128xf32, #tpu.memory_space<vmem_shared>> -> memref<80x128xf32, #tpu.memory_space<vmem_shared>>
        tpu.enqueue_dma source(%dma_start3A_245 : memref<80x128xf32, #tpu.memory_space<vmem_shared>>) target(%dma_start3A_243 : memref<80x128xf32, #tpu.memory_space<hbm>>) target_semaphore(%run_scoped3A : memref<!tpu.dma_semaphore, #tpu.memory_space<semaphore_mem>>)
        %dma_wait3A_246 = arith.constant 0 : i32
        %dma_wait3A_247 = tpu.memref_slice %arg5[%arg0, %multiple_of3A_240, %dma_wait3A_246] : memref<2x10000x128xf32, #tpu.memory_space<hbm>> -> memref<1x80x128xf32, #tpu.memory_space<hbm>>
        %dma_wait3A_248 = tpu.memref_squeeze %dma_wait3A_247 : memref<1x80x128xf32, #tpu.memory_space<hbm>> -> memref<80x128xf32, #tpu.memory_space<hbm>>
        %dma_wait3A_249 = arith.constant 0 : i32
        %dma_wait3A_250 = tpu.memref_slice %arg28[%multiple_of3A_240, %dma_wait3A_249] : memref<10000x128xf32, #tpu.memory_space<vmem_shared>> -> memref<80x128xf32, #tpu.memory_space<vmem_shared>>
        tpu.wait_dma2 semaphore(%run_scoped3A : memref<!tpu.dma_semaphore, #tpu.memory_space<semaphore_mem>>) src(%dma_wait3A_250 : memref<80x128xf32, #tpu.memory_space<vmem_shared>>) dst(%dma_wait3A_248 : memref<80x128xf32, #tpu.memory_space<hbm>>)
        tpu.yield
      }) : () -> ()
    } else {
    }
    return
  }
}

#map = affine_map<(d0, d1) -> (0, 0)>
#map1 = affine_map<(d0, d1) -> (0)>
#map2 = affine_map<(d0, d1) -> (0, 0, 0)>
module attributes {stable_mosaic.version = 14 : i64} {
  func.func @body(%arg0: i32, %arg1: i32, %arg2: memref<10000x128xf32, #tpu.memory_space<hbm>>, %arg3: memref<320000xi32, #tpu.memory_space<hbm>>, %arg4: memref<320000xi32, #tpu.memory_space<hbm>>, %arg5: memref<2x10000x128xf32, #tpu.memory_space<hbm>>, %arg6: memref<80x128xf32, #tpu.memory_space<vmem>>, %arg7: memref<80x128xf32, #tpu.memory_space<vmem>>, %arg8: memref<80x128xf32, #tpu.memory_space<vmem>>, %arg9: memref<!tpu.dma_semaphore, #tpu.memory_space<semaphore_mem>>, %arg10: memref<!tpu.dma_semaphore, #tpu.memory_space<semaphore_mem>>, %arg11: memref<!tpu.dma_semaphore, #tpu.memory_space<semaphore_mem>>, %arg12: memref<80xi32, #tpu.memory_space<vmem>>, %arg13: memref<80xi32, #tpu.memory_space<vmem>>, %arg14: memref<80xi32, #tpu.memory_space<vmem>>, %arg15: memref<80xi32, #tpu.memory_space<vmem>>, %arg16: memref<!tpu.dma_semaphore, #tpu.memory_space<semaphore_mem>>, %arg17: memref<!tpu.dma_semaphore, #tpu.memory_space<semaphore_mem>>, %arg18: memref<!tpu.dma_semaphore, #tpu.memory_space<semaphore_mem>>, %arg19: memref<!tpu.dma_semaphore, #tpu.memory_space<semaphore_mem>>, %arg20: memref<80xi32, #tpu.memory_space<vmem>>, %arg21: memref<80xi32, #tpu.memory_space<vmem>>, %arg22: memref<80xi32, #tpu.memory_space<vmem>>, %arg23: memref<80xi32, #tpu.memory_space<vmem>>, %arg24: memref<!tpu.dma_semaphore, #tpu.memory_space<semaphore_mem>>, %arg25: memref<!tpu.dma_semaphore, #tpu.memory_space<semaphore_mem>>, %arg26: memref<!tpu.dma_semaphore, #tpu.memory_space<semaphore_mem>>, %arg27: memref<!tpu.dma_semaphore, #tpu.memory_space<semaphore_mem>>, %arg28: memref<10000x128xf32, #tpu.memory_space<vmem_shared>>) attributes {dimension_semantics = [#tpu.dimension_semantics<core_parallel>, #tpu.dimension_semantics<subcore_parallel>], iteration_bounds = array<i64: 2, 16>, scalar_prefetch = 0 : i64, scratch_operands = 23 : i64, tpu.core_type = #tpu.core_type<sc_vector_subcore>, window_params = [{transform_indices = #map}, {transform_indices = #map1}, {transform_indices = #map1}, {transform_indices = #map2}]} {
    %mul3A = arith.constant 2 : i32
    %mul3A_0 = arith.muli %arg1, %mul3A : i32
    %add3A = arith.addi %mul3A_0, %arg0 : i32
    %scan3A = arith.constant 0 : i32
    %scan3A_1 = arith.constant 0 : i32
    %scan3A_2 = arith.constant 80 : i32
    %scan3A_3 = arith.addi %scan3A_1, %scan3A_2 : i32
    %scan3A_4 = arith.constant 1 : i32
    %scan3A_5 = scf.for %scan3A_238 = %scan3A_1 to %scan3A_3 step %scan3A_4 iter_args(%scan3A_239 = %scan3A) -> (i32)  : i32 {
      %broadcast_in_dim3A = arith.constant 0.000000e+00 : f32
      %broadcast_in_dim3A_240 = vector.broadcast %broadcast_in_dim3A : f32 to vector<16xf32>
      %swap3A = arith.index_cast %scan3A_238 : i32 to index
      %swap3A_241 = arith.constant 0 : index
      %swap3A_242 = tpu.vector_load %arg6[%swap3A, %swap3A_241] {strides = array<i32>} : memref<80x128xf32, #tpu.memory_space<vmem>>, vector<1x16xf32>,
      %swap3A_243 = vector.shape_cast %swap3A_242 : vector<1x16xf32> to vector<16xf32>
      %swap3A_244 = vector.shape_cast %broadcast_in_dim3A_240 : vector<16xf32> to vector<1x16xf32>
      tpu.vector_store %arg6[%swap3A, %swap3A_241], %swap3A_244 {strides = array<i32>} : memref<80x128xf32, #tpu.memory_space<vmem>>, vector<1x16xf32>,
      %broadcast_in_dim3A_245 = arith.constant 0.000000e+00 : f32
      %broadcast_in_dim3A_246 = vector.broadcast %broadcast_in_dim3A_245 : f32 to vector<16xf32>
      %swap3A_247 = arith.index_cast %scan3A_238 : i32 to index
      %swap3A_248 = arith.constant 16 : index
      %swap3A_249 = tpu.vector_load %arg6[%swap3A_247, %swap3A_248] {strides = array<i32>} : memref<80x128xf32, #tpu.memory_space<vmem>>, vector<1x16xf32>,
      %swap3A_250 = vector.shape_cast %swap3A_249 : vector<1x16xf32> to vector<16xf32>
      %swap3A_251 = vector.shape_cast %broadcast_in_dim3A_246 : vector<16xf32> to vector<1x16xf32>
      tpu.vector_store %arg6[%swap3A_247, %swap3A_248], %swap3A_251 {strides = array<i32>} : memref<80x128xf32, #tpu.memory_space<vmem>>, vector<1x16xf32>,
      %broadcast_in_dim3A_252 = arith.constant 0.000000e+00 : f32
      %broadcast_in_dim3A_253 = vector.broadcast %broadcast_in_dim3A_252 : f32 to vector<16xf32>
      %swap3A_254 = arith.index_cast %scan3A_238 : i32 to index
      %swap3A_255 = arith.constant 32 : index
      %swap3A_256 = tpu.vector_load %arg6[%swap3A_254, %swap3A_255] {strides = array<i32>} : memref<80x128xf32, #tpu.memory_space<vmem>>, vector<1x16xf32>,
      %swap3A_257 = vector.shape_cast %swap3A_256 : vector<1x16xf32> to vector<16xf32>
      %swap3A_258 = vector.shape_cast %broadcast_in_dim3A_253 : vector<16xf32> to vector<1x16xf32>
      tpu.vector_store %arg6[%swap3A_254, %swap3A_255], %swap3A_258 {strides = array<i32>} : memref<80x128xf32, #tpu.memory_space<vmem>>, vector<1x16xf32>,
      %broadcast_in_dim3A_259 = arith.constant 0.000000e+00 : f32
      %broadcast_in_dim3A_260 = vector.broadcast %broadcast_in_dim3A_259 : f32 to vector<16xf32>
      %swap3A_261 = arith.index_cast %scan3A_238 : i32 to index
      %swap3A_262 = arith.constant 48 : index
      %swap3A_263 = tpu.vector_load %arg6[%swap3A_261, %swap3A_262] {strides = array<i32>} : memref<80x128xf32, #tpu.memory_space<vmem>>, vector<1x16xf32>,
      %swap3A_264 = vector.shape_cast %swap3A_263 : vector<1x16xf32> to vector<16xf32>
      %swap3A_265 = vector.shape_cast %broadcast_in_dim3A_260 : vector<16xf32> to vector<1x16xf32>
      tpu.vector_store %arg6[%swap3A_261, %swap3A_262], %swap3A_265 {strides = array<i32>} : memref<80x128xf32, #tpu.memory_space<vmem>>, vector<1x16xf32>,
      %broadcast_in_dim3A_266 = arith.constant 0.000000e+00 : f32
      %broadcast_in_dim3A_267 = vector.broadcast %broadcast_in_dim3A_266 : f32 to vector<16xf32>
      %swap3A_268 = arith.index_cast %scan3A_238 : i32 to index
      %swap3A_269 = arith.constant 64 : index
      %swap3A_270 = tpu.vector_load %arg6[%swap3A_268, %swap3A_269] {strides = array<i32>} : memref<80x128xf32, #tpu.memory_space<vmem>>, vector<1x16xf32>,
      %swap3A_271 = vector.shape_cast %swap3A_270 : vector<1x16xf32> to vector<16xf32>
      %swap3A_272 = vector.shape_cast %broadcast_in_dim3A_267 : vector<16xf32> to vector<1x16xf32>
      tpu.vector_store %arg6[%swap3A_268, %swap3A_269], %swap3A_272 {strides = array<i32>} : memref<80x128xf32, #tpu.memory_space<vmem>>, vector<1x16xf32>,
      %broadcast_in_dim3A_273 = arith.constant 0.000000e+00 : f32
      %broadcast_in_dim3A_274 = vector.broadcast %broadcast_in_dim3A_273 : f32 to vector<16xf32>
      %swap3A_275 = arith.index_cast %scan3A_238 : i32 to index
      %swap3A_276 = arith.constant 80 : index
      %swap3A_277 = tpu.vector_load %arg6[%swap3A_275, %swap3A_276] {strides = array<i32>} : memref<80x128xf32, #tpu.memory_space<vmem>>, vector<1x16xf32>,
      %swap3A_278 = vector.shape_cast %swap3A_277 : vector<1x16xf32> to vector<16xf32>
      %swap3A_279 = vector.shape_cast %broadcast_in_dim3A_274 : vector<16xf32> to vector<1x16xf32>
      tpu.vector_store %arg6[%swap3A_275, %swap3A_276], %swap3A_279 {strides = array<i32>} : memref<80x128xf32, #tpu.memory_space<vmem>>, vector<1x16xf32>,
      %broadcast_in_dim3A_280 = arith.constant 0.000000e+00 : f32
      %broadcast_in_dim3A_281 = vector.broadcast %broadcast_in_dim3A_280 : f32 to vector<16xf32>
      %swap3A_282 = arith.index_cast %scan3A_238 : i32 to index
      %swap3A_283 = arith.constant 96 : index
      %swap3A_284 = tpu.vector_load %arg6[%swap3A_282, %swap3A_283] {strides = array<i32>} : memref<80x128xf32, #tpu.memory_space<vmem>>, vector<1x16xf32>,
      %swap3A_285 = vector.shape_cast %swap3A_284 : vector<1x16xf32> to vector<16xf32>
      %swap3A_286 = vector.shape_cast %broadcast_in_dim3A_281 : vector<16xf32> to vector<1x16xf32>
      tpu.vector_store %arg6[%swap3A_282, %swap3A_283], %swap3A_286 {strides = array<i32>} : memref<80x128xf32, #tpu.memory_space<vmem>>, vector<1x16xf32>,
      %broadcast_in_dim3A_287 = arith.constant 0.000000e+00 : f32
      %broadcast_in_dim3A_288 = vector.broadcast %broadcast_in_dim3A_287 : f32 to vector<16xf32>
      %swap3A_289 = arith.index_cast %scan3A_238 : i32 to index
      %swap3A_290 = arith.constant 112 : index
      %swap3A_291 = tpu.vector_load %arg6[%swap3A_289, %swap3A_290] {strides = array<i32>} : memref<80x128xf32, #tpu.memory_space<vmem>>, vector<1x16xf32>,
      %swap3A_292 = vector.shape_cast %swap3A_291 : vector<1x16xf32> to vector<16xf32>
      %swap3A_293 = vector.shape_cast %broadcast_in_dim3A_288 : vector<16xf32> to vector<1x16xf32>
      tpu.vector_store %arg6[%swap3A_289, %swap3A_290], %swap3A_293 {strides = array<i32>} : memref<80x128xf32, #tpu.memory_space<vmem>>, vector<1x16xf32>,
      %scan3A_294 = arith.constant 0 : i32
      scf.yield %scan3A_294 : i32
    }
    %scan3A_6 = arith.constant 80 : i32
    %add3A_7 = arith.constant 0 : i32
    %add3A_8 = arith.addi %arg1, %add3A_7 : i32
    %lt3A = arith.constant 125 : i32
    %lt3A_9 = arith.cmpi slt, %add3A_8, %lt3A : i32
    %convert_element_type3A = arith.extui %lt3A_9 : i1 to i32
    %cond3A = arith.constant 0 : i32
    %cond3A_10 = arith.cmpi ne, %convert_element_type3A, %cond3A : i32
    scf.if %cond3A_10 {
      %mul3A_238 = arith.constant 80 : i32
      %mul3A_239 = arith.muli %add3A_8, %mul3A_238 : i32
      %multiple_of3A_240 = tpu.assume_multiple %mul3A_239, 8 : i32
      "tpu.region"() ({
        %run_scoped3A = tpu.sem_alloc : memref<!tpu.dma_semaphore, #tpu.memory_space<semaphore_mem>>
        %dma_start3A_241 = arith.constant 0 : i32
        %dma_start3A_242 = tpu.memref_slice %arg28[%multiple_of3A_240, %dma_start3A_241] : memref<10000x128xf32, #tpu.memory_space<vmem_shared>> -> memref<80x128xf32, #tpu.memory_space<vmem_shared>>
        %dma_start3A_243 = arith.constant 0 : i32
        %dma_start3A_244 = tpu.memref_slice %arg28[%multiple_of3A_240, %dma_start3A_243] : memref<10000x128xf32, #tpu.memory_space<vmem_shared>> -> memref<80x128xf32, #tpu.memory_space<vmem_shared>>
        tpu.enqueue_dma source(%arg6 : memref<80x128xf32, #tpu.memory_space<vmem>>) target(%dma_start3A_244 : memref<80x128xf32, #tpu.memory_space<vmem_shared>>) target_semaphore(%run_scoped3A : memref<!tpu.dma_semaphore, #tpu.memory_space<semaphore_mem>>)
        %dma_wait3A_245 = arith.constant 0 : i32
        %dma_wait3A_246 = tpu.memref_slice %arg28[%multiple_of3A_240, %dma_wait3A_245] : memref<10000x128xf32, #tpu.memory_space<vmem_shared>> -> memref<80x128xf32, #tpu.memory_space<vmem_shared>>
        %dma_wait3A_247 = arith.constant 0 : i32
        %dma_wait3A_248 = tpu.memref_slice %arg28[%multiple_of3A_240, %dma_wait3A_247] : memref<10000x128xf32, #tpu.memory_space<vmem_shared>> -> memref<80x128xf32, #tpu.memory_space<vmem_shared>>
        tpu.wait_dma2 semaphore(%run_scoped3A : memref<!tpu.dma_semaphore, #tpu.memory_space<semaphore_mem>>) src(%arg6 : memref<80x128xf32, #tpu.memory_space<vmem>>) dst(%dma_wait3A_248 : memref<80x128xf32, #tpu.memory_space<vmem_shared>>)
        tpu.yield
      }) : () -> ()
    } else {
    }
    %add3A_11 = arith.constant 16 : i32
    %add3A_12 = arith.addi %arg1, %add3A_11 : i32
    %lt3A_13 = arith.constant 125 : i32
    %lt3A_14 = arith.cmpi slt, %add3A_12, %lt3A_13 : i32
    %convert_element_type3A_15 = arith.extui %lt3A_14 : i1 to i32
    %cond3A_16 = arith.constant 0 : i32
    %cond3A_17 = arith.cmpi ne, %convert_element_type3A_15, %cond3A_16 : i32
    scf.if %cond3A_17 {
      %mul3A_238 = arith.constant 80 : i32
      %mul3A_239 = arith.muli %add3A_12, %mul3A_238 : i32
      %multiple_of3A_240 = tpu.assume_multiple %mul3A_239, 8 : i32
      "tpu.region"() ({
        %run_scoped3A = tpu.sem_alloc : memref<!tpu.dma_semaphore, #tpu.memory_space<semaphore_mem>>
        %dma_start3A_241 = arith.constant 0 : i32
        %dma_start3A_242 = tpu.memref_slice %arg28[%multiple_of3A_240, %dma_start3A_241] : memref<10000x128xf32, #tpu.memory_space<vmem_shared>> -> memref<80x128xf32, #tpu.memory_space<vmem_shared>>
        %dma_start3A_243 = arith.constant 0 : i32
        %dma_start3A_244 = tpu.memref_slice %arg28[%multiple_of3A_240, %dma_start3A_243] : memref<10000x128xf32, #tpu.memory_space<vmem_shared>> -> memref<80x128xf32, #tpu.memory_space<vmem_shared>>
        tpu.enqueue_dma source(%arg6 : memref<80x128xf32, #tpu.memory_space<vmem>>) target(%dma_start3A_244 : memref<80x128xf32, #tpu.memory_space<vmem_shared>>) target_semaphore(%run_scoped3A : memref<!tpu.dma_semaphore, #tpu.memory_space<semaphore_mem>>)
        %dma_wait3A_245 = arith.constant 0 : i32
        %dma_wait3A_246 = tpu.memref_slice %arg28[%multiple_of3A_240, %dma_wait3A_245] : memref<10000x128xf32, #tpu.memory_space<vmem_shared>> -> memref<80x128xf32, #tpu.memory_space<vmem_shared>>
        %dma_wait3A_247 = arith.constant 0 : i32
        %dma_wait3A_248 = tpu.memref_slice %arg28[%multiple_of3A_240, %dma_wait3A_247] : memref<10000x128xf32, #tpu.memory_space<vmem_shared>> -> memref<80x128xf32, #tpu.memory_space<vmem_shared>>
        tpu.wait_dma2 semaphore(%run_scoped3A : memref<!tpu.dma_semaphore, #tpu.memory_space<semaphore_mem>>) src(%arg6 : memref<80x128xf32, #tpu.memory_space<vmem>>) dst(%dma_wait3A_248 : memref<80x128xf32, #tpu.memory_space<vmem_shared>>)
        tpu.yield
      }) : () -> ()
    } else {
    }
    %add3A_18 = arith.constant 32 : i32
    %add3A_19 = arith.addi %arg1, %add3A_18 : i32
    %lt3A_20 = arith.constant 125 : i32
    %lt3A_21 = arith.cmpi slt, %add3A_19, %lt3A_20 : i32
    %convert_element_type3A_22 = arith.extui %lt3A_21 : i1 to i32
    %cond3A_23 = arith.constant 0 : i32
    %cond3A_24 = arith.cmpi ne, %convert_element_type3A_22, %cond3A_23 : i32
    scf.if %cond3A_24 {
      %mul3A_238 = arith.constant 80 : i32
      %mul3A_239 = arith.muli %add3A_19, %mul3A_238 : i32
      %multiple_of3A_240 = tpu.assume_multiple %mul3A_239, 8 : i32
      "tpu.region"() ({
        %run_scoped3A = tpu.sem_alloc : memref<!tpu.dma_semaphore, #tpu.memory_space<semaphore_mem>>
        %dma_start3A_241 = arith.constant 0 : i32
        %dma_start3A_242 = tpu.memref_slice %arg28[%multiple_of3A_240, %dma_start3A_241] : memref<10000x128xf32, #tpu.memory_space<vmem_shared>> -> memref<80x128xf32, #tpu.memory_space<vmem_shared>>
        %dma_start3A_243 = arith.constant 0 : i32
        %dma_start3A_244 = tpu.memref_slice %arg28[%multiple_of3A_240, %dma_start3A_243] : memref<10000x128xf32, #tpu.memory_space<vmem_shared>> -> memref<80x128xf32, #tpu.memory_space<vmem_shared>>
        tpu.enqueue_dma source(%arg6 : memref<80x128xf32, #tpu.memory_space<vmem>>) target(%dma_start3A_244 : memref<80x128xf32, #tpu.memory_space<vmem_shared>>) target_semaphore(%run_scoped3A : memref<!tpu.dma_semaphore, #tpu.memory_space<semaphore_mem>>)
        %dma_wait3A_245 = arith.constant 0 : i32
        %dma_wait3A_246 = tpu.memref_slice %arg28[%multiple_of3A_240, %dma_wait3A_245] : memref<10000x128xf32, #tpu.memory_space<vmem_shared>> -> memref<80x128xf32, #tpu.memory_space<vmem_shared>>
        %dma_wait3A_247 = arith.constant 0 : i32
        %dma_wait3A_248 = tpu.memref_slice %arg28[%multiple_of3A_240, %dma_wait3A_247] : memref<10000x128xf32, #tpu.memory_space<vmem_shared>> -> memref<80x128xf32, #tpu.memory_space<vmem_shared>>
        tpu.wait_dma2 semaphore(%run_scoped3A : memref<!tpu.dma_semaphore, #tpu.memory_space<semaphore_mem>>) src(%arg6 : memref<80x128xf32, #tpu.memory_space<vmem>>) dst(%dma_wait3A_248 : memref<80x128xf32, #tpu.memory_space<vmem_shared>>)
        tpu.yield
      }) : () -> ()
    } else {
    }
    %add3A_25 = arith.constant 48 : i32
    %add3A_26 = arith.addi %arg1, %add3A_25 : i32
    %lt3A_27 = arith.constant 125 : i32
    %lt3A_28 = arith.cmpi slt, %add3A_26, %lt3A_27 : i32
    %convert_element_type3A_29 = arith.extui %lt3A_28 : i1 to i32
    %cond3A_30 = arith.constant 0 : i32
    %cond3A_31 = arith.cmpi ne, %convert_element_type3A_29, %cond3A_30 : i32
    scf.if %cond3A_31 {
      %mul3A_238 = arith.constant 80 : i32
      %mul3A_239 = arith.muli %add3A_26, %mul3A_238 : i32
      %multiple_of3A_240 = tpu.assume_multiple %mul3A_239, 8 : i32
      "tpu.region"() ({
        %run_scoped3A = tpu.sem_alloc : memref<!tpu.dma_semaphore, #tpu.memory_space<semaphore_mem>>
        %dma_start3A_241 = arith.constant 0 : i32
        %dma_start3A_242 = tpu.memref_slice %arg28[%multiple_of3A_240, %dma_start3A_241] : memref<10000x128xf32, #tpu.memory_space<vmem_shared>> -> memref<80x128xf32, #tpu.memory_space<vmem_shared>>
        %dma_start3A_243 = arith.constant 0 : i32
        %dma_start3A_244 = tpu.memref_slice %arg28[%multiple_of3A_240, %dma_start3A_243] : memref<10000x128xf32, #tpu.memory_space<vmem_shared>> -> memref<80x128xf32, #tpu.memory_space<vmem_shared>>
        tpu.enqueue_dma source(%arg6 : memref<80x128xf32, #tpu.memory_space<vmem>>) target(%dma_start3A_244 : memref<80x128xf32, #tpu.memory_space<vmem_shared>>) target_semaphore(%run_scoped3A : memref<!tpu.dma_semaphore, #tpu.memory_space<semaphore_mem>>)
        %dma_wait3A_245 = arith.constant 0 : i32
        %dma_wait3A_246 = tpu.memref_slice %arg28[%multiple_of3A_240, %dma_wait3A_245] : memref<10000x128xf32, #tpu.memory_space<vmem_shared>> -> memref<80x128xf32, #tpu.memory_space<vmem_shared>>
        %dma_wait3A_247 = arith.constant 0 : i32
        %dma_wait3A_248 = tpu.memref_slice %arg28[%multiple_of3A_240, %dma_wait3A_247] : memref<10000x128xf32, #tpu.memory_space<vmem_shared>> -> memref<80x128xf32, #tpu.memory_space<vmem_shared>>
        tpu.wait_dma2 semaphore(%run_scoped3A : memref<!tpu.dma_semaphore, #tpu.memory_space<semaphore_mem>>) src(%arg6 : memref<80x128xf32, #tpu.memory_space<vmem>>) dst(%dma_wait3A_248 : memref<80x128xf32, #tpu.memory_space<vmem_shared>>)
        tpu.yield
      }) : () -> ()
    } else {
    }
    %add3A_32 = arith.constant 64 : i32
    %add3A_33 = arith.addi %arg1, %add3A_32 : i32
    %lt3A_34 = arith.constant 125 : i32
    %lt3A_35 = arith.cmpi slt, %add3A_33, %lt3A_34 : i32
    %convert_element_type3A_36 = arith.extui %lt3A_35 : i1 to i32
    %cond3A_37 = arith.constant 0 : i32
    %cond3A_38 = arith.cmpi ne, %convert_element_type3A_36, %cond3A_37 : i32
    scf.if %cond3A_38 {
      %mul3A_238 = arith.constant 80 : i32
      %mul3A_239 = arith.muli %add3A_33, %mul3A_238 : i32
      %multiple_of3A_240 = tpu.assume_multiple %mul3A_239, 8 : i32
      "tpu.region"() ({
        %run_scoped3A = tpu.sem_alloc : memref<!tpu.dma_semaphore, #tpu.memory_space<semaphore_mem>>
        %dma_start3A_241 = arith.constant 0 : i32
        %dma_start3A_242 = tpu.memref_slice %arg28[%multiple_of3A_240, %dma_start3A_241] : memref<10000x128xf32, #tpu.memory_space<vmem_shared>> -> memref<80x128xf32, #tpu.memory_space<vmem_shared>>
        %dma_start3A_243 = arith.constant 0 : i32
        %dma_start3A_244 = tpu.memref_slice %arg28[%multiple_of3A_240, %dma_start3A_243] : memref<10000x128xf32, #tpu.memory_space<vmem_shared>> -> memref<80x128xf32, #tpu.memory_space<vmem_shared>>
        tpu.enqueue_dma source(%arg6 : memref<80x128xf32, #tpu.memory_space<vmem>>) target(%dma_start3A_244 : memref<80x128xf32, #tpu.memory_space<vmem_shared>>) target_semaphore(%run_scoped3A : memref<!tpu.dma_semaphore, #tpu.memory_space<semaphore_mem>>)
        %dma_wait3A_245 = arith.constant 0 : i32
        %dma_wait3A_246 = tpu.memref_slice %arg28[%multiple_of3A_240, %dma_wait3A_245] : memref<10000x128xf32, #tpu.memory_space<vmem_shared>> -> memref<80x128xf32, #tpu.memory_space<vmem_shared>>
        %dma_wait3A_247 = arith.constant 0 : i32
        %dma_wait3A_248 = tpu.memref_slice %arg28[%multiple_of3A_240, %dma_wait3A_247] : memref<10000x128xf32, #tpu.memory_space<vmem_shared>> -> memref<80x128xf32, #tpu.memory_space<vmem_shared>>
        tpu.wait_dma2 semaphore(%run_scoped3A : memref<!tpu.dma_semaphore, #tpu.memory_space<semaphore_mem>>) src(%arg6 : memref<80x128xf32, #tpu.memory_space<vmem>>) dst(%dma_wait3A_248 : memref<80x128xf32, #tpu.memory_space<vmem_shared>>)
        tpu.yield
      }) : () -> ()
    } else {
    }
    %add3A_39 = arith.constant 80 : i32
    %add3A_40 = arith.addi %arg1, %add3A_39 : i32
    %lt3A_41 = arith.constant 125 : i32
    %lt3A_42 = arith.cmpi slt, %add3A_40, %lt3A_41 : i32
    %convert_element_type3A_43 = arith.extui %lt3A_42 : i1 to i32
    %cond3A_44 = arith.constant 0 : i32
    %cond3A_45 = arith.cmpi ne, %convert_element_type3A_43, %cond3A_44 : i32
    scf.if %cond3A_45 {
      %mul3A_238 = arith.constant 80 : i32
      %mul3A_239 = arith.muli %add3A_40, %mul3A_238 : i32
      %multiple_of3A_240 = tpu.assume_multiple %mul3A_239, 8 : i32
      "tpu.region"() ({
        %run_scoped3A = tpu.sem_alloc : memref<!tpu.dma_semaphore, #tpu.memory_space<semaphore_mem>>
        %dma_start3A_241 = arith.constant 0 : i32
        %dma_start3A_242 = tpu.memref_slice %arg28[%multiple_of3A_240, %dma_start3A_241] : memref<10000x128xf32, #tpu.memory_space<vmem_shared>> -> memref<80x128xf32, #tpu.memory_space<vmem_shared>>
        %dma_start3A_243 = arith.constant 0 : i32
        %dma_start3A_244 = tpu.memref_slice %arg28[%multiple_of3A_240, %dma_start3A_243] : memref<10000x128xf32, #tpu.memory_space<vmem_shared>> -> memref<80x128xf32, #tpu.memory_space<vmem_shared>>
        tpu.enqueue_dma source(%arg6 : memref<80x128xf32, #tpu.memory_space<vmem>>) target(%dma_start3A_244 : memref<80x128xf32, #tpu.memory_space<vmem_shared>>) target_semaphore(%run_scoped3A : memref<!tpu.dma_semaphore, #tpu.memory_space<semaphore_mem>>)
        %dma_wait3A_245 = arith.constant 0 : i32
        %dma_wait3A_246 = tpu.memref_slice %arg28[%multiple_of3A_240, %dma_wait3A_245] : memref<10000x128xf32, #tpu.memory_space<vmem_shared>> -> memref<80x128xf32, #tpu.memory_space<vmem_shared>>
        %dma_wait3A_247 = arith.constant 0 : i32
        %dma_wait3A_248 = tpu.memref_slice %arg28[%multiple_of3A_240, %dma_wait3A_247] : memref<10000x128xf32, #tpu.memory_space<vmem_shared>> -> memref<80x128xf32, #tpu.memory_space<vmem_shared>>
        tpu.wait_dma2 semaphore(%run_scoped3A : memref<!tpu.dma_semaphore, #tpu.memory_space<semaphore_mem>>) src(%arg6 : memref<80x128xf32, #tpu.memory_space<vmem>>) dst(%dma_wait3A_248 : memref<80x128xf32, #tpu.memory_space<vmem_shared>>)
        tpu.yield
      }) : () -> ()
    } else {
    }
    %add3A_46 = arith.constant 96 : i32
    %add3A_47 = arith.addi %arg1, %add3A_46 : i32
    %lt3A_48 = arith.constant 125 : i32
    %lt3A_49 = arith.cmpi slt, %add3A_47, %lt3A_48 : i32
    %convert_element_type3A_50 = arith.extui %lt3A_49 : i1 to i32
    %cond3A_51 = arith.constant 0 : i32
    %cond3A_52 = arith.cmpi ne, %convert_element_type3A_50, %cond3A_51 : i32
    scf.if %cond3A_52 {
      %mul3A_238 = arith.constant 80 : i32
      %mul3A_239 = arith.muli %add3A_47, %mul3A_238 : i32
      %multiple_of3A_240 = tpu.assume_multiple %mul3A_239, 8 : i32
      "tpu.region"() ({
        %run_scoped3A = tpu.sem_alloc : memref<!tpu.dma_semaphore, #tpu.memory_space<semaphore_mem>>
        %dma_start3A_241 = arith.constant 0 : i32
        %dma_start3A_242 = tpu.memref_slice %arg28[%multiple_of3A_240, %dma_start3A_241] : memref<10000x128xf32, #tpu.memory_space<vmem_shared>> -> memref<80x128xf32, #tpu.memory_space<vmem_shared>>
        %dma_start3A_243 = arith.constant 0 : i32
        %dma_start3A_244 = tpu.memref_slice %arg28[%multiple_of3A_240, %dma_start3A_243] : memref<10000x128xf32, #tpu.memory_space<vmem_shared>> -> memref<80x128xf32, #tpu.memory_space<vmem_shared>>
        tpu.enqueue_dma source(%arg6 : memref<80x128xf32, #tpu.memory_space<vmem>>) target(%dma_start3A_244 : memref<80x128xf32, #tpu.memory_space<vmem_shared>>) target_semaphore(%run_scoped3A : memref<!tpu.dma_semaphore, #tpu.memory_space<semaphore_mem>>)
        %dma_wait3A_245 = arith.constant 0 : i32
        %dma_wait3A_246 = tpu.memref_slice %arg28[%multiple_of3A_240, %dma_wait3A_245] : memref<10000x128xf32, #tpu.memory_space<vmem_shared>> -> memref<80x128xf32, #tpu.memory_space<vmem_shared>>
        %dma_wait3A_247 = arith.constant 0 : i32
        %dma_wait3A_248 = tpu.memref_slice %arg28[%multiple_of3A_240, %dma_wait3A_247] : memref<10000x128xf32, #tpu.memory_space<vmem_shared>> -> memref<80x128xf32, #tpu.memory_space<vmem_shared>>
        tpu.wait_dma2 semaphore(%run_scoped3A : memref<!tpu.dma_semaphore, #tpu.memory_space<semaphore_mem>>) src(%arg6 : memref<80x128xf32, #tpu.memory_space<vmem>>) dst(%dma_wait3A_248 : memref<80x128xf32, #tpu.memory_space<vmem_shared>>)
        tpu.yield
      }) : () -> ()
    } else {
    }
    %add3A_53 = arith.constant 112 : i32
    %add3A_54 = arith.addi %arg1, %add3A_53 : i32
    %lt3A_55 = arith.constant 125 : i32
    %lt3A_56 = arith.cmpi slt, %add3A_54, %lt3A_55 : i32
    %convert_element_type3A_57 = arith.extui %lt3A_56 : i1 to i32
    %cond3A_58 = arith.constant 0 : i32
    %cond3A_59 = arith.cmpi ne, %convert_element_type3A_57, %cond3A_58 : i32
    scf.if %cond3A_59 {
      %mul3A_238 = arith.constant 80 : i32
      %mul3A_239 = arith.muli %add3A_54, %mul3A_238 : i32
      %multiple_of3A_240 = tpu.assume_multiple %mul3A_239, 8 : i32
      "tpu.region"() ({
        %run_scoped3A = tpu.sem_alloc : memref<!tpu.dma_semaphore, #tpu.memory_space<semaphore_mem>>
        %dma_start3A_241 = arith.constant 0 : i32
        %dma_start3A_242 = tpu.memref_slice %arg28[%multiple_of3A_240, %dma_start3A_241] : memref<10000x128xf32, #tpu.memory_space<vmem_shared>> -> memref<80x128xf32, #tpu.memory_space<vmem_shared>>
        %dma_start3A_243 = arith.constant 0 : i32
        %dma_start3A_244 = tpu.memref_slice %arg28[%multiple_of3A_240, %dma_start3A_243] : memref<10000x128xf32, #tpu.memory_space<vmem_shared>> -> memref<80x128xf32, #tpu.memory_space<vmem_shared>>
        tpu.enqueue_dma source(%arg6 : memref<80x128xf32, #tpu.memory_space<vmem>>) target(%dma_start3A_244 : memref<80x128xf32, #tpu.memory_space<vmem_shared>>) target_semaphore(%run_scoped3A : memref<!tpu.dma_semaphore, #tpu.memory_space<semaphore_mem>>)
        %dma_wait3A_245 = arith.constant 0 : i32
        %dma_wait3A_246 = tpu.memref_slice %arg28[%multiple_of3A_240, %dma_wait3A_245] : memref<10000x128xf32, #tpu.memory_space<vmem_shared>> -> memref<80x128xf32, #tpu.memory_space<vmem_shared>>
        %dma_wait3A_247 = arith.constant 0 : i32
        %dma_wait3A_248 = tpu.memref_slice %arg28[%multiple_of3A_240, %dma_wait3A_247] : memref<10000x128xf32, #tpu.memory_space<vmem_shared>> -> memref<80x128xf32, #tpu.memory_space<vmem_shared>>
        tpu.wait_dma2 semaphore(%run_scoped3A : memref<!tpu.dma_semaphore, #tpu.memory_space<semaphore_mem>>) src(%arg6 : memref<80x128xf32, #tpu.memory_space<vmem>>) dst(%dma_wait3A_248 : memref<80x128xf32, #tpu.memory_space<vmem_shared>>)
        tpu.yield
      }) : () -> ()
    } else {
    }
    %barrier3A = arith.constant 0 : index
    tpu.barrier barrier_id(%barrier3A)
    %mul3A_60 = arith.constant 10000 : i32
    %mul3A_61 = arith.muli %add3A, %mul3A_60 : i32
    %add3A_62 = arith.constant 0 : i32
    %add3A_63 = arith.addi %mul3A_61, %add3A_62 : i32
    %multiple_of3A = tpu.assume_multiple %add3A_63, 8 : i32
    %dma_start3A = tpu.memref_slice %arg3[%multiple_of3A] : memref<320000xi32, #tpu.memory_space<hbm>> -> memref<80xi32, #tpu.memory_space<hbm>>
    %dma_start3A_64 = tpu.memref_slice %arg3[%multiple_of3A] : memref<320000xi32, #tpu.memory_space<hbm>> -> memref<80xi32, #tpu.memory_space<hbm>>
    tpu.enqueue_dma source(%dma_start3A_64 : memref<80xi32, #tpu.memory_space<hbm>>) target(%arg12 : memref<80xi32, #tpu.memory_space<vmem>>) target_semaphore(%arg16 : memref<!tpu.dma_semaphore, #tpu.memory_space<semaphore_mem>>)
    %dma_start3A_65 = tpu.memref_slice %arg4[%multiple_of3A] : memref<320000xi32, #tpu.memory_space<hbm>> -> memref<80xi32, #tpu.memory_space<hbm>>
    %dma_start3A_66 = tpu.memref_slice %arg4[%multiple_of3A] : memref<320000xi32, #tpu.memory_space<hbm>> -> memref<80xi32, #tpu.memory_space<hbm>>
    tpu.enqueue_dma source(%dma_start3A_66 : memref<80xi32, #tpu.memory_space<hbm>>) target(%arg20 : memref<80xi32, #tpu.memory_space<vmem>>) target_semaphore(%arg24 : memref<!tpu.dma_semaphore, #tpu.memory_space<semaphore_mem>>)
    %add3A_67 = arith.constant 80 : i32
    %add3A_68 = arith.addi %mul3A_61, %add3A_67 : i32
    %multiple_of3A_69 = tpu.assume_multiple %add3A_68, 8 : i32
    %dma_start3A_70 = tpu.memref_slice %arg3[%multiple_of3A_69] : memref<320000xi32, #tpu.memory_space<hbm>> -> memref<80xi32, #tpu.memory_space<hbm>>
    %dma_start3A_71 = tpu.memref_slice %arg3[%multiple_of3A_69] : memref<320000xi32, #tpu.memory_space<hbm>> -> memref<80xi32, #tpu.memory_space<hbm>>
    tpu.enqueue_dma source(%dma_start3A_71 : memref<80xi32, #tpu.memory_space<hbm>>) target(%arg13 : memref<80xi32, #tpu.memory_space<vmem>>) target_semaphore(%arg17 : memref<!tpu.dma_semaphore, #tpu.memory_space<semaphore_mem>>)
    %dma_start3A_72 = tpu.memref_slice %arg4[%multiple_of3A_69] : memref<320000xi32, #tpu.memory_space<hbm>> -> memref<80xi32, #tpu.memory_space<hbm>>
    %dma_start3A_73 = tpu.memref_slice %arg4[%multiple_of3A_69] : memref<320000xi32, #tpu.memory_space<hbm>> -> memref<80xi32, #tpu.memory_space<hbm>>
    tpu.enqueue_dma source(%dma_start3A_73 : memref<80xi32, #tpu.memory_space<hbm>>) target(%arg21 : memref<80xi32, #tpu.memory_space<vmem>>) target_semaphore(%arg25 : memref<!tpu.dma_semaphore, #tpu.memory_space<semaphore_mem>>)
    %add3A_74 = arith.constant 160 : i32
    %add3A_75 = arith.addi %mul3A_61, %add3A_74 : i32
    %multiple_of3A_76 = tpu.assume_multiple %add3A_75, 8 : i32
    %dma_start3A_77 = tpu.memref_slice %arg3[%multiple_of3A_76] : memref<320000xi32, #tpu.memory_space<hbm>> -> memref<80xi32, #tpu.memory_space<hbm>>
    %dma_start3A_78 = tpu.memref_slice %arg3[%multiple_of3A_76] : memref<320000xi32, #tpu.memory_space<hbm>> -> memref<80xi32, #tpu.memory_space<hbm>>
    tpu.enqueue_dma source(%dma_start3A_78 : memref<80xi32, #tpu.memory_space<hbm>>) target(%arg14 : memref<80xi32, #tpu.memory_space<vmem>>) target_semaphore(%arg18 : memref<!tpu.dma_semaphore, #tpu.memory_space<semaphore_mem>>)
    %dma_start3A_79 = tpu.memref_slice %arg4[%multiple_of3A_76] : memref<320000xi32, #tpu.memory_space<hbm>> -> memref<80xi32, #tpu.memory_space<hbm>>
    %dma_start3A_80 = tpu.memref_slice %arg4[%multiple_of3A_76] : memref<320000xi32, #tpu.memory_space<hbm>> -> memref<80xi32, #tpu.memory_space<hbm>>
    tpu.enqueue_dma source(%dma_start3A_80 : memref<80xi32, #tpu.memory_space<hbm>>) target(%arg22 : memref<80xi32, #tpu.memory_space<vmem>>) target_semaphore(%arg26 : memref<!tpu.dma_semaphore, #tpu.memory_space<semaphore_mem>>)
    %add3A_81 = arith.constant 240 : i32
    %add3A_82 = arith.addi %mul3A_61, %add3A_81 : i32
    %multiple_of3A_83 = tpu.assume_multiple %add3A_82, 8 : i32
    %dma_start3A_84 = tpu.memref_slice %arg3[%multiple_of3A_83] : memref<320000xi32, #tpu.memory_space<hbm>> -> memref<80xi32, #tpu.memory_space<hbm>>
    %dma_start3A_85 = tpu.memref_slice %arg3[%multiple_of3A_83] : memref<320000xi32, #tpu.memory_space<hbm>> -> memref<80xi32, #tpu.memory_space<hbm>>
    tpu.enqueue_dma source(%dma_start3A_85 : memref<80xi32, #tpu.memory_space<hbm>>) target(%arg15 : memref<80xi32, #tpu.memory_space<vmem>>) target_semaphore(%arg19 : memref<!tpu.dma_semaphore, #tpu.memory_space<semaphore_mem>>)
    %dma_start3A_86 = tpu.memref_slice %arg4[%multiple_of3A_83] : memref<320000xi32, #tpu.memory_space<hbm>> -> memref<80xi32, #tpu.memory_space<hbm>>
    %dma_start3A_87 = tpu.memref_slice %arg4[%multiple_of3A_83] : memref<320000xi32, #tpu.memory_space<hbm>> -> memref<80xi32, #tpu.memory_space<hbm>>
    tpu.enqueue_dma source(%dma_start3A_87 : memref<80xi32, #tpu.memory_space<hbm>>) target(%arg23 : memref<80xi32, #tpu.memory_space<vmem>>) target_semaphore(%arg27 : memref<!tpu.dma_semaphore, #tpu.memory_space<semaphore_mem>>)
    %add3A_88 = arith.constant 0 : i32
    %add3A_89 = arith.addi %mul3A_61, %add3A_88 : i32
    %multiple_of3A_90 = tpu.assume_multiple %add3A_89, 8 : i32
    %dma_wait3A = tpu.memref_slice %arg3[%multiple_of3A_90] : memref<320000xi32, #tpu.memory_space<hbm>> -> memref<80xi32, #tpu.memory_space<hbm>>
    %dma_wait3A_91 = tpu.memref_slice %arg3[%multiple_of3A_90] : memref<320000xi32, #tpu.memory_space<hbm>> -> memref<80xi32, #tpu.memory_space<hbm>>
    tpu.wait_dma2 semaphore(%arg16 : memref<!tpu.dma_semaphore, #tpu.memory_space<semaphore_mem>>) src(%dma_wait3A_91 : memref<80xi32, #tpu.memory_space<hbm>>) dst(%arg12 : memref<80xi32, #tpu.memory_space<vmem>>)
    %dma_start3A_92 = arith.constant 0 : i32
    %dma_start3A_93 = arith.constant 0 : i32
    %dma_start3A_94 = tpu.memref_slice %arg2[%dma_start3A_92, %dma_start3A_93] : memref<10000x128xf32, #tpu.memory_space<hbm>> -> memref<10000x128xf32, #tpu.memory_space<hbm>>
    tpu.enqueue_indirect_dma source(%dma_start3A_94 : memref<10000x128xf32, #tpu.memory_space<hbm>>) target(%arg6 : memref<80x128xf32, #tpu.memory_space<vmem>>) offsets(%arg12 : memref<80xi32, #tpu.memory_space<vmem>>) semaphore(%arg9 : memref<!tpu.dma_semaphore, #tpu.memory_space<semaphore_mem>>)
    %add3A_95 = arith.constant 80 : i32
    %add3A_96 = arith.addi %mul3A_61, %add3A_95 : i32
    %multiple_of3A_97 = tpu.assume_multiple %add3A_96, 8 : i32
    %dma_wait3A_98 = tpu.memref_slice %arg3[%multiple_of3A_97] : memref<320000xi32, #tpu.memory_space<hbm>> -> memref<80xi32, #tpu.memory_space<hbm>>
    %dma_wait3A_99 = tpu.memref_slice %arg3[%multiple_of3A_97] : memref<320000xi32, #tpu.memory_space<hbm>> -> memref<80xi32, #tpu.memory_space<hbm>>
    tpu.wait_dma2 semaphore(%arg17 : memref<!tpu.dma_semaphore, #tpu.memory_space<semaphore_mem>>) src(%dma_wait3A_99 : memref<80xi32, #tpu.memory_space<hbm>>) dst(%arg13 : memref<80xi32, #tpu.memory_space<vmem>>)
    %dma_start3A_100 = arith.constant 0 : i32
    %dma_start3A_101 = arith.constant 0 : i32
    %dma_start3A_102 = tpu.memref_slice %arg2[%dma_start3A_100, %dma_start3A_101] : memref<10000x128xf32, #tpu.memory_space<hbm>> -> memref<10000x128xf32, #tpu.memory_space<hbm>>
    tpu.enqueue_indirect_dma source(%dma_start3A_102 : memref<10000x128xf32, #tpu.memory_space<hbm>>) target(%arg7 : memref<80x128xf32, #tpu.memory_space<vmem>>) offsets(%arg13 : memref<80xi32, #tpu.memory_space<vmem>>) semaphore(%arg10 : memref<!tpu.dma_semaphore, #tpu.memory_space<semaphore_mem>>)
    %add3A_103 = arith.constant 160 : i32
    %add3A_104 = arith.addi %mul3A_61, %add3A_103 : i32
    %multiple_of3A_105 = tpu.assume_multiple %add3A_104, 8 : i32
    %dma_wait3A_106 = tpu.memref_slice %arg3[%multiple_of3A_105] : memref<320000xi32, #tpu.memory_space<hbm>> -> memref<80xi32, #tpu.memory_space<hbm>>
    %dma_wait3A_107 = tpu.memref_slice %arg3[%multiple_of3A_105] : memref<320000xi32, #tpu.memory_space<hbm>> -> memref<80xi32, #tpu.memory_space<hbm>>
    tpu.wait_dma2 semaphore(%arg18 : memref<!tpu.dma_semaphore, #tpu.memory_space<semaphore_mem>>) src(%dma_wait3A_107 : memref<80xi32, #tpu.memory_space<hbm>>) dst(%arg14 : memref<80xi32, #tpu.memory_space<vmem>>)
    %dma_start3A_108 = arith.constant 0 : i32
    %dma_start3A_109 = arith.constant 0 : i32
    %dma_start3A_110 = tpu.memref_slice %arg2[%dma_start3A_108, %dma_start3A_109] : memref<10000x128xf32, #tpu.memory_space<hbm>> -> memref<10000x128xf32, #tpu.memory_space<hbm>>
    tpu.enqueue_indirect_dma source(%dma_start3A_110 : memref<10000x128xf32, #tpu.memory_space<hbm>>) target(%arg8 : memref<80x128xf32, #tpu.memory_space<vmem>>) offsets(%arg14 : memref<80xi32, #tpu.memory_space<vmem>>) semaphore(%arg11 : memref<!tpu.dma_semaphore, #tpu.memory_space<semaphore_mem>>)
    %scan3A_111 = arith.constant 0 : i32
    %scan3A_112 = arith.constant 0 : i32
    %scan3A_113 = arith.constant 10 : i32
    %scan3A_114 = arith.addi %scan3A_112, %scan3A_113 : i32
    %scan3A_115 = arith.constant 1 : i32
    %scan3A_116 = scf.for %scan3A_238 = %scan3A_112 to %scan3A_114 step %scan3A_115 iter_args(%scan3A_239 = %scan3A_111) -> (i32)  : i32 {
      %mul3A_240 = arith.constant 12 : i32
      %mul3A_241 = arith.muli %scan3A_238, %mul3A_240 : i32
      %add3A_242 = arith.constant 0 : i32
      %add3A_243 = arith.addi %mul3A_241, %add3A_242 : i32
      %mul3A_244 = arith.constant 80 : i32
      %mul3A_245 = arith.muli %add3A_243, %mul3A_244 : i32
      %add3A_246 = arith.addi %mul3A_61, %mul3A_245 : i32
      %multiple_of3A_247 = tpu.assume_multiple %add3A_246, 8 : i32
      %dma_wait3A_248 = arith.constant 0 : i32
      %dma_wait3A_249 = arith.constant 0 : i32
      %dma_wait3A_250 = tpu.memref_slice %arg2[%dma_wait3A_248, %dma_wait3A_249] : memref<10000x128xf32, #tpu.memory_space<hbm>> -> memref<10000x128xf32, #tpu.memory_space<hbm>>
      tpu.wait_indirect_dma semaphore(%arg9 : memref<!tpu.dma_semaphore, #tpu.memory_space<semaphore_mem>>) src(%dma_wait3A_250 : memref<10000x128xf32, #tpu.memory_space<hbm>>) dst(%arg6 : memref<80x128xf32, #tpu.memory_space<vmem>>)
      %dma_wait3A_251 = tpu.memref_slice %arg4[%multiple_of3A_247] : memref<320000xi32, #tpu.memory_space<hbm>> -> memref<80xi32, #tpu.memory_space<hbm>>
      %dma_wait3A_252 = tpu.memref_slice %arg4[%multiple_of3A_247] : memref<320000xi32, #tpu.memory_space<hbm>> -> memref<80xi32, #tpu.memory_space<hbm>>
      tpu.wait_dma2 semaphore(%arg24 : memref<!tpu.dma_semaphore, #tpu.memory_space<semaphore_mem>>) src(%dma_wait3A_252 : memref<80xi32, #tpu.memory_space<hbm>>) dst(%arg20 : memref<80xi32, #tpu.memory_space<vmem>>)
      "tpu.region"() ({
        %run_scoped3A = tpu.sem_alloc : memref<!tpu.dma_semaphore, #tpu.memory_space<semaphore_mem>>
        %dma_start3A_649 = arith.constant 0 : i32
        %dma_start3A_650 = arith.constant 0 : i32
        %dma_start3A_651 = tpu.memref_slice %arg28[%dma_start3A_649, %dma_start3A_650] : memref<10000x128xf32, #tpu.memory_space<vmem_shared>> -> memref<10000x128xf32, #tpu.memory_space<vmem_shared>>
        tpu.enqueue_indirect_dma source(%arg6 : memref<80x128xf32, #tpu.memory_space<vmem>>) target(%dma_start3A_651 : memref<10000x128xf32, #tpu.memory_space<vmem_shared>>) offsets(%arg20 : memref<80xi32, #tpu.memory_space<vmem>>) semaphore(%run_scoped3A : memref<!tpu.dma_semaphore, #tpu.memory_space<semaphore_mem>>) {add = true}
        %dma_wait3A_652 = arith.constant 0 : i32
        %dma_wait3A_653 = arith.constant 0 : i32
        %dma_wait3A_654 = tpu.memref_slice %arg28[%dma_wait3A_652, %dma_wait3A_653] : memref<10000x128xf32, #tpu.memory_space<vmem_shared>> -> memref<10000x128xf32, #tpu.memory_space<vmem_shared>>
        tpu.wait_indirect_dma semaphore(%run_scoped3A : memref<!tpu.dma_semaphore, #tpu.memory_space<semaphore_mem>>) src(%arg6 : memref<80x128xf32, #tpu.memory_space<vmem>>) dst(%dma_wait3A_654 : memref<10000x128xf32, #tpu.memory_space<vmem_shared>>)
        tpu.yield
      }) : () -> ()
      %add3A_253 = arith.constant 4 : i32
      %add3A_254 = arith.addi %add3A_243, %add3A_253 : i32
      %mul3A_255 = arith.constant 80 : i32
      %mul3A_256 = arith.muli %add3A_254, %mul3A_255 : i32
      %add3A_257 = arith.addi %mul3A_61, %mul3A_256 : i32
      %multiple_of3A_258 = tpu.assume_multiple %add3A_257, 8 : i32
      %dma_start3A_259 = tpu.memref_slice %arg3[%multiple_of3A_258] : memref<320000xi32, #tpu.memory_space<hbm>> -> memref<80xi32, #tpu.memory_space<hbm>>
      %dma_start3A_260 = tpu.memref_slice %arg3[%multiple_of3A_258] : memref<320000xi32, #tpu.memory_space<hbm>> -> memref<80xi32, #tpu.memory_space<hbm>>
      tpu.enqueue_dma source(%dma_start3A_260 : memref<80xi32, #tpu.memory_space<hbm>>) target(%arg12 : memref<80xi32, #tpu.memory_space<vmem>>) target_semaphore(%arg16 : memref<!tpu.dma_semaphore, #tpu.memory_space<semaphore_mem>>)
      %dma_start3A_261 = tpu.memref_slice %arg4[%multiple_of3A_258] : memref<320000xi32, #tpu.memory_space<hbm>> -> memref<80xi32, #tpu.memory_space<hbm>>
      %dma_start3A_262 = tpu.memref_slice %arg4[%multiple_of3A_258] : memref<320000xi32, #tpu.memory_space<hbm>> -> memref<80xi32, #tpu.memory_space<hbm>>
      tpu.enqueue_dma source(%dma_start3A_262 : memref<80xi32, #tpu.memory_space<hbm>>) target(%arg20 : memref<80xi32, #tpu.memory_space<vmem>>) target_semaphore(%arg24 : memref<!tpu.dma_semaphore, #tpu.memory_space<semaphore_mem>>)
      %add3A_263 = arith.constant 3 : i32
      %add3A_264 = arith.addi %add3A_243, %add3A_263 : i32
      %mul3A_265 = arith.constant 80 : i32
      %mul3A_266 = arith.muli %add3A_264, %mul3A_265 : i32
      %add3A_267 = arith.addi %mul3A_61, %mul3A_266 : i32
      %multiple_of3A_268 = tpu.assume_multiple %add3A_267, 8 : i32
      %dma_wait3A_269 = tpu.memref_slice %arg3[%multiple_of3A_268] : memref<320000xi32, #tpu.memory_space<hbm>> -> memref<80xi32, #tpu.memory_space<hbm>>
      %dma_wait3A_270 = tpu.memref_slice %arg3[%multiple_of3A_268] : memref<320000xi32, #tpu.memory_space<hbm>> -> memref<80xi32, #tpu.memory_space<hbm>>
      tpu.wait_dma2 semaphore(%arg19 : memref<!tpu.dma_semaphore, #tpu.memory_space<semaphore_mem>>) src(%dma_wait3A_270 : memref<80xi32, #tpu.memory_space<hbm>>) dst(%arg15 : memref<80xi32, #tpu.memory_space<vmem>>)
      %dma_start3A_271 = arith.constant 0 : i32
      %dma_start3A_272 = arith.constant 0 : i32
      %dma_start3A_273 = tpu.memref_slice %arg2[%dma_start3A_271, %dma_start3A_272] : memref<10000x128xf32, #tpu.memory_space<hbm>> -> memref<10000x128xf32, #tpu.memory_space<hbm>>
      tpu.enqueue_indirect_dma source(%dma_start3A_273 : memref<10000x128xf32, #tpu.memory_space<hbm>>) target(%arg6 : memref<80x128xf32, #tpu.memory_space<vmem>>) offsets(%arg15 : memref<80xi32, #tpu.memory_space<vmem>>) semaphore(%arg9 : memref<!tpu.dma_semaphore, #tpu.memory_space<semaphore_mem>>)
      %mul3A_274 = arith.constant 12 : i32
      %mul3A_275 = arith.muli %scan3A_238, %mul3A_274 : i32
      %add3A_276 = arith.constant 1 : i32
      %add3A_277 = arith.addi %mul3A_275, %add3A_276 : i32
      %mul3A_278 = arith.constant 80 : i32
      %mul3A_279 = arith.muli %add3A_277, %mul3A_278 : i32
      %add3A_280 = arith.addi %mul3A_61, %mul3A_279 : i32
      %multiple_of3A_281 = tpu.assume_multiple %add3A_280, 8 : i32
      %dma_wait3A_282 = arith.constant 0 : i32
      %dma_wait3A_283 = arith.constant 0 : i32
      %dma_wait3A_284 = tpu.memref_slice %arg2[%dma_wait3A_282, %dma_wait3A_283] : memref<10000x128xf32, #tpu.memory_space<hbm>> -> memref<10000x128xf32, #tpu.memory_space<hbm>>
      tpu.wait_indirect_dma semaphore(%arg10 : memref<!tpu.dma_semaphore, #tpu.memory_space<semaphore_mem>>) src(%dma_wait3A_284 : memref<10000x128xf32, #tpu.memory_space<hbm>>) dst(%arg7 : memref<80x128xf32, #tpu.memory_space<vmem>>)
      %dma_wait3A_285 = tpu.memref_slice %arg4[%multiple_of3A_281] : memref<320000xi32, #tpu.memory_space<hbm>> -> memref<80xi32, #tpu.memory_space<hbm>>
      %dma_wait3A_286 = tpu.memref_slice %arg4[%multiple_of3A_281] : memref<320000xi32, #tpu.memory_space<hbm>> -> memref<80xi32, #tpu.memory_space<hbm>>
      tpu.wait_dma2 semaphore(%arg25 : memref<!tpu.dma_semaphore, #tpu.memory_space<semaphore_mem>>) src(%dma_wait3A_286 : memref<80xi32, #tpu.memory_space<hbm>>) dst(%arg21 : memref<80xi32, #tpu.memory_space<vmem>>)
      "tpu.region"() ({
        %run_scoped3A = tpu.sem_alloc : memref<!tpu.dma_semaphore, #tpu.memory_space<semaphore_mem>>
        %dma_start3A_649 = arith.constant 0 : i32
        %dma_start3A_650 = arith.constant 0 : i32
        %dma_start3A_651 = tpu.memref_slice %arg28[%dma_start3A_649, %dma_start3A_650] : memref<10000x128xf32, #tpu.memory_space<vmem_shared>> -> memref<10000x128xf32, #tpu.memory_space<vmem_shared>>
        tpu.enqueue_indirect_dma source(%arg7 : memref<80x128xf32, #tpu.memory_space<vmem>>) target(%dma_start3A_651 : memref<10000x128xf32, #tpu.memory_space<vmem_shared>>) offsets(%arg21 : memref<80xi32, #tpu.memory_space<vmem>>) semaphore(%run_scoped3A : memref<!tpu.dma_semaphore, #tpu.memory_space<semaphore_mem>>) {add = true}
        %dma_wait3A_652 = arith.constant 0 : i32
        %dma_wait3A_653 = arith.constant 0 : i32
        %dma_wait3A_654 = tpu.memref_slice %arg28[%dma_wait3A_652, %dma_wait3A_653] : memref<10000x128xf32, #tpu.memory_space<vmem_shared>> -> memref<10000x128xf32, #tpu.memory_space<vmem_shared>>
        tpu.wait_indirect_dma semaphore(%run_scoped3A : memref<!tpu.dma_semaphore, #tpu.memory_space<semaphore_mem>>) src(%arg7 : memref<80x128xf32, #tpu.memory_space<vmem>>) dst(%dma_wait3A_654 : memref<10000x128xf32, #tpu.memory_space<vmem_shared>>)
        tpu.yield
      }) : () -> ()
      %add3A_287 = arith.constant 4 : i32
      %add3A_288 = arith.addi %add3A_277, %add3A_287 : i32
      %mul3A_289 = arith.constant 80 : i32
      %mul3A_290 = arith.muli %add3A_288, %mul3A_289 : i32
      %add3A_291 = arith.addi %mul3A_61, %mul3A_290 : i32
      %multiple_of3A_292 = tpu.assume_multiple %add3A_291, 8 : i32
      %dma_start3A_293 = tpu.memref_slice %arg3[%multiple_of3A_292] : memref<320000xi32, #tpu.memory_space<hbm>> -> memref<80xi32, #tpu.memory_space<hbm>>
      %dma_start3A_294 = tpu.memref_slice %arg3[%multiple_of3A_292] : memref<320000xi32, #tpu.memory_space<hbm>> -> memref<80xi32, #tpu.memory_space<hbm>>
      tpu.enqueue_dma source(%dma_start3A_294 : memref<80xi32, #tpu.memory_space<hbm>>) target(%arg13 : memref<80xi32, #tpu.memory_space<vmem>>) target_semaphore(%arg17 : memref<!tpu.dma_semaphore, #tpu.memory_space<semaphore_mem>>)
      %dma_start3A_295 = tpu.memref_slice %arg4[%multiple_of3A_292] : memref<320000xi32, #tpu.memory_space<hbm>> -> memref<80xi32, #tpu.memory_space<hbm>>
      %dma_start3A_296 = tpu.memref_slice %arg4[%multiple_of3A_292] : memref<320000xi32, #tpu.memory_space<hbm>> -> memref<80xi32, #tpu.memory_space<hbm>>
      tpu.enqueue_dma source(%dma_start3A_296 : memref<80xi32, #tpu.memory_space<hbm>>) target(%arg21 : memref<80xi32, #tpu.memory_space<vmem>>) target_semaphore(%arg25 : memref<!tpu.dma_semaphore, #tpu.memory_space<semaphore_mem>>)
      %add3A_297 = arith.constant 3 : i32
      %add3A_298 = arith.addi %add3A_277, %add3A_297 : i32
      %mul3A_299 = arith.constant 80 : i32
      %mul3A_300 = arith.muli %add3A_298, %mul3A_299 : i32
      %add3A_301 = arith.addi %mul3A_61, %mul3A_300 : i32
      %multiple_of3A_302 = tpu.assume_multiple %add3A_301, 8 : i32
      %dma_wait3A_303 = tpu.memref_slice %arg3[%multiple_of3A_302] : memref<320000xi32, #tpu.memory_space<hbm>> -> memref<80xi32, #tpu.memory_space<hbm>>
      %dma_wait3A_304 = tpu.memref_slice %arg3[%multiple_of3A_302] : memref<320000xi32, #tpu.memory_space<hbm>> -> memref<80xi32, #tpu.memory_space<hbm>>
      tpu.wait_dma2 semaphore(%arg16 : memref<!tpu.dma_semaphore, #tpu.memory_space<semaphore_mem>>) src(%dma_wait3A_304 : memref<80xi32, #tpu.memory_space<hbm>>) dst(%arg12 : memref<80xi32, #tpu.memory_space<vmem>>)
      %dma_start3A_305 = arith.constant 0 : i32
      %dma_start3A_306 = arith.constant 0 : i32
      %dma_start3A_307 = tpu.memref_slice %arg2[%dma_start3A_305, %dma_start3A_306] : memref<10000x128xf32, #tpu.memory_space<hbm>> -> memref<10000x128xf32, #tpu.memory_space<hbm>>
      tpu.enqueue_indirect_dma source(%dma_start3A_307 : memref<10000x128xf32, #tpu.memory_space<hbm>>) target(%arg7 : memref<80x128xf32, #tpu.memory_space<vmem>>) offsets(%arg12 : memref<80xi32, #tpu.memory_space<vmem>>) semaphore(%arg10 : memref<!tpu.dma_semaphore, #tpu.memory_space<semaphore_mem>>)
      %mul3A_308 = arith.constant 12 : i32
      %mul3A_309 = arith.muli %scan3A_238, %mul3A_308 : i32
      %add3A_310 = arith.constant 2 : i32
      %add3A_311 = arith.addi %mul3A_309, %add3A_310 : i32
      %mul3A_312 = arith.constant 80 : i32
      %mul3A_313 = arith.muli %add3A_311, %mul3A_312 : i32
      %add3A_314 = arith.addi %mul3A_61, %mul3A_313 : i32
      %multiple_of3A_315 = tpu.assume_multiple %add3A_314, 8 : i32
      %dma_wait3A_316 = arith.constant 0 : i32
      %dma_wait3A_317 = arith.constant 0 : i32
      %dma_wait3A_318 = tpu.memref_slice %arg2[%dma_wait3A_316, %dma_wait3A_317] : memref<10000x128xf32, #tpu.memory_space<hbm>> -> memref<10000x128xf32, #tpu.memory_space<hbm>>
      tpu.wait_indirect_dma semaphore(%arg11 : memref<!tpu.dma_semaphore, #tpu.memory_space<semaphore_mem>>) src(%dma_wait3A_318 : memref<10000x128xf32, #tpu.memory_space<hbm>>) dst(%arg8 : memref<80x128xf32, #tpu.memory_space<vmem>>)
      %dma_wait3A_319 = tpu.memref_slice %arg4[%multiple_of3A_315] : memref<320000xi32, #tpu.memory_space<hbm>> -> memref<80xi32, #tpu.memory_space<hbm>>
      %dma_wait3A_320 = tpu.memref_slice %arg4[%multiple_of3A_315] : memref<320000xi32, #tpu.memory_space<hbm>> -> memref<80xi32, #tpu.memory_space<hbm>>
      tpu.wait_dma2 semaphore(%arg26 : memref<!tpu.dma_semaphore, #tpu.memory_space<semaphore_mem>>) src(%dma_wait3A_320 : memref<80xi32, #tpu.memory_space<hbm>>) dst(%arg22 : memref<80xi32, #tpu.memory_space<vmem>>)
      "tpu.region"() ({
        %run_scoped3A = tpu.sem_alloc : memref<!tpu.dma_semaphore, #tpu.memory_space<semaphore_mem>>
        %dma_start3A_649 = arith.constant 0 : i32
        %dma_start3A_650 = arith.constant 0 : i32
        %dma_start3A_651 = tpu.memref_slice %arg28[%dma_start3A_649, %dma_start3A_650] : memref<10000x128xf32, #tpu.memory_space<vmem_shared>> -> memref<10000x128xf32, #tpu.memory_space<vmem_shared>>
        tpu.enqueue_indirect_dma source(%arg8 : memref<80x128xf32, #tpu.memory_space<vmem>>) target(%dma_start3A_651 : memref<10000x128xf32, #tpu.memory_space<vmem_shared>>) offsets(%arg22 : memref<80xi32, #tpu.memory_space<vmem>>) semaphore(%run_scoped3A : memref<!tpu.dma_semaphore, #tpu.memory_space<semaphore_mem>>) {add = true}
        %dma_wait3A_652 = arith.constant 0 : i32
        %dma_wait3A_653 = arith.constant 0 : i32
        %dma_wait3A_654 = tpu.memref_slice %arg28[%dma_wait3A_652, %dma_wait3A_653] : memref<10000x128xf32, #tpu.memory_space<vmem_shared>> -> memref<10000x128xf32, #tpu.memory_space<vmem_shared>>
        tpu.wait_indirect_dma semaphore(%run_scoped3A : memref<!tpu.dma_semaphore, #tpu.memory_space<semaphore_mem>>) src(%arg8 : memref<80x128xf32, #tpu.memory_space<vmem>>) dst(%dma_wait3A_654 : memref<10000x128xf32, #tpu.memory_space<vmem_shared>>)
        tpu.yield
      }) : () -> ()
      %add3A_321 = arith.constant 4 : i32
      %add3A_322 = arith.addi %add3A_311, %add3A_321 : i32
      %mul3A_323 = arith.constant 80 : i32
      %mul3A_324 = arith.muli %add3A_322, %mul3A_323 : i32
      %add3A_325 = arith.addi %mul3A_61, %mul3A_324 : i32
      %multiple_of3A_326 = tpu.assume_multiple %add3A_325, 8 : i32
      %dma_start3A_327 = tpu.memref_slice %arg3[%multiple_of3A_326] : memref<320000xi32, #tpu.memory_space<hbm>> -> memref<80xi32, #tpu.memory_space<hbm>>
      %dma_start3A_328 = tpu.memref_slice %arg3[%multiple_of3A_326] : memref<320000xi32, #tpu.memory_space<hbm>> -> memref<80xi32, #tpu.memory_space<hbm>>
      tpu.enqueue_dma source(%dma_start3A_328 : memref<80xi32, #tpu.memory_space<hbm>>) target(%arg14 : memref<80xi32, #tpu.memory_space<vmem>>) target_semaphore(%arg18 : memref<!tpu.dma_semaphore, #tpu.memory_space<semaphore_mem>>)
      %dma_start3A_329 = tpu.memref_slice %arg4[%multiple_of3A_326] : memref<320000xi32, #tpu.memory_space<hbm>> -> memref<80xi32, #tpu.memory_space<hbm>>
      %dma_start3A_330 = tpu.memref_slice %arg4[%multiple_of3A_326] : memref<320000xi32, #tpu.memory_space<hbm>> -> memref<80xi32, #tpu.memory_space<hbm>>
      tpu.enqueue_dma source(%dma_start3A_330 : memref<80xi32, #tpu.memory_space<hbm>>) target(%arg22 : memref<80xi32, #tpu.memory_space<vmem>>) target_semaphore(%arg26 : memref<!tpu.dma_semaphore, #tpu.memory_space<semaphore_mem>>)
      %add3A_331 = arith.constant 3 : i32
      %add3A_332 = arith.addi %add3A_311, %add3A_331 : i32
      %mul3A_333 = arith.constant 80 : i32
      %mul3A_334 = arith.muli %add3A_332, %mul3A_333 : i32
      %add3A_335 = arith.addi %mul3A_61, %mul3A_334 : i32
      %multiple_of3A_336 = tpu.assume_multiple %add3A_335, 8 : i32
      %dma_wait3A_337 = tpu.memref_slice %arg3[%multiple_of3A_336] : memref<320000xi32, #tpu.memory_space<hbm>> -> memref<80xi32, #tpu.memory_space<hbm>>
      %dma_wait3A_338 = tpu.memref_slice %arg3[%multiple_of3A_336] : memref<320000xi32, #tpu.memory_space<hbm>> -> memref<80xi32, #tpu.memory_space<hbm>>
      tpu.wait_dma2 semaphore(%arg17 : memref<!tpu.dma_semaphore, #tpu.memory_space<semaphore_mem>>) src(%dma_wait3A_338 : memref<80xi32, #tpu.memory_space<hbm>>) dst(%arg13 : memref<80xi32, #tpu.memory_space<vmem>>)
      %dma_start3A_339 = arith.constant 0 : i32
      %dma_start3A_340 = arith.constant 0 : i32
      %dma_start3A_341 = tpu.memref_slice %arg2[%dma_start3A_339, %dma_start3A_340] : memref<10000x128xf32, #tpu.memory_space<hbm>> -> memref<10000x128xf32, #tpu.memory_space<hbm>>
      tpu.enqueue_indirect_dma source(%dma_start3A_341 : memref<10000x128xf32, #tpu.memory_space<hbm>>) target(%arg8 : memref<80x128xf32, #tpu.memory_space<vmem>>) offsets(%arg13 : memref<80xi32, #tpu.memory_space<vmem>>) semaphore(%arg11 : memref<!tpu.dma_semaphore, #tpu.memory_space<semaphore_mem>>)
      %mul3A_342 = arith.constant 12 : i32
      %mul3A_343 = arith.muli %scan3A_238, %mul3A_342 : i32
      %add3A_344 = arith.constant 3 : i32
      %add3A_345 = arith.addi %mul3A_343, %add3A_344 : i32
      %mul3A_346 = arith.constant 80 : i32
      %mul3A_347 = arith.muli %add3A_345, %mul3A_346 : i32
      %add3A_348 = arith.addi %mul3A_61, %mul3A_347 : i32
      %multiple_of3A_349 = tpu.assume_multiple %add3A_348, 8 : i32
      %dma_wait3A_350 = arith.constant 0 : i32
      %dma_wait3A_351 = arith.constant 0 : i32
      %dma_wait3A_352 = tpu.memref_slice %arg2[%dma_wait3A_350, %dma_wait3A_351] : memref<10000x128xf32, #tpu.memory_space<hbm>> -> memref<10000x128xf32, #tpu.memory_space<hbm>>
      tpu.wait_indirect_dma semaphore(%arg9 : memref<!tpu.dma_semaphore, #tpu.memory_space<semaphore_mem>>) src(%dma_wait3A_352 : memref<10000x128xf32, #tpu.memory_space<hbm>>) dst(%arg6 : memref<80x128xf32, #tpu.memory_space<vmem>>)
      %dma_wait3A_353 = tpu.memref_slice %arg4[%multiple_of3A_349] : memref<320000xi32, #tpu.memory_space<hbm>> -> memref<80xi32, #tpu.memory_space<hbm>>
      %dma_wait3A_354 = tpu.memref_slice %arg4[%multiple_of3A_349] : memref<320000xi32, #tpu.memory_space<hbm>> -> memref<80xi32, #tpu.memory_space<hbm>>
      tpu.wait_dma2 semaphore(%arg27 : memref<!tpu.dma_semaphore, #tpu.memory_space<semaphore_mem>>) src(%dma_wait3A_354 : memref<80xi32, #tpu.memory_space<hbm>>) dst(%arg23 : memref<80xi32, #tpu.memory_space<vmem>>)
      "tpu.region"() ({
        %run_scoped3A = tpu.sem_alloc : memref<!tpu.dma_semaphore, #tpu.memory_space<semaphore_mem>>
        %dma_start3A_649 = arith.constant 0 : i32
        %dma_start3A_650 = arith.constant 0 : i32
        %dma_start3A_651 = tpu.memref_slice %arg28[%dma_start3A_649, %dma_start3A_650] : memref<10000x128xf32, #tpu.memory_space<vmem_shared>> -> memref<10000x128xf32, #tpu.memory_space<vmem_shared>>
        tpu.enqueue_indirect_dma source(%arg6 : memref<80x128xf32, #tpu.memory_space<vmem>>) target(%dma_start3A_651 : memref<10000x128xf32, #tpu.memory_space<vmem_shared>>) offsets(%arg23 : memref<80xi32, #tpu.memory_space<vmem>>) semaphore(%run_scoped3A : memref<!tpu.dma_semaphore, #tpu.memory_space<semaphore_mem>>) {add = true}
        %dma_wait3A_652 = arith.constant 0 : i32
        %dma_wait3A_653 = arith.constant 0 : i32
        %dma_wait3A_654 = tpu.memref_slice %arg28[%dma_wait3A_652, %dma_wait3A_653] : memref<10000x128xf32, #tpu.memory_space<vmem_shared>> -> memref<10000x128xf32, #tpu.memory_space<vmem_shared>>
        tpu.wait_indirect_dma semaphore(%run_scoped3A : memref<!tpu.dma_semaphore, #tpu.memory_space<semaphore_mem>>) src(%arg6 : memref<80x128xf32, #tpu.memory_space<vmem>>) dst(%dma_wait3A_654 : memref<10000x128xf32, #tpu.memory_space<vmem_shared>>)
        tpu.yield
      }) : () -> ()
      %add3A_355 = arith.constant 4 : i32
      %add3A_356 = arith.addi %add3A_345, %add3A_355 : i32
      %mul3A_357 = arith.constant 80 : i32
      %mul3A_358 = arith.muli %add3A_356, %mul3A_357 : i32
      %add3A_359 = arith.addi %mul3A_61, %mul3A_358 : i32
      %multiple_of3A_360 = tpu.assume_multiple %add3A_359, 8 : i32
      %dma_start3A_361 = tpu.memref_slice %arg3[%multiple_of3A_360] : memref<320000xi32, #tpu.memory_space<hbm>> -> memref<80xi32, #tpu.memory_space<hbm>>
      %dma_start3A_362 = tpu.memref_slice %arg3[%multiple_of3A_360] : memref<320000xi32, #tpu.memory_space<hbm>> -> memref<80xi32, #tpu.memory_space<hbm>>
      tpu.enqueue_dma source(%dma_start3A_362 : memref<80xi32, #tpu.memory_space<hbm>>) target(%arg15 : memref<80xi32, #tpu.memory_space<vmem>>) target_semaphore(%arg19 : memref<!tpu.dma_semaphore, #tpu.memory_space<semaphore_mem>>)
      %dma_start3A_363 = tpu.memref_slice %arg4[%multiple_of3A_360] : memref<320000xi32, #tpu.memory_space<hbm>> -> memref<80xi32, #tpu.memory_space<hbm>>
      %dma_start3A_364 = tpu.memref_slice %arg4[%multiple_of3A_360] : memref<320000xi32, #tpu.memory_space<hbm>> -> memref<80xi32, #tpu.memory_space<hbm>>
      tpu.enqueue_dma source(%dma_start3A_364 : memref<80xi32, #tpu.memory_space<hbm>>) target(%arg23 : memref<80xi32, #tpu.memory_space<vmem>>) target_semaphore(%arg27 : memref<!tpu.dma_semaphore, #tpu.memory_space<semaphore_mem>>)
      %add3A_365 = arith.constant 3 : i32
      %add3A_366 = arith.addi %add3A_345, %add3A_365 : i32
      %mul3A_367 = arith.constant 80 : i32
      %mul3A_368 = arith.muli %add3A_366, %mul3A_367 : i32
      %add3A_369 = arith.addi %mul3A_61, %mul3A_368 : i32
      %multiple_of3A_370 = tpu.assume_multiple %add3A_369, 8 : i32
      %dma_wait3A_371 = tpu.memref_slice %arg3[%multiple_of3A_370] : memref<320000xi32, #tpu.memory_space<hbm>> -> memref<80xi32, #tpu.memory_space<hbm>>
      %dma_wait3A_372 = tpu.memref_slice %arg3[%multiple_of3A_370] : memref<320000xi32, #tpu.memory_space<hbm>> -> memref<80xi32, #tpu.memory_space<hbm>>
      tpu.wait_dma2 semaphore(%arg18 : memref<!tpu.dma_semaphore, #tpu.memory_space<semaphore_mem>>) src(%dma_wait3A_372 : memref<80xi32, #tpu.memory_space<hbm>>) dst(%arg14 : memref<80xi32, #tpu.memory_space<vmem>>)
      %dma_start3A_373 = arith.constant 0 : i32
      %dma_start3A_374 = arith.constant 0 : i32
      %dma_start3A_375 = tpu.memref_slice %arg2[%dma_start3A_373, %dma_start3A_374] : memref<10000x128xf32, #tpu.memory_space<hbm>> -> memref<10000x128xf32, #tpu.memory_space<hbm>>
      tpu.enqueue_indirect_dma source(%dma_start3A_375 : memref<10000x128xf32, #tpu.memory_space<hbm>>) target(%arg6 : memref<80x128xf32, #tpu.memory_space<vmem>>) offsets(%arg14 : memref<80xi32, #tpu.memory_space<vmem>>) semaphore(%arg9 : memref<!tpu.dma_semaphore, #tpu.memory_space<semaphore_mem>>)
      %mul3A_376 = arith.constant 12 : i32
      %mul3A_377 = arith.muli %scan3A_238, %mul3A_376 : i32
      %add3A_378 = arith.constant 4 : i32
      %add3A_379 = arith.addi %mul3A_377, %add3A_378 : i32
      %mul3A_380 = arith.constant 80 : i32
      %mul3A_381 = arith.muli %add3A_379, %mul3A_380 : i32
      %add3A_382 = arith.addi %mul3A_61, %mul3A_381 : i32
      %multiple_of3A_383 = tpu.assume_multiple %add3A_382, 8 : i32
      %dma_wait3A_384 = arith.constant 0 : i32
      %dma_wait3A_385 = arith.constant 0 : i32
      %dma_wait3A_386 = tpu.memref_slice %arg2[%dma_wait3A_384, %dma_wait3A_385] : memref<10000x128xf32, #tpu.memory_space<hbm>> -> memref<10000x128xf32, #tpu.memory_space<hbm>>
      tpu.wait_indirect_dma semaphore(%arg10 : memref<!tpu.dma_semaphore, #tpu.memory_space<semaphore_mem>>) src(%dma_wait3A_386 : memref<10000x128xf32, #tpu.memory_space<hbm>>) dst(%arg7 : memref<80x128xf32, #tpu.memory_space<vmem>>)
      %dma_wait3A_387 = tpu.memref_slice %arg4[%multiple_of3A_383] : memref<320000xi32, #tpu.memory_space<hbm>> -> memref<80xi32, #tpu.memory_space<hbm>>
      %dma_wait3A_388 = tpu.memref_slice %arg4[%multiple_of3A_383] : memref<320000xi32, #tpu.memory_space<hbm>> -> memref<80xi32, #tpu.memory_space<hbm>>
      tpu.wait_dma2 semaphore(%arg24 : memref<!tpu.dma_semaphore, #tpu.memory_space<semaphore_mem>>) src(%dma_wait3A_388 : memref<80xi32, #tpu.memory_space<hbm>>) dst(%arg20 : memref<80xi32, #tpu.memory_space<vmem>>)
      "tpu.region"() ({
        %run_scoped3A = tpu.sem_alloc : memref<!tpu.dma_semaphore, #tpu.memory_space<semaphore_mem>>
        %dma_start3A_649 = arith.constant 0 : i32
        %dma_start3A_650 = arith.constant 0 : i32
        %dma_start3A_651 = tpu.memref_slice %arg28[%dma_start3A_649, %dma_start3A_650] : memref<10000x128xf32, #tpu.memory_space<vmem_shared>> -> memref<10000x128xf32, #tpu.memory_space<vmem_shared>>
        tpu.enqueue_indirect_dma source(%arg7 : memref<80x128xf32, #tpu.memory_space<vmem>>) target(%dma_start3A_651 : memref<10000x128xf32, #tpu.memory_space<vmem_shared>>) offsets(%arg20 : memref<80xi32, #tpu.memory_space<vmem>>) semaphore(%run_scoped3A : memref<!tpu.dma_semaphore, #tpu.memory_space<semaphore_mem>>) {add = true}
        %dma_wait3A_652 = arith.constant 0 : i32
        %dma_wait3A_653 = arith.constant 0 : i32
        %dma_wait3A_654 = tpu.memref_slice %arg28[%dma_wait3A_652, %dma_wait3A_653] : memref<10000x128xf32, #tpu.memory_space<vmem_shared>> -> memref<10000x128xf32, #tpu.memory_space<vmem_shared>>
        tpu.wait_indirect_dma semaphore(%run_scoped3A : memref<!tpu.dma_semaphore, #tpu.memory_space<semaphore_mem>>) src(%arg7 : memref<80x128xf32, #tpu.memory_space<vmem>>) dst(%dma_wait3A_654 : memref<10000x128xf32, #tpu.memory_space<vmem_shared>>)
        tpu.yield
      }) : () -> ()
      %add3A_389 = arith.constant 4 : i32
      %add3A_390 = arith.addi %add3A_379, %add3A_389 : i32
      %mul3A_391 = arith.constant 80 : i32
      %mul3A_392 = arith.muli %add3A_390, %mul3A_391 : i32
      %add3A_393 = arith.addi %mul3A_61, %mul3A_392 : i32
      %multiple_of3A_394 = tpu.assume_multiple %add3A_393, 8 : i32
      %dma_start3A_395 = tpu.memref_slice %arg3[%multiple_of3A_394] : memref<320000xi32, #tpu.memory_space<hbm>> -> memref<80xi32, #tpu.memory_space<hbm>>
      %dma_start3A_396 = tpu.memref_slice %arg3[%multiple_of3A_394] : memref<320000xi32, #tpu.memory_space<hbm>> -> memref<80xi32, #tpu.memory_space<hbm>>
      tpu.enqueue_dma source(%dma_start3A_396 : memref<80xi32, #tpu.memory_space<hbm>>) target(%arg12 : memref<80xi32, #tpu.memory_space<vmem>>) target_semaphore(%arg16 : memref<!tpu.dma_semaphore, #tpu.memory_space<semaphore_mem>>)
      %dma_start3A_397 = tpu.memref_slice %arg4[%multiple_of3A_394] : memref<320000xi32, #tpu.memory_space<hbm>> -> memref<80xi32, #tpu.memory_space<hbm>>
      %dma_start3A_398 = tpu.memref_slice %arg4[%multiple_of3A_394] : memref<320000xi32, #tpu.memory_space<hbm>> -> memref<80xi32, #tpu.memory_space<hbm>>
      tpu.enqueue_dma source(%dma_start3A_398 : memref<80xi32, #tpu.memory_space<hbm>>) target(%arg20 : memref<80xi32, #tpu.memory_space<vmem>>) target_semaphore(%arg24 : memref<!tpu.dma_semaphore, #tpu.memory_space<semaphore_mem>>)
      %add3A_399 = arith.constant 3 : i32
      %add3A_400 = arith.addi %add3A_379, %add3A_399 : i32
      %mul3A_401 = arith.constant 80 : i32
      %mul3A_402 = arith.muli %add3A_400, %mul3A_401 : i32
      %add3A_403 = arith.addi %mul3A_61, %mul3A_402 : i32
      %multiple_of3A_404 = tpu.assume_multiple %add3A_403, 8 : i32
      %dma_wait3A_405 = tpu.memref_slice %arg3[%multiple_of3A_404] : memref<320000xi32, #tpu.memory_space<hbm>> -> memref<80xi32, #tpu.memory_space<hbm>>
      %dma_wait3A_406 = tpu.memref_slice %arg3[%multiple_of3A_404] : memref<320000xi32, #tpu.memory_space<hbm>> -> memref<80xi32, #tpu.memory_space<hbm>>
      tpu.wait_dma2 semaphore(%arg19 : memref<!tpu.dma_semaphore, #tpu.memory_space<semaphore_mem>>) src(%dma_wait3A_406 : memref<80xi32, #tpu.memory_space<hbm>>) dst(%arg15 : memref<80xi32, #tpu.memory_space<vmem>>)
      %dma_start3A_407 = arith.constant 0 : i32
      %dma_start3A_408 = arith.constant 0 : i32
      %dma_start3A_409 = tpu.memref_slice %arg2[%dma_start3A_407, %dma_start3A_408] : memref<10000x128xf32, #tpu.memory_space<hbm>> -> memref<10000x128xf32, #tpu.memory_space<hbm>>
      tpu.enqueue_indirect_dma source(%dma_start3A_409 : memref<10000x128xf32, #tpu.memory_space<hbm>>) target(%arg7 : memref<80x128xf32, #tpu.memory_space<vmem>>) offsets(%arg15 : memref<80xi32, #tpu.memory_space<vmem>>) semaphore(%arg10 : memref<!tpu.dma_semaphore, #tpu.memory_space<semaphore_mem>>)
      %mul3A_410 = arith.constant 12 : i32
      %mul3A_411 = arith.muli %scan3A_238, %mul3A_410 : i32
      %add3A_412 = arith.constant 5 : i32
      %add3A_413 = arith.addi %mul3A_411, %add3A_412 : i32
      %mul3A_414 = arith.constant 80 : i32
      %mul3A_415 = arith.muli %add3A_413, %mul3A_414 : i32
      %add3A_416 = arith.addi %mul3A_61, %mul3A_415 : i32
      %multiple_of3A_417 = tpu.assume_multiple %add3A_416, 8 : i32
      %dma_wait3A_418 = arith.constant 0 : i32
      %dma_wait3A_419 = arith.constant 0 : i32
      %dma_wait3A_420 = tpu.memref_slice %arg2[%dma_wait3A_418, %dma_wait3A_419] : memref<10000x128xf32, #tpu.memory_space<hbm>> -> memref<10000x128xf32, #tpu.memory_space<hbm>>
      tpu.wait_indirect_dma semaphore(%arg11 : memref<!tpu.dma_semaphore, #tpu.memory_space<semaphore_mem>>) src(%dma_wait3A_420 : memref<10000x128xf32, #tpu.memory_space<hbm>>) dst(%arg8 : memref<80x128xf32, #tpu.memory_space<vmem>>)
      %dma_wait3A_421 = tpu.memref_slice %arg4[%multiple_of3A_417] : memref<320000xi32, #tpu.memory_space<hbm>> -> memref<80xi32, #tpu.memory_space<hbm>>
      %dma_wait3A_422 = tpu.memref_slice %arg4[%multiple_of3A_417] : memref<320000xi32, #tpu.memory_space<hbm>> -> memref<80xi32, #tpu.memory_space<hbm>>
      tpu.wait_dma2 semaphore(%arg25 : memref<!tpu.dma_semaphore, #tpu.memory_space<semaphore_mem>>) src(%dma_wait3A_422 : memref<80xi32, #tpu.memory_space<hbm>>) dst(%arg21 : memref<80xi32, #tpu.memory_space<vmem>>)
      "tpu.region"() ({
        %run_scoped3A = tpu.sem_alloc : memref<!tpu.dma_semaphore, #tpu.memory_space<semaphore_mem>>
        %dma_start3A_649 = arith.constant 0 : i32
        %dma_start3A_650 = arith.constant 0 : i32
        %dma_start3A_651 = tpu.memref_slice %arg28[%dma_start3A_649, %dma_start3A_650] : memref<10000x128xf32, #tpu.memory_space<vmem_shared>> -> memref<10000x128xf32, #tpu.memory_space<vmem_shared>>
        tpu.enqueue_indirect_dma source(%arg8 : memref<80x128xf32, #tpu.memory_space<vmem>>) target(%dma_start3A_651 : memref<10000x128xf32, #tpu.memory_space<vmem_shared>>) offsets(%arg21 : memref<80xi32, #tpu.memory_space<vmem>>) semaphore(%run_scoped3A : memref<!tpu.dma_semaphore, #tpu.memory_space<semaphore_mem>>) {add = true}
        %dma_wait3A_652 = arith.constant 0 : i32
        %dma_wait3A_653 = arith.constant 0 : i32
        %dma_wait3A_654 = tpu.memref_slice %arg28[%dma_wait3A_652, %dma_wait3A_653] : memref<10000x128xf32, #tpu.memory_space<vmem_shared>> -> memref<10000x128xf32, #tpu.memory_space<vmem_shared>>
        tpu.wait_indirect_dma semaphore(%run_scoped3A : memref<!tpu.dma_semaphore, #tpu.memory_space<semaphore_mem>>) src(%arg8 : memref<80x128xf32, #tpu.memory_space<vmem>>) dst(%dma_wait3A_654 : memref<10000x128xf32, #tpu.memory_space<vmem_shared>>)
        tpu.yield
      }) : () -> ()
      %add3A_423 = arith.constant 4 : i32
      %add3A_424 = arith.addi %add3A_413, %add3A_423 : i32
      %mul3A_425 = arith.constant 80 : i32
      %mul3A_426 = arith.muli %add3A_424, %mul3A_425 : i32
      %add3A_427 = arith.addi %mul3A_61, %mul3A_426 : i32
      %multiple_of3A_428 = tpu.assume_multiple %add3A_427, 8 : i32
      %dma_start3A_429 = tpu.memref_slice %arg3[%multiple_of3A_428] : memref<320000xi32, #tpu.memory_space<hbm>> -> memref<80xi32, #tpu.memory_space<hbm>>
      %dma_start3A_430 = tpu.memref_slice %arg3[%multiple_of3A_428] : memref<320000xi32, #tpu.memory_space<hbm>> -> memref<80xi32, #tpu.memory_space<hbm>>
      tpu.enqueue_dma source(%dma_start3A_430 : memref<80xi32, #tpu.memory_space<hbm>>) target(%arg13 : memref<80xi32, #tpu.memory_space<vmem>>) target_semaphore(%arg17 : memref<!tpu.dma_semaphore, #tpu.memory_space<semaphore_mem>>)
      %dma_start3A_431 = tpu.memref_slice %arg4[%multiple_of3A_428] : memref<320000xi32, #tpu.memory_space<hbm>> -> memref<80xi32, #tpu.memory_space<hbm>>
      %dma_start3A_432 = tpu.memref_slice %arg4[%multiple_of3A_428] : memref<320000xi32, #tpu.memory_space<hbm>> -> memref<80xi32, #tpu.memory_space<hbm>>
      tpu.enqueue_dma source(%dma_start3A_432 : memref<80xi32, #tpu.memory_space<hbm>>) target(%arg21 : memref<80xi32, #tpu.memory_space<vmem>>) target_semaphore(%arg25 : memref<!tpu.dma_semaphore, #tpu.memory_space<semaphore_mem>>)
      %add3A_433 = arith.constant 3 : i32
      %add3A_434 = arith.addi %add3A_413, %add3A_433 : i32
      %mul3A_435 = arith.constant 80 : i32
      %mul3A_436 = arith.muli %add3A_434, %mul3A_435 : i32
      %add3A_437 = arith.addi %mul3A_61, %mul3A_436 : i32
      %multiple_of3A_438 = tpu.assume_multiple %add3A_437, 8 : i32
      %dma_wait3A_439 = tpu.memref_slice %arg3[%multiple_of3A_438] : memref<320000xi32, #tpu.memory_space<hbm>> -> memref<80xi32, #tpu.memory_space<hbm>>
      %dma_wait3A_440 = tpu.memref_slice %arg3[%multiple_of3A_438] : memref<320000xi32, #tpu.memory_space<hbm>> -> memref<80xi32, #tpu.memory_space<hbm>>
      tpu.wait_dma2 semaphore(%arg16 : memref<!tpu.dma_semaphore, #tpu.memory_space<semaphore_mem>>) src(%dma_wait3A_440 : memref<80xi32, #tpu.memory_space<hbm>>) dst(%arg12 : memref<80xi32, #tpu.memory_space<vmem>>)
      %dma_start3A_441 = arith.constant 0 : i32
      %dma_start3A_442 = arith.constant 0 : i32
      %dma_start3A_443 = tpu.memref_slice %arg2[%dma_start3A_441, %dma_start3A_442] : memref<10000x128xf32, #tpu.memory_space<hbm>> -> memref<10000x128xf32, #tpu.memory_space<hbm>>
      tpu.enqueue_indirect_dma source(%dma_start3A_443 : memref<10000x128xf32, #tpu.memory_space<hbm>>) target(%arg8 : memref<80x128xf32, #tpu.memory_space<vmem>>) offsets(%arg12 : memref<80xi32, #tpu.memory_space<vmem>>) semaphore(%arg11 : memref<!tpu.dma_semaphore, #tpu.memory_space<semaphore_mem>>)
      %mul3A_444 = arith.constant 12 : i32
      %mul3A_445 = arith.muli %scan3A_238, %mul3A_444 : i32
      %add3A_446 = arith.constant 6 : i32
      %add3A_447 = arith.addi %mul3A_445, %add3A_446 : i32
      %mul3A_448 = arith.constant 80 : i32
      %mul3A_449 = arith.muli %add3A_447, %mul3A_448 : i32
      %add3A_450 = arith.addi %mul3A_61, %mul3A_449 : i32
      %multiple_of3A_451 = tpu.assume_multiple %add3A_450, 8 : i32
      %dma_wait3A_452 = arith.constant 0 : i32
      %dma_wait3A_453 = arith.constant 0 : i32
      %dma_wait3A_454 = tpu.memref_slice %arg2[%dma_wait3A_452, %dma_wait3A_453] : memref<10000x128xf32, #tpu.memory_space<hbm>> -> memref<10000x128xf32, #tpu.memory_space<hbm>>
      tpu.wait_indirect_dma semaphore(%arg9 : memref<!tpu.dma_semaphore, #tpu.memory_space<semaphore_mem>>) src(%dma_wait3A_454 : memref<10000x128xf32, #tpu.memory_space<hbm>>) dst(%arg6 : memref<80x128xf32, #tpu.memory_space<vmem>>)
      %dma_wait3A_455 = tpu.memref_slice %arg4[%multiple_of3A_451] : memref<320000xi32, #tpu.memory_space<hbm>> -> memref<80xi32, #tpu.memory_space<hbm>>
      %dma_wait3A_456 = tpu.memref_slice %arg4[%multiple_of3A_451] : memref<320000xi32, #tpu.memory_space<hbm>> -> memref<80xi32, #tpu.memory_space<hbm>>
      tpu.wait_dma2 semaphore(%arg26 : memref<!tpu.dma_semaphore, #tpu.memory_space<semaphore_mem>>) src(%dma_wait3A_456 : memref<80xi32, #tpu.memory_space<hbm>>) dst(%arg22 : memref<80xi32, #tpu.memory_space<vmem>>)
      "tpu.region"() ({
        %run_scoped3A = tpu.sem_alloc : memref<!tpu.dma_semaphore, #tpu.memory_space<semaphore_mem>>
        %dma_start3A_649 = arith.constant 0 : i32
        %dma_start3A_650 = arith.constant 0 : i32
        %dma_start3A_651 = tpu.memref_slice %arg28[%dma_start3A_649, %dma_start3A_650] : memref<10000x128xf32, #tpu.memory_space<vmem_shared>> -> memref<10000x128xf32, #tpu.memory_space<vmem_shared>>
        tpu.enqueue_indirect_dma source(%arg6 : memref<80x128xf32, #tpu.memory_space<vmem>>) target(%dma_start3A_651 : memref<10000x128xf32, #tpu.memory_space<vmem_shared>>) offsets(%arg22 : memref<80xi32, #tpu.memory_space<vmem>>) semaphore(%run_scoped3A : memref<!tpu.dma_semaphore, #tpu.memory_space<semaphore_mem>>) {add = true}
        %dma_wait3A_652 = arith.constant 0 : i32
        %dma_wait3A_653 = arith.constant 0 : i32
        %dma_wait3A_654 = tpu.memref_slice %arg28[%dma_wait3A_652, %dma_wait3A_653] : memref<10000x128xf32, #tpu.memory_space<vmem_shared>> -> memref<10000x128xf32, #tpu.memory_space<vmem_shared>>
        tpu.wait_indirect_dma semaphore(%run_scoped3A : memref<!tpu.dma_semaphore, #tpu.memory_space<semaphore_mem>>) src(%arg6 : memref<80x128xf32, #tpu.memory_space<vmem>>) dst(%dma_wait3A_654 : memref<10000x128xf32, #tpu.memory_space<vmem_shared>>)
        tpu.yield
      }) : () -> ()
      %add3A_457 = arith.constant 4 : i32
      %add3A_458 = arith.addi %add3A_447, %add3A_457 : i32
      %mul3A_459 = arith.constant 80 : i32
      %mul3A_460 = arith.muli %add3A_458, %mul3A_459 : i32
      %add3A_461 = arith.addi %mul3A_61, %mul3A_460 : i32
      %multiple_of3A_462 = tpu.assume_multiple %add3A_461, 8 : i32
      %dma_start3A_463 = tpu.memref_slice %arg3[%multiple_of3A_462] : memref<320000xi32, #tpu.memory_space<hbm>> -> memref<80xi32, #tpu.memory_space<hbm>>
      %dma_start3A_464 = tpu.memref_slice %arg3[%multiple_of3A_462] : memref<320000xi32, #tpu.memory_space<hbm>> -> memref<80xi32, #tpu.memory_space<hbm>>
      tpu.enqueue_dma source(%dma_start3A_464 : memref<80xi32, #tpu.memory_space<hbm>>) target(%arg14 : memref<80xi32, #tpu.memory_space<vmem>>) target_semaphore(%arg18 : memref<!tpu.dma_semaphore, #tpu.memory_space<semaphore_mem>>)
      %dma_start3A_465 = tpu.memref_slice %arg4[%multiple_of3A_462] : memref<320000xi32, #tpu.memory_space<hbm>> -> memref<80xi32, #tpu.memory_space<hbm>>
      %dma_start3A_466 = tpu.memref_slice %arg4[%multiple_of3A_462] : memref<320000xi32, #tpu.memory_space<hbm>> -> memref<80xi32, #tpu.memory_space<hbm>>
      tpu.enqueue_dma source(%dma_start3A_466 : memref<80xi32, #tpu.memory_space<hbm>>) target(%arg22 : memref<80xi32, #tpu.memory_space<vmem>>) target_semaphore(%arg26 : memref<!tpu.dma_semaphore, #tpu.memory_space<semaphore_mem>>)
      %add3A_467 = arith.constant 3 : i32
      %add3A_468 = arith.addi %add3A_447, %add3A_467 : i32
      %mul3A_469 = arith.constant 80 : i32
      %mul3A_470 = arith.muli %add3A_468, %mul3A_469 : i32
      %add3A_471 = arith.addi %mul3A_61, %mul3A_470 : i32
      %multiple_of3A_472 = tpu.assume_multiple %add3A_471, 8 : i32
      %dma_wait3A_473 = tpu.memref_slice %arg3[%multiple_of3A_472] : memref<320000xi32, #tpu.memory_space<hbm>> -> memref<80xi32, #tpu.memory_space<hbm>>
      %dma_wait3A_474 = tpu.memref_slice %arg3[%multiple_of3A_472] : memref<320000xi32, #tpu.memory_space<hbm>> -> memref<80xi32, #tpu.memory_space<hbm>>
      tpu.wait_dma2 semaphore(%arg17 : memref<!tpu.dma_semaphore, #tpu.memory_space<semaphore_mem>>) src(%dma_wait3A_474 : memref<80xi32, #tpu.memory_space<hbm>>) dst(%arg13 : memref<80xi32, #tpu.memory_space<vmem>>)
      %dma_start3A_475 = arith.constant 0 : i32
      %dma_start3A_476 = arith.constant 0 : i32
      %dma_start3A_477 = tpu.memref_slice %arg2[%dma_start3A_475, %dma_start3A_476] : memref<10000x128xf32, #tpu.memory_space<hbm>> -> memref<10000x128xf32, #tpu.memory_space<hbm>>
      tpu.enqueue_indirect_dma source(%dma_start3A_477 : memref<10000x128xf32, #tpu.memory_space<hbm>>) target(%arg6 : memref<80x128xf32, #tpu.memory_space<vmem>>) offsets(%arg13 : memref<80xi32, #tpu.memory_space<vmem>>) semaphore(%arg9 : memref<!tpu.dma_semaphore, #tpu.memory_space<semaphore_mem>>)
      %mul3A_478 = arith.constant 12 : i32
      %mul3A_479 = arith.muli %scan3A_238, %mul3A_478 : i32
      %add3A_480 = arith.constant 7 : i32
      %add3A_481 = arith.addi %mul3A_479, %add3A_480 : i32
      %mul3A_482 = arith.constant 80 : i32
      %mul3A_483 = arith.muli %add3A_481, %mul3A_482 : i32
      %add3A_484 = arith.addi %mul3A_61, %mul3A_483 : i32
      %multiple_of3A_485 = tpu.assume_multiple %add3A_484, 8 : i32
      %dma_wait3A_486 = arith.constant 0 : i32
      %dma_wait3A_487 = arith.constant 0 : i32
      %dma_wait3A_488 = tpu.memref_slice %arg2[%dma_wait3A_486, %dma_wait3A_487] : memref<10000x128xf32, #tpu.memory_space<hbm>> -> memref<10000x128xf32, #tpu.memory_space<hbm>>
      tpu.wait_indirect_dma semaphore(%arg10 : memref<!tpu.dma_semaphore, #tpu.memory_space<semaphore_mem>>) src(%dma_wait3A_488 : memref<10000x128xf32, #tpu.memory_space<hbm>>) dst(%arg7 : memref<80x128xf32, #tpu.memory_space<vmem>>)
      %dma_wait3A_489 = tpu.memref_slice %arg4[%multiple_of3A_485] : memref<320000xi32, #tpu.memory_space<hbm>> -> memref<80xi32, #tpu.memory_space<hbm>>
      %dma_wait3A_490 = tpu.memref_slice %arg4[%multiple_of3A_485] : memref<320000xi32, #tpu.memory_space<hbm>> -> memref<80xi32, #tpu.memory_space<hbm>>
      tpu.wait_dma2 semaphore(%arg27 : memref<!tpu.dma_semaphore, #tpu.memory_space<semaphore_mem>>) src(%dma_wait3A_490 : memref<80xi32, #tpu.memory_space<hbm>>) dst(%arg23 : memref<80xi32, #tpu.memory_space<vmem>>)
      "tpu.region"() ({
        %run_scoped3A = tpu.sem_alloc : memref<!tpu.dma_semaphore, #tpu.memory_space<semaphore_mem>>
        %dma_start3A_649 = arith.constant 0 : i32
        %dma_start3A_650 = arith.constant 0 : i32
        %dma_start3A_651 = tpu.memref_slice %arg28[%dma_start3A_649, %dma_start3A_650] : memref<10000x128xf32, #tpu.memory_space<vmem_shared>> -> memref<10000x128xf32, #tpu.memory_space<vmem_shared>>
        tpu.enqueue_indirect_dma source(%arg7 : memref<80x128xf32, #tpu.memory_space<vmem>>) target(%dma_start3A_651 : memref<10000x128xf32, #tpu.memory_space<vmem_shared>>) offsets(%arg23 : memref<80xi32, #tpu.memory_space<vmem>>) semaphore(%run_scoped3A : memref<!tpu.dma_semaphore, #tpu.memory_space<semaphore_mem>>) {add = true}
        %dma_wait3A_652 = arith.constant 0 : i32
        %dma_wait3A_653 = arith.constant 0 : i32
        %dma_wait3A_654 = tpu.memref_slice %arg28[%dma_wait3A_652, %dma_wait3A_653] : memref<10000x128xf32, #tpu.memory_space<vmem_shared>> -> memref<10000x128xf32, #tpu.memory_space<vmem_shared>>
        tpu.wait_indirect_dma semaphore(%run_scoped3A : memref<!tpu.dma_semaphore, #tpu.memory_space<semaphore_mem>>) src(%arg7 : memref<80x128xf32, #tpu.memory_space<vmem>>) dst(%dma_wait3A_654 : memref<10000x128xf32, #tpu.memory_space<vmem_shared>>)
        tpu.yield
      }) : () -> ()
      %add3A_491 = arith.constant 4 : i32
      %add3A_492 = arith.addi %add3A_481, %add3A_491 : i32
      %mul3A_493 = arith.constant 80 : i32
      %mul3A_494 = arith.muli %add3A_492, %mul3A_493 : i32
      %add3A_495 = arith.addi %mul3A_61, %mul3A_494 : i32
      %multiple_of3A_496 = tpu.assume_multiple %add3A_495, 8 : i32
      %dma_start3A_497 = tpu.memref_slice %arg3[%multiple_of3A_496] : memref<320000xi32, #tpu.memory_space<hbm>> -> memref<80xi32, #tpu.memory_space<hbm>>
      %dma_start3A_498 = tpu.memref_slice %arg3[%multiple_of3A_496] : memref<320000xi32, #tpu.memory_space<hbm>> -> memref<80xi32, #tpu.memory_space<hbm>>
      tpu.enqueue_dma source(%dma_start3A_498 : memref<80xi32, #tpu.memory_space<hbm>>) target(%arg15 : memref<80xi32, #tpu.memory_space<vmem>>) target_semaphore(%arg19 : memref<!tpu.dma_semaphore, #tpu.memory_space<semaphore_mem>>)
      %dma_start3A_499 = tpu.memref_slice %arg4[%multiple_of3A_496] : memref<320000xi32, #tpu.memory_space<hbm>> -> memref<80xi32, #tpu.memory_space<hbm>>
      %dma_start3A_500 = tpu.memref_slice %arg4[%multiple_of3A_496] : memref<320000xi32, #tpu.memory_space<hbm>> -> memref<80xi32, #tpu.memory_space<hbm>>
      tpu.enqueue_dma source(%dma_start3A_500 : memref<80xi32, #tpu.memory_space<hbm>>) target(%arg23 : memref<80xi32, #tpu.memory_space<vmem>>) target_semaphore(%arg27 : memref<!tpu.dma_semaphore, #tpu.memory_space<semaphore_mem>>)
      %add3A_501 = arith.constant 3 : i32
      %add3A_502 = arith.addi %add3A_481, %add3A_501 : i32
      %mul3A_503 = arith.constant 80 : i32
      %mul3A_504 = arith.muli %add3A_502, %mul3A_503 : i32
      %add3A_505 = arith.addi %mul3A_61, %mul3A_504 : i32
      %multiple_of3A_506 = tpu.assume_multiple %add3A_505, 8 : i32
      %dma_wait3A_507 = tpu.memref_slice %arg3[%multiple_of3A_506] : memref<320000xi32, #tpu.memory_space<hbm>> -> memref<80xi32, #tpu.memory_space<hbm>>
      %dma_wait3A_508 = tpu.memref_slice %arg3[%multiple_of3A_506] : memref<320000xi32, #tpu.memory_space<hbm>> -> memref<80xi32, #tpu.memory_space<hbm>>
      tpu.wait_dma2 semaphore(%arg18 : memref<!tpu.dma_semaphore, #tpu.memory_space<semaphore_mem>>) src(%dma_wait3A_508 : memref<80xi32, #tpu.memory_space<hbm>>) dst(%arg14 : memref<80xi32, #tpu.memory_space<vmem>>)
      %dma_start3A_509 = arith.constant 0 : i32
      %dma_start3A_510 = arith.constant 0 : i32
      %dma_start3A_511 = tpu.memref_slice %arg2[%dma_start3A_509, %dma_start3A_510] : memref<10000x128xf32, #tpu.memory_space<hbm>> -> memref<10000x128xf32, #tpu.memory_space<hbm>>
      tpu.enqueue_indirect_dma source(%dma_start3A_511 : memref<10000x128xf32, #tpu.memory_space<hbm>>) target(%arg7 : memref<80x128xf32, #tpu.memory_space<vmem>>) offsets(%arg14 : memref<80xi32, #tpu.memory_space<vmem>>) semaphore(%arg10 : memref<!tpu.dma_semaphore, #tpu.memory_space<semaphore_mem>>)
      %mul3A_512 = arith.constant 12 : i32
      %mul3A_513 = arith.muli %scan3A_238, %mul3A_512 : i32
      %add3A_514 = arith.constant 8 : i32
      %add3A_515 = arith.addi %mul3A_513, %add3A_514 : i32
      %mul3A_516 = arith.constant 80 : i32
      %mul3A_517 = arith.muli %add3A_515, %mul3A_516 : i32
      %add3A_518 = arith.addi %mul3A_61, %mul3A_517 : i32
      %multiple_of3A_519 = tpu.assume_multiple %add3A_518, 8 : i32
      %dma_wait3A_520 = arith.constant 0 : i32
      %dma_wait3A_521 = arith.constant 0 : i32
      %dma_wait3A_522 = tpu.memref_slice %arg2[%dma_wait3A_520, %dma_wait3A_521] : memref<10000x128xf32, #tpu.memory_space<hbm>> -> memref<10000x128xf32, #tpu.memory_space<hbm>>
      tpu.wait_indirect_dma semaphore(%arg11 : memref<!tpu.dma_semaphore, #tpu.memory_space<semaphore_mem>>) src(%dma_wait3A_522 : memref<10000x128xf32, #tpu.memory_space<hbm>>) dst(%arg8 : memref<80x128xf32, #tpu.memory_space<vmem>>)
      %dma_wait3A_523 = tpu.memref_slice %arg4[%multiple_of3A_519] : memref<320000xi32, #tpu.memory_space<hbm>> -> memref<80xi32, #tpu.memory_space<hbm>>
      %dma_wait3A_524 = tpu.memref_slice %arg4[%multiple_of3A_519] : memref<320000xi32, #tpu.memory_space<hbm>> -> memref<80xi32, #tpu.memory_space<hbm>>
      tpu.wait_dma2 semaphore(%arg24 : memref<!tpu.dma_semaphore, #tpu.memory_space<semaphore_mem>>) src(%dma_wait3A_524 : memref<80xi32, #tpu.memory_space<hbm>>) dst(%arg20 : memref<80xi32, #tpu.memory_space<vmem>>)
      "tpu.region"() ({
        %run_scoped3A = tpu.sem_alloc : memref<!tpu.dma_semaphore, #tpu.memory_space<semaphore_mem>>
        %dma_start3A_649 = arith.constant 0 : i32
        %dma_start3A_650 = arith.constant 0 : i32
        %dma_start3A_651 = tpu.memref_slice %arg28[%dma_start3A_649, %dma_start3A_650] : memref<10000x128xf32, #tpu.memory_space<vmem_shared>> -> memref<10000x128xf32, #tpu.memory_space<vmem_shared>>
        tpu.enqueue_indirect_dma source(%arg8 : memref<80x128xf32, #tpu.memory_space<vmem>>) target(%dma_start3A_651 : memref<10000x128xf32, #tpu.memory_space<vmem_shared>>) offsets(%arg20 : memref<80xi32, #tpu.memory_space<vmem>>) semaphore(%run_scoped3A : memref<!tpu.dma_semaphore, #tpu.memory_space<semaphore_mem>>) {add = true}
        %dma_wait3A_652 = arith.constant 0 : i32
        %dma_wait3A_653 = arith.constant 0 : i32
        %dma_wait3A_654 = tpu.memref_slice %arg28[%dma_wait3A_652, %dma_wait3A_653] : memref<10000x128xf32, #tpu.memory_space<vmem_shared>> -> memref<10000x128xf32, #tpu.memory_space<vmem_shared>>
        tpu.wait_indirect_dma semaphore(%run_scoped3A : memref<!tpu.dma_semaphore, #tpu.memory_space<semaphore_mem>>) src(%arg8 : memref<80x128xf32, #tpu.memory_space<vmem>>) dst(%dma_wait3A_654 : memref<10000x128xf32, #tpu.memory_space<vmem_shared>>)
        tpu.yield
      }) : () -> ()
      %add3A_525 = arith.constant 4 : i32
      %add3A_526 = arith.addi %add3A_515, %add3A_525 : i32
      %mul3A_527 = arith.constant 80 : i32
      %mul3A_528 = arith.muli %add3A_526, %mul3A_527 : i32
      %add3A_529 = arith.addi %mul3A_61, %mul3A_528 : i32
      %multiple_of3A_530 = tpu.assume_multiple %add3A_529, 8 : i32
      %dma_start3A_531 = tpu.memref_slice %arg3[%multiple_of3A_530] : memref<320000xi32, #tpu.memory_space<hbm>> -> memref<80xi32, #tpu.memory_space<hbm>>
      %dma_start3A_532 = tpu.memref_slice %arg3[%multiple_of3A_530] : memref<320000xi32, #tpu.memory_space<hbm>> -> memref<80xi32, #tpu.memory_space<hbm>>
      tpu.enqueue_dma source(%dma_start3A_532 : memref<80xi32, #tpu.memory_space<hbm>>) target(%arg12 : memref<80xi32, #tpu.memory_space<vmem>>) target_semaphore(%arg16 : memref<!tpu.dma_semaphore, #tpu.memory_space<semaphore_mem>>)
      %dma_start3A_533 = tpu.memref_slice %arg4[%multiple_of3A_530] : memref<320000xi32, #tpu.memory_space<hbm>> -> memref<80xi32, #tpu.memory_space<hbm>>
      %dma_start3A_534 = tpu.memref_slice %arg4[%multiple_of3A_530] : memref<320000xi32, #tpu.memory_space<hbm>> -> memref<80xi32, #tpu.memory_space<hbm>>
      tpu.enqueue_dma source(%dma_start3A_534 : memref<80xi32, #tpu.memory_space<hbm>>) target(%arg20 : memref<80xi32, #tpu.memory_space<vmem>>) target_semaphore(%arg24 : memref<!tpu.dma_semaphore, #tpu.memory_space<semaphore_mem>>)
      %add3A_535 = arith.constant 3 : i32
      %add3A_536 = arith.addi %add3A_515, %add3A_535 : i32
      %mul3A_537 = arith.constant 80 : i32
      %mul3A_538 = arith.muli %add3A_536, %mul3A_537 : i32
      %add3A_539 = arith.addi %mul3A_61, %mul3A_538 : i32
      %multiple_of3A_540 = tpu.assume_multiple %add3A_539, 8 : i32
      %dma_wait3A_541 = tpu.memref_slice %arg3[%multiple_of3A_540] : memref<320000xi32, #tpu.memory_space<hbm>> -> memref<80xi32, #tpu.memory_space<hbm>>
      %dma_wait3A_542 = tpu.memref_slice %arg3[%multiple_of3A_540] : memref<320000xi32, #tpu.memory_space<hbm>> -> memref<80xi32, #tpu.memory_space<hbm>>
      tpu.wait_dma2 semaphore(%arg19 : memref<!tpu.dma_semaphore, #tpu.memory_space<semaphore_mem>>) src(%dma_wait3A_542 : memref<80xi32, #tpu.memory_space<hbm>>) dst(%arg15 : memref<80xi32, #tpu.memory_space<vmem>>)
      %dma_start3A_543 = arith.constant 0 : i32
      %dma_start3A_544 = arith.constant 0 : i32
      %dma_start3A_545 = tpu.memref_slice %arg2[%dma_start3A_543, %dma_start3A_544] : memref<10000x128xf32, #tpu.memory_space<hbm>> -> memref<10000x128xf32, #tpu.memory_space<hbm>>
      tpu.enqueue_indirect_dma source(%dma_start3A_545 : memref<10000x128xf32, #tpu.memory_space<hbm>>) target(%arg8 : memref<80x128xf32, #tpu.memory_space<vmem>>) offsets(%arg15 : memref<80xi32, #tpu.memory_space<vmem>>) semaphore(%arg11 : memref<!tpu.dma_semaphore, #tpu.memory_space<semaphore_mem>>)
      %mul3A_546 = arith.constant 12 : i32
      %mul3A_547 = arith.muli %scan3A_238, %mul3A_546 : i32
      %add3A_548 = arith.constant 9 : i32
      %add3A_549 = arith.addi %mul3A_547, %add3A_548 : i32
      %mul3A_550 = arith.constant 80 : i32
      %mul3A_551 = arith.muli %add3A_549, %mul3A_550 : i32
      %add3A_552 = arith.addi %mul3A_61, %mul3A_551 : i32
      %multiple_of3A_553 = tpu.assume_multiple %add3A_552, 8 : i32
      %dma_wait3A_554 = arith.constant 0 : i32
      %dma_wait3A_555 = arith.constant 0 : i32
      %dma_wait3A_556 = tpu.memref_slice %arg2[%dma_wait3A_554, %dma_wait3A_555] : memref<10000x128xf32, #tpu.memory_space<hbm>> -> memref<10000x128xf32, #tpu.memory_space<hbm>>
      tpu.wait_indirect_dma semaphore(%arg9 : memref<!tpu.dma_semaphore, #tpu.memory_space<semaphore_mem>>) src(%dma_wait3A_556 : memref<10000x128xf32, #tpu.memory_space<hbm>>) dst(%arg6 : memref<80x128xf32, #tpu.memory_space<vmem>>)
      %dma_wait3A_557 = tpu.memref_slice %arg4[%multiple_of3A_553] : memref<320000xi32, #tpu.memory_space<hbm>> -> memref<80xi32, #tpu.memory_space<hbm>>
      %dma_wait3A_558 = tpu.memref_slice %arg4[%multiple_of3A_553] : memref<320000xi32, #tpu.memory_space<hbm>> -> memref<80xi32, #tpu.memory_space<hbm>>
      tpu.wait_dma2 semaphore(%arg25 : memref<!tpu.dma_semaphore, #tpu.memory_space<semaphore_mem>>) src(%dma_wait3A_558 : memref<80xi32, #tpu.memory_space<hbm>>) dst(%arg21 : memref<80xi32, #tpu.memory_space<vmem>>)
      "tpu.region"() ({
        %run_scoped3A = tpu.sem_alloc : memref<!tpu.dma_semaphore, #tpu.memory_space<semaphore_mem>>
        %dma_start3A_649 = arith.constant 0 : i32
        %dma_start3A_650 = arith.constant 0 : i32
        %dma_start3A_651 = tpu.memref_slice %arg28[%dma_start3A_649, %dma_start3A_650] : memref<10000x128xf32, #tpu.memory_space<vmem_shared>> -> memref<10000x128xf32, #tpu.memory_space<vmem_shared>>
        tpu.enqueue_indirect_dma source(%arg6 : memref<80x128xf32, #tpu.memory_space<vmem>>) target(%dma_start3A_651 : memref<10000x128xf32, #tpu.memory_space<vmem_shared>>) offsets(%arg21 : memref<80xi32, #tpu.memory_space<vmem>>) semaphore(%run_scoped3A : memref<!tpu.dma_semaphore, #tpu.memory_space<semaphore_mem>>) {add = true}
        %dma_wait3A_652 = arith.constant 0 : i32
        %dma_wait3A_653 = arith.constant 0 : i32
        %dma_wait3A_654 = tpu.memref_slice %arg28[%dma_wait3A_652, %dma_wait3A_653] : memref<10000x128xf32, #tpu.memory_space<vmem_shared>> -> memref<10000x128xf32, #tpu.memory_space<vmem_shared>>
        tpu.wait_indirect_dma semaphore(%run_scoped3A : memref<!tpu.dma_semaphore, #tpu.memory_space<semaphore_mem>>) src(%arg6 : memref<80x128xf32, #tpu.memory_space<vmem>>) dst(%dma_wait3A_654 : memref<10000x128xf32, #tpu.memory_space<vmem_shared>>)
        tpu.yield
      }) : () -> ()
      %add3A_559 = arith.constant 4 : i32
      %add3A_560 = arith.addi %add3A_549, %add3A_559 : i32
      %mul3A_561 = arith.constant 80 : i32
      %mul3A_562 = arith.muli %add3A_560, %mul3A_561 : i32
      %add3A_563 = arith.addi %mul3A_61, %mul3A_562 : i32
      %multiple_of3A_564 = tpu.assume_multiple %add3A_563, 8 : i32
      %dma_start3A_565 = tpu.memref_slice %arg3[%multiple_of3A_564] : memref<320000xi32, #tpu.memory_space<hbm>> -> memref<80xi32, #tpu.memory_space<hbm>>
      %dma_start3A_566 = tpu.memref_slice %arg3[%multiple_of3A_564] : memref<320000xi32, #tpu.memory_space<hbm>> -> memref<80xi32, #tpu.memory_space<hbm>>
      tpu.enqueue_dma source(%dma_start3A_566 : memref<80xi32, #tpu.memory_space<hbm>>) target(%arg13 : memref<80xi32, #tpu.memory_space<vmem>>) target_semaphore(%arg17 : memref<!tpu.dma_semaphore, #tpu.memory_space<semaphore_mem>>)
      %dma_start3A_567 = tpu.memref_slice %arg4[%multiple_of3A_564] : memref<320000xi32, #tpu.memory_space<hbm>> -> memref<80xi32, #tpu.memory_space<hbm>>
      %dma_start3A_568 = tpu.memref_slice %arg4[%multiple_of3A_564] : memref<320000xi32, #tpu.memory_space<hbm>> -> memref<80xi32, #tpu.memory_space<hbm>>
      tpu.enqueue_dma source(%dma_start3A_568 : memref<80xi32, #tpu.memory_space<hbm>>) target(%arg21 : memref<80xi32, #tpu.memory_space<vmem>>) target_semaphore(%arg25 : memref<!tpu.dma_semaphore, #tpu.memory_space<semaphore_mem>>)
      %add3A_569 = arith.constant 3 : i32
      %add3A_570 = arith.addi %add3A_549, %add3A_569 : i32
      %mul3A_571 = arith.constant 80 : i32
      %mul3A_572 = arith.muli %add3A_570, %mul3A_571 : i32
      %add3A_573 = arith.addi %mul3A_61, %mul3A_572 : i32
      %multiple_of3A_574 = tpu.assume_multiple %add3A_573, 8 : i32
      %dma_wait3A_575 = tpu.memref_slice %arg3[%multiple_of3A_574] : memref<320000xi32, #tpu.memory_space<hbm>> -> memref<80xi32, #tpu.memory_space<hbm>>
      %dma_wait3A_576 = tpu.memref_slice %arg3[%multiple_of3A_574] : memref<320000xi32, #tpu.memory_space<hbm>> -> memref<80xi32, #tpu.memory_space<hbm>>
      tpu.wait_dma2 semaphore(%arg16 : memref<!tpu.dma_semaphore, #tpu.memory_space<semaphore_mem>>) src(%dma_wait3A_576 : memref<80xi32, #tpu.memory_space<hbm>>) dst(%arg12 : memref<80xi32, #tpu.memory_space<vmem>>)
      %dma_start3A_577 = arith.constant 0 : i32
      %dma_start3A_578 = arith.constant 0 : i32
      %dma_start3A_579 = tpu.memref_slice %arg2[%dma_start3A_577, %dma_start3A_578] : memref<10000x128xf32, #tpu.memory_space<hbm>> -> memref<10000x128xf32, #tpu.memory_space<hbm>>
      tpu.enqueue_indirect_dma source(%dma_start3A_579 : memref<10000x128xf32, #tpu.memory_space<hbm>>) target(%arg6 : memref<80x128xf32, #tpu.memory_space<vmem>>) offsets(%arg12 : memref<80xi32, #tpu.memory_space<vmem>>) semaphore(%arg9 : memref<!tpu.dma_semaphore, #tpu.memory_space<semaphore_mem>>)
      %mul3A_580 = arith.constant 12 : i32
      %mul3A_581 = arith.muli %scan3A_238, %mul3A_580 : i32
      %add3A_582 = arith.constant 10 : i32
      %add3A_583 = arith.addi %mul3A_581, %add3A_582 : i32
      %mul3A_584 = arith.constant 80 : i32
      %mul3A_585 = arith.muli %add3A_583, %mul3A_584 : i32
      %add3A_586 = arith.addi %mul3A_61, %mul3A_585 : i32
      %multiple_of3A_587 = tpu.assume_multiple %add3A_586, 8 : i32
      %dma_wait3A_588 = arith.constant 0 : i32
      %dma_wait3A_589 = arith.constant 0 : i32
      %dma_wait3A_590 = tpu.memref_slice %arg2[%dma_wait3A_588, %dma_wait3A_589] : memref<10000x128xf32, #tpu.memory_space<hbm>> -> memref<10000x128xf32, #tpu.memory_space<hbm>>
      tpu.wait_indirect_dma semaphore(%arg10 : memref<!tpu.dma_semaphore, #tpu.memory_space<semaphore_mem>>) src(%dma_wait3A_590 : memref<10000x128xf32, #tpu.memory_space<hbm>>) dst(%arg7 : memref<80x128xf32, #tpu.memory_space<vmem>>)
      %dma_wait3A_591 = tpu.memref_slice %arg4[%multiple_of3A_587] : memref<320000xi32, #tpu.memory_space<hbm>> -> memref<80xi32, #tpu.memory_space<hbm>>
      %dma_wait3A_592 = tpu.memref_slice %arg4[%multiple_of3A_587] : memref<320000xi32, #tpu.memory_space<hbm>> -> memref<80xi32, #tpu.memory_space<hbm>>
      tpu.wait_dma2 semaphore(%arg26 : memref<!tpu.dma_semaphore, #tpu.memory_space<semaphore_mem>>) src(%dma_wait3A_592 : memref<80xi32, #tpu.memory_space<hbm>>) dst(%arg22 : memref<80xi32, #tpu.memory_space<vmem>>)
      "tpu.region"() ({
        %run_scoped3A = tpu.sem_alloc : memref<!tpu.dma_semaphore, #tpu.memory_space<semaphore_mem>>
        %dma_start3A_649 = arith.constant 0 : i32
        %dma_start3A_650 = arith.constant 0 : i32
        %dma_start3A_651 = tpu.memref_slice %arg28[%dma_start3A_649, %dma_start3A_650] : memref<10000x128xf32, #tpu.memory_space<vmem_shared>> -> memref<10000x128xf32, #tpu.memory_space<vmem_shared>>
        tpu.enqueue_indirect_dma source(%arg7 : memref<80x128xf32, #tpu.memory_space<vmem>>) target(%dma_start3A_651 : memref<10000x128xf32, #tpu.memory_space<vmem_shared>>) offsets(%arg22 : memref<80xi32, #tpu.memory_space<vmem>>) semaphore(%run_scoped3A : memref<!tpu.dma_semaphore, #tpu.memory_space<semaphore_mem>>) {add = true}
        %dma_wait3A_652 = arith.constant 0 : i32
        %dma_wait3A_653 = arith.constant 0 : i32
        %dma_wait3A_654 = tpu.memref_slice %arg28[%dma_wait3A_652, %dma_wait3A_653] : memref<10000x128xf32, #tpu.memory_space<vmem_shared>> -> memref<10000x128xf32, #tpu.memory_space<vmem_shared>>
        tpu.wait_indirect_dma semaphore(%run_scoped3A : memref<!tpu.dma_semaphore, #tpu.memory_space<semaphore_mem>>) src(%arg7 : memref<80x128xf32, #tpu.memory_space<vmem>>) dst(%dma_wait3A_654 : memref<10000x128xf32, #tpu.memory_space<vmem_shared>>)
        tpu.yield
      }) : () -> ()
      %add3A_593 = arith.constant 4 : i32
      %add3A_594 = arith.addi %add3A_583, %add3A_593 : i32
      %mul3A_595 = arith.constant 80 : i32
      %mul3A_596 = arith.muli %add3A_594, %mul3A_595 : i32
      %add3A_597 = arith.addi %mul3A_61, %mul3A_596 : i32
      %multiple_of3A_598 = tpu.assume_multiple %add3A_597, 8 : i32
      %dma_start3A_599 = tpu.memref_slice %arg3[%multiple_of3A_598] : memref<320000xi32, #tpu.memory_space<hbm>> -> memref<80xi32, #tpu.memory_space<hbm>>
      %dma_start3A_600 = tpu.memref_slice %arg3[%multiple_of3A_598] : memref<320000xi32, #tpu.memory_space<hbm>> -> memref<80xi32, #tpu.memory_space<hbm>>
      tpu.enqueue_dma source(%dma_start3A_600 : memref<80xi32, #tpu.memory_space<hbm>>) target(%arg14 : memref<80xi32, #tpu.memory_space<vmem>>) target_semaphore(%arg18 : memref<!tpu.dma_semaphore, #tpu.memory_space<semaphore_mem>>)
      %dma_start3A_601 = tpu.memref_slice %arg4[%multiple_of3A_598] : memref<320000xi32, #tpu.memory_space<hbm>> -> memref<80xi32, #tpu.memory_space<hbm>>
      %dma_start3A_602 = tpu.memref_slice %arg4[%multiple_of3A_598] : memref<320000xi32, #tpu.memory_space<hbm>> -> memref<80xi32, #tpu.memory_space<hbm>>
      tpu.enqueue_dma source(%dma_start3A_602 : memref<80xi32, #tpu.memory_space<hbm>>) target(%arg22 : memref<80xi32, #tpu.memory_space<vmem>>) target_semaphore(%arg26 : memref<!tpu.dma_semaphore, #tpu.memory_space<semaphore_mem>>)
      %add3A_603 = arith.constant 3 : i32
      %add3A_604 = arith.addi %add3A_583, %add3A_603 : i32
      %mul3A_605 = arith.constant 80 : i32
      %mul3A_606 = arith.muli %add3A_604, %mul3A_605 : i32
      %add3A_607 = arith.addi %mul3A_61, %mul3A_606 : i32
      %multiple_of3A_608 = tpu.assume_multiple %add3A_607, 8 : i32
      %dma_wait3A_609 = tpu.memref_slice %arg3[%multiple_of3A_608] : memref<320000xi32, #tpu.memory_space<hbm>> -> memref<80xi32, #tpu.memory_space<hbm>>
      %dma_wait3A_610 = tpu.memref_slice %arg3[%multiple_of3A_608] : memref<320000xi32, #tpu.memory_space<hbm>> -> memref<80xi32, #tpu.memory_space<hbm>>
      tpu.wait_dma2 semaphore(%arg17 : memref<!tpu.dma_semaphore, #tpu.memory_space<semaphore_mem>>) src(%dma_wait3A_610 : memref<80xi32, #tpu.memory_space<hbm>>) dst(%arg13 : memref<80xi32, #tpu.memory_space<vmem>>)
      %dma_start3A_611 = arith.constant 0 : i32
      %dma_start3A_612 = arith.constant 0 : i32
      %dma_start3A_613 = tpu.memref_slice %arg2[%dma_start3A_611, %dma_start3A_612] : memref<10000x128xf32, #tpu.memory_space<hbm>> -> memref<10000x128xf32, #tpu.memory_space<hbm>>
      tpu.enqueue_indirect_dma source(%dma_start3A_613 : memref<10000x128xf32, #tpu.memory_space<hbm>>) target(%arg7 : memref<80x128xf32, #tpu.memory_space<vmem>>) offsets(%arg13 : memref<80xi32, #tpu.memory_space<vmem>>) semaphore(%arg10 : memref<!tpu.dma_semaphore, #tpu.memory_space<semaphore_mem>>)
      %mul3A_614 = arith.constant 12 : i32
      %mul3A_615 = arith.muli %scan3A_238, %mul3A_614 : i32
      %add3A_616 = arith.constant 11 : i32
      %add3A_617 = arith.addi %mul3A_615, %add3A_616 : i32
      %mul3A_618 = arith.constant 80 : i32
      %mul3A_619 = arith.muli %add3A_617, %mul3A_618 : i32
      %add3A_620 = arith.addi %mul3A_61, %mul3A_619 : i32
      %multiple_of3A_621 = tpu.assume_multiple %add3A_620, 8 : i32
      %dma_wait3A_622 = arith.constant 0 : i32
      %dma_wait3A_623 = arith.constant 0 : i32
      %dma_wait3A_624 = tpu.memref_slice %arg2[%dma_wait3A_622, %dma_wait3A_623] : memref<10000x128xf32, #tpu.memory_space<hbm>> -> memref<10000x128xf32, #tpu.memory_space<hbm>>
      tpu.wait_indirect_dma semaphore(%arg11 : memref<!tpu.dma_semaphore, #tpu.memory_space<semaphore_mem>>) src(%dma_wait3A_624 : memref<10000x128xf32, #tpu.memory_space<hbm>>) dst(%arg8 : memref<80x128xf32, #tpu.memory_space<vmem>>)
      %dma_wait3A_625 = tpu.memref_slice %arg4[%multiple_of3A_621] : memref<320000xi32, #tpu.memory_space<hbm>> -> memref<80xi32, #tpu.memory_space<hbm>>
      %dma_wait3A_626 = tpu.memref_slice %arg4[%multiple_of3A_621] : memref<320000xi32, #tpu.memory_space<hbm>> -> memref<80xi32, #tpu.memory_space<hbm>>
      tpu.wait_dma2 semaphore(%arg27 : memref<!tpu.dma_semaphore, #tpu.memory_space<semaphore_mem>>) src(%dma_wait3A_626 : memref<80xi32, #tpu.memory_space<hbm>>) dst(%arg23 : memref<80xi32, #tpu.memory_space<vmem>>)
      "tpu.region"() ({
        %run_scoped3A = tpu.sem_alloc : memref<!tpu.dma_semaphore, #tpu.memory_space<semaphore_mem>>
        %dma_start3A_649 = arith.constant 0 : i32
        %dma_start3A_650 = arith.constant 0 : i32
        %dma_start3A_651 = tpu.memref_slice %arg28[%dma_start3A_649, %dma_start3A_650] : memref<10000x128xf32, #tpu.memory_space<vmem_shared>> -> memref<10000x128xf32, #tpu.memory_space<vmem_shared>>
        tpu.enqueue_indirect_dma source(%arg8 : memref<80x128xf32, #tpu.memory_space<vmem>>) target(%dma_start3A_651 : memref<10000x128xf32, #tpu.memory_space<vmem_shared>>) offsets(%arg23 : memref<80xi32, #tpu.memory_space<vmem>>) semaphore(%run_scoped3A : memref<!tpu.dma_semaphore, #tpu.memory_space<semaphore_mem>>) {add = true}
        %dma_wait3A_652 = arith.constant 0 : i32
        %dma_wait3A_653 = arith.constant 0 : i32
        %dma_wait3A_654 = tpu.memref_slice %arg28[%dma_wait3A_652, %dma_wait3A_653] : memref<10000x128xf32, #tpu.memory_space<vmem_shared>> -> memref<10000x128xf32, #tpu.memory_space<vmem_shared>>
        tpu.wait_indirect_dma semaphore(%run_scoped3A : memref<!tpu.dma_semaphore, #tpu.memory_space<semaphore_mem>>) src(%arg8 : memref<80x128xf32, #tpu.memory_space<vmem>>) dst(%dma_wait3A_654 : memref<10000x128xf32, #tpu.memory_space<vmem_shared>>)
        tpu.yield
      }) : () -> ()
      %add3A_627 = arith.constant 4 : i32
      %add3A_628 = arith.addi %add3A_617, %add3A_627 : i32
      %mul3A_629 = arith.constant 80 : i32
      %mul3A_630 = arith.muli %add3A_628, %mul3A_629 : i32
      %add3A_631 = arith.addi %mul3A_61, %mul3A_630 : i32
      %multiple_of3A_632 = tpu.assume_multiple %add3A_631, 8 : i32
      %dma_start3A_633 = tpu.memref_slice %arg3[%multiple_of3A_632] : memref<320000xi32, #tpu.memory_space<hbm>> -> memref<80xi32, #tpu.memory_space<hbm>>
      %dma_start3A_634 = tpu.memref_slice %arg3[%multiple_of3A_632] : memref<320000xi32, #tpu.memory_space<hbm>> -> memref<80xi32, #tpu.memory_space<hbm>>
      tpu.enqueue_dma source(%dma_start3A_634 : memref<80xi32, #tpu.memory_space<hbm>>) target(%arg15 : memref<80xi32, #tpu.memory_space<vmem>>) target_semaphore(%arg19 : memref<!tpu.dma_semaphore, #tpu.memory_space<semaphore_mem>>)
      %dma_start3A_635 = tpu.memref_slice %arg4[%multiple_of3A_632] : memref<320000xi32, #tpu.memory_space<hbm>> -> memref<80xi32, #tpu.memory_space<hbm>>
      %dma_start3A_636 = tpu.memref_slice %arg4[%multiple_of3A_632] : memref<320000xi32, #tpu.memory_space<hbm>> -> memref<80xi32, #tpu.memory_space<hbm>>
      tpu.enqueue_dma source(%dma_start3A_636 : memref<80xi32, #tpu.memory_space<hbm>>) target(%arg23 : memref<80xi32, #tpu.memory_space<vmem>>) target_semaphore(%arg27 : memref<!tpu.dma_semaphore, #tpu.memory_space<semaphore_mem>>)
      %add3A_637 = arith.constant 3 : i32
      %add3A_638 = arith.addi %add3A_617, %add3A_637 : i32
      %mul3A_639 = arith.constant 80 : i32
      %mul3A_640 = arith.muli %add3A_638, %mul3A_639 : i32
      %add3A_641 = arith.addi %mul3A_61, %mul3A_640 : i32
      %multiple_of3A_642 = tpu.assume_multiple %add3A_641, 8 : i32
      %dma_wait3A_643 = tpu.memref_slice %arg3[%multiple_of3A_642] : memref<320000xi32, #tpu.memory_space<hbm>> -> memref<80xi32, #tpu.memory_space<hbm>>
      %dma_wait3A_644 = tpu.memref_slice %arg3[%multiple_of3A_642] : memref<320000xi32, #tpu.memory_space<hbm>> -> memref<80xi32, #tpu.memory_space<hbm>>
      tpu.wait_dma2 semaphore(%arg18 : memref<!tpu.dma_semaphore, #tpu.memory_space<semaphore_mem>>) src(%dma_wait3A_644 : memref<80xi32, #tpu.memory_space<hbm>>) dst(%arg14 : memref<80xi32, #tpu.memory_space<vmem>>)
      %dma_start3A_645 = arith.constant 0 : i32
      %dma_start3A_646 = arith.constant 0 : i32
      %dma_start3A_647 = tpu.memref_slice %arg2[%dma_start3A_645, %dma_start3A_646] : memref<10000x128xf32, #tpu.memory_space<hbm>> -> memref<10000x128xf32, #tpu.memory_space<hbm>>
      tpu.enqueue_indirect_dma source(%dma_start3A_647 : memref<10000x128xf32, #tpu.memory_space<hbm>>) target(%arg8 : memref<80x128xf32, #tpu.memory_space<vmem>>) offsets(%arg14 : memref<80xi32, #tpu.memory_space<vmem>>) semaphore(%arg11 : memref<!tpu.dma_semaphore, #tpu.memory_space<semaphore_mem>>)
      %scan3A_648 = arith.constant 0 : i32
      scf.yield %scan3A_648 : i32
    }
    %scan3A_117 = arith.constant 10 : i32
    %add3A_118 = arith.constant 9600 : i32
    %add3A_119 = arith.addi %mul3A_61, %add3A_118 : i32
    %multiple_of3A_120 = tpu.assume_multiple %add3A_119, 8 : i32
    %dma_wait3A_121 = arith.constant 0 : i32
    %dma_wait3A_122 = arith.constant 0 : i32
    %dma_wait3A_123 = tpu.memref_slice %arg2[%dma_wait3A_121, %dma_wait3A_122] : memref<10000x128xf32, #tpu.memory_space<hbm>> -> memref<10000x128xf32, #tpu.memory_space<hbm>>
    tpu.wait_indirect_dma semaphore(%arg9 : memref<!tpu.dma_semaphore, #tpu.memory_space<semaphore_mem>>) src(%dma_wait3A_123 : memref<10000x128xf32, #tpu.memory_space<hbm>>) dst(%arg6 : memref<80x128xf32, #tpu.memory_space<vmem>>)
    %dma_wait3A_124 = tpu.memref_slice %arg4[%multiple_of3A_120] : memref<320000xi32, #tpu.memory_space<hbm>> -> memref<80xi32, #tpu.memory_space<hbm>>
    %dma_wait3A_125 = tpu.memref_slice %arg4[%multiple_of3A_120] : memref<320000xi32, #tpu.memory_space<hbm>> -> memref<80xi32, #tpu.memory_space<hbm>>
    tpu.wait_dma2 semaphore(%arg24 : memref<!tpu.dma_semaphore, #tpu.memory_space<semaphore_mem>>) src(%dma_wait3A_125 : memref<80xi32, #tpu.memory_space<hbm>>) dst(%arg20 : memref<80xi32, #tpu.memory_space<vmem>>)
    "tpu.region"() ({
      %run_scoped3A = tpu.sem_alloc : memref<!tpu.dma_semaphore, #tpu.memory_space<semaphore_mem>>
      %dma_start3A_238 = arith.constant 0 : i32
      %dma_start3A_239 = arith.constant 0 : i32
      %dma_start3A_240 = tpu.memref_slice %arg28[%dma_start3A_238, %dma_start3A_239] : memref<10000x128xf32, #tpu.memory_space<vmem_shared>> -> memref<10000x128xf32, #tpu.memory_space<vmem_shared>>
      tpu.enqueue_indirect_dma source(%arg6 : memref<80x128xf32, #tpu.memory_space<vmem>>) target(%dma_start3A_240 : memref<10000x128xf32, #tpu.memory_space<vmem_shared>>) offsets(%arg20 : memref<80xi32, #tpu.memory_space<vmem>>) semaphore(%run_scoped3A : memref<!tpu.dma_semaphore, #tpu.memory_space<semaphore_mem>>) {add = true}
      %dma_wait3A_241 = arith.constant 0 : i32
      %dma_wait3A_242 = arith.constant 0 : i32
      %dma_wait3A_243 = tpu.memref_slice %arg28[%dma_wait3A_241, %dma_wait3A_242] : memref<10000x128xf32, #tpu.memory_space<vmem_shared>> -> memref<10000x128xf32, #tpu.memory_space<vmem_shared>>
      tpu.wait_indirect_dma semaphore(%run_scoped3A : memref<!tpu.dma_semaphore, #tpu.memory_space<semaphore_mem>>) src(%arg6 : memref<80x128xf32, #tpu.memory_space<vmem>>) dst(%dma_wait3A_243 : memref<10000x128xf32, #tpu.memory_space<vmem_shared>>)
      tpu.yield
    }) : () -> ()
    %add3A_126 = arith.constant 9920 : i32
    %add3A_127 = arith.addi %mul3A_61, %add3A_126 : i32
    %multiple_of3A_128 = tpu.assume_multiple %add3A_127, 8 : i32
    %dma_start3A_129 = tpu.memref_slice %arg3[%multiple_of3A_128] : memref<320000xi32, #tpu.memory_space<hbm>> -> memref<80xi32, #tpu.memory_space<hbm>>
    %dma_start3A_130 = tpu.memref_slice %arg3[%multiple_of3A_128] : memref<320000xi32, #tpu.memory_space<hbm>> -> memref<80xi32, #tpu.memory_space<hbm>>
    tpu.enqueue_dma source(%dma_start3A_130 : memref<80xi32, #tpu.memory_space<hbm>>) target(%arg12 : memref<80xi32, #tpu.memory_space<vmem>>) target_semaphore(%arg16 : memref<!tpu.dma_semaphore, #tpu.memory_space<semaphore_mem>>)
    %dma_start3A_131 = tpu.memref_slice %arg4[%multiple_of3A_128] : memref<320000xi32, #tpu.memory_space<hbm>> -> memref<80xi32, #tpu.memory_space<hbm>>
    %dma_start3A_132 = tpu.memref_slice %arg4[%multiple_of3A_128] : memref<320000xi32, #tpu.memory_space<hbm>> -> memref<80xi32, #tpu.memory_space<hbm>>
    tpu.enqueue_dma source(%dma_start3A_132 : memref<80xi32, #tpu.memory_space<hbm>>) target(%arg20 : memref<80xi32, #tpu.memory_space<vmem>>) target_semaphore(%arg24 : memref<!tpu.dma_semaphore, #tpu.memory_space<semaphore_mem>>)
    %add3A_133 = arith.constant 9840 : i32
    %add3A_134 = arith.addi %mul3A_61, %add3A_133 : i32
    %multiple_of3A_135 = tpu.assume_multiple %add3A_134, 8 : i32
    %dma_wait3A_136 = tpu.memref_slice %arg3[%multiple_of3A_135] : memref<320000xi32, #tpu.memory_space<hbm>> -> memref<80xi32, #tpu.memory_space<hbm>>
    %dma_wait3A_137 = tpu.memref_slice %arg3[%multiple_of3A_135] : memref<320000xi32, #tpu.memory_space<hbm>> -> memref<80xi32, #tpu.memory_space<hbm>>
    tpu.wait_dma2 semaphore(%arg19 : memref<!tpu.dma_semaphore, #tpu.memory_space<semaphore_mem>>) src(%dma_wait3A_137 : memref<80xi32, #tpu.memory_space<hbm>>) dst(%arg15 : memref<80xi32, #tpu.memory_space<vmem>>)
    %dma_start3A_138 = arith.constant 0 : i32
    %dma_start3A_139 = arith.constant 0 : i32
    %dma_start3A_140 = tpu.memref_slice %arg2[%dma_start3A_138, %dma_start3A_139] : memref<10000x128xf32, #tpu.memory_space<hbm>> -> memref<10000x128xf32, #tpu.memory_space<hbm>>
    tpu.enqueue_indirect_dma source(%dma_start3A_140 : memref<10000x128xf32, #tpu.memory_space<hbm>>) target(%arg6 : memref<80x128xf32, #tpu.memory_space<vmem>>) offsets(%arg15 : memref<80xi32, #tpu.memory_space<vmem>>) semaphore(%arg9 : memref<!tpu.dma_semaphore, #tpu.memory_space<semaphore_mem>>)
    %add3A_141 = arith.constant 9680 : i32
    %add3A_142 = arith.addi %mul3A_61, %add3A_141 : i32
    %multiple_of3A_143 = tpu.assume_multiple %add3A_142, 8 : i32
    %dma_wait3A_144 = arith.constant 0 : i32
    %dma_wait3A_145 = arith.constant 0 : i32
    %dma_wait3A_146 = tpu.memref_slice %arg2[%dma_wait3A_144, %dma_wait3A_145] : memref<10000x128xf32, #tpu.memory_space<hbm>> -> memref<10000x128xf32, #tpu.memory_space<hbm>>
    tpu.wait_indirect_dma semaphore(%arg10 : memref<!tpu.dma_semaphore, #tpu.memory_space<semaphore_mem>>) src(%dma_wait3A_146 : memref<10000x128xf32, #tpu.memory_space<hbm>>) dst(%arg7 : memref<80x128xf32, #tpu.memory_space<vmem>>)
    %dma_wait3A_147 = tpu.memref_slice %arg4[%multiple_of3A_143] : memref<320000xi32, #tpu.memory_space<hbm>> -> memref<80xi32, #tpu.memory_space<hbm>>
    %dma_wait3A_148 = tpu.memref_slice %arg4[%multiple_of3A_143] : memref<320000xi32, #tpu.memory_space<hbm>> -> memref<80xi32, #tpu.memory_space<hbm>>
    tpu.wait_dma2 semaphore(%arg25 : memref<!tpu.dma_semaphore, #tpu.memory_space<semaphore_mem>>) src(%dma_wait3A_148 : memref<80xi32, #tpu.memory_space<hbm>>) dst(%arg21 : memref<80xi32, #tpu.memory_space<vmem>>)
    "tpu.region"() ({
      %run_scoped3A = tpu.sem_alloc : memref<!tpu.dma_semaphore, #tpu.memory_space<semaphore_mem>>
      %dma_start3A_238 = arith.constant 0 : i32
      %dma_start3A_239 = arith.constant 0 : i32
      %dma_start3A_240 = tpu.memref_slice %arg28[%dma_start3A_238, %dma_start3A_239] : memref<10000x128xf32, #tpu.memory_space<vmem_shared>> -> memref<10000x128xf32, #tpu.memory_space<vmem_shared>>
      tpu.enqueue_indirect_dma source(%arg7 : memref<80x128xf32, #tpu.memory_space<vmem>>) target(%dma_start3A_240 : memref<10000x128xf32, #tpu.memory_space<vmem_shared>>) offsets(%arg21 : memref<80xi32, #tpu.memory_space<vmem>>) semaphore(%run_scoped3A : memref<!tpu.dma_semaphore, #tpu.memory_space<semaphore_mem>>) {add = true}
      %dma_wait3A_241 = arith.constant 0 : i32
      %dma_wait3A_242 = arith.constant 0 : i32
      %dma_wait3A_243 = tpu.memref_slice %arg28[%dma_wait3A_241, %dma_wait3A_242] : memref<10000x128xf32, #tpu.memory_space<vmem_shared>> -> memref<10000x128xf32, #tpu.memory_space<vmem_shared>>
      tpu.wait_indirect_dma semaphore(%run_scoped3A : memref<!tpu.dma_semaphore, #tpu.memory_space<semaphore_mem>>) src(%arg7 : memref<80x128xf32, #tpu.memory_space<vmem>>) dst(%dma_wait3A_243 : memref<10000x128xf32, #tpu.memory_space<vmem_shared>>)
      tpu.yield
    }) : () -> ()
    %add3A_149 = arith.constant 9920 : i32
    %add3A_150 = arith.addi %mul3A_61, %add3A_149 : i32
    %multiple_of3A_151 = tpu.assume_multiple %add3A_150, 8 : i32
    %dma_wait3A_152 = tpu.memref_slice %arg3[%multiple_of3A_151] : memref<320000xi32, #tpu.memory_space<hbm>> -> memref<80xi32, #tpu.memory_space<hbm>>
    %dma_wait3A_153 = tpu.memref_slice %arg3[%multiple_of3A_151] : memref<320000xi32, #tpu.memory_space<hbm>> -> memref<80xi32, #tpu.memory_space<hbm>>
    tpu.wait_dma2 semaphore(%arg16 : memref<!tpu.dma_semaphore, #tpu.memory_space<semaphore_mem>>) src(%dma_wait3A_153 : memref<80xi32, #tpu.memory_space<hbm>>) dst(%arg12 : memref<80xi32, #tpu.memory_space<vmem>>)
    %dma_start3A_154 = arith.constant 0 : i32
    %dma_start3A_155 = arith.constant 0 : i32
    %dma_start3A_156 = tpu.memref_slice %arg2[%dma_start3A_154, %dma_start3A_155] : memref<10000x128xf32, #tpu.memory_space<hbm>> -> memref<10000x128xf32, #tpu.memory_space<hbm>>
    tpu.enqueue_indirect_dma source(%dma_start3A_156 : memref<10000x128xf32, #tpu.memory_space<hbm>>) target(%arg7 : memref<80x128xf32, #tpu.memory_space<vmem>>) offsets(%arg12 : memref<80xi32, #tpu.memory_space<vmem>>) semaphore(%arg10 : memref<!tpu.dma_semaphore, #tpu.memory_space<semaphore_mem>>)
    %add3A_157 = arith.constant 9760 : i32
    %add3A_158 = arith.addi %mul3A_61, %add3A_157 : i32
    %multiple_of3A_159 = tpu.assume_multiple %add3A_158, 8 : i32
    %dma_wait3A_160 = arith.constant 0 : i32
    %dma_wait3A_161 = arith.constant 0 : i32
    %dma_wait3A_162 = tpu.memref_slice %arg2[%dma_wait3A_160, %dma_wait3A_161] : memref<10000x128xf32, #tpu.memory_space<hbm>> -> memref<10000x128xf32, #tpu.memory_space<hbm>>
    tpu.wait_indirect_dma semaphore(%arg11 : memref<!tpu.dma_semaphore, #tpu.memory_space<semaphore_mem>>) src(%dma_wait3A_162 : memref<10000x128xf32, #tpu.memory_space<hbm>>) dst(%arg8 : memref<80x128xf32, #tpu.memory_space<vmem>>)
    %dma_wait3A_163 = tpu.memref_slice %arg4[%multiple_of3A_159] : memref<320000xi32, #tpu.memory_space<hbm>> -> memref<80xi32, #tpu.memory_space<hbm>>
    %dma_wait3A_164 = tpu.memref_slice %arg4[%multiple_of3A_159] : memref<320000xi32, #tpu.memory_space<hbm>> -> memref<80xi32, #tpu.memory_space<hbm>>
    tpu.wait_dma2 semaphore(%arg26 : memref<!tpu.dma_semaphore, #tpu.memory_space<semaphore_mem>>) src(%dma_wait3A_164 : memref<80xi32, #tpu.memory_space<hbm>>) dst(%arg22 : memref<80xi32, #tpu.memory_space<vmem>>)
    "tpu.region"() ({
      %run_scoped3A = tpu.sem_alloc : memref<!tpu.dma_semaphore, #tpu.memory_space<semaphore_mem>>
      %dma_start3A_238 = arith.constant 0 : i32
      %dma_start3A_239 = arith.constant 0 : i32
      %dma_start3A_240 = tpu.memref_slice %arg28[%dma_start3A_238, %dma_start3A_239] : memref<10000x128xf32, #tpu.memory_space<vmem_shared>> -> memref<10000x128xf32, #tpu.memory_space<vmem_shared>>
      tpu.enqueue_indirect_dma source(%arg8 : memref<80x128xf32, #tpu.memory_space<vmem>>) target(%dma_start3A_240 : memref<10000x128xf32, #tpu.memory_space<vmem_shared>>) offsets(%arg22 : memref<80xi32, #tpu.memory_space<vmem>>) semaphore(%run_scoped3A : memref<!tpu.dma_semaphore, #tpu.memory_space<semaphore_mem>>) {add = true}
      %dma_wait3A_241 = arith.constant 0 : i32
      %dma_wait3A_242 = arith.constant 0 : i32
      %dma_wait3A_243 = tpu.memref_slice %arg28[%dma_wait3A_241, %dma_wait3A_242] : memref<10000x128xf32, #tpu.memory_space<vmem_shared>> -> memref<10000x128xf32, #tpu.memory_space<vmem_shared>>
      tpu.wait_indirect_dma semaphore(%run_scoped3A : memref<!tpu.dma_semaphore, #tpu.memory_space<semaphore_mem>>) src(%arg8 : memref<80x128xf32, #tpu.memory_space<vmem>>) dst(%dma_wait3A_243 : memref<10000x128xf32, #tpu.memory_space<vmem_shared>>)
      tpu.yield
    }) : () -> ()
    %add3A_165 = arith.constant 9840 : i32
    %add3A_166 = arith.addi %mul3A_61, %add3A_165 : i32
    %multiple_of3A_167 = tpu.assume_multiple %add3A_166, 8 : i32
    %dma_wait3A_168 = arith.constant 0 : i32
    %dma_wait3A_169 = arith.constant 0 : i32
    %dma_wait3A_170 = tpu.memref_slice %arg2[%dma_wait3A_168, %dma_wait3A_169] : memref<10000x128xf32, #tpu.memory_space<hbm>> -> memref<10000x128xf32, #tpu.memory_space<hbm>>
    tpu.wait_indirect_dma semaphore(%arg9 : memref<!tpu.dma_semaphore, #tpu.memory_space<semaphore_mem>>) src(%dma_wait3A_170 : memref<10000x128xf32, #tpu.memory_space<hbm>>) dst(%arg6 : memref<80x128xf32, #tpu.memory_space<vmem>>)
    %dma_wait3A_171 = tpu.memref_slice %arg4[%multiple_of3A_167] : memref<320000xi32, #tpu.memory_space<hbm>> -> memref<80xi32, #tpu.memory_space<hbm>>
    %dma_wait3A_172 = tpu.memref_slice %arg4[%multiple_of3A_167] : memref<320000xi32, #tpu.memory_space<hbm>> -> memref<80xi32, #tpu.memory_space<hbm>>
    tpu.wait_dma2 semaphore(%arg27 : memref<!tpu.dma_semaphore, #tpu.memory_space<semaphore_mem>>) src(%dma_wait3A_172 : memref<80xi32, #tpu.memory_space<hbm>>) dst(%arg23 : memref<80xi32, #tpu.memory_space<vmem>>)
    "tpu.region"() ({
      %run_scoped3A = tpu.sem_alloc : memref<!tpu.dma_semaphore, #tpu.memory_space<semaphore_mem>>
      %dma_start3A_238 = arith.constant 0 : i32
      %dma_start3A_239 = arith.constant 0 : i32
      %dma_start3A_240 = tpu.memref_slice %arg28[%dma_start3A_238, %dma_start3A_239] : memref<10000x128xf32, #tpu.memory_space<vmem_shared>> -> memref<10000x128xf32, #tpu.memory_space<vmem_shared>>
      tpu.enqueue_indirect_dma source(%arg6 : memref<80x128xf32, #tpu.memory_space<vmem>>) target(%dma_start3A_240 : memref<10000x128xf32, #tpu.memory_space<vmem_shared>>) offsets(%arg23 : memref<80xi32, #tpu.memory_space<vmem>>) semaphore(%run_scoped3A : memref<!tpu.dma_semaphore, #tpu.memory_space<semaphore_mem>>) {add = true}
      %dma_wait3A_241 = arith.constant 0 : i32
      %dma_wait3A_242 = arith.constant 0 : i32
      %dma_wait3A_243 = tpu.memref_slice %arg28[%dma_wait3A_241, %dma_wait3A_242] : memref<10000x128xf32, #tpu.memory_space<vmem_shared>> -> memref<10000x128xf32, #tpu.memory_space<vmem_shared>>
      tpu.wait_indirect_dma semaphore(%run_scoped3A : memref<!tpu.dma_semaphore, #tpu.memory_space<semaphore_mem>>) src(%arg6 : memref<80x128xf32, #tpu.memory_space<vmem>>) dst(%dma_wait3A_243 : memref<10000x128xf32, #tpu.memory_space<vmem_shared>>)
      tpu.yield
    }) : () -> ()
    %add3A_173 = arith.constant 9920 : i32
    %add3A_174 = arith.addi %mul3A_61, %add3A_173 : i32
    %multiple_of3A_175 = tpu.assume_multiple %add3A_174, 8 : i32
    %dma_wait3A_176 = arith.constant 0 : i32
    %dma_wait3A_177 = arith.constant 0 : i32
    %dma_wait3A_178 = tpu.memref_slice %arg2[%dma_wait3A_176, %dma_wait3A_177] : memref<10000x128xf32, #tpu.memory_space<hbm>> -> memref<10000x128xf32, #tpu.memory_space<hbm>>
    tpu.wait_indirect_dma semaphore(%arg10 : memref<!tpu.dma_semaphore, #tpu.memory_space<semaphore_mem>>) src(%dma_wait3A_178 : memref<10000x128xf32, #tpu.memory_space<hbm>>) dst(%arg7 : memref<80x128xf32, #tpu.memory_space<vmem>>)
    %dma_wait3A_179 = tpu.memref_slice %arg4[%multiple_of3A_175] : memref<320000xi32, #tpu.memory_space<hbm>> -> memref<80xi32, #tpu.memory_space<hbm>>
    %dma_wait3A_180 = tpu.memref_slice %arg4[%multiple_of3A_175] : memref<320000xi32, #tpu.memory_space<hbm>> -> memref<80xi32, #tpu.memory_space<hbm>>
    tpu.wait_dma2 semaphore(%arg24 : memref<!tpu.dma_semaphore, #tpu.memory_space<semaphore_mem>>) src(%dma_wait3A_180 : memref<80xi32, #tpu.memory_space<hbm>>) dst(%arg20 : memref<80xi32, #tpu.memory_space<vmem>>)
    "tpu.region"() ({
      %run_scoped3A = tpu.sem_alloc : memref<!tpu.dma_semaphore, #tpu.memory_space<semaphore_mem>>
      %dma_start3A_238 = arith.constant 0 : i32
      %dma_start3A_239 = arith.constant 0 : i32
      %dma_start3A_240 = tpu.memref_slice %arg28[%dma_start3A_238, %dma_start3A_239] : memref<10000x128xf32, #tpu.memory_space<vmem_shared>> -> memref<10000x128xf32, #tpu.memory_space<vmem_shared>>
      tpu.enqueue_indirect_dma source(%arg7 : memref<80x128xf32, #tpu.memory_space<vmem>>) target(%dma_start3A_240 : memref<10000x128xf32, #tpu.memory_space<vmem_shared>>) offsets(%arg20 : memref<80xi32, #tpu.memory_space<vmem>>) semaphore(%run_scoped3A : memref<!tpu.dma_semaphore, #tpu.memory_space<semaphore_mem>>) {add = true}
      %dma_wait3A_241 = arith.constant 0 : i32
      %dma_wait3A_242 = arith.constant 0 : i32
      %dma_wait3A_243 = tpu.memref_slice %arg28[%dma_wait3A_241, %dma_wait3A_242] : memref<10000x128xf32, #tpu.memory_space<vmem_shared>> -> memref<10000x128xf32, #tpu.memory_space<vmem_shared>>
      tpu.wait_indirect_dma semaphore(%run_scoped3A : memref<!tpu.dma_semaphore, #tpu.memory_space<semaphore_mem>>) src(%arg7 : memref<80x128xf32, #tpu.memory_space<vmem>>) dst(%dma_wait3A_243 : memref<10000x128xf32, #tpu.memory_space<vmem_shared>>)
      tpu.yield
    }) : () -> ()
    %barrier3A_181 = arith.constant 0 : index
    tpu.barrier barrier_id(%barrier3A_181)
    %add3A_182 = arith.constant 0 : i32
    %add3A_183 = arith.addi %arg1, %add3A_182 : i32
    %lt3A_184 = arith.constant 125 : i32
    %lt3A_185 = arith.cmpi slt, %add3A_183, %lt3A_184 : i32
    %convert_element_type3A_186 = arith.extui %lt3A_185 : i1 to i32
    %cond3A_187 = arith.constant 0 : i32
    %cond3A_188 = arith.cmpi ne, %convert_element_type3A_186, %cond3A_187 : i32
    scf.if %cond3A_188 {
      %mul3A_238 = arith.constant 80 : i32
      %mul3A_239 = arith.muli %add3A_183, %mul3A_238 : i32
      %multiple_of3A_240 = tpu.assume_multiple %mul3A_239, 8 : i32
      "tpu.region"() ({
        %run_scoped3A = tpu.sem_alloc : memref<!tpu.dma_semaphore, #tpu.memory_space<semaphore_mem>>
        %dma_start3A_241 = arith.constant 0 : i32
        %dma_start3A_242 = tpu.memref_slice %arg5[%arg0, %multiple_of3A_240, %dma_start3A_241] : memref<2x10000x128xf32, #tpu.memory_space<hbm>> -> memref<1x80x128xf32, #tpu.memory_space<hbm>>
        %dma_start3A_243 = tpu.memref_squeeze %dma_start3A_242 : memref<1x80x128xf32, #tpu.memory_space<hbm>> -> memref<80x128xf32, #tpu.memory_space<hbm>>
        %dma_start3A_244 = arith.constant 0 : i32
        %dma_start3A_245 = tpu.memref_slice %arg28[%multiple_of3A_240, %dma_start3A_244] : memref<10000x128xf32, #tpu.memory_space<vmem_shared>> -> memref<80x128xf32, #tpu.memory_space<vmem_shared>>
        tpu.enqueue_dma source(%dma_start3A_245 : memref<80x128xf32, #tpu.memory_space<vmem_shared>>) target(%dma_start3A_243 : memref<80x128xf32, #tpu.memory_space<hbm>>) target_semaphore(%run_scoped3A : memref<!tpu.dma_semaphore, #tpu.memory_space<semaphore_mem>>)
        %dma_wait3A_246 = arith.constant 0 : i32
        %dma_wait3A_247 = tpu.memref_slice %arg5[%arg0, %multiple_of3A_240, %dma_wait3A_246] : memref<2x10000x128xf32, #tpu.memory_space<hbm>> -> memref<1x80x128xf32, #tpu.memory_space<hbm>>
        %dma_wait3A_248 = tpu.memref_squeeze %dma_wait3A_247 : memref<1x80x128xf32, #tpu.memory_space<hbm>> -> memref<80x128xf32, #tpu.memory_space<hbm>>
        %dma_wait3A_249 = arith.constant 0 : i32
        %dma_wait3A_250 = tpu.memref_slice %arg28[%multiple_of3A_240, %dma_wait3A_249] : memref<10000x128xf32, #tpu.memory_space<vmem_shared>> -> memref<80x128xf32, #tpu.memory_space<vmem_shared>>
        tpu.wait_dma2 semaphore(%run_scoped3A : memref<!tpu.dma_semaphore, #tpu.memory_space<semaphore_mem>>) src(%dma_wait3A_250 : memref<80x128xf32, #tpu.memory_space<vmem_shared>>) dst(%dma_wait3A_248 : memref<80x128xf32, #tpu.memory_space<hbm>>)
        tpu.yield
      }) : () -> ()
    } else {
    }
    %add3A_189 = arith.constant 16 : i32
    %add3A_190 = arith.addi %arg1, %add3A_189 : i32
    %lt3A_191 = arith.constant 125 : i32
    %lt3A_192 = arith.cmpi slt, %add3A_190, %lt3A_191 : i32
    %convert_element_type3A_193 = arith.extui %lt3A_192 : i1 to i32
    %cond3A_194 = arith.constant 0 : i32
    %cond3A_195 = arith.cmpi ne, %convert_element_type3A_193, %cond3A_194 : i32
    scf.if %cond3A_195 {
      %mul3A_238 = arith.constant 80 : i32
      %mul3A_239 = arith.muli %add3A_190, %mul3A_238 : i32
      %multiple_of3A_240 = tpu.assume_multiple %mul3A_239, 8 : i32
      "tpu.region"() ({
        %run_scoped3A = tpu.sem_alloc : memref<!tpu.dma_semaphore, #tpu.memory_space<semaphore_mem>>
        %dma_start3A_241 = arith.constant 0 : i32
        %dma_start3A_242 = tpu.memref_slice %arg5[%arg0, %multiple_of3A_240, %dma_start3A_241] : memref<2x10000x128xf32, #tpu.memory_space<hbm>> -> memref<1x80x128xf32, #tpu.memory_space<hbm>>
        %dma_start3A_243 = tpu.memref_squeeze %dma_start3A_242 : memref<1x80x128xf32, #tpu.memory_space<hbm>> -> memref<80x128xf32, #tpu.memory_space<hbm>>
        %dma_start3A_244 = arith.constant 0 : i32
        %dma_start3A_245 = tpu.memref_slice %arg28[%multiple_of3A_240, %dma_start3A_244] : memref<10000x128xf32, #tpu.memory_space<vmem_shared>> -> memref<80x128xf32, #tpu.memory_space<vmem_shared>>
        tpu.enqueue_dma source(%dma_start3A_245 : memref<80x128xf32, #tpu.memory_space<vmem_shared>>) target(%dma_start3A_243 : memref<80x128xf32, #tpu.memory_space<hbm>>) target_semaphore(%run_scoped3A : memref<!tpu.dma_semaphore, #tpu.memory_space<semaphore_mem>>)
        %dma_wait3A_246 = arith.constant 0 : i32
        %dma_wait3A_247 = tpu.memref_slice %arg5[%arg0, %multiple_of3A_240, %dma_wait3A_246] : memref<2x10000x128xf32, #tpu.memory_space<hbm>> -> memref<1x80x128xf32, #tpu.memory_space<hbm>>
        %dma_wait3A_248 = tpu.memref_squeeze %dma_wait3A_247 : memref<1x80x128xf32, #tpu.memory_space<hbm>> -> memref<80x128xf32, #tpu.memory_space<hbm>>
        %dma_wait3A_249 = arith.constant 0 : i32
        %dma_wait3A_250 = tpu.memref_slice %arg28[%multiple_of3A_240, %dma_wait3A_249] : memref<10000x128xf32, #tpu.memory_space<vmem_shared>> -> memref<80x128xf32, #tpu.memory_space<vmem_shared>>
        tpu.wait_dma2 semaphore(%run_scoped3A : memref<!tpu.dma_semaphore, #tpu.memory_space<semaphore_mem>>) src(%dma_wait3A_250 : memref<80x128xf32, #tpu.memory_space<vmem_shared>>) dst(%dma_wait3A_248 : memref<80x128xf32, #tpu.memory_space<hbm>>)
        tpu.yield
      }) : () -> ()
    } else {
    }
    %add3A_196 = arith.constant 32 : i32
    %add3A_197 = arith.addi %arg1, %add3A_196 : i32
    %lt3A_198 = arith.constant 125 : i32
    %lt3A_199 = arith.cmpi slt, %add3A_197, %lt3A_198 : i32
    %convert_element_type3A_200 = arith.extui %lt3A_199 : i1 to i32
    %cond3A_201 = arith.constant 0 : i32
    %cond3A_202 = arith.cmpi ne, %convert_element_type3A_200, %cond3A_201 : i32
    scf.if %cond3A_202 {
      %mul3A_238 = arith.constant 80 : i32
      %mul3A_239 = arith.muli %add3A_197, %mul3A_238 : i32
      %multiple_of3A_240 = tpu.assume_multiple %mul3A_239, 8 : i32
      "tpu.region"() ({
        %run_scoped3A = tpu.sem_alloc : memref<!tpu.dma_semaphore, #tpu.memory_space<semaphore_mem>>
        %dma_start3A_241 = arith.constant 0 : i32
        %dma_start3A_242 = tpu.memref_slice %arg5[%arg0, %multiple_of3A_240, %dma_start3A_241] : memref<2x10000x128xf32, #tpu.memory_space<hbm>> -> memref<1x80x128xf32, #tpu.memory_space<hbm>>
        %dma_start3A_243 = tpu.memref_squeeze %dma_start3A_242 : memref<1x80x128xf32, #tpu.memory_space<hbm>> -> memref<80x128xf32, #tpu.memory_space<hbm>>
        %dma_start3A_244 = arith.constant 0 : i32
        %dma_start3A_245 = tpu.memref_slice %arg28[%multiple_of3A_240, %dma_start3A_244] : memref<10000x128xf32, #tpu.memory_space<vmem_shared>> -> memref<80x128xf32, #tpu.memory_space<vmem_shared>>
        tpu.enqueue_dma source(%dma_start3A_245 : memref<80x128xf32, #tpu.memory_space<vmem_shared>>) target(%dma_start3A_243 : memref<80x128xf32, #tpu.memory_space<hbm>>) target_semaphore(%run_scoped3A : memref<!tpu.dma_semaphore, #tpu.memory_space<semaphore_mem>>)
        %dma_wait3A_246 = arith.constant 0 : i32
        %dma_wait3A_247 = tpu.memref_slice %arg5[%arg0, %multiple_of3A_240, %dma_wait3A_246] : memref<2x10000x128xf32, #tpu.memory_space<hbm>> -> memref<1x80x128xf32, #tpu.memory_space<hbm>>
        %dma_wait3A_248 = tpu.memref_squeeze %dma_wait3A_247 : memref<1x80x128xf32, #tpu.memory_space<hbm>> -> memref<80x128xf32, #tpu.memory_space<hbm>>
        %dma_wait3A_249 = arith.constant 0 : i32
        %dma_wait3A_250 = tpu.memref_slice %arg28[%multiple_of3A_240, %dma_wait3A_249] : memref<10000x128xf32, #tpu.memory_space<vmem_shared>> -> memref<80x128xf32, #tpu.memory_space<vmem_shared>>
        tpu.wait_dma2 semaphore(%run_scoped3A : memref<!tpu.dma_semaphore, #tpu.memory_space<semaphore_mem>>) src(%dma_wait3A_250 : memref<80x128xf32, #tpu.memory_space<vmem_shared>>) dst(%dma_wait3A_248 : memref<80x128xf32, #tpu.memory_space<hbm>>)
        tpu.yield
      }) : () -> ()
    } else {
    }
    %add3A_203 = arith.constant 48 : i32
    %add3A_204 = arith.addi %arg1, %add3A_203 : i32
    %lt3A_205 = arith.constant 125 : i32
    %lt3A_206 = arith.cmpi slt, %add3A_204, %lt3A_205 : i32
    %convert_element_type3A_207 = arith.extui %lt3A_206 : i1 to i32
    %cond3A_208 = arith.constant 0 : i32
    %cond3A_209 = arith.cmpi ne, %convert_element_type3A_207, %cond3A_208 : i32
    scf.if %cond3A_209 {
      %mul3A_238 = arith.constant 80 : i32
      %mul3A_239 = arith.muli %add3A_204, %mul3A_238 : i32
      %multiple_of3A_240 = tpu.assume_multiple %mul3A_239, 8 : i32
      "tpu.region"() ({
        %run_scoped3A = tpu.sem_alloc : memref<!tpu.dma_semaphore, #tpu.memory_space<semaphore_mem>>
        %dma_start3A_241 = arith.constant 0 : i32
        %dma_start3A_242 = tpu.memref_slice %arg5[%arg0, %multiple_of3A_240, %dma_start3A_241] : memref<2x10000x128xf32, #tpu.memory_space<hbm>> -> memref<1x80x128xf32, #tpu.memory_space<hbm>>
        %dma_start3A_243 = tpu.memref_squeeze %dma_start3A_242 : memref<1x80x128xf32, #tpu.memory_space<hbm>> -> memref<80x128xf32, #tpu.memory_space<hbm>>
        %dma_start3A_244 = arith.constant 0 : i32
        %dma_start3A_245 = tpu.memref_slice %arg28[%multiple_of3A_240, %dma_start3A_244] : memref<10000x128xf32, #tpu.memory_space<vmem_shared>> -> memref<80x128xf32, #tpu.memory_space<vmem_shared>>
        tpu.enqueue_dma source(%dma_start3A_245 : memref<80x128xf32, #tpu.memory_space<vmem_shared>>) target(%dma_start3A_243 : memref<80x128xf32, #tpu.memory_space<hbm>>) target_semaphore(%run_scoped3A : memref<!tpu.dma_semaphore, #tpu.memory_space<semaphore_mem>>)
        %dma_wait3A_246 = arith.constant 0 : i32
        %dma_wait3A_247 = tpu.memref_slice %arg5[%arg0, %multiple_of3A_240, %dma_wait3A_246] : memref<2x10000x128xf32, #tpu.memory_space<hbm>> -> memref<1x80x128xf32, #tpu.memory_space<hbm>>
        %dma_wait3A_248 = tpu.memref_squeeze %dma_wait3A_247 : memref<1x80x128xf32, #tpu.memory_space<hbm>> -> memref<80x128xf32, #tpu.memory_space<hbm>>
        %dma_wait3A_249 = arith.constant 0 : i32
        %dma_wait3A_250 = tpu.memref_slice %arg28[%multiple_of3A_240, %dma_wait3A_249] : memref<10000x128xf32, #tpu.memory_space<vmem_shared>> -> memref<80x128xf32, #tpu.memory_space<vmem_shared>>
        tpu.wait_dma2 semaphore(%run_scoped3A : memref<!tpu.dma_semaphore, #tpu.memory_space<semaphore_mem>>) src(%dma_wait3A_250 : memref<80x128xf32, #tpu.memory_space<vmem_shared>>) dst(%dma_wait3A_248 : memref<80x128xf32, #tpu.memory_space<hbm>>)
        tpu.yield
      }) : () -> ()
    } else {
    }
    %add3A_210 = arith.constant 64 : i32
    %add3A_211 = arith.addi %arg1, %add3A_210 : i32
    %lt3A_212 = arith.constant 125 : i32
    %lt3A_213 = arith.cmpi slt, %add3A_211, %lt3A_212 : i32
    %convert_element_type3A_214 = arith.extui %lt3A_213 : i1 to i32
    %cond3A_215 = arith.constant 0 : i32
    %cond3A_216 = arith.cmpi ne, %convert_element_type3A_214, %cond3A_215 : i32
    scf.if %cond3A_216 {
      %mul3A_238 = arith.constant 80 : i32
      %mul3A_239 = arith.muli %add3A_211, %mul3A_238 : i32
      %multiple_of3A_240 = tpu.assume_multiple %mul3A_239, 8 : i32
      "tpu.region"() ({
        %run_scoped3A = tpu.sem_alloc : memref<!tpu.dma_semaphore, #tpu.memory_space<semaphore_mem>>
        %dma_start3A_241 = arith.constant 0 : i32
        %dma_start3A_242 = tpu.memref_slice %arg5[%arg0, %multiple_of3A_240, %dma_start3A_241] : memref<2x10000x128xf32, #tpu.memory_space<hbm>> -> memref<1x80x128xf32, #tpu.memory_space<hbm>>
        %dma_start3A_243 = tpu.memref_squeeze %dma_start3A_242 : memref<1x80x128xf32, #tpu.memory_space<hbm>> -> memref<80x128xf32, #tpu.memory_space<hbm>>
        %dma_start3A_244 = arith.constant 0 : i32
        %dma_start3A_245 = tpu.memref_slice %arg28[%multiple_of3A_240, %dma_start3A_244] : memref<10000x128xf32, #tpu.memory_space<vmem_shared>> -> memref<80x128xf32, #tpu.memory_space<vmem_shared>>
        tpu.enqueue_dma source(%dma_start3A_245 : memref<80x128xf32, #tpu.memory_space<vmem_shared>>) target(%dma_start3A_243 : memref<80x128xf32, #tpu.memory_space<hbm>>) target_semaphore(%run_scoped3A : memref<!tpu.dma_semaphore, #tpu.memory_space<semaphore_mem>>)
        %dma_wait3A_246 = arith.constant 0 : i32
        %dma_wait3A_247 = tpu.memref_slice %arg5[%arg0, %multiple_of3A_240, %dma_wait3A_246] : memref<2x10000x128xf32, #tpu.memory_space<hbm>> -> memref<1x80x128xf32, #tpu.memory_space<hbm>>
        %dma_wait3A_248 = tpu.memref_squeeze %dma_wait3A_247 : memref<1x80x128xf32, #tpu.memory_space<hbm>> -> memref<80x128xf32, #tpu.memory_space<hbm>>
        %dma_wait3A_249 = arith.constant 0 : i32
        %dma_wait3A_250 = tpu.memref_slice %arg28[%multiple_of3A_240, %dma_wait3A_249] : memref<10000x128xf32, #tpu.memory_space<vmem_shared>> -> memref<80x128xf32, #tpu.memory_space<vmem_shared>>
        tpu.wait_dma2 semaphore(%run_scoped3A : memref<!tpu.dma_semaphore, #tpu.memory_space<semaphore_mem>>) src(%dma_wait3A_250 : memref<80x128xf32, #tpu.memory_space<vmem_shared>>) dst(%dma_wait3A_248 : memref<80x128xf32, #tpu.memory_space<hbm>>)
        tpu.yield
      }) : () -> ()
    } else {
    }
    %add3A_217 = arith.constant 80 : i32
    %add3A_218 = arith.addi %arg1, %add3A_217 : i32
    %lt3A_219 = arith.constant 125 : i32
    %lt3A_220 = arith.cmpi slt, %add3A_218, %lt3A_219 : i32
    %convert_element_type3A_221 = arith.extui %lt3A_220 : i1 to i32
    %cond3A_222 = arith.constant 0 : i32
    %cond3A_223 = arith.cmpi ne, %convert_element_type3A_221, %cond3A_222 : i32
    scf.if %cond3A_223 {
      %mul3A_238 = arith.constant 80 : i32
      %mul3A_239 = arith.muli %add3A_218, %mul3A_238 : i32
      %multiple_of3A_240 = tpu.assume_multiple %mul3A_239, 8 : i32
      "tpu.region"() ({
        %run_scoped3A = tpu.sem_alloc : memref<!tpu.dma_semaphore, #tpu.memory_space<semaphore_mem>>
        %dma_start3A_241 = arith.constant 0 : i32
        %dma_start3A_242 = tpu.memref_slice %arg5[%arg0, %multiple_of3A_240, %dma_start3A_241] : memref<2x10000x128xf32, #tpu.memory_space<hbm>> -> memref<1x80x128xf32, #tpu.memory_space<hbm>>
        %dma_start3A_243 = tpu.memref_squeeze %dma_start3A_242 : memref<1x80x128xf32, #tpu.memory_space<hbm>> -> memref<80x128xf32, #tpu.memory_space<hbm>>
        %dma_start3A_244 = arith.constant 0 : i32
        %dma_start3A_245 = tpu.memref_slice %arg28[%multiple_of3A_240, %dma_start3A_244] : memref<10000x128xf32, #tpu.memory_space<vmem_shared>> -> memref<80x128xf32, #tpu.memory_space<vmem_shared>>
        tpu.enqueue_dma source(%dma_start3A_245 : memref<80x128xf32, #tpu.memory_space<vmem_shared>>) target(%dma_start3A_243 : memref<80x128xf32, #tpu.memory_space<hbm>>) target_semaphore(%run_scoped3A : memref<!tpu.dma_semaphore, #tpu.memory_space<semaphore_mem>>)
        %dma_wait3A_246 = arith.constant 0 : i32
        %dma_wait3A_247 = tpu.memref_slice %arg5[%arg0, %multiple_of3A_240, %dma_wait3A_246] : memref<2x10000x128xf32, #tpu.memory_space<hbm>> -> memref<1x80x128xf32, #tpu.memory_space<hbm>>
        %dma_wait3A_248 = tpu.memref_squeeze %dma_wait3A_247 : memref<1x80x128xf32, #tpu.memory_space<hbm>> -> memref<80x128xf32, #tpu.memory_space<hbm>>
        %dma_wait3A_249 = arith.constant 0 : i32
        %dma_wait3A_250 = tpu.memref_slice %arg28[%multiple_of3A_240, %dma_wait3A_249] : memref<10000x128xf32, #tpu.memory_space<vmem_shared>> -> memref<80x128xf32, #tpu.memory_space<vmem_shared>>
        tpu.wait_dma2 semaphore(%run_scoped3A : memref<!tpu.dma_semaphore, #tpu.memory_space<semaphore_mem>>) src(%dma_wait3A_250 : memref<80x128xf32, #tpu.memory_space<vmem_shared>>) dst(%dma_wait3A_248 : memref<80x128xf32, #tpu.memory_space<hbm>>)
        tpu.yield
      }) : () -> ()
    } else {
    }
    %add3A_224 = arith.constant 96 : i32
    %add3A_225 = arith.addi %arg1, %add3A_224 : i32
    %lt3A_226 = arith.constant 125 : i32
    %lt3A_227 = arith.cmpi slt, %add3A_225, %lt3A_226 : i32
    %convert_element_type3A_228 = arith.extui %lt3A_227 : i1 to i32
    %cond3A_229 = arith.constant 0 : i32
    %cond3A_230 = arith.cmpi ne, %convert_element_type3A_228, %cond3A_229 : i32
    scf.if %cond3A_230 {
      %mul3A_238 = arith.constant 80 : i32
      %mul3A_239 = arith.muli %add3A_225, %mul3A_238 : i32
      %multiple_of3A_240 = tpu.assume_multiple %mul3A_239, 8 : i32
      "tpu.region"() ({
        %run_scoped3A = tpu.sem_alloc : memref<!tpu.dma_semaphore, #tpu.memory_space<semaphore_mem>>
        %dma_start3A_241 = arith.constant 0 : i32
        %dma_start3A_242 = tpu.memref_slice %arg5[%arg0, %multiple_of3A_240, %dma_start3A_241] : memref<2x10000x128xf32, #tpu.memory_space<hbm>> -> memref<1x80x128xf32, #tpu.memory_space<hbm>>
        %dma_start3A_243 = tpu.memref_squeeze %dma_start3A_242 : memref<1x80x128xf32, #tpu.memory_space<hbm>> -> memref<80x128xf32, #tpu.memory_space<hbm>>
        %dma_start3A_244 = arith.constant 0 : i32
        %dma_start3A_245 = tpu.memref_slice %arg28[%multiple_of3A_240, %dma_start3A_244] : memref<10000x128xf32, #tpu.memory_space<vmem_shared>> -> memref<80x128xf32, #tpu.memory_space<vmem_shared>>
        tpu.enqueue_dma source(%dma_start3A_245 : memref<80x128xf32, #tpu.memory_space<vmem_shared>>) target(%dma_start3A_243 : memref<80x128xf32, #tpu.memory_space<hbm>>) target_semaphore(%run_scoped3A : memref<!tpu.dma_semaphore, #tpu.memory_space<semaphore_mem>>)
        %dma_wait3A_246 = arith.constant 0 : i32
        %dma_wait3A_247 = tpu.memref_slice %arg5[%arg0, %multiple_of3A_240, %dma_wait3A_246] : memref<2x10000x128xf32, #tpu.memory_space<hbm>> -> memref<1x80x128xf32, #tpu.memory_space<hbm>>
        %dma_wait3A_248 = tpu.memref_squeeze %dma_wait3A_247 : memref<1x80x128xf32, #tpu.memory_space<hbm>> -> memref<80x128xf32, #tpu.memory_space<hbm>>
        %dma_wait3A_249 = arith.constant 0 : i32
        %dma_wait3A_250 = tpu.memref_slice %arg28[%multiple_of3A_240, %dma_wait3A_249] : memref<10000x128xf32, #tpu.memory_space<vmem_shared>> -> memref<80x128xf32, #tpu.memory_space<vmem_shared>>
        tpu.wait_dma2 semaphore(%run_scoped3A : memref<!tpu.dma_semaphore, #tpu.memory_space<semaphore_mem>>) src(%dma_wait3A_250 : memref<80x128xf32, #tpu.memory_space<vmem_shared>>) dst(%dma_wait3A_248 : memref<80x128xf32, #tpu.memory_space<hbm>>)
        tpu.yield
      }) : () -> ()
    } else {
    }
    %add3A_231 = arith.constant 112 : i32
    %add3A_232 = arith.addi %arg1, %add3A_231 : i32
    %lt3A_233 = arith.constant 125 : i32
    %lt3A_234 = arith.cmpi slt, %add3A_232, %lt3A_233 : i32
    %convert_element_type3A_235 = arith.extui %lt3A_234 : i1 to i32
    %cond3A_236 = arith.constant 0 : i32
    %cond3A_237 = arith.cmpi ne, %convert_element_type3A_235, %cond3A_236 : i32
    scf.if %cond3A_237 {
      %mul3A_238 = arith.constant 80 : i32
      %mul3A_239 = arith.muli %add3A_232, %mul3A_238 : i32
      %multiple_of3A_240 = tpu.assume_multiple %mul3A_239, 8 : i32
      "tpu.region"() ({
        %run_scoped3A = tpu.sem_alloc : memref<!tpu.dma_semaphore, #tpu.memory_space<semaphore_mem>>
        %dma_start3A_241 = arith.constant 0 : i32
        %dma_start3A_242 = tpu.memref_slice %arg5[%arg0, %multiple_of3A_240, %dma_start3A_241] : memref<2x10000x128xf32, #tpu.memory_space<hbm>> -> memref<1x80x128xf32, #tpu.memory_space<hbm>>
        %dma_start3A_243 = tpu.memref_squeeze %dma_start3A_242 : memref<1x80x128xf32, #tpu.memory_space<hbm>> -> memref<80x128xf32, #tpu.memory_space<hbm>>
        %dma_start3A_244 = arith.constant 0 : i32
        %dma_start3A_245 = tpu.memref_slice %arg28[%multiple_of3A_240, %dma_start3A_244] : memref<10000x128xf32, #tpu.memory_space<vmem_shared>> -> memref<80x128xf32, #tpu.memory_space<vmem_shared>>
        tpu.enqueue_dma source(%dma_start3A_245 : memref<80x128xf32, #tpu.memory_space<vmem_shared>>) target(%dma_start3A_243 : memref<80x128xf32, #tpu.memory_space<hbm>>) target_semaphore(%run_scoped3A : memref<!tpu.dma_semaphore, #tpu.memory_space<semaphore_mem>>)
        %dma_wait3A_246 = arith.constant 0 : i32
        %dma_wait3A_247 = tpu.memref_slice %arg5[%arg0, %multiple_of3A_240, %dma_wait3A_246] : memref<2x10000x128xf32, #tpu.memory_space<hbm>> -> memref<1x80x128xf32, #tpu.memory_space<hbm>>
        %dma_wait3A_248 = tpu.memref_squeeze %dma_wait3A_247 : memref<1x80x128xf32, #tpu.memory_space<hbm>> -> memref<80x128xf32, #tpu.memory_space<hbm>>
        %dma_wait3A_249 = arith.constant 0 : i32
        %dma_wait3A_250 = tpu.memref_slice %arg28[%multiple_of3A_240, %dma_wait3A_249] : memref<10000x128xf32, #tpu.memory_space<vmem_shared>> -> memref<80x128xf32, #tpu.memory_space<vmem_shared>>
        tpu.wait_dma2 semaphore(%run_scoped3A : memref<!tpu.dma_semaphore, #tpu.memory_space<semaphore_mem>>) src(%dma_wait3A_250 : memref<80x128xf32, #tpu.memory_space<vmem_shared>>) dst(%dma_wait3A_248 : memref<80x128xf32, #tpu.memory_space<hbm>>)
        tpu.yield
      }) : () -> ()
    } else {
    }
    return
  }
}

module attributes {stable_mosaic.version = 14 : i64} {
  func.func @body(%arg0: i32, %arg1: memref<2x2000x128xf32, #tpu.memory_space<vmem>>, %arg2: memref<2x2000x128xf32, #tpu.memory_space<vmem>>, %arg3: memref<2000x128xf32, #tpu.memory_space<vmem>>, %arg4: memref<128x128xf32, #tpu.memory_space<vmem>>, %arg5: memref<128x128xf32, #tpu.memory_space<vmem>>, %arg6: memref<1x128xf32, #tpu.memory_space<vmem>>, %arg7: memref<2000x128xf32, #tpu.memory_space<vmem>>) attributes {dimension_semantics = [#tpu.dimension_semantics<arbitrary>], iteration_bounds = array<i64: 5>, scalar_prefetch = 0 : i64, scratch_operands = 0 : i64, tpu.core_type = #tpu.core_type<tc>, window_params = [{transform_indices = @transform_0, window_bounds = array<i64: 2, 2000, 128>}, {transform_indices = @transform_1, window_bounds = array<i64: 2, 2000, 128>}, {transform_indices = @transform_2, window_bounds = array<i64: 2000, 128>}, {pipeline_mode = #tpu.pipeline_mode<synchronous>, transform_indices = @transform_3, window_bounds = array<i64: 128, 128>}, {pipeline_mode = #tpu.pipeline_mode<synchronous>, transform_indices = @transform_4, window_bounds = array<i64: 128, 128>}, {pipeline_mode = #tpu.pipeline_mode<synchronous>, transform_indices = @transform_5, window_bounds = array<i64: 1, 128>}, {transform_indices = @transform_6, window_bounds = array<i64: 2000, 128>}]} {
    %get3A = arith.constant 0 : index
    %get3A_0 = arith.constant 0 : index
    %get3A_1 = arith.constant 0 : index
    %get3A_2 = vector.load %arg1[%get3A, %get3A_0, %get3A_1] : memref<2x2000x128xf32, #tpu.memory_space<vmem>>, vector<1x2000x128xf32>
    %get3A_3 = vector.shape_cast %get3A_2 : vector<1x2000x128xf32> to vector<2000x128xf32>
    %get3A_4 = arith.constant 1 : index
    %get3A_5 = arith.constant 0 : index
    %get3A_6 = arith.constant 0 : index
    %get3A_7 = vector.load %arg1[%get3A_4, %get3A_5, %get3A_6] : memref<2x2000x128xf32, #tpu.memory_space<vmem>>, vector<1x2000x128xf32>
    %get3A_8 = vector.shape_cast %get3A_7 : vector<1x2000x128xf32> to vector<2000x128xf32>
    %add3A = arith.addf %get3A_3, %get3A_8 : vector<2000x128xf32>
    %get3A_9 = arith.constant 0 : index
    %get3A_10 = arith.constant 0 : index
    %get3A_11 = arith.constant 0 : index
    %get3A_12 = vector.load %arg2[%get3A_9, %get3A_10, %get3A_11] : memref<2x2000x128xf32, #tpu.memory_space<vmem>>, vector<1x2000x1xf32>
    %get3A_13 = vector.shape_cast %get3A_12 : vector<1x2000x1xf32> to vector<2000x1xf32>
    %get3A_14 = arith.constant 1 : index
    %get3A_15 = arith.constant 0 : index
    %get3A_16 = arith.constant 0 : index
    %get3A_17 = vector.load %arg2[%get3A_14, %get3A_15, %get3A_16] : memref<2x2000x128xf32, #tpu.memory_space<vmem>>, vector<1x2000x1xf32>
    %get3A_18 = vector.shape_cast %get3A_17 : vector<1x2000x1xf32> to vector<2000x1xf32>
    %add3A_19 = arith.addf %get3A_13, %get3A_18 : vector<2000x1xf32>
    %max3A = arith.constant 1.000000e+00 : f32
    %max3A_20 = vector.broadcast %max3A : f32 to vector<2000x1xf32>
    %max3A_21 = arith.maximumf %add3A_19, %max3A_20 : vector<2000x1xf32>
    %div3A = vector.broadcast %max3A_21 : vector<2000x1xf32> to vector<2000x128xf32>
    %div3A_22 = arith.divf %add3A, %div3A : vector<2000x128xf32>
    %get3A_23 = arith.constant 0 : index
    %get3A_24 = arith.constant 0 : index
    %get3A_25 = vector.load %arg4[%get3A_23, %get3A_24] : memref<128x128xf32, #tpu.memory_space<vmem>>, vector<128x128xf32>
    %dot_general3A = arith.constant dense<0.000000e+00> : vector<2000x128xf32>
    %dot_general3A_26 = tpu.matmul %div3A_22, %get3A_25, %dot_general3A {dimension_numbers = #tpu.dot_dimension_numbers<[1], [0], [0], [1], [0, 0, 1, 1], [], []>, transpose_lhs_hint = false} : vector<2000x128xf32>, vector<128x128xf32>, vector<2000x128xf32> -> vector<2000x128xf32>
    %get3A_27 = arith.constant 0 : index
    %get3A_28 = arith.constant 0 : index
    %get3A_29 = vector.load %arg3[%get3A_27, %get3A_28] : memref<2000x128xf32, #tpu.memory_space<vmem>>, vector<2000x128xf32>
    %get3A_30 = arith.constant 0 : index
    %get3A_31 = arith.constant 0 : index
    %get3A_32 = vector.load %arg5[%get3A_30, %get3A_31] : memref<128x128xf32, #tpu.memory_space<vmem>>, vector<128x128xf32>
    %dot_general3A_33 = arith.constant dense<0.000000e+00> : vector<2000x128xf32>
    %dot_general3A_34 = tpu.matmul %get3A_29, %get3A_32, %dot_general3A_33 {dimension_numbers = #tpu.dot_dimension_numbers<[1], [0], [0], [1], [0, 0, 1, 1], [], []>, transpose_lhs_hint = false} : vector<2000x128xf32>, vector<128x128xf32>, vector<2000x128xf32> -> vector<2000x128xf32>
    %add3A_35 = arith.addf %dot_general3A_26, %dot_general3A_34 : vector<2000x128xf32>
    %get3A_36 = arith.constant 0 : index
    %get3A_37 = arith.constant 0 : index
    %get3A_38 = vector.load %arg6[%get3A_36, %get3A_37] : memref<1x128xf32, #tpu.memory_space<vmem>>, vector<1x128xf32>
    %add3A_39 = vector.broadcast %get3A_38 : vector<1x128xf32> to vector<2000x128xf32>
    %add3A_40 = arith.addf %add3A_35, %add3A_39 : vector<2000x128xf32>
    %swap3A = arith.constant 0 : index
    %swap3A_41 = arith.constant 0 : index
    %swap3A_42 = vector.load %arg7[%swap3A, %swap3A_41] : memref<2000x128xf32, #tpu.memory_space<vmem>>, vector<2000x128xf32>
    tpu.vector_store %arg7[%swap3A, %swap3A_41], %add3A_40 {strides = array<i32>} : memref<2000x128xf32, #tpu.memory_space<vmem>>, vector<2000x128xf32>,
    return
  }
  func.func @transform_0(%arg0: i32) -> (i32, i32, i32) {
    %c0_i32 = arith.constant 0 : i32
    %c0_i32_0 = arith.constant 0 : i32
    %c0_i32_1 = arith.constant 0 : i32
    return %c0_i32, %arg0, %c0_i32_0 : i32, i32, i32
  }
  func.func @transform_1(%arg0: i32) -> (i32, i32, i32) {
    %c0_i32 = arith.constant 0 : i32
    %c0_i32_0 = arith.constant 0 : i32
    %c0_i32_1 = arith.constant 0 : i32
    return %c0_i32, %arg0, %c0_i32_0 : i32, i32, i32
  }
  func.func @transform_2(%arg0: i32) -> (i32, i32) {
    %c0_i32 = arith.constant 0 : i32
    %c0_i32_0 = arith.constant 0 : i32
    return %arg0, %c0_i32 : i32, i32
  }
  func.func @transform_3(%arg0: i32) -> (i32, i32) {
    %c0_i32 = arith.constant 0 : i32
    %c0_i32_0 = arith.constant 0 : i32
    %c0_i32_1 = arith.constant 0 : i32
    return %c0_i32, %c0_i32_0 : i32, i32
  }
  func.func @transform_4(%arg0: i32) -> (i32, i32) {
    %c0_i32 = arith.constant 0 : i32
    %c0_i32_0 = arith.constant 0 : i32
    %c0_i32_1 = arith.constant 0 : i32
    return %c0_i32, %c0_i32_0 : i32, i32
  }
  func.func @transform_5(%arg0: i32) -> (i32, i32) {
    %c0_i32 = arith.constant 0 : i32
    %c0_i32_0 = arith.constant 0 : i32
    %c0_i32_1 = arith.constant 0 : i32
    return %c0_i32, %c0_i32_0 : i32, i32
  }
  func.func @transform_6(%arg0: i32) -> (i32, i32) {
    %c0_i32 = arith.constant 0 : i32
    %c0_i32_0 = arith.constant 0 : i32
    return %arg0, %c0_i32 : i32, i32
  }
}

module attributes {stable_mosaic.version = 14 : i64} {
  func.func @body(%arg0: i32, %arg1: memref<2x2000x128xf32, #tpu.memory_space<vmem>>, %arg2: memref<2x2000x128xf32, #tpu.memory_space<vmem>>, %arg3: memref<2000x128xf32, #tpu.memory_space<vmem>>, %arg4: memref<128x128xf32, #tpu.memory_space<vmem>>, %arg5: memref<128x128xf32, #tpu.memory_space<vmem>>, %arg6: memref<1x128xf32, #tpu.memory_space<vmem>>, %arg7: memref<2000x128xf32, #tpu.memory_space<vmem>>) attributes {dimension_semantics = [#tpu.dimension_semantics<arbitrary>], iteration_bounds = array<i64: 5>, scalar_prefetch = 0 : i64, scratch_operands = 0 : i64, tpu.core_type = #tpu.core_type<tc>, window_params = [{transform_indices = @transform_0, window_bounds = array<i64: 2, 2000, 128>}, {transform_indices = @transform_1, window_bounds = array<i64: 2, 2000, 128>}, {transform_indices = @transform_2, window_bounds = array<i64: 2000, 128>}, {pipeline_mode = #tpu.pipeline_mode<synchronous>, transform_indices = @transform_3, window_bounds = array<i64: 128, 128>}, {pipeline_mode = #tpu.pipeline_mode<synchronous>, transform_indices = @transform_4, window_bounds = array<i64: 128, 128>}, {pipeline_mode = #tpu.pipeline_mode<synchronous>, transform_indices = @transform_5, window_bounds = array<i64: 1, 128>}, {transform_indices = @transform_6, window_bounds = array<i64: 2000, 128>}]} {
    %get3A = arith.constant 0 : index
    %get3A_0 = arith.constant 0 : index
    %get3A_1 = arith.constant 0 : index
    %get3A_2 = vector.load %arg1[%get3A, %get3A_0, %get3A_1] : memref<2x2000x128xf32, #tpu.memory_space<vmem>>, vector<1x2000x128xf32>
    %get3A_3 = vector.shape_cast %get3A_2 : vector<1x2000x128xf32> to vector<2000x128xf32>
    %get3A_4 = arith.constant 1 : index
    %get3A_5 = arith.constant 0 : index
    %get3A_6 = arith.constant 0 : index
    %get3A_7 = vector.load %arg1[%get3A_4, %get3A_5, %get3A_6] : memref<2x2000x128xf32, #tpu.memory_space<vmem>>, vector<1x2000x128xf32>
    %get3A_8 = vector.shape_cast %get3A_7 : vector<1x2000x128xf32> to vector<2000x128xf32>
    %add3A = arith.addf %get3A_3, %get3A_8 : vector<2000x128xf32>
    %get3A_9 = arith.constant 0 : index
    %get3A_10 = arith.constant 0 : index
    %get3A_11 = arith.constant 0 : index
    %get3A_12 = vector.load %arg2[%get3A_9, %get3A_10, %get3A_11] : memref<2x2000x128xf32, #tpu.memory_space<vmem>>, vector<1x2000x1xf32>
    %get3A_13 = vector.shape_cast %get3A_12 : vector<1x2000x1xf32> to vector<2000x1xf32>
    %get3A_14 = arith.constant 1 : index
    %get3A_15 = arith.constant 0 : index
    %get3A_16 = arith.constant 0 : index
    %get3A_17 = vector.load %arg2[%get3A_14, %get3A_15, %get3A_16] : memref<2x2000x128xf32, #tpu.memory_space<vmem>>, vector<1x2000x1xf32>
    %get3A_18 = vector.shape_cast %get3A_17 : vector<1x2000x1xf32> to vector<2000x1xf32>
    %add3A_19 = arith.addf %get3A_13, %get3A_18 : vector<2000x1xf32>
    %max3A = arith.constant 1.000000e+00 : f32
    %max3A_20 = vector.broadcast %max3A : f32 to vector<2000x1xf32>
    %max3A_21 = arith.maximumf %add3A_19, %max3A_20 : vector<2000x1xf32>
    %div3A = vector.broadcast %max3A_21 : vector<2000x1xf32> to vector<2000x128xf32>
    %div3A_22 = arith.divf %add3A, %div3A : vector<2000x128xf32>
    %get3A_23 = arith.constant 0 : index
    %get3A_24 = arith.constant 0 : index
    %get3A_25 = vector.load %arg4[%get3A_23, %get3A_24] : memref<128x128xf32, #tpu.memory_space<vmem>>, vector<128x128xf32>
    %dot_general3A = arith.constant dense<0.000000e+00> : vector<2000x128xf32>
    %dot_general3A_26 = tpu.matmul %div3A_22, %get3A_25, %dot_general3A {dimension_numbers = #tpu.dot_dimension_numbers<[1], [0], [0], [1], [0, 0, 1, 1], [], []>, transpose_lhs_hint = false} : vector<2000x128xf32>, vector<128x128xf32>, vector<2000x128xf32> -> vector<2000x128xf32>
    %get3A_27 = arith.constant 0 : index
    %get3A_28 = arith.constant 0 : index
    %get3A_29 = vector.load %arg3[%get3A_27, %get3A_28] : memref<2000x128xf32, #tpu.memory_space<vmem>>, vector<2000x128xf32>
    %get3A_30 = arith.constant 0 : index
    %get3A_31 = arith.constant 0 : index
    %get3A_32 = vector.load %arg5[%get3A_30, %get3A_31] : memref<128x128xf32, #tpu.memory_space<vmem>>, vector<128x128xf32>
    %dot_general3A_33 = arith.constant dense<0.000000e+00> : vector<2000x128xf32>
    %dot_general3A_34 = tpu.matmul %get3A_29, %get3A_32, %dot_general3A_33 {dimension_numbers = #tpu.dot_dimension_numbers<[1], [0], [0], [1], [0, 0, 1, 1], [], []>, transpose_lhs_hint = false} : vector<2000x128xf32>, vector<128x128xf32>, vector<2000x128xf32> -> vector<2000x128xf32>
    %add3A_35 = arith.addf %dot_general3A_26, %dot_general3A_34 : vector<2000x128xf32>
    %get3A_36 = arith.constant 0 : index
    %get3A_37 = arith.constant 0 : index
    %get3A_38 = vector.load %arg6[%get3A_36, %get3A_37] : memref<1x128xf32, #tpu.memory_space<vmem>>, vector<1x128xf32>
    %add3A_39 = vector.broadcast %get3A_38 : vector<1x128xf32> to vector<2000x128xf32>
    %add3A_40 = arith.addf %add3A_35, %add3A_39 : vector<2000x128xf32>
    %max3A_41 = arith.constant 0.000000e+00 : f32
    %max3A_42 = vector.broadcast %max3A_41 : f32 to vector<2000x128xf32>
    %max3A_43 = arith.maximumf %add3A_40, %max3A_42 : vector<2000x128xf32>
    %swap3A = arith.constant 0 : index
    %swap3A_44 = arith.constant 0 : index
    %swap3A_45 = vector.load %arg7[%swap3A, %swap3A_44] : memref<2000x128xf32, #tpu.memory_space<vmem>>, vector<2000x128xf32>
    tpu.vector_store %arg7[%swap3A, %swap3A_44], %max3A_43 {strides = array<i32>} : memref<2000x128xf32, #tpu.memory_space<vmem>>, vector<2000x128xf32>,
    return
  }
  func.func @transform_0(%arg0: i32) -> (i32, i32, i32) {
    %c0_i32 = arith.constant 0 : i32
    %c0_i32_0 = arith.constant 0 : i32
    %c0_i32_1 = arith.constant 0 : i32
    return %c0_i32, %arg0, %c0_i32_0 : i32, i32, i32
  }
  func.func @transform_1(%arg0: i32) -> (i32, i32, i32) {
    %c0_i32 = arith.constant 0 : i32
    %c0_i32_0 = arith.constant 0 : i32
    %c0_i32_1 = arith.constant 0 : i32
    return %c0_i32, %arg0, %c0_i32_0 : i32, i32, i32
  }
  func.func @transform_2(%arg0: i32) -> (i32, i32) {
    %c0_i32 = arith.constant 0 : i32
    %c0_i32_0 = arith.constant 0 : i32
    return %arg0, %c0_i32 : i32, i32
  }
  func.func @transform_3(%arg0: i32) -> (i32, i32) {
    %c0_i32 = arith.constant 0 : i32
    %c0_i32_0 = arith.constant 0 : i32
    %c0_i32_1 = arith.constant 0 : i32
    return %c0_i32, %c0_i32_0 : i32, i32
  }
  func.func @transform_4(%arg0: i32) -> (i32, i32) {
    %c0_i32 = arith.constant 0 : i32
    %c0_i32_0 = arith.constant 0 : i32
    %c0_i32_1 = arith.constant 0 : i32
    return %c0_i32, %c0_i32_0 : i32, i32
  }
  func.func @transform_5(%arg0: i32) -> (i32, i32) {
    %c0_i32 = arith.constant 0 : i32
    %c0_i32_0 = arith.constant 0 : i32
    %c0_i32_1 = arith.constant 0 : i32
    return %c0_i32, %c0_i32_0 : i32, i32
  }
  func.func @transform_6(%arg0: i32) -> (i32, i32) {
    %c0_i32 = arith.constant 0 : i32
    %c0_i32_0 = arith.constant 0 : i32
    return %arg0, %c0_i32 : i32, i32
  }
}

</mosaic_0001>

<sc_bundles>
// kernel: kernel.10.cloned.1.call-start
scs
__scs_entry_jumppad:
0x0: {  	(pc) =	sbr.rel $0x88, $3  }
0x1: {  	(tag) =	ssettag $0x0;
	lr =	simm.s32 $0x1  }
0x2: {  	[smem:$0x3F99] =	sst lr;
	_ =	strace $0xD0000000  }
0x3: {  	_ = 	snop  }
0x4: {  	_ = 	snop  }
0x5: {  	_ = 	snop  }
0x6: {  	_ = 	snop  }
0x7: {  	_ = 	snop  }
__scs_overlays_trampoline_lowered:
0x8: {  	[smem:$0x3FA8] =	sst s0  }
0x9: {  	[smem:$0x3FA9] =	sst s1  }
0xa: {  	[smem:$0x3FAA] =	sst s2  }
0xb: {  	[smem:$0x3FAB] =	sst s3  }
0xc: {  	[smem:$0x3FAC] =	sst s4  }
0xd: {  	[smem:$0x3FAD] =	sst s5  }
0xe: {  	[smem:$0x3FAE] =	sst s6  }
0xf: {  	[smem:$0x3FAF] =	sst s7  }
0x10: {  	[smem:$0x3FB0] =	sst s8  }
0x11: {  	[smem:$0x3FB1] =	sst s9;
	s0 =	simm.s32 @!p0 $0x0  }
0x12: {  	s1 =	sld [smem:$0x3F97];
	s0 =	simm.s32 @p0 $0x1  }
0x13: {  	[smem:$0x3FB2] =	sst s0;
	s0 =	simm.s32 @!p1 $0x0  }
0x14: {  	s2 =	sld [smem:$0x3F96];
	s0 =	simm.s32 @p1 $0x1  }
0x15: {  	[smem:$0x3FB3] =	sst s0;
	s0 =	simm.s32 @!p2 $0x0  }
0x16: {  	s3 =	sld [smem:$0x3FDB];
	s0 =	simm.s32 @p2 $0x1  }
0x17: {  	s4 =	simm.s32 $0x1BF5;
	[smem:$0x3FB5] =	sst s0  }
0x18: {  	s0 =	sld [smem:$0x3F98];
	_ =	swait.ge [sflag:s4], $0x0  }
0x19: {  	s7 =	sld [smem:$0x3F99]  }
0x1a: {  	s8 =	sadd.s32 $0xFFFFE003, lr  }
0x1b: {  	s9 =	sadd.s32 $0xFFFFFEF7, lr;
	s5 =	simm.s32 $0xFFFFFFFF;
	p2 =	slt.u32 s8, $0xFFFFF086  }
0x1c: {  	p1 =	slt.u32 s9, $0xF7A;
	s5 =	simm.s32 @!p2 $0x0  }
0x1d: {  	s5 =	simm.s32 @p1 $0x1;
	p0 =	seq.s32 s7, s2  }
0x1e: {  	s7 =	smul.u32 @!p0 $0xF7A, s2;
	p2 =	seq.s32 @!p0 s5, $0x0  }
0x1f: {  	s9 =	smul.u32 $0xF7A, s1;
	s8 =	simm.s32 @!p0 $0x1BF5;
	p2 =	por !p2, p0  }
0x20: {  	[sflag:s8] =	ssyncset.s32 @!p0 $0xFFFFF086;
	s6 =	sadd.s32 @!p0 s3, s7;
	s7 =	simm.s32 @!p0 $0x108  }
0x21: {  	s3 =	sadd.s32 s3, s9;
	s6 =	sadd.s32 @!p0 $0x88, s6;
	s7 =	simm.s32 @p2 $0x1082  }
0x22: {  	[simem:s7], [sflag:s8] =	dma.local @!p0 [hbm:s6], $0xF7A  }
0x23: {  	s9 =	sor.u32 $0xD0000000, s2;
	s6 =	simm.s32 $0x108;
	_ =	swait.ge @!p0 [sflag:s8], $0x0  }
0x24: {  	s3 =	sadd.s32 $0x88, s3;
	s6 =	simm.s32 @!p1 $0x1082;
	[sflag:s4] =	ssyncset.s32 $0xFFFFF086  }
0x25: {  	[simem:s6], [sflag:s4] =	dma.local [hbm:s3], $0xF7A  }
0x26: {  	[smem:$0x3F99] =	sst s1;
	(tag) =	ssettag s2;
	_ =	strace s9  }
0x27: {  	s1 =	sld [smem:$0x3FA9]  }
0x28: {  	s2 =	sld [smem:$0x3FAA]  }
0x29: {  	s4 =	sld [smem:$0x3FAC]  }
0x2a: {  	p0 =	seq.s32 s5, $0x0;
	s5 =	sld [smem:$0x3FAD]  }
0x2b: {  	s6 =	sld [smem:$0x3FAE]  }
0x2c: {  	s7 =	sld [smem:$0x3FAF]  }
0x2d: {  	s3 =	simm.s32 $0x108;
	s8 =	sld [smem:$0x3FB0]  }
0x2e: {  	s3 =	simm.s32 @!p0 $0x1082;
	s9 =	sld [smem:$0x3FB1]  }
0x2f: {  	lr =	sadd.s32 s0, s3;
	s0 =	sld [smem:$0x3FA8]  }
0x30: {  	s3 =	sld [smem:$0x3FAB]  }
0x31: {  	[smem:$0x3FB4] =	sst s10  }
0x32: {  	s10 =	sld [smem:$0x3FB2];
	_ =	sdelay $0x3  }
0x33: {  	p0 =	seq.s32 s10, $0x1;
	s10 =	sld [smem:$0x3FB4];
	_ =	sdelay $0x3  }
0x34: {  	[smem:$0x3FB4] =	sst s10  }
0x35: {  	s10 =	sld [smem:$0x3FB3];
	_ =	sdelay $0x3  }
0x36: {  	p1 =	seq.s32 s10, $0x1;
	s10 =	sld [smem:$0x3FB4];
	_ =	sdelay $0x3  }
0x37: {  	[smem:$0x3FB4] =	sst s10  }
0x38: {  	s10 =	sld [smem:$0x3FB5]  }
0x39: {  	_ = 	snop;
	(pc) =	sbr.ind lr, $3  }
0x3a: {  	_ = 	snop  }
0x3b: {  	_ = 	snop  }
0x3c: {  	p2 =	seq.s32 s10, $0x1;
	s10 =	sld [smem:$0x3FB4]  }
0x3d: {  	_ =	shalt  }
0x3e: {  	_ =	shalt  }
0x3f: {  	_ =	shalt  }
0x40: {  	_ =	shalt  }
0x41: {  	_ =	shalt  }
0x42: {  	_ =	shalt  }
0x43: {  	_ =	shalt  }
0x44: {  	_ =	shalt  }
0x45: {  	_ =	shalt  }
0x46: {  	_ =	shalt  }
0x47: {  	_ =	shalt  }
0x48: {  	_ =	shalt  }
0x49: {  	_ =	shalt  }
0x4a: {  	_ =	shalt  }
0x4b: {  	_ =	shalt  }
0x4c: {  	_ =	shalt  }
0x4d: {  	_ =	shalt  }
0x4e: {  	_ =	shalt  }
0x4f: {  	_ =	shalt  }
0x50: {  	_ =	shalt  }
0x51: {  	_ =	shalt  }
0x52: {  	_ =	shalt  }
0x53: {  	_ =	shalt  }
0x54: {  	_ =	shalt  }
0x55: {  	_ =	shalt  }
0x56: {  	_ =	shalt  }
0x57: {  	_ =	shalt  }
0x58: {  	_ =	shalt  }
0x59: {  	_ =	shalt  }
0x5a: {  	_ =	shalt  }
0x5b: {  	_ =	shalt  }
0x5c: {  	_ =	shalt  }
0x5d: {  	_ =	shalt  }
0x5e: {  	_ =	shalt  }
0x5f: {  	_ =	shalt  }
0x60: {  	_ =	shalt  }
0x61: {  	_ =	shalt  }
0x62: {  	_ =	shalt  }
0x63: {  	_ =	shalt  }
0x64: {  	_ =	shalt  }
0x65: {  	_ =	shalt  }
0x66: {  	_ =	shalt  }
0x67: {  	_ =	shalt  }
0x68: {  	_ =	shalt  }
0x69: {  	_ =	shalt  }
0x6a: {  	_ =	shalt  }
0x6b: {  	_ =	shalt  }
0x6c: {  	_ =	shalt  }
0x6d: {  	_ =	shalt  }
0x6e: {  	_ =	shalt  }
0x6f: {  	_ =	shalt  }
0x70: {  	_ =	shalt  }
0x71: {  	_ =	shalt  }
0x72: {  	_ =	shalt  }
0x73: {  	_ =	shalt  }
0x74: {  	_ =	shalt  }
0x75: {  	_ =	shalt  }
0x76: {  	_ =	shalt  }
0x77: {  	_ =	shalt  }
0x78: {  	_ =	shalt  }
0x79: {  	_ =	shalt  }
0x7a: {  	_ =	shalt  }
0x7b: {  	_ =	shalt  }
0x7c: {  	_ =	shalt  }
0x7d: {  	_ =	shalt  }
0x7e: {  	_ =	shalt  }
0x7f: {  	_ =	shalt  }
0x80: {  	_ =	shalt  }
0x81: {  	_ =	shalt  }
0x82: {  	_ =	shalt  }
0x83: {  	_ =	shalt  }
0x84: {  	_ =	shalt  }
0x85: {  	_ =	shalt  }
0x86: {  	_ =	shalt  }
0x87: {  	_ =	shalt  }
.Lfunc_end0:
.L_simem_size_0:
called_computation.1_lowered:
.L_overlay_start_0:
0x88: {  	s2 =	sld [smem:$0x3FD9]  }
0x89: {  	s3 =	sld [smem:$0x3FFE];
	_ =	sdelay $0x1  }
0x8a: {  	s1 =	srdreg.scid  }
0x8b: {  	s0 =	sand.u32 $0x1, s1  }
0x8c: {  	s17 =	sshll.u32 s0, $0xA;
	s2 =	sadd.s32 s3, s2  }
0x8d: {  	s2 =	sadd.s32 s2, s17  }
0x8e: {  	[smem:$0x3FC0] =	sst s2  }
0x8f: {  	_ = 	snop  }
0x90: {  	s18 =	sld [smem:$0x3FC9];
	(tm) =	ssettm $0x1  }
0x91: {  	s19 =	sld [smem:$0x3FFB];
	_ =	sdelay $0x3  }
0x92: {  	_ =	strace s19  }
0x93: {  	s2 =	sld [smem:$0x3FFC];
	_ =	sdelay $0x3  }
0x94: {  	_ =	strace s2  }
0x95: {  	s2 =	sld [smem:$0x3FFD];
	_ =	sdelay $0x3  }
0x96: {  	_ =	strace s2  }
0x97: {  	_ =	strace $0x8FFFFFFF  }
0x98: {  	s20 =	sld [smem:$0x3FDB];
	_ =	sdelay $0x1  }
0x99: {  	s4 =	simm.s32 $_scs_section_size  }
0x9a: {  	s5 =	simm.s32 $_size__tile_overlayer_lowered;
	s6 =	simm.s32 $_tile_overlayer_lowered  }
0x9b: {  	s7 =	simm.s32 $0x1BFF;
	s21 =	sshll.u32 s6, $0x1;
	s4 =	sadd.s32 s4, s20  }
0x9c: {  	s22 =	simm.s32 $0x0;
	s5 =	sshll.u32 s5, $0x1;
	s6 =	sadd.s32 s21, s4  }
0x9d: {  	[timem:s22], [sflag:s7] =	dma.local [hbm:s6], s5  }
0x9e: {  	_ =	swait.ge [sflag:s7], s5  }
0x9f: {  	s5 =	ssub.s32 $0x0, s5;
	[sflag:s7] =	ssyncset.done $0x0  }
0xa0: {  	[sflag:s7] =	ssyncadd.s32 s5;
	_ =	sdelay $0x1  }
0xa1: {  	s23 =	simm.s32 $0x1B8B  }
0xa2: {  	_ =	swait.ge [sflag:s23], $0x1  }
0xa3: {  	[sflag:s23] =	ssyncset.done $0x0  }
0xa4: {  	[sflag:s23] =	ssyncadd.s32 $0xFFFFFFFF  }
0xa5: {  	s5 =	sld [smem:$0x0]  }
0xa6: {  	s6 =	sand.u32 $0xFFFFFFFE, s1  }
0xa7: {  	p0 =	sne.s32 s1, s6  }
0xa8: {  	s6 =	sshll.u32 @p0 s6, $0xE  }
0xa9: {  	s6 =	sadd.s32 @p0 $0x11B8D, s6;
	s7 =	sshll.u32 @p0 s5, $0x11  }
0xaa: {  	s6 =	sor.u32 @p0 s7, s6  }
0xab: {  	[sflag:s6] =	ssyncadd.remote.s32 @p0 $0x1;
	_ =	sdelay $0x1  }
0xac: {  	s6 =	simm.s32 @p0 $0x1B8D  }
0xad: {  	_ =	swait.eq @p0 [sflag:s6], $0x1  }
0xae: {  	[sflag:s6] =	ssyncadd.s32 @p0 $0xFFFFFFFF  }
0xaf: {  	s7 =	sshll.u32 @!p0 s1, $0xE  }
0xb0: {  	s7 =	sor.u32 @!p0 $0x4000, s7;
	s6 =	simm.s32 @!p0 $0x1B8D  }
0xb1: {  	s5 =	sshll.u32 @!p0 s5, $0x11;
	s7 =	sadd.s32 @!p0 $0x11B8D, s7;
	_ =	swait.eq @!p0 [sflag:s6], $0x1  }
0xb2: {  	s5 =	sor.u32 @!p0 s5, s7;
	[sflag:s6] =	ssyncadd.s32 @!p0 $0xFFFFFFFF  }
0xb3: {  	s25 =	simm.s32 $0x1B8E;
	s24 =	sld [smem:$0x3FFE];
	[sflag:s5] =	ssyncadd.remote.s32 @!p0 $0x1  }
0xb4: {  	s26 =	simm.s32 $execute0_lowered;
	[smem:$0x3FD2] =	sst s25  }
0xb5: {  	s6 =	sshll.u32 s26, $0x1;
	_ =	strace $0x80000049;
	[dreg:$0x1] =	wrdreg $0xFFFFFFFF  }
0xb6: {  	s28 =	simm.s32 $_size_execute0_lowered;
	s4 =	sadd.s32 s4, s6;
	[dreg:$0x0] =	wrdreg $0x0  }
0xb7: {  	s6 =	sshll.u32 s28, $0x1;
	[dreg:$0x2] =	wrdreg s4  }
0xb8: {  	[dreg:$0x3] =	wrdreg s6  }
0xb9: {  	[dreg:$0x4] =	wrdreg $0xC0  }
0xba: {  	_ =	task [dreg:s22], $0x5FFFF  }
0xbb: {  	[dreg:$0x1] =	wrdreg $0xFFFFFFFF  }
0xbc: {  	[dreg:$0x0] =	wrdreg $0x60  }
0xbd: {  	[dreg:$0x2] =	wrdreg s18  }
0xbe: {  	[dreg:$0x3] =	wrdreg s24  }
0xbf: {  	[dreg:$0x4] =	wrdreg $0x7C000  }
0xc0: {  	[dreg:$0x5] =	wrdreg $0xA  }
0xc1: {  	_ =	task.clear_ibuf [dreg:s22], $0x6FFFF;
	_ =	strace $0x90000049  }
0xc2: {  	s29 =	simm.s32 $0xA;
	_ =	strace $0x8000004B  }
0xc3: {  	_ =	swait.ge [sflag:s29], $0x1  }
0xc4: {  	[sflag:s29] =	ssyncadd.s32 $0xFFFFFFFF  }
0xc5: {  	_ =	strace $0x9000004B  }
0xc6: {  	_ =	sfence  }
0xc7: {  	s30 =	sld [smem:$0x0];
	_ =	sdelay $0x2  }
0xc8: {  	s31 =	sshll.u32 s1, $0xD;
	s1 =	sshrl.u32 s1, $0x2  }
0xc9: {  	s4 =	sand.u32 $0x4000, s31;
	s1 =	sadd.s32 s1, s30  }
0xca: {  	s0 =	sor.u32 s4, s0;
	s1 =	sshll.u32 s1, $0x11  }
0xcb: {  	s0 =	sor.u32 s1, s0  }
0xcc: {  	s0 =	sadd.s32 $0x8F2B, s0  }
0xcd: {  	[sflag:s0] =	ssyncadd.remote.s32 $0x1  }
0xce: {  	_ =	sfence.sel $0xFFFF  }
0xcf: {  	[dreg:$0x0] =	wrdreg $0xFFFFFFFF;
	(pc) =	sbr.abs _section_cstart, $3  }
0xd0: {  	[dreg:$0x1] =	wrdreg $0xFFFFFFFF  }
0xd1: {  	_ =	task.clear_ibuf [dreg:s22], $0x2FFFF;
	_ =	strace $0x9FFFFFFF  }
0xd2: {  	(tm) =	ssettm $0x7FFFFFFF  }
0xd3: {  	_ =	shalt  }
tec
execute0_lowered:
.L_overlay_start_1:
0x0: {  	(tag) =	ssettag $0x1  }
0x1: {  	s1 =	rddreg [dreg:$0x0]  }
0x2: {  	s13 =	rddreg [dreg:$0x1]  }
0x3: {  	s2 =	rddreg [dreg:$0x2];
	s3 =	simm.s32 $0x0;
	s0 =	srdreg.scid  }
0x4: {  	s5 =	stileid.u32;
	s29 =	simm.s32 $0x5;
	s30 =	simm.s32 $0x2800  }
0x5: {  	s31 =	simm.s32 $0x6;
	[smem:$0x7FF] =	sst s3;
	s4 =	sand.u32 $0x1, s0  }
0x6: {  	s6 =	sadd.s32 $0x2200, s13;
	s28 =	sadd.s32 $0xC000, s13;
	s9 =	smul.u32 $0x4E20, s5  }
0x7: {  	s23 =	sshll.u32 s5, $0x1;
	s15 =	sor.u32 $0x10, s5;
	s17 =	smul.u32 $0x2800, s5  }
0x8: {  	s14 =	sor.u32 $0x20, s5;
	s12 =	sor.u32 $0x30, s5;
	s16 =	smul.u32 $0x138800, s4  }
0x9: {  	s11 =	sor.u32 $0x40, s5;
	s10 =	sor.u32 $0x50, s5;
	s19 =	smul.u32 $0x2800, s15  }
0xa: {  	s8 =	sor.u32 $0x60, s5;
	s13 =	sadd.s32 $0x64000, s13;
	s21 =	smul.u32 $0x2800, s12  }
0xb: {  	p0 =	sgt.u32 s5, $0xC;
	s0 =	ssub.s32 $0x2, s4;
	s15 =	smul.u32 $0xA000, s15  }
0xc: {  	_ =	strace $0x8000004A;
	s12 =	smul.u32 $0xA000, s12;
	s7 =	sshrl.u32 s0, $0x1  }
0xd: {  	s0 =	ssub.s32 s0, s7;
	s7 =	sor.u32 s4, s23;
	s4 =	smul.u32 $0x2710, s4  }
0xe: {  	s18 =	sadd.s32 s17, s16;
	s17 =	sadd.s32 s16, s19;
	s19 =	smul.u32 $0x2800, s14  }
0xf: {  	[dreg:$0x1b] =	wrdreg s6;
	s21 =	sadd.s32 s16, s21;
	s14 =	smul.u32 $0xA000, s14  }
0x10: {  	s15 =	sshrl.u32 s15, $0x2;
	s12 =	sshrl.u32 s12, $0x2;
	s18 =	sshrl.u32 s18, $0x3  }
0x11: {  	s17 =	sshrl.u32 s17, $0x3;
	s12 =	sadd.s32 s12, s2;
	s7 =	smul.u32 $0x2710, s7  }
0x12: {  	s0 =	smax.u32 s0, $0x1;
	s4 =	sadd.s32 s4, s9;
	[smem:$0x7ED] =	sst s12  }
0x13: {  	s18 =	sadd.s32 s13, s18;
	[smem:$0x7FC] =	sst s0;
	s20 =	sadd.s32 $0x4B0, s4  }
0x14: {  	s17 =	sadd.s32 s13, s17;
	[dreg:$0x1c] =	wrdreg s18;
	s20 =	sshrl.u32 s20, $0x3  }
0x15: {  	s23 =	sadd.s32 $0x460, s4;
	[dreg:$0x1d] =	wrdreg s17;
	s22 =	sadd.s32 s20, s28  }
0x16: {  	s24 =	sshrl.u32 s23, $0x3;
	s20 =	sadd.s32 s20, s6;
	[dreg:$0x4] =	wrdreg s22  }
0x17: {  	s9 =	sor.u32 $0x70, s5;
	s25 =	sadd.s32 s24, s28;
	[dreg:$0x5] =	wrdreg s20  }
0x18: {  	s19 =	sadd.s32 s16, s19;
	s26 =	sadd.s32 $0x410, s4;
	[dreg:$0x6] =	wrdreg s25  }
0x19: {  	s22 =	sadd.s32 s24, s6;
	s24 =	sshrl.u32 s26, $0x3;
	s26 =	sadd.s32 $0x370, s4  }
0x1a: {  	[dreg:$0x7] =	wrdreg s22;
	s25 =	sadd.s32 s24, s28;
	s22 =	sadd.s32 s24, s6  }
0x1b: {  	s24 =	sshrl.u32 s26, $0x3;
	s26 =	sadd.s32 $0x320, s4;
	[dreg:$0x8] =	wrdreg s25  }
0x1c: {  	[dreg:$0x9] =	wrdreg s22;
	s25 =	sadd.s32 s24, s28;
	s22 =	sadd.s32 s24, s6  }
0x1d: {  	s24 =	sshrl.u32 s26, $0x3;
	s26 =	sadd.s32 $0x2D0, s4;
	[dreg:$0xa] =	wrdreg s25  }
0x1e: {  	[dreg:$0xb] =	wrdreg s22;
	s25 =	sadd.s32 s24, s28;
	s22 =	sadd.s32 s24, s6  }
0x1f: {  	s24 =	sshrl.u32 s26, $0x3;
	s26 =	sadd.s32 $0x280, s4;
	[dreg:$0xc] =	wrdreg s25  }
0x20: {  	[dreg:$0xd] =	wrdreg s22;
	s25 =	sadd.s32 s24, s28;
	s22 =	sadd.s32 s24, s6  }
0x21: {  	s24 =	sshrl.u32 s26, $0x3;
	s26 =	sadd.s32 $0x230, s4;
	[dreg:$0xe] =	wrdreg s25  }
0x22: {  	s12 =	simm.s32 $0x7880;
	[dreg:$0xf] =	wrdreg s22;
	s23 =	sshrl.u32 s26, $0x3  }
0x23: {  	s25 =	sadd.s32 s24, s28;
	s22 =	sadd.s32 s24, s6;
	s24 =	sadd.s32 s23, s28  }
0x24: {  	s26 =	sadd.s32 s23, s6;
	[dreg:$0x12] =	wrdreg s24;
	s24 =	smul.u32 $0x2800, s11  }
0x25: {  	s0 =	simm.s32 $0x5000;
	[dreg:$0x13] =	wrdreg s26;
	s26 =	smul.u32 $0x2800, s10  }
0x26: {  	[dreg:$0x10] =	wrdreg s25;
	s25 =	sadd.s32 $0x1E0, s4;
	s11 =	smul.u32 $0xA000, s11  }
0x27: {  	[dreg:$0x11] =	wrdreg s22;
	s22 =	sshrl.u32 s25, $0x3;
	s10 =	smul.u32 $0xA000, s10  }
0x28: {  	s25 =	sadd.s32 s22, s28;
	s23 =	sadd.s32 s16, s24;
	s24 =	smul.u32 $0x2800, s8  }
0x29: {  	s7 =	sshrl.u32 s7, $0x3;
	[dreg:$0x14] =	wrdreg s25;
	s25 =	smul.u32 $0x2800, s9  }
0x2a: {  	s22 =	sadd.s32 s22, s6;
	s20 =	sadd.s32 s16, s26;
	s8 =	smul.u32 $0xA000, s8  }
0x2b: {  	s26 =	sadd.s32 $0x190, s4;
	[dreg:$0x15] =	wrdreg s22;
	s9 =	smul.u32 $0xA000, s9  }
0x2c: {  	s11 =	sshrl.u32 s11, $0x2;
	s10 =	sshrl.u32 s10, $0x2;
	s26 =	sshrl.u32 s26, $0x3  }
0x2d: {  	s23 =	sshrl.u32 s23, $0x3;
	s11 =	sadd.s32 s11, s2;
	s10 =	sadd.s32 s10, s2  }
0x2e: {  	s24 =	sadd.s32 s16, s24;
	s16 =	sadd.s32 s16, s25;
	[smem:$0x7EE] =	sst s11  }
0x2f: {  	s25 =	sadd.s32 s26, s28;
	s17 =	sadd.s32 s13, s23;
	[smem:$0x7EF] =	sst s10  }
0x30: {  	s23 =	smul.u32 $0xA000, s5;
	s8 =	sshrl.u32 s8, $0x2;
	[dreg:$0x16] =	wrdreg s25  }
0x31: {  	s25 =	sadd.s32 s26, s6;
	s26 =	sadd.s32 $0x140, s4;
	[smem:$0x7E6] =	sst s17  }
0x32: {  	s8 =	sadd.s32 s8, s2;
	[dreg:$0x17] =	wrdreg s25;
	s22 =	sshrl.u32 s26, $0x3  }
0x33: {  	s26 =	sshrl.u32 s21, $0x3;
	[smem:$0x7F0] =	sst s8;
	s25 =	sadd.s32 s22, s28  }
0x34: {  	s21 =	sadd.s32 s13, s26;
	s26 =	sshrl.u32 s24, $0x3;
	[dreg:$0x18] =	wrdreg s25  }
0x35: {  	s24 =	sshrl.u32 s23, $0x2;
	s23 =	sadd.s32 s28, s7;
	[dreg:$0x1f] =	wrdreg s21  }
0x36: {  	s10 =	simm.s32 $0x7800;
	s21 =	sadd.s32 s22, s6;
	[smem:$0x7F7] =	sst s23  }
0x37: {  	s25 =	sshrl.u32 s19, $0x3;
	s22 =	smov.u32 s28;
	[dreg:$0x19] =	wrdreg s21  }
0x38: {  	s11 =	simm.s32 $0x7A00;
	s18 =	sadd.s32 s13, s25;
	[dreg:$0x1a] =	wrdreg s22  }
0x39: {  	s25 =	sshrl.u32 s20, $0x3;
	s20 =	sadd.s32 s13, s26;
	[dreg:$0x1e] =	wrdreg s18  }
0x3a: {  	s16 =	sshrl.u32 s16, $0x3;
	s18 =	sadd.s32 s13, s25;
	[smem:$0x7E8] =	sst s20  }
0x3b: {  	s26 =	sshrl.u32 s14, $0x2;
	s13 =	sadd.s32 s13, s16;
	[smem:$0x7E7] =	sst s18  }
0x3c: {  	s14 =	sshrl.u32 s9, $0x2;
	s25 =	sadd.s32 s15, s2;
	[smem:$0x7E9] =	sst s13  }
0x3d: {  	s23 =	simm.s32 $0x7B00;
	s8 =	sadd.s32 s14, s2;
	[smem:$0x7EB] =	sst s25  }
0x3e: {  	s21 =	sadd.s32 $0x1E, s7;
	s20 =	sadd.s32 s6, s7;
	[smem:$0x7F1] =	sst s8  }
0x3f: {  	s15 =	sadd.s32 $0xA, s7;
	s13 =	sadd.s32 s24, s2;
	[smem:$0x7F6] =	sst s20  }
0x40: {  	s9 =	simm.s32 $0xC;
	s17 =	sadd.s32 s6, s15;
	[smem:$0x7EA] =	sst s13  }
0x41: {  	s16 =	sadd.s32 $0x14, s7;
	s8 =	sadd.s32 s28, s15;
	[smem:$0x7F2] =	sst s17  }
0x42: {  	s7 =	sadd.s32 $0x4D8, s7;
	s18 =	sadd.s32 s6, s16;
	[smem:$0x7F3] =	sst s8  }
0x43: {  	s14 =	simm.s32 $0x7900;
	s19 =	sadd.s32 s28, s16;
	[smem:$0x7F4] =	sst s18  }
0x44: {  	s24 =	sadd.s32 s6, s21;
	s25 =	sadd.s32 s6, s7;
	[smem:$0x7F5] =	sst s19  }
0x45: {  	s7 =	sadd.s32 s28, s7;
	s15 =	simm.s32 $0x7;
	[smem:$0x7F8] =	sst s24  }
0x46: {  	s16 =	simm.s32 $0x2;
	s20 =	simm.s32 $0xB;
	[smem:$0x7FA] =	sst s25  }
0x47: {  	s13 =	sadd.s32 s26, s2;
	s8 =	sadd.s32 s28, s21;
	[smem:$0x7FB] =	sst s7  }
0x48: {  	s26 =	sadd.s32 $0x3C0, s4;
	s24 =	simm.s32 $0x7980;
	s25 =	simm.s32 $0x7B80  }
0x49: {  	s28 =	simm.s32 $0x50;
	s4 =	simm.s32 $0x1;
	[smem:$0x7EC] =	sst s13  }
0x4a: {  	s7 =	simm.s32 $0x8;
	s17 =	simm.s32 $0x9;
	[smem:$0x7F9] =	sst s8  }
0x4b: {  	s18 =	simm.s32 $0x3;
	s19 =	simm.s32 $0xA;
	[smem:$0x7FD] =	sst s26  }
0x4c: {  	v0 =	vimm.f32 $0.0e+00;
	s13 =	simm.s32 $0x7A80;
	s26 =	simm.s32 $0x4;
	s8 =	simm.s32 $0x0  }
.LBB2_1:
0x4d: {  	[smem:$0x7E5] =	sst s8;
	s8 =	simm.s32 $0x0;
	s21 =	simm.s32 $0x200  }
.LBB2_2:
0x4e: {  	p1 =	sne.s32 s21, $0x9E00;
	[tilespmem:s8+$0x70] =	vst v0  }
0x4f: {  	[tilespmem:s8+$0x0] =	vst v0  }
0x50: {  	[tilespmem:s8+$0x10] =	vst v0  }
.Ltmp0:
0x51: {  	[tilespmem:s8+$0x20] =	vst v0;
	(pc) =	sbr.rel @p1 .LBB2_2-.Ltmp0, $4  }
0x52: {  	[tilespmem:s8+$0x30] =	vst v0  }
0x53: {  	[tilespmem:s8+$0x40] =	vst v0  }
0x54: {  	[tilespmem:s8+$0x50] =	vst v0  }
0x55: {  	[tilespmem:s8+$0x60] =	vst v0;
	s8 =	sshra.s32 s21, $0x2;
	s21 =	sadd.s32 $0x200, s21  }
0x56: {  	[tilespmem:s8+$0x70] =	vst v0  }
0x57: {  	[tilespmem:s8+$0x0] =	vst v0  }
0x58: {  	[tilespmem:s8+$0x10] =	vst v0  }
0x59: {  	[tilespmem:s8+$0x20] =	vst v0  }
0x5a: {  	[tilespmem:s8+$0x30] =	vst v0  }
0x5b: {  	[tilespmem:s8+$0x40] =	vst v0;
	s5 =	sld [smem:$0x7EA]  }
0x5c: {  	[tilespmem:s8+$0x50] =	vst v0  }
0x5d: {  	[tilespmem:s8+$0x60] =	vst v0  }
0x5e: {  	[spmem:s5] =	stream.linear.scatter [tilespmem:s3], [sflag:$0xC], $0x2800, $0x38;
	[tilespmem:$0x1B480] =	vst v63  }
0x5f: {  	_ =	swait.ge [sflag:s9], $0x2800  }
0x60: {  	s21 =	sld [smem:$0x7EB]  }
0x61: {  	[sflag:s9] =	ssyncset.done $0x0  }
0x62: {  	[sflag:s9] =	ssyncadd.s32 $0xFFFFD800  }
0x63: {  	[spmem:s21] =	stream.linear.scatter [tilespmem:s3], [sflag:$0xC], $0x2800, $0x38;
	[tilespmem:$0x1B480] =	vst v63  }
0x64: {  	_ =	swait.ge [sflag:s9], $0x2800  }
0x65: {  	s8 =	sld [smem:$0x7EC]  }
0x66: {  	[sflag:s9] =	ssyncset.done $0x0  }
0x67: {  	[sflag:s9] =	ssyncadd.s32 $0xFFFFD800  }
0x68: {  	[spmem:s8] =	stream.linear.scatter [tilespmem:s3], [sflag:$0xC], $0x2800, $0x38;
	[tilespmem:$0x1B480] =	vst v63  }
0x69: {  	_ =	swait.ge [sflag:s9], $0x2800  }
0x6a: {  	s21 =	sld [smem:$0x7ED]  }
0x6b: {  	[sflag:s9] =	ssyncset.done $0x0  }
0x6c: {  	[sflag:s9] =	ssyncadd.s32 $0xFFFFD800  }
0x6d: {  	[spmem:s21] =	stream.linear.scatter [tilespmem:s3], [sflag:$0xC], $0x2800, $0x38;
	[tilespmem:$0x1B480] =	vst v63  }
0x6e: {  	_ =	swait.ge [sflag:s9], $0x2800  }
0x6f: {  	s8 =	sld [smem:$0x7EE]  }
0x70: {  	[sflag:s9] =	ssyncset.done $0x0  }
0x71: {  	[sflag:s9] =	ssyncadd.s32 $0xFFFFD800  }
0x72: {  	[spmem:s8] =	stream.linear.scatter [tilespmem:s3], [sflag:$0xC], $0x2800, $0x38;
	[tilespmem:$0x1B480] =	vst v63  }
0x73: {  	_ =	swait.ge [sflag:s9], $0x2800  }
0x74: {  	s21 =	sld [smem:$0x7EF]  }
0x75: {  	[sflag:s9] =	ssyncset.done $0x0  }
0x76: {  	[sflag:s9] =	ssyncadd.s32 $0xFFFFD800  }
0x77: {  	[spmem:s21] =	stream.linear.scatter [tilespmem:s3], [sflag:$0xC], $0x2800, $0x38;
	[tilespmem:$0x1B480] =	vst v63  }
0x78: {  	_ =	swait.ge [sflag:s9], $0x2800  }
0x79: {  	s8 =	sld [smem:$0x7F0]  }
0x7a: {  	[sflag:s9] =	ssyncset.done $0x0  }
0x7b: {  	[sflag:s9] =	ssyncadd.s32 $0xFFFFD800  }
0x7c: {  	[spmem:s8] =	stream.linear.scatter [tilespmem:s3], [sflag:$0xC], $0x2800, $0x38;
	[tilespmem:$0x1B480] =	vst v63  }
0x7d: {  	_ =	swait.ge [sflag:s9], $0x2800  }
0x7e: {  	s5 =	sld [smem:$0x7F1]  }
0x7f: {  	[sflag:s9] =	ssyncset.done $0x0  }
0x80: {  	s8 =	simm.s32 @!p0 $0x0;
	[sflag:s9] =	ssyncadd.s32 $0xFFFFD800  }
0x81: {  	[spmem:s5] =	stream.linear.scatter @!p0 [tilespmem:s8], [sflag:$0xC], $0x2800, $0x38;
	[tilespmem:$0x1B480] =	vst v63  }
0x82: {  	s8 =	simm.s32 @!p0 $0xC  }
0x83: {  	_ =	swait.ge @!p0 [sflag:s8], $0x2800  }
0x84: {  	[sflag:s8] =	ssyncset.done @!p0 $0x0  }
0x85: {  	[sflag:s8] =	ssyncadd.s32 @!p0 $0xFFFFD800  }
0x86: {  	[bflag:$0x0] =	sbarrier.arrive $0xFFFF  }
0x87: {  	s21 =	sld [smem:$0x7F6];
	_ =	sdelay $0x1  }
0x88: {  	s8 =	simm.s32 $0x0  }
0x89: {  	[tilespmem:s10], [sflag:$0x4] =	stream.linear.gather [hbm4b:s21+s8], $0x50, $0x38;
	[tilespmem:$0x1B480] =	vst v63  }
0x8a: {  	s21 =	sld [smem:$0x7F7];
	_ =	sdelay $0x2  }
0x8b: {  	[tilespmem:s11], [sflag:$0x8] =	stream.linear.gather [hbm4b:s21+s8], $0x50, $0x38;
	[tilespmem:$0x1B480] =	vst v63  }
0x8c: {  	s21 =	sld [smem:$0x7F2];
	_ =	sdelay $0x2  }
0x8d: {  	[tilespmem:s12], [sflag:$0x5] =	stream.linear.gather [hbm4b:s21+s8], $0x50, $0x38;
	[tilespmem:$0x1B480] =	vst v63  }
0x8e: {  	s21 =	sld [smem:$0x7F3];
	_ =	sdelay $0x2  }
0x8f: {  	[tilespmem:s13], [sflag:$0x9] =	stream.linear.gather [hbm4b:s21+s8], $0x50, $0x38;
	[tilespmem:$0x1B480] =	vst v63  }
0x90: {  	s21 =	sld [smem:$0x7F4];
	_ =	sdelay $0x2  }
0x91: {  	[tilespmem:s14], [sflag:$0x6] =	stream.linear.gather [hbm4b:s21+s8], $0x50, $0x38;
	[tilespmem:$0x1B480] =	vst v63  }
0x92: {  	s21 =	sld [smem:$0x7F5];
	_ =	sdelay $0x2  }
0x93: {  	[tilespmem:s23], [sflag:$0xA] =	stream.linear.gather [hbm4b:s21+s8], $0x50, $0x38;
	[tilespmem:$0x1B480] =	vst v63  }
0x94: {  	s21 =	sld [smem:$0x7F8];
	_ =	sdelay $0x2  }
0x95: {  	[tilespmem:s24], [sflag:$0x7] =	stream.linear.gather [hbm4b:s21+s8], $0x50, $0x38;
	[tilespmem:$0x1B480] =	vst v63  }
0x96: {  	s21 =	sld [smem:$0x7F9];
	_ =	sdelay $0x2  }
0x97: {  	[tilespmem:s25], [sflag:$0xB] =	stream.linear.gather [hbm4b:s21+s8], $0x50, $0x38;
	[tilespmem:$0x1B480] =	vst v63  }
0x98: {  	_ =	swait.ge [sflag:s26], $0x50  }
0x99: {  	[sflag:s26] =	ssyncset.done $0x0  }
0x9a: {  	[sflag:s26] =	ssyncadd.s32 $0xFFFFFFB0  }
0x9b: {  	[tilespmem:s8], [sflag:$0x1] =	stream.indirect.gather [hbm4b:s1+s28], $0x80, s10, s28, $0xb8;
	[tilespmem:$0x1B480] =	vst v63  }
0x9c: {  	_ =	swait.ge [sflag:s29], $0x50  }
0x9d: {  	[sflag:s29] =	ssyncset.done $0x0  }
0x9e: {  	[sflag:s29] =	ssyncadd.s32 $0xFFFFFFB0  }
0x9f: {  	[tilespmem:s30], [sflag:$0x2] =	stream.indirect.gather [hbm4b:s1+s28], $0x80, s12, s28, $0xb8;
	[tilespmem:$0x1B480] =	vst v63  }
0xa0: {  	_ =	swait.ge [sflag:s31], $0x50  }
0xa1: {  	[sflag:s31] =	ssyncset.done $0x0  }
0xa2: {  	[sflag:s31] =	ssyncadd.s32 $0xFFFFFFB0  }
0xa3: {  	[tilespmem:s0], [sflag:$0x3] =	stream.indirect.gather [hbm4b:s1+s28], $0x80, s14, s28, $0xb8;
	[tilespmem:$0x1B480] =	vst v63  }
0xa4: {  	_ =	swait.ge [sflag:s4], $0x2800  }
0xa5: {  	[sflag:s4] =	ssyncset.done $0x0  }
0xa6: {  	[sflag:s4] =	ssyncadd.s32 $0xFFFFD800  }
0xa7: {  	_ =	swait.ge [sflag:s7], $0x50  }
0xa8: {  	[sflag:s7] =	ssyncset.done $0x0  }
0xa9: {  	[sflag:s7] =	ssyncadd.s32 $0xFFFFFFB0  }
0xaa: {  	[spmem:s2] =	stream.indirect.scatter.add.f32 [tilespmem:s3], [sflag:$0xC], $0x80, s11, s28, $0xb8;
	[tilespmem:$0x1B480] =	vst v63  }
0xab: {  	_ =	swait.ge [sflag:s9], $0x2800  }
0xac: {  	s5 =	rddreg [dreg:$0x19];
	[sflag:s9] =	ssyncset.done $0x0  }
0xad: {  	s21 =	rddreg [dreg:$0x18];
	[sflag:s9] =	ssyncadd.s32 $0xFFFFD800;
	s8 =	sadd.s32 $0x0, s5  }
0xae: {  	[tilespmem:s10], [sflag:$0x4] =	stream.linear.gather [hbm4b:s8+s3], $0x50, $0x38;
	[tilespmem:$0x1B480] =	vst v63  }
0xaf: {  	s5 =	sadd.s32 $0x0, s21  }
0xb0: {  	[tilespmem:s11], [sflag:$0x8] =	stream.linear.gather [hbm4b:s5+s3], $0x50, $0x38;
	[tilespmem:$0x1B480] =	vst v63  }
0xb1: {  	_ =	swait.ge [sflag:s15], $0x50  }
0xb2: {  	[sflag:s15] =	ssyncset.done $0x0  }
0xb3: {  	[sflag:s15] =	ssyncadd.s32 $0xFFFFFFB0  }
0xb4: {  	[tilespmem:s3], [sflag:$0x1] =	stream.indirect.gather [hbm4b:s1+s28], $0x80, s24, s28, $0xb8;
	[tilespmem:$0x1B480] =	vst v63  }
0xb5: {  	_ =	swait.ge [sflag:s16], $0x2800  }
0xb6: {  	[sflag:s16] =	ssyncset.done $0x0  }
0xb7: {  	[sflag:s16] =	ssyncadd.s32 $0xFFFFD800  }
0xb8: {  	_ =	swait.ge [sflag:s17], $0x50  }
0xb9: {  	[sflag:s17] =	ssyncset.done $0x0  }
0xba: {  	[sflag:s17] =	ssyncadd.s32 $0xFFFFFFB0  }
0xbb: {  	[spmem:s2] =	stream.indirect.scatter.add.f32 [tilespmem:s30], [sflag:$0xC], $0x80, s13, s28, $0xb8;
	[tilespmem:$0x1B480] =	vst v63  }
0xbc: {  	_ =	swait.ge [sflag:s9], $0x2800  }
0xbd: {  	s21 =	rddreg [dreg:$0x17];
	[sflag:s9] =	ssyncset.done $0x0  }
0xbe: {  	s5 =	rddreg [dreg:$0x16];
	[sflag:s9] =	ssyncadd.s32 $0xFFFFD800;
	s8 =	sadd.s32 $0x0, s21  }
0xbf: {  	[tilespmem:s12], [sflag:$0x5] =	stream.linear.gather [hbm4b:s8+s3], $0x50, $0x38;
	[tilespmem:$0x1B480] =	vst v63  }
0xc0: {  	s5 =	sadd.s32 $0x0, s5  }
0xc1: {  	[tilespmem:s13], [sflag:$0x9] =	stream.linear.gather [hbm4b:s5+s3], $0x50, $0x38;
	[tilespmem:$0x1B480] =	vst v63  }
0xc2: {  	_ =	swait.ge [sflag:s26], $0x50  }
0xc3: {  	[sflag:s26] =	ssyncset.done $0x0  }
0xc4: {  	[sflag:s26] =	ssyncadd.s32 $0xFFFFFFB0  }
0xc5: {  	[tilespmem:s30], [sflag:$0x2] =	stream.indirect.gather [hbm4b:s1+s28], $0x80, s10, s28, $0xb8;
	[tilespmem:$0x1B480] =	vst v63  }
0xc6: {  	_ =	swait.ge [sflag:s18], $0x2800  }
0xc7: {  	[sflag:s18] =	ssyncset.done $0x0  }
0xc8: {  	[sflag:s18] =	ssyncadd.s32 $0xFFFFD800  }
0xc9: {  	_ =	swait.ge [sflag:s19], $0x50  }
0xca: {  	[sflag:s19] =	ssyncset.done $0x0  }
0xcb: {  	[sflag:s19] =	ssyncadd.s32 $0xFFFFFFB0  }
0xcc: {  	[spmem:s2] =	stream.indirect.scatter.add.f32 [tilespmem:s0], [sflag:$0xC], $0x80, s23, s28, $0xb8;
	[tilespmem:$0x1B480] =	vst v63  }
0xcd: {  	_ =	swait.ge [sflag:s9], $0x2800  }
0xce: {  	s21 =	rddreg [dreg:$0x15];
	[sflag:s9] =	ssyncset.done $0x0  }
0xcf: {  	s5 =	rddreg [dreg:$0x14];
	[sflag:s9] =	ssyncadd.s32 $0xFFFFD800;
	s8 =	sadd.s32 $0x0, s21  }
0xd0: {  	[tilespmem:s14], [sflag:$0x6] =	stream.linear.gather [hbm4b:s8+s3], $0x50, $0x38;
	[tilespmem:$0x1B480] =	vst v63  }
0xd1: {  	s5 =	sadd.s32 $0x0, s5  }
0xd2: {  	[tilespmem:s23], [sflag:$0xA] =	stream.linear.gather [hbm4b:s5+s3], $0x50, $0x38;
	[tilespmem:$0x1B480] =	vst v63  }
0xd3: {  	_ =	swait.ge [sflag:s29], $0x50  }
0xd4: {  	[sflag:s29] =	ssyncset.done $0x0  }
0xd5: {  	[sflag:s29] =	ssyncadd.s32 $0xFFFFFFB0  }
0xd6: {  	[tilespmem:s0], [sflag:$0x3] =	stream.indirect.gather [hbm4b:s1+s28], $0x80, s12, s28, $0xb8;
	[tilespmem:$0x1B480] =	vst v63  }
0xd7: {  	_ =	swait.ge [sflag:s4], $0x2800  }
0xd8: {  	[sflag:s4] =	ssyncset.done $0x0  }
0xd9: {  	[sflag:s4] =	ssyncadd.s32 $0xFFFFD800  }
0xda: {  	_ =	swait.ge [sflag:s20], $0x50  }
0xdb: {  	[sflag:s20] =	ssyncset.done $0x0  }
0xdc: {  	[sflag:s20] =	ssyncadd.s32 $0xFFFFFFB0  }
0xdd: {  	[spmem:s2] =	stream.indirect.scatter.add.f32 [tilespmem:s3], [sflag:$0xC], $0x80, s25, s28, $0xb8;
	[tilespmem:$0x1B480] =	vst v63  }
0xde: {  	_ =	swait.ge [sflag:s9], $0x2800  }
0xdf: {  	s21 =	rddreg [dreg:$0x13];
	[sflag:s9] =	ssyncset.done $0x0  }
0xe0: {  	s5 =	rddreg [dreg:$0x12];
	[sflag:s9] =	ssyncadd.s32 $0xFFFFD800;
	s8 =	sadd.s32 $0x0, s21  }
0xe1: {  	[tilespmem:s24], [sflag:$0x7] =	stream.linear.gather [hbm4b:s8+s3], $0x50, $0x38;
	[tilespmem:$0x1B480] =	vst v63  }
0xe2: {  	s5 =	sadd.s32 $0x0, s5  }
0xe3: {  	[tilespmem:s25], [sflag:$0xB] =	stream.linear.gather [hbm4b:s5+s3], $0x50, $0x38;
	[tilespmem:$0x1B480] =	vst v63  }
0xe4: {  	_ =	swait.ge [sflag:s31], $0x50  }
0xe5: {  	[sflag:s31] =	ssyncset.done $0x0  }
0xe6: {  	[sflag:s31] =	ssyncadd.s32 $0xFFFFFFB0  }
0xe7: {  	[tilespmem:s3], [sflag:$0x1] =	stream.indirect.gather [hbm4b:s1+s28], $0x80, s14, s28, $0xb8;
	[tilespmem:$0x1B480] =	vst v63  }
0xe8: {  	_ =	swait.ge [sflag:s16], $0x2800  }
0xe9: {  	[sflag:s16] =	ssyncset.done $0x0  }
0xea: {  	[sflag:s16] =	ssyncadd.s32 $0xFFFFD800  }
0xeb: {  	_ =	swait.ge [sflag:s7], $0x50  }
0xec: {  	[sflag:s7] =	ssyncset.done $0x0  }
0xed: {  	[sflag:s7] =	ssyncadd.s32 $0xFFFFFFB0  }
0xee: {  	[spmem:s2] =	stream.indirect.scatter.add.f32 [tilespmem:s30], [sflag:$0xC], $0x80, s11, s28, $0xb8;
	[tilespmem:$0x1B480] =	vst v63  }
0xef: {  	_ =	swait.ge [sflag:s9], $0x2800  }
0xf0: {  	s21 =	rddreg [dreg:$0x11];
	[sflag:s9] =	ssyncset.done $0x0  }
0xf1: {  	s5 =	rddreg [dreg:$0x10];
	[sflag:s9] =	ssyncadd.s32 $0xFFFFD800;
	s8 =	sadd.s32 $0x0, s21  }
0xf2: {  	[tilespmem:s10], [sflag:$0x4] =	stream.linear.gather [hbm4b:s8+s3], $0x50, $0x38;
	[tilespmem:$0x1B480] =	vst v63  }
0xf3: {  	s5 =	sadd.s32 $0x0, s5  }
0xf4: {  	[tilespmem:s11], [sflag:$0x8] =	stream.linear.gather [hbm4b:s5+s3], $0x50, $0x38;
	[tilespmem:$0x1B480] =	vst v63  }
0xf5: {  	_ =	swait.ge [sflag:s15], $0x50  }
0xf6: {  	[sflag:s15] =	ssyncset.done $0x0  }
0xf7: {  	[sflag:s15] =	ssyncadd.s32 $0xFFFFFFB0  }
0xf8: {  	[tilespmem:s30], [sflag:$0x2] =	stream.indirect.gather [hbm4b:s1+s28], $0x80, s24, s28, $0xb8;
	[tilespmem:$0x1B480] =	vst v63  }
0xf9: {  	_ =	swait.ge [sflag:s18], $0x2800  }
0xfa: {  	[sflag:s18] =	ssyncset.done $0x0  }
0xfb: {  	[sflag:s18] =	ssyncadd.s32 $0xFFFFD800  }
0xfc: {  	_ =	swait.ge [sflag:s17], $0x50  }
0xfd: {  	[sflag:s17] =	ssyncset.done $0x0  }
0xfe: {  	[sflag:s17] =	ssyncadd.s32 $0xFFFFFFB0  }
0xff: {  	[spmem:s2] =	stream.indirect.scatter.add.f32 [tilespmem:s0], [sflag:$0xC], $0x80, s13, s28, $0xb8;
	[tilespmem:$0x1B480] =	vst v63  }
0x100: {  	_ =	swait.ge [sflag:s9], $0x2800  }
0x101: {  	s21 =	rddreg [dreg:$0xf];
	[sflag:s9] =	ssyncset.done $0x0  }
0x102: {  	s5 =	rddreg [dreg:$0xe];
	[sflag:s9] =	ssyncadd.s32 $0xFFFFD800;
	s8 =	sadd.s32 $0x0, s21  }
0x103: {  	[tilespmem:s12], [sflag:$0x5] =	stream.linear.gather [hbm4b:s8+s3], $0x50, $0x38;
	[tilespmem:$0x1B480] =	vst v63  }
0x104: {  	s5 =	sadd.s32 $0x0, s5  }
0x105: {  	[tilespmem:s13], [sflag:$0x9] =	stream.linear.gather [hbm4b:s5+s3], $0x50, $0x38;
	[tilespmem:$0x1B480] =	vst v63  }
0x106: {  	_ =	swait.ge [sflag:s26], $0x50  }
0x107: {  	[sflag:s26] =	ssyncset.done $0x0  }
0x108: {  	[sflag:s26] =	ssyncadd.s32 $0xFFFFFFB0  }
0x109: {  	[tilespmem:s0], [sflag:$0x3] =	stream.indirect.gather [hbm4b:s1+s28], $0x80, s10, s28, $0xb8;
	[tilespmem:$0x1B480] =	vst v63  }
0x10a: {  	_ =	swait.ge [sflag:s4], $0x2800  }
0x10b: {  	[sflag:s4] =	ssyncset.done $0x0  }
0x10c: {  	[sflag:s4] =	ssyncadd.s32 $0xFFFFD800  }
0x10d: {  	_ =	swait.ge [sflag:s19], $0x50  }
0x10e: {  	[sflag:s19] =	ssyncset.done $0x0  }
0x10f: {  	[sflag:s19] =	ssyncadd.s32 $0xFFFFFFB0  }
0x110: {  	[spmem:s2] =	stream.indirect.scatter.add.f32 [tilespmem:s3], [sflag:$0xC], $0x80, s23, s28, $0xb8;
	[tilespmem:$0x1B480] =	vst v63  }
0x111: {  	_ =	swait.ge [sflag:s9], $0x2800  }
0x112: {  	s21 =	rddreg [dreg:$0xd];
	[sflag:s9] =	ssyncset.done $0x0  }
0x113: {  	s5 =	rddreg [dreg:$0xc];
	[sflag:s9] =	ssyncadd.s32 $0xFFFFD800;
	s8 =	sadd.s32 $0x0, s21  }
0x114: {  	[tilespmem:s14], [sflag:$0x6] =	stream.linear.gather [hbm4b:s8+s3], $0x50, $0x38;
	[tilespmem:$0x1B480] =	vst v63  }
0x115: {  	s5 =	sadd.s32 $0x0, s5  }
0x116: {  	[tilespmem:s23], [sflag:$0xA] =	stream.linear.gather [hbm4b:s5+s3], $0x50, $0x38;
	[tilespmem:$0x1B480] =	vst v63  }
0x117: {  	_ =	swait.ge [sflag:s29], $0x50  }
0x118: {  	[sflag:s29] =	ssyncset.done $0x0  }
0x119: {  	[sflag:s29] =	ssyncadd.s32 $0xFFFFFFB0  }
0x11a: {  	[tilespmem:s3], [sflag:$0x1] =	stream.indirect.gather [hbm4b:s1+s28], $0x80, s12, s28, $0xb8;
	[tilespmem:$0x1B480] =	vst v63  }
0x11b: {  	_ =	swait.ge [sflag:s16], $0x2800  }
0x11c: {  	[sflag:s16] =	ssyncset.done $0x0  }
0x11d: {  	[sflag:s16] =	ssyncadd.s32 $0xFFFFD800  }
0x11e: {  	_ =	swait.ge [sflag:s20], $0x50  }
0x11f: {  	[sflag:s20] =	ssyncset.done $0x0  }
0x120: {  	[sflag:s20] =	ssyncadd.s32 $0xFFFFFFB0  }
0x121: {  	[spmem:s2] =	stream.indirect.scatter.add.f32 [tilespmem:s30], [sflag:$0xC], $0x80, s25, s28, $0xb8;
	[tilespmem:$0x1B480] =	vst v63  }
0x122: {  	_ =	swait.ge [sflag:s9], $0x2800  }
0x123: {  	s21 =	rddreg [dreg:$0xb];
	[sflag:s9] =	ssyncset.done $0x0  }
0x124: {  	s5 =	rddreg [dreg:$0xa];
	[sflag:s9] =	ssyncadd.s32 $0xFFFFD800;
	s8 =	sadd.s32 $0x0, s21  }
0x125: {  	[tilespmem:s24], [sflag:$0x7] =	stream.linear.gather [hbm4b:s8+s3], $0x50, $0x38;
	[tilespmem:$0x1B480] =	vst v63  }
0x126: {  	s5 =	sadd.s32 $0x0, s5  }
0x127: {  	[tilespmem:s25], [sflag:$0xB] =	stream.linear.gather [hbm4b:s5+s3], $0x50, $0x38;
	[tilespmem:$0x1B480] =	vst v63  }
0x128: {  	_ =	swait.ge [sflag:s31], $0x50  }
0x129: {  	[sflag:s31] =	ssyncset.done $0x0  }
0x12a: {  	[sflag:s31] =	ssyncadd.s32 $0xFFFFFFB0  }
0x12b: {  	[tilespmem:s30], [sflag:$0x2] =	stream.indirect.gather [hbm4b:s1+s28], $0x80, s14, s28, $0xb8;
	[tilespmem:$0x1B480] =	vst v63  }
0x12c: {  	_ =	swait.ge [sflag:s18], $0x2800  }
0x12d: {  	[sflag:s18] =	ssyncset.done $0x0  }
0x12e: {  	[sflag:s18] =	ssyncadd.s32 $0xFFFFD800  }
0x12f: {  	_ =	swait.ge [sflag:s7], $0x50  }
0x130: {  	[sflag:s7] =	ssyncset.done $0x0  }
0x131: {  	[sflag:s7] =	ssyncadd.s32 $0xFFFFFFB0  }
0x132: {  	[spmem:s2] =	stream.indirect.scatter.add.f32 [tilespmem:s0], [sflag:$0xC], $0x80, s11, s28, $0xb8;
	[tilespmem:$0x1B480] =	vst v63  }
0x133: {  	_ =	swait.ge [sflag:s9], $0x2800  }
0x134: {  	s5 =	sld [smem:$0x7FD];
	_ =	sdelay $0x2  }
0x135: {  	[sflag:s9] =	ssyncset.done $0x0;
	s8 =	sshrl.u32 s5, $0x3  }
0x136: {  	[sflag:s9] =	ssyncadd.s32 $0xFFFFD800;
	s6 =	sadd.s32 s6, s8  }
0x137: {  	[tilespmem:s10], [sflag:$0x4] =	stream.linear.gather [hbm4b:s6+s3], $0x50, $0x38;
	[tilespmem:$0x1B480] =	vst v63  }
0x138: {  	s8 =	sadd.s32 s22, s8  }
0x139: {  	[tilespmem:s11], [sflag:$0x8] =	stream.linear.gather [hbm4b:s8+s3], $0x50, $0x38;
	[tilespmem:$0x1B480] =	vst v63  }
0x13a: {  	_ =	swait.ge [sflag:s15], $0x50  }
0x13b: {  	[sflag:s15] =	ssyncset.done $0x0  }
0x13c: {  	[sflag:s15] =	ssyncadd.s32 $0xFFFFFFB0  }
0x13d: {  	[tilespmem:s0], [sflag:$0x3] =	stream.indirect.gather [hbm4b:s1+s28], $0x80, s24, s28, $0xb8;
	[tilespmem:$0x1B480] =	vst v63  }
0x13e: {  	_ =	swait.ge [sflag:s4], $0x2800  }
0x13f: {  	[sflag:s4] =	ssyncset.done $0x0  }
0x140: {  	[sflag:s4] =	ssyncadd.s32 $0xFFFFD800  }
0x141: {  	_ =	swait.ge [sflag:s17], $0x50  }
0x142: {  	[sflag:s17] =	ssyncset.done $0x0  }
0x143: {  	[sflag:s17] =	ssyncadd.s32 $0xFFFFFFB0  }
0x144: {  	[spmem:s2] =	stream.indirect.scatter.add.f32 [tilespmem:s3], [sflag:$0xC], $0x80, s13, s28, $0xb8;
	[tilespmem:$0x1B480] =	vst v63  }
0x145: {  	_ =	swait.ge [sflag:s9], $0x2800  }
0x146: {  	s22 =	rddreg [dreg:$0x9];
	[sflag:s9] =	ssyncset.done $0x0  }
0x147: {  	s6 =	rddreg [dreg:$0x8];
	[sflag:s9] =	ssyncadd.s32 $0xFFFFD800;
	s8 =	sadd.s32 $0x0, s22  }
0x148: {  	[tilespmem:s12], [sflag:$0x5] =	stream.linear.gather [hbm4b:s8+s3], $0x50, $0x38;
	[tilespmem:$0x1B480] =	vst v63  }
0x149: {  	s21 =	sadd.s32 $0x0, s6  }
0x14a: {  	[tilespmem:s13], [sflag:$0x9] =	stream.linear.gather [hbm4b:s21+s3], $0x50, $0x38;
	[tilespmem:$0x1B480] =	vst v63  }
0x14b: {  	_ =	swait.ge [sflag:s26], $0x50  }
0x14c: {  	[sflag:s26] =	ssyncset.done $0x0  }
0x14d: {  	[sflag:s26] =	ssyncadd.s32 $0xFFFFFFB0  }
0x14e: {  	[tilespmem:s3], [sflag:$0x1] =	stream.indirect.gather [hbm4b:s1+s28], $0x80, s10, s28, $0xb8;
	[tilespmem:$0x1B480] =	vst v63  }
0x14f: {  	_ =	swait.ge [sflag:s16], $0x2800  }
0x150: {  	[sflag:s16] =	ssyncset.done $0x0  }
0x151: {  	[sflag:s16] =	ssyncadd.s32 $0xFFFFD800  }
0x152: {  	_ =	swait.ge [sflag:s19], $0x50  }
0x153: {  	[sflag:s19] =	ssyncset.done $0x0  }
0x154: {  	[sflag:s19] =	ssyncadd.s32 $0xFFFFFFB0  }
0x155: {  	[spmem:s2] =	stream.indirect.scatter.add.f32 [tilespmem:s30], [sflag:$0xC], $0x80, s23, s28, $0xb8;
	[tilespmem:$0x1B480] =	vst v63  }
0x156: {  	_ =	swait.ge [sflag:s9], $0x2800  }
0x157: {  	s22 =	rddreg [dreg:$0x7];
	[sflag:s9] =	ssyncset.done $0x0  }
0x158: {  	s6 =	rddreg [dreg:$0x6];
	[sflag:s9] =	ssyncadd.s32 $0xFFFFD800;
	s8 =	sadd.s32 $0x0, s22  }
0x159: {  	[tilespmem:s14], [sflag:$0x6] =	stream.linear.gather [hbm4b:s8+s3], $0x50, $0x38;
	[tilespmem:$0x1B480] =	vst v63  }
0x15a: {  	s21 =	sadd.s32 $0x0, s6  }
0x15b: {  	[tilespmem:s23], [sflag:$0xA] =	stream.linear.gather [hbm4b:s21+s3], $0x50, $0x38;
	[tilespmem:$0x1B480] =	vst v63  }
0x15c: {  	_ =	swait.ge [sflag:s29], $0x50  }
0x15d: {  	[sflag:s29] =	ssyncset.done $0x0  }
0x15e: {  	[sflag:s29] =	ssyncadd.s32 $0xFFFFFFB0  }
0x15f: {  	[tilespmem:s30], [sflag:$0x2] =	stream.indirect.gather [hbm4b:s1+s28], $0x80, s12, s28, $0xb8;
	[tilespmem:$0x1B480] =	vst v63  }
0x160: {  	_ =	swait.ge [sflag:s18], $0x2800  }
0x161: {  	[sflag:s18] =	ssyncset.done $0x0  }
0x162: {  	[sflag:s18] =	ssyncadd.s32 $0xFFFFD800  }
0x163: {  	_ =	swait.ge [sflag:s20], $0x50  }
0x164: {  	[sflag:s20] =	ssyncset.done $0x0  }
0x165: {  	[sflag:s20] =	ssyncadd.s32 $0xFFFFFFB0  }
0x166: {  	[spmem:s2] =	stream.indirect.scatter.add.f32 [tilespmem:s0], [sflag:$0xC], $0x80, s25, s28, $0xb8;
	[tilespmem:$0x1B480] =	vst v63  }
0x167: {  	_ =	swait.ge [sflag:s9], $0x2800  }
0x168: {  	s22 =	rddreg [dreg:$0x5];
	[sflag:s9] =	ssyncset.done $0x0  }
0x169: {  	s6 =	rddreg [dreg:$0x4];
	[sflag:s9] =	ssyncadd.s32 $0xFFFFD800;
	s8 =	sadd.s32 $0x0, s22  }
0x16a: {  	[tilespmem:s24], [sflag:$0x7] =	stream.linear.gather [hbm4b:s8+s3], $0x50, $0x38;
	[tilespmem:$0x1B480] =	vst v63  }
0x16b: {  	s22 =	sadd.s32 $0x0, s6  }
0x16c: {  	[tilespmem:s25], [sflag:$0xB] =	stream.linear.gather [hbm4b:s22+s3], $0x50, $0x38;
	[tilespmem:$0x1B480] =	vst v63  }
0x16d: {  	_ =	swait.ge [sflag:s31], $0x50  }
0x16e: {  	[sflag:s31] =	ssyncset.done $0x0  }
0x16f: {  	s8 =	sadd.s32 $0x3C0, s5;
	s22 =	simm.s32 $0x78;
	[sflag:s31] =	ssyncadd.s32 $0xFFFFFFB0  }
.LBB2_4:
0x170: {  	[tilespmem:s0], [sflag:$0x3] =	stream.indirect.gather [hbm4b:s1+s28], $0x80, s14, s28, $0xb8;
	[tilespmem:$0x1B480] =	vst v63  }
0x171: {  	_ =	swait.ge [sflag:s4], $0x2800  }
0x172: {  	[sflag:s4] =	ssyncset.done $0x0  }
0x173: {  	[sflag:s4] =	ssyncadd.s32 $0xFFFFD800  }
0x174: {  	_ =	swait.ge [sflag:s7], $0x50  }
0x175: {  	[sflag:s7] =	ssyncset.done $0x0  }
0x176: {  	[sflag:s7] =	ssyncadd.s32 $0xFFFFFFB0  }
0x177: {  	[spmem:s2] =	stream.indirect.scatter.add.f32 [tilespmem:s3], [sflag:$0xC], $0x80, s11, s28, $0xb8;
	[tilespmem:$0x1B480] =	vst v63  }
0x178: {  	_ =	swait.ge [sflag:s9], $0x2800  }
0x179: {  	s21 =	smov.u32 s22;
	s5 =	rddreg [dreg:$0x19];
	[sflag:s9] =	ssyncset.done $0x0  }
0x17a: {  	s6 =	rddreg [dreg:$0x18];
	[sflag:s9] =	ssyncadd.s32 $0xFFFFD800;
	s5 =	sadd.s32 s21, s5  }
0x17b: {  	[tilespmem:s10], [sflag:$0x4] =	stream.linear.gather [hbm4b:s5+s3], $0x50, $0x38;
	[tilespmem:$0x1B480] =	vst v63  }
0x17c: {  	s6 =	sadd.s32 s21, s6  }
0x17d: {  	[tilespmem:s11], [sflag:$0x8] =	stream.linear.gather [hbm4b:s6+s3], $0x50, $0x38;
	[tilespmem:$0x1B480] =	vst v63  }
0x17e: {  	_ =	swait.ge [sflag:s15], $0x50  }
0x17f: {  	[sflag:s15] =	ssyncset.done $0x0  }
0x180: {  	[sflag:s15] =	ssyncadd.s32 $0xFFFFFFB0  }
0x181: {  	[tilespmem:s3], [sflag:$0x1] =	stream.indirect.gather [hbm4b:s1+s28], $0x80, s24, s28, $0xb8;
	[tilespmem:$0x1B480] =	vst v63  }
0x182: {  	_ =	swait.ge [sflag:s16], $0x2800  }
0x183: {  	[sflag:s16] =	ssyncset.done $0x0  }
0x184: {  	[sflag:s16] =	ssyncadd.s32 $0xFFFFD800  }
0x185: {  	_ =	swait.ge [sflag:s17], $0x50  }
0x186: {  	[sflag:s17] =	ssyncset.done $0x0  }
0x187: {  	[sflag:s17] =	ssyncadd.s32 $0xFFFFFFB0  }
0x188: {  	[spmem:s2] =	stream.indirect.scatter.add.f32 [tilespmem:s30], [sflag:$0xC], $0x80, s13, s28, $0xb8;
	[tilespmem:$0x1B480] =	vst v63  }
0x189: {  	_ =	swait.ge [sflag:s9], $0x2800  }
0x18a: {  	s5 =	rddreg [dreg:$0x17];
	[sflag:s9] =	ssyncset.done $0x0  }
0x18b: {  	s6 =	rddreg [dreg:$0x16];
	[sflag:s9] =	ssyncadd.s32 $0xFFFFD800;
	s5 =	sadd.s32 s21, s5  }
0x18c: {  	[tilespmem:s12], [sflag:$0x5] =	stream.linear.gather [hbm4b:s5+s3], $0x50, $0x38;
	[tilespmem:$0x1B480] =	vst v63  }
0x18d: {  	s6 =	sadd.s32 s21, s6  }
0x18e: {  	[tilespmem:s13], [sflag:$0x9] =	stream.linear.gather [hbm4b:s6+s3], $0x50, $0x38;
	[tilespmem:$0x1B480] =	vst v63  }
0x18f: {  	_ =	swait.ge [sflag:s26], $0x50  }
0x190: {  	[sflag:s26] =	ssyncset.done $0x0  }
0x191: {  	[sflag:s26] =	ssyncadd.s32 $0xFFFFFFB0  }
0x192: {  	[tilespmem:s30], [sflag:$0x2] =	stream.indirect.gather [hbm4b:s1+s28], $0x80, s10, s28, $0xb8;
	[tilespmem:$0x1B480] =	vst v63  }
0x193: {  	_ =	swait.ge [sflag:s18], $0x2800  }
0x194: {  	[sflag:s18] =	ssyncset.done $0x0  }
0x195: {  	[sflag:s18] =	ssyncadd.s32 $0xFFFFD800  }
0x196: {  	_ =	swait.ge [sflag:s19], $0x50  }
0x197: {  	[sflag:s19] =	ssyncset.done $0x0  }
0x198: {  	[sflag:s19] =	ssyncadd.s32 $0xFFFFFFB0  }
0x199: {  	[spmem:s2] =	stream.indirect.scatter.add.f32 [tilespmem:s0], [sflag:$0xC], $0x80, s23, s28, $0xb8;
	[tilespmem:$0x1B480] =	vst v63  }
0x19a: {  	_ =	swait.ge [sflag:s9], $0x2800  }
0x19b: {  	s5 =	rddreg [dreg:$0x15];
	[sflag:s9] =	ssyncset.done $0x0  }
0x19c: {  	s6 =	rddreg [dreg:$0x14];
	[sflag:s9] =	ssyncadd.s32 $0xFFFFD800;
	s5 =	sadd.s32 s21, s5  }
0x19d: {  	[tilespmem:s14], [sflag:$0x6] =	stream.linear.gather [hbm4b:s5+s3], $0x50, $0x38;
	[tilespmem:$0x1B480] =	vst v63  }
0x19e: {  	s6 =	sadd.s32 s21, s6  }
0x19f: {  	[tilespmem:s23], [sflag:$0xA] =	stream.linear.gather [hbm4b:s6+s3], $0x50, $0x38;
	[tilespmem:$0x1B480] =	vst v63  }
0x1a0: {  	_ =	swait.ge [sflag:s29], $0x50  }
0x1a1: {  	[sflag:s29] =	ssyncset.done $0x0  }
0x1a2: {  	[sflag:s29] =	ssyncadd.s32 $0xFFFFFFB0  }
0x1a3: {  	[tilespmem:s0], [sflag:$0x3] =	stream.indirect.gather [hbm4b:s1+s28], $0x80, s12, s28, $0xb8;
	[tilespmem:$0x1B480] =	vst v63  }
0x1a4: {  	_ =	swait.ge [sflag:s4], $0x2800  }
0x1a5: {  	[sflag:s4] =	ssyncset.done $0x0  }
0x1a6: {  	[sflag:s4] =	ssyncadd.s32 $0xFFFFD800  }
0x1a7: {  	_ =	swait.ge [sflag:s20], $0x50  }
0x1a8: {  	[sflag:s20] =	ssyncset.done $0x0  }
0x1a9: {  	[sflag:s20] =	ssyncadd.s32 $0xFFFFFFB0  }
0x1aa: {  	[spmem:s2] =	stream.indirect.scatter.add.f32 [tilespmem:s3], [sflag:$0xC], $0x80, s25, s28, $0xb8;
	[tilespmem:$0x1B480] =	vst v63  }
0x1ab: {  	_ =	swait.ge [sflag:s9], $0x2800  }
0x1ac: {  	s5 =	rddreg [dreg:$0x13];
	[sflag:s9] =	ssyncset.done $0x0  }
0x1ad: {  	s6 =	rddreg [dreg:$0x12];
	[sflag:s9] =	ssyncadd.s32 $0xFFFFD800;
	s5 =	sadd.s32 s21, s5  }
0x1ae: {  	[tilespmem:s24], [sflag:$0x7] =	stream.linear.gather [hbm4b:s5+s3], $0x50, $0x38;
	[tilespmem:$0x1B480] =	vst v63  }
0x1af: {  	s6 =	sadd.s32 s21, s6  }
0x1b0: {  	[tilespmem:s25], [sflag:$0xB] =	stream.linear.gather [hbm4b:s6+s3], $0x50, $0x38;
	[tilespmem:$0x1B480] =	vst v63  }
0x1b1: {  	_ =	swait.ge [sflag:s31], $0x50  }
0x1b2: {  	[sflag:s31] =	ssyncset.done $0x0  }
0x1b3: {  	[sflag:s31] =	ssyncadd.s32 $0xFFFFFFB0  }
0x1b4: {  	[tilespmem:s3], [sflag:$0x1] =	stream.indirect.gather [hbm4b:s1+s28], $0x80, s14, s28, $0xb8;
	[tilespmem:$0x1B480] =	vst v63  }
0x1b5: {  	_ =	swait.ge [sflag:s16], $0x2800  }
0x1b6: {  	[sflag:s16] =	ssyncset.done $0x0  }
0x1b7: {  	[sflag:s16] =	ssyncadd.s32 $0xFFFFD800  }
0x1b8: {  	_ =	swait.ge [sflag:s7], $0x50  }
0x1b9: {  	[sflag:s7] =	ssyncset.done $0x0  }
0x1ba: {  	[sflag:s7] =	ssyncadd.s32 $0xFFFFFFB0  }
0x1bb: {  	[spmem:s2] =	stream.indirect.scatter.add.f32 [tilespmem:s30], [sflag:$0xC], $0x80, s11, s28, $0xb8;
	[tilespmem:$0x1B480] =	vst v63  }
0x1bc: {  	_ =	swait.ge [sflag:s9], $0x2800  }
0x1bd: {  	s5 =	rddreg [dreg:$0x11];
	[sflag:s9] =	ssyncset.done $0x0  }
0x1be: {  	s6 =	rddreg [dreg:$0x10];
	[sflag:s9] =	ssyncadd.s32 $0xFFFFD800;
	s5 =	sadd.s32 s21, s5  }
0x1bf: {  	[tilespmem:s10], [sflag:$0x4] =	stream.linear.gather [hbm4b:s5+s3], $0x50, $0x38;
	[tilespmem:$0x1B480] =	vst v63  }
0x1c0: {  	s6 =	sadd.s32 s21, s6  }
0x1c1: {  	[tilespmem:s11], [sflag:$0x8] =	stream.linear.gather [hbm4b:s6+s3], $0x50, $0x38;
	[tilespmem:$0x1B480] =	vst v63  }
0x1c2: {  	_ =	swait.ge [sflag:s15], $0x50  }
0x1c3: {  	[sflag:s15] =	ssyncset.done $0x0  }
0x1c4: {  	[sflag:s15] =	ssyncadd.s32 $0xFFFFFFB0  }
0x1c5: {  	[tilespmem:s30], [sflag:$0x2] =	stream.indirect.gather [hbm4b:s1+s28], $0x80, s24, s28, $0xb8;
	[tilespmem:$0x1B480] =	vst v63  }
0x1c6: {  	_ =	swait.ge [sflag:s18], $0x2800  }
0x1c7: {  	[sflag:s18] =	ssyncset.done $0x0  }
0x1c8: {  	[sflag:s18] =	ssyncadd.s32 $0xFFFFD800  }
0x1c9: {  	_ =	swait.ge [sflag:s17], $0x50  }
0x1ca: {  	[sflag:s17] =	ssyncset.done $0x0  }
0x1cb: {  	[sflag:s17] =	ssyncadd.s32 $0xFFFFFFB0  }
0x1cc: {  	[spmem:s2] =	stream.indirect.scatter.add.f32 [tilespmem:s0], [sflag:$0xC], $0x80, s13, s28, $0xb8;
	[tilespmem:$0x1B480] =	vst v63  }
0x1cd: {  	_ =	swait.ge [sflag:s9], $0x2800  }
0x1ce: {  	s5 =	rddreg [dreg:$0xf];
	[sflag:s9] =	ssyncset.done $0x0  }
0x1cf: {  	s6 =	rddreg [dreg:$0xe];
	[sflag:s9] =	ssyncadd.s32 $0xFFFFD800;
	s5 =	sadd.s32 s21, s5  }
0x1d0: {  	[tilespmem:s12], [sflag:$0x5] =	stream.linear.gather [hbm4b:s5+s3], $0x50, $0x38;
	[tilespmem:$0x1B480] =	vst v63  }
0x1d1: {  	s6 =	sadd.s32 s21, s6  }
0x1d2: {  	[tilespmem:s13], [sflag:$0x9] =	stream.linear.gather [hbm4b:s6+s3], $0x50, $0x38;
	[tilespmem:$0x1B480] =	vst v63  }
0x1d3: {  	_ =	swait.ge [sflag:s26], $0x50  }
0x1d4: {  	[sflag:s26] =	ssyncset.done $0x0  }
0x1d5: {  	[sflag:s26] =	ssyncadd.s32 $0xFFFFFFB0  }
0x1d6: {  	[tilespmem:s0], [sflag:$0x3] =	stream.indirect.gather [hbm4b:s1+s28], $0x80, s10, s28, $0xb8;
	[tilespmem:$0x1B480] =	vst v63  }
0x1d7: {  	_ =	swait.ge [sflag:s4], $0x2800  }
0x1d8: {  	[sflag:s4] =	ssyncset.done $0x0  }
0x1d9: {  	[sflag:s4] =	ssyncadd.s32 $0xFFFFD800  }
0x1da: {  	_ =	swait.ge [sflag:s19], $0x50  }
0x1db: {  	[sflag:s19] =	ssyncset.done $0x0  }
0x1dc: {  	[sflag:s19] =	ssyncadd.s32 $0xFFFFFFB0  }
0x1dd: {  	[spmem:s2] =	stream.indirect.scatter.add.f32 [tilespmem:s3], [sflag:$0xC], $0x80, s23, s28, $0xb8;
	[tilespmem:$0x1B480] =	vst v63  }
0x1de: {  	_ =	swait.ge [sflag:s9], $0x2800  }
0x1df: {  	s5 =	rddreg [dreg:$0xd];
	[sflag:s9] =	ssyncset.done $0x0  }
0x1e0: {  	s6 =	rddreg [dreg:$0xc];
	[sflag:s9] =	ssyncadd.s32 $0xFFFFD800;
	s5 =	sadd.s32 s21, s5  }
0x1e1: {  	[tilespmem:s14], [sflag:$0x6] =	stream.linear.gather [hbm4b:s5+s3], $0x50, $0x38;
	[tilespmem:$0x1B480] =	vst v63  }
0x1e2: {  	s6 =	sadd.s32 s21, s6  }
0x1e3: {  	[tilespmem:s23], [sflag:$0xA] =	stream.linear.gather [hbm4b:s6+s3], $0x50, $0x38;
	[tilespmem:$0x1B480] =	vst v63  }
0x1e4: {  	_ =	swait.ge [sflag:s29], $0x50  }
0x1e5: {  	[sflag:s29] =	ssyncset.done $0x0  }
0x1e6: {  	[sflag:s29] =	ssyncadd.s32 $0xFFFFFFB0  }
0x1e7: {  	[tilespmem:s3], [sflag:$0x1] =	stream.indirect.gather [hbm4b:s1+s28], $0x80, s12, s28, $0xb8;
	[tilespmem:$0x1B480] =	vst v63  }
0x1e8: {  	_ =	swait.ge [sflag:s16], $0x2800  }
0x1e9: {  	[sflag:s16] =	ssyncset.done $0x0  }
0x1ea: {  	[sflag:s16] =	ssyncadd.s32 $0xFFFFD800  }
0x1eb: {  	_ =	swait.ge [sflag:s20], $0x50  }
0x1ec: {  	[sflag:s20] =	ssyncset.done $0x0  }
0x1ed: {  	[sflag:s20] =	ssyncadd.s32 $0xFFFFFFB0  }
0x1ee: {  	[spmem:s2] =	stream.indirect.scatter.add.f32 [tilespmem:s30], [sflag:$0xC], $0x80, s25, s28, $0xb8;
	[tilespmem:$0x1B480] =	vst v63  }
0x1ef: {  	_ =	swait.ge [sflag:s9], $0x2800  }
0x1f0: {  	s5 =	rddreg [dreg:$0xb];
	[sflag:s9] =	ssyncset.done $0x0  }
0x1f1: {  	s6 =	rddreg [dreg:$0xa];
	[sflag:s9] =	ssyncadd.s32 $0xFFFFD800;
	s5 =	sadd.s32 s21, s5  }
0x1f2: {  	[tilespmem:s24], [sflag:$0x7] =	stream.linear.gather [hbm4b:s5+s3], $0x50, $0x38;
	[tilespmem:$0x1B480] =	vst v63  }
0x1f3: {  	s6 =	sadd.s32 s21, s6  }
0x1f4: {  	[tilespmem:s25], [sflag:$0xB] =	stream.linear.gather [hbm4b:s6+s3], $0x50, $0x38;
	[tilespmem:$0x1B480] =	vst v63  }
0x1f5: {  	_ =	swait.ge [sflag:s31], $0x50  }
0x1f6: {  	[sflag:s31] =	ssyncset.done $0x0  }
0x1f7: {  	[sflag:s31] =	ssyncadd.s32 $0xFFFFFFB0  }
0x1f8: {  	[tilespmem:s30], [sflag:$0x2] =	stream.indirect.gather [hbm4b:s1+s28], $0x80, s14, s28, $0xb8;
	[tilespmem:$0x1B480] =	vst v63  }
0x1f9: {  	_ =	swait.ge [sflag:s18], $0x2800  }
0x1fa: {  	[sflag:s18] =	ssyncset.done $0x0  }
0x1fb: {  	[sflag:s18] =	ssyncadd.s32 $0xFFFFD800  }
0x1fc: {  	_ =	swait.ge [sflag:s7], $0x50  }
0x1fd: {  	[sflag:s7] =	ssyncset.done $0x0  }
0x1fe: {  	[sflag:s7] =	ssyncadd.s32 $0xFFFFFFB0  }
0x1ff: {  	[spmem:s2] =	stream.indirect.scatter.add.f32 [tilespmem:s0], [sflag:$0xC], $0x80, s11, s28, $0xb8;
	[tilespmem:$0x1B480] =	vst v63  }
0x200: {  	_ =	swait.ge [sflag:s9], $0x2800  }
0x201: {  	s5 =	sshrl.u32 s8, $0x3;
	[sflag:s9] =	ssyncset.done $0x0;
	s6 =	rddreg [dreg:$0x1b]  }
0x202: {  	[sflag:s9] =	ssyncadd.s32 $0xFFFFD800;
	s6 =	sadd.s32 s6, s5  }
0x203: {  	[tilespmem:s10], [sflag:$0x4] =	stream.linear.gather [hbm4b:s6+s3], $0x50, $0x38;
	[tilespmem:$0x1B480] =	vst v63  }
0x204: {  	s6 =	rddreg [dreg:$0x1a]  }
0x205: {  	s5 =	sadd.s32 s6, s5  }
0x206: {  	[tilespmem:s11], [sflag:$0x8] =	stream.linear.gather [hbm4b:s5+s3], $0x50, $0x38;
	[tilespmem:$0x1B480] =	vst v63  }
0x207: {  	_ =	swait.ge [sflag:s15], $0x50  }
0x208: {  	[sflag:s15] =	ssyncset.done $0x0  }
0x209: {  	[sflag:s15] =	ssyncadd.s32 $0xFFFFFFB0  }
0x20a: {  	[tilespmem:s0], [sflag:$0x3] =	stream.indirect.gather [hbm4b:s1+s28], $0x80, s24, s28, $0xb8;
	[tilespmem:$0x1B480] =	vst v63  }
0x20b: {  	_ =	swait.ge [sflag:s4], $0x2800  }
0x20c: {  	[sflag:s4] =	ssyncset.done $0x0  }
0x20d: {  	[sflag:s4] =	ssyncadd.s32 $0xFFFFD800  }
0x20e: {  	_ =	swait.ge [sflag:s17], $0x50  }
0x20f: {  	[sflag:s17] =	ssyncset.done $0x0  }
0x210: {  	[sflag:s17] =	ssyncadd.s32 $0xFFFFFFB0  }
0x211: {  	[spmem:s2] =	stream.indirect.scatter.add.f32 [tilespmem:s3], [sflag:$0xC], $0x80, s13, s28, $0xb8;
	[tilespmem:$0x1B480] =	vst v63  }
0x212: {  	_ =	swait.ge [sflag:s9], $0x2800  }
0x213: {  	s5 =	rddreg [dreg:$0x9];
	[sflag:s9] =	ssyncset.done $0x0  }
0x214: {  	s6 =	rddreg [dreg:$0x8];
	[sflag:s9] =	ssyncadd.s32 $0xFFFFD800;
	s5 =	sadd.s32 s21, s5  }
0x215: {  	[tilespmem:s12], [sflag:$0x5] =	stream.linear.gather [hbm4b:s5+s3], $0x50, $0x38;
	[tilespmem:$0x1B480] =	vst v63  }
0x216: {  	s6 =	sadd.s32 s21, s6  }
0x217: {  	[tilespmem:s13], [sflag:$0x9] =	stream.linear.gather [hbm4b:s6+s3], $0x50, $0x38;
	[tilespmem:$0x1B480] =	vst v63  }
0x218: {  	_ =	swait.ge [sflag:s26], $0x50  }
0x219: {  	[sflag:s26] =	ssyncset.done $0x0  }
0x21a: {  	[sflag:s26] =	ssyncadd.s32 $0xFFFFFFB0  }
0x21b: {  	[tilespmem:s3], [sflag:$0x1] =	stream.indirect.gather [hbm4b:s1+s28], $0x80, s10, s28, $0xb8;
	[tilespmem:$0x1B480] =	vst v63  }
0x21c: {  	_ =	swait.ge [sflag:s16], $0x2800  }
0x21d: {  	[sflag:s16] =	ssyncset.done $0x0  }
0x21e: {  	[sflag:s16] =	ssyncadd.s32 $0xFFFFD800  }
0x21f: {  	_ =	swait.ge [sflag:s19], $0x50  }
0x220: {  	[sflag:s19] =	ssyncset.done $0x0  }
0x221: {  	[sflag:s19] =	ssyncadd.s32 $0xFFFFFFB0  }
0x222: {  	[spmem:s2] =	stream.indirect.scatter.add.f32 [tilespmem:s30], [sflag:$0xC], $0x80, s23, s28, $0xb8;
	[tilespmem:$0x1B480] =	vst v63  }
0x223: {  	_ =	swait.ge [sflag:s9], $0x2800  }
0x224: {  	s5 =	rddreg [dreg:$0x7];
	[sflag:s9] =	ssyncset.done $0x0  }
0x225: {  	s6 =	rddreg [dreg:$0x6];
	[sflag:s9] =	ssyncadd.s32 $0xFFFFD800;
	s5 =	sadd.s32 s21, s5  }
0x226: {  	[tilespmem:s14], [sflag:$0x6] =	stream.linear.gather [hbm4b:s5+s3], $0x50, $0x38;
	[tilespmem:$0x1B480] =	vst v63  }
0x227: {  	s6 =	sadd.s32 s21, s6  }
0x228: {  	[tilespmem:s23], [sflag:$0xA] =	stream.linear.gather [hbm4b:s6+s3], $0x50, $0x38;
	[tilespmem:$0x1B480] =	vst v63  }
0x229: {  	_ =	swait.ge [sflag:s29], $0x50  }
0x22a: {  	[sflag:s29] =	ssyncset.done $0x0  }
0x22b: {  	[sflag:s29] =	ssyncadd.s32 $0xFFFFFFB0  }
0x22c: {  	[tilespmem:s30], [sflag:$0x2] =	stream.indirect.gather [hbm4b:s1+s28], $0x80, s12, s28, $0xb8;
	[tilespmem:$0x1B480] =	vst v63  }
0x22d: {  	_ =	swait.ge [sflag:s18], $0x2800  }
0x22e: {  	[sflag:s18] =	ssyncset.done $0x0  }
0x22f: {  	[sflag:s18] =	ssyncadd.s32 $0xFFFFD800  }
0x230: {  	_ =	swait.ge [sflag:s20], $0x50  }
0x231: {  	[sflag:s20] =	ssyncset.done $0x0  }
0x232: {  	[sflag:s20] =	ssyncadd.s32 $0xFFFFFFB0  }
0x233: {  	[spmem:s2] =	stream.indirect.scatter.add.f32 [tilespmem:s0], [sflag:$0xC], $0x80, s25, s28, $0xb8;
	[tilespmem:$0x1B480] =	vst v63  }
0x234: {  	_ =	swait.ge [sflag:s9], $0x2800  }
0x235: {  	p1 =	sne.s32 s22, $0x438;
	s5 =	rddreg [dreg:$0x5];
	[sflag:s9] =	ssyncset.done $0x0  }
0x236: {  	s6 =	rddreg [dreg:$0x4];
	[sflag:s9] =	ssyncadd.s32 $0xFFFFD800;
	s5 =	sadd.s32 s21, s5  }
0x237: {  	[tilespmem:s24], [sflag:$0x7] =	stream.linear.gather [hbm4b:s5+s3], $0x50, $0x38;
	[tilespmem:$0x1B480] =	vst v63  }
.Ltmp1:
0x238: {  	s21 =	sadd.s32 s21, s6;
	(pc) =	sbr.rel @p1 .LBB2_4-.Ltmp1, $4  }
0x239: {  	[tilespmem:s25], [sflag:$0xB] =	stream.linear.gather [hbm4b:s21+s3], $0x50, $0x38;
	[tilespmem:$0x1B480] =	vst v63  }
0x23a: {  	_ =	swait.ge [sflag:s31], $0x50  }
0x23b: {  	[sflag:s31] =	ssyncset.done $0x0  }
0x23c: {  	s22 =	sadd.s32 $0x78, s22;
	s8 =	sadd.s32 $0x3C0, s8;
	[sflag:s31] =	ssyncadd.s32 $0xFFFFFFB0  }
0x23d: {  	[tilespmem:s0], [sflag:$0x3] =	stream.indirect.gather [hbm4b:s1+s28], $0x80, s14, s28, $0xb8;
	[tilespmem:$0x1B480] =	vst v63  }
0x23e: {  	_ =	swait.ge [sflag:s4], $0x2800  }
0x23f: {  	[sflag:s4] =	ssyncset.done $0x0  }
0x240: {  	[sflag:s4] =	ssyncadd.s32 $0xFFFFD800  }
0x241: {  	_ =	swait.ge [sflag:s7], $0x50  }
0x242: {  	[sflag:s7] =	ssyncset.done $0x0  }
0x243: {  	[sflag:s7] =	ssyncadd.s32 $0xFFFFFFB0  }
0x244: {  	[spmem:s2] =	stream.indirect.scatter.add.f32 [tilespmem:s3], [sflag:$0xC], $0x80, s11, s28, $0xb8;
	[tilespmem:$0x1B480] =	vst v63  }
0x245: {  	_ =	swait.ge [sflag:s9], $0x2800  }
0x246: {  	s5 =	sld [smem:$0x7FA]  }
0x247: {  	[sflag:s9] =	ssyncset.done $0x0  }
0x248: {  	s6 =	sld [smem:$0x7FB];
	[sflag:s9] =	ssyncadd.s32 $0xFFFFD800  }
0x249: {  	[tilespmem:s10], [sflag:$0x4] =	stream.linear.gather [hbm4b:s5+s3], $0x50, $0x38;
	[tilespmem:$0x1B480] =	vst v63  }
0x24a: {  	_ = 	snop  }
0x24b: {  	[tilespmem:s11], [sflag:$0x8] =	stream.linear.gather [hbm4b:s6+s3], $0x50, $0x38;
	[tilespmem:$0x1B480] =	vst v63  }
0x24c: {  	_ =	swait.ge [sflag:s15], $0x50  }
0x24d: {  	[sflag:s15] =	ssyncset.done $0x0  }
0x24e: {  	[sflag:s15] =	ssyncadd.s32 $0xFFFFFFB0  }
0x24f: {  	[tilespmem:s3], [sflag:$0x1] =	stream.indirect.gather [hbm4b:s1+s28], $0x80, s24, s28, $0xb8;
	[tilespmem:$0x1B480] =	vst v63  }
0x250: {  	_ =	swait.ge [sflag:s16], $0x2800  }
0x251: {  	[sflag:s16] =	ssyncset.done $0x0  }
0x252: {  	[sflag:s16] =	ssyncadd.s32 $0xFFFFD800  }
0x253: {  	_ =	swait.ge [sflag:s17], $0x50  }
0x254: {  	[sflag:s17] =	ssyncset.done $0x0  }
0x255: {  	[sflag:s17] =	ssyncadd.s32 $0xFFFFFFB0  }
0x256: {  	[spmem:s2] =	stream.indirect.scatter.add.f32 [tilespmem:s30], [sflag:$0xC], $0x80, s13, s28, $0xb8;
	[tilespmem:$0x1B480] =	vst v63  }
0x257: {  	_ =	swait.ge [sflag:s9], $0x2800  }
0x258: {  	[sflag:s9] =	ssyncset.done $0x0  }
0x259: {  	[sflag:s9] =	ssyncadd.s32 $0xFFFFD800  }
0x25a: {  	_ =	swait.ge [sflag:s26], $0x50  }
0x25b: {  	[sflag:s26] =	ssyncset.done $0x0  }
0x25c: {  	[sflag:s26] =	ssyncadd.s32 $0xFFFFFFB0  }
0x25d: {  	[tilespmem:s30], [sflag:$0x2] =	stream.indirect.gather [hbm4b:s1+s28], $0x80, s10, s28, $0xb8;
	[tilespmem:$0x1B480] =	vst v63  }
0x25e: {  	_ =	swait.ge [sflag:s18], $0x2800  }
0x25f: {  	[sflag:s18] =	ssyncset.done $0x0  }
0x260: {  	[sflag:s18] =	ssyncadd.s32 $0xFFFFD800  }
0x261: {  	_ =	swait.ge [sflag:s19], $0x50  }
0x262: {  	[sflag:s19] =	ssyncset.done $0x0  }
0x263: {  	[sflag:s19] =	ssyncadd.s32 $0xFFFFFFB0  }
0x264: {  	[spmem:s2] =	stream.indirect.scatter.add.f32 [tilespmem:s0], [sflag:$0xC], $0x80, s23, s28, $0xb8;
	[tilespmem:$0x1B480] =	vst v63  }
0x265: {  	_ =	swait.ge [sflag:s9], $0x2800  }
0x266: {  	[sflag:s9] =	ssyncset.done $0x0  }
0x267: {  	[sflag:s9] =	ssyncadd.s32 $0xFFFFD800  }
0x268: {  	_ =	swait.ge [sflag:s4], $0x2800  }
0x269: {  	[sflag:s4] =	ssyncset.done $0x0  }
0x26a: {  	[sflag:s4] =	ssyncadd.s32 $0xFFFFD800  }
0x26b: {  	_ =	swait.ge [sflag:s20], $0x50  }
0x26c: {  	[sflag:s20] =	ssyncset.done $0x0  }
0x26d: {  	[sflag:s20] =	ssyncadd.s32 $0xFFFFFFB0  }
0x26e: {  	[spmem:s2] =	stream.indirect.scatter.add.f32 [tilespmem:s3], [sflag:$0xC], $0x80, s25, s28, $0xb8;
	[tilespmem:$0x1B480] =	vst v63  }
0x26f: {  	_ =	swait.ge [sflag:s9], $0x2800  }
0x270: {  	[sflag:s9] =	ssyncset.done $0x0  }
0x271: {  	[sflag:s9] =	ssyncadd.s32 $0xFFFFD800  }
0x272: {  	_ =	swait.ge [sflag:s16], $0x2800  }
0x273: {  	[sflag:s16] =	ssyncset.done $0x0  }
0x274: {  	[sflag:s16] =	ssyncadd.s32 $0xFFFFD800  }
0x275: {  	_ =	swait.ge [sflag:s7], $0x50  }
0x276: {  	[sflag:s7] =	ssyncset.done $0x0  }
0x277: {  	[sflag:s7] =	ssyncadd.s32 $0xFFFFFFB0  }
0x278: {  	[spmem:s2] =	stream.indirect.scatter.add.f32 [tilespmem:s30], [sflag:$0xC], $0x80, s11, s28, $0xb8;
	[tilespmem:$0x1B480] =	vst v63  }
0x279: {  	_ =	swait.ge [sflag:s9], $0x2800  }
0x27a: {  	[sflag:s9] =	ssyncset.done $0x0  }
0x27b: {  	[sflag:s9] =	ssyncadd.s32 $0xFFFFD800  }
0x27c: {  	[bflag:$0x0] =	sbarrier.arrive $0xFFFF  }
0x27d: {  	s6 =	sld [smem:$0x7EA]  }
0x27e: {  	s8 =	stileid.u32  }
0x27f: {  	s5 =	sshll.u32 s8, $0x6  }
0x280: {  	s5 =	sor.u32 $0x1C0C, s5;
	s8 =	rddreg [dreg:$0x1c];
	s6 =	sshrl.u32 s6, $0x3  }
0x281: {  	[hbm:s8], [sflag:s5] =	dma.local [spmem:s6], $0x500  }
0x282: {  	_ =	swait.ge [sflag:s9], $0x500  }
0x283: {  	s21 =	sld [smem:$0x7EB];
	_ =	sdelay $0x1  }
0x284: {  	[sflag:s9] =	ssyncset.done $0x0  }
0x285: {  	s22 =	rddreg [dreg:$0x1d];
	[sflag:s9] =	ssyncadd.s32 $0xFFFFFB00;
	s6 =	sshrl.u32 s21, $0x3  }
0x286: {  	[hbm:s22], [sflag:s5] =	dma.local [spmem:s6], $0x500  }
0x287: {  	_ =	swait.ge [sflag:s9], $0x500  }
0x288: {  	s21 =	sld [smem:$0x7EC];
	_ =	sdelay $0x1  }
0x289: {  	[sflag:s9] =	ssyncset.done $0x0  }
0x28a: {  	s22 =	rddreg [dreg:$0x1e];
	[sflag:s9] =	ssyncadd.s32 $0xFFFFFB00;
	s6 =	sshrl.u32 s21, $0x3  }
0x28b: {  	[hbm:s22], [sflag:s5] =	dma.local [spmem:s6], $0x500  }
0x28c: {  	_ =	swait.ge [sflag:s9], $0x500  }
0x28d: {  	s21 =	sld [smem:$0x7ED];
	_ =	sdelay $0x1  }
0x28e: {  	[sflag:s9] =	ssyncset.done $0x0  }
0x28f: {  	s22 =	rddreg [dreg:$0x1f];
	[sflag:s9] =	ssyncadd.s32 $0xFFFFFB00;
	s6 =	sshrl.u32 s21, $0x3  }
0x290: {  	[hbm:s22], [sflag:s5] =	dma.local [spmem:s6], $0x500  }
0x291: {  	_ =	swait.ge [sflag:s9], $0x500  }
0x292: {  	s21 =	sld [smem:$0x7EE]  }
0x293: {  	s22 =	sld [smem:$0x7E6]  }
0x294: {  	[sflag:s9] =	ssyncset.done $0x0  }
0x295: {  	[sflag:s9] =	ssyncadd.s32 $0xFFFFFB00;
	s6 =	sshrl.u32 s21, $0x3  }
0x296: {  	[hbm:s22], [sflag:s5] =	dma.local [spmem:s6], $0x500  }
0x297: {  	_ =	swait.ge [sflag:s9], $0x500  }
0x298: {  	s21 =	sld [smem:$0x7EF]  }
0x299: {  	s22 =	sld [smem:$0x7E7]  }
0x29a: {  	[sflag:s9] =	ssyncset.done $0x0  }
0x29b: {  	[sflag:s9] =	ssyncadd.s32 $0xFFFFFB00;
	s6 =	sshrl.u32 s21, $0x3  }
0x29c: {  	[hbm:s22], [sflag:s5] =	dma.local [spmem:s6], $0x500  }
0x29d: {  	_ =	swait.ge [sflag:s9], $0x500  }
0x29e: {  	s21 =	sld [smem:$0x7F0]  }
0x29f: {  	s22 =	sld [smem:$0x7E8]  }
0x2a0: {  	[sflag:s9] =	ssyncset.done $0x0  }
0x2a1: {  	[sflag:s9] =	ssyncadd.s32 $0xFFFFFB00;
	s6 =	sshrl.u32 s21, $0x3  }
0x2a2: {  	[hbm:s22], [sflag:s5] =	dma.local [spmem:s6], $0x500  }
0x2a3: {  	_ =	swait.ge [sflag:s9], $0x500  }
0x2a4: {  	s6 =	sld [smem:$0x7F1]  }
0x2a5: {  	s8 =	sld [smem:$0x7E9]  }
0x2a6: {  	[sflag:s9] =	ssyncset.done $0x0  }
0x2a7: {  	[sflag:s9] =	ssyncadd.s32 $0xFFFFFB00;
	s6 =	sshrl.u32 @!p0 s6, $0x3  }
0x2a8: {  	[hbm:s8], [sflag:s5] =	dma.local @!p0 [spmem:s6], $0x500  }
0x2a9: {  	s5 =	simm.s32 @!p0 $0xC  }
0x2aa: {  	_ =	swait.ge @!p0 [sflag:s5], $0x500  }
0x2ab: {  	s21 =	sld [smem:$0x7E5]  }
0x2ac: {  	s22 =	sld [smem:$0x7FC];
	_ =	sdelay $0x1  }
0x2ad: {  	s8 =	sadd.s32 $0x1, s21  }
0x2ae: {  	p1 =	sne.s32 s8, s22  }
.Ltmp2:
0x2af: {  	_ = 	snop;
	(pc) =	sbr.rel @p1 .LBB2_1-.Ltmp2, $3  }
0x2b0: {  	_ =	sdelay $0x1  }
0x2b1: {  	[sflag:s5] =	ssyncset.done @!p0 $0x0;
	s6 =	rddreg [dreg:$0x1b]  }
0x2b2: {  	[sflag:s5] =	ssyncadd.s32 @!p0 $0xFFFFFB00;
	s22 =	rddreg [dreg:$0x1a]  }
0x2b3: {  	_ =	sfence.sel $0x180000  }
0x2b4: {  	[bflag:$0x0] =	sbarrier.arrive $0xFFFF  }
0x2b5: {  	_ =	strace $0x9000004A  }
0x2b6: {  	s0 =	stileid.u32;
	[bflag:$0x2] =	sbarrier.arrive $0xFFFF  }
0x2b7: {  	p0 =	sne.s32 s0, $0x0;
	s0 =	rddreg [dreg:$0x3]  }
0x2b8: {  	s0 =	sadd.s32 @!p0 $0x100000, s0  }
0x2b9: {  	[sflag:s0] =	ssyncadd.tile.s32 @!p0 $0x1;
	_ =	shalt  }
.Lfunc_end2:
_tile_overlayer_lowered:
.L_overlay_start_2:
0x2ba: {  	(tag) =	ssettag $0x2  }
0x2bb: {  	s0 =	rddreg [dreg:$0x0];
	s2 =	stileid.u32  }
0x2bc: {  	s1 =	rddreg [dreg:$0x1];
	p0 =	sne.s32 s2, $0x0  }
0x2bd: {  	s3 =	rddreg [dreg:$0x2];
	[bflag:$0x3] =	sbarrier.arrive $0xFFFF;
	s2 =	simm.s32 @!p0 $0x1C0C  }
0x2be: {  	[timem:s3], [sflag:s2] =	dma.local @!p0 [hbm:s0], s1  }
0x2bf: {  	s0 =	simm.s32 @!p0 $0xC  }
0x2c0: {  	_ =	swait.ge @!p0 [sflag:s0], s1  }
0x2c1: {  	s1 =	ssub.s32 @!p0 $0x0, s1;
	[sflag:s0] =	ssyncset.done @!p0 $0x0  }
0x2c2: {  	[sflag:s0] =	ssyncadd.s32 @!p0 s1  }
0x2c3: {  	[bflag:$0x3] =	sbarrier.arrive $0xFFFF  }
0x2c4: {  	_ =	shalt  }

// kernel: kernel.13.cloned.1.call-start
scs
__scs_entry_jumppad:
0x0: {  	(pc) =	sbr.rel $0x88, $3  }
0x1: {  	(tag) =	ssettag $0x0;
	lr =	simm.s32 $0x1  }
0x2: {  	[smem:$0x3F99] =	sst lr;
	_ =	strace $0xD0000000  }
0x3: {  	_ = 	snop  }
0x4: {  	_ = 	snop  }
0x5: {  	_ = 	snop  }
0x6: {  	_ = 	snop  }
0x7: {  	_ = 	snop  }
__scs_overlays_trampoline_lowered:
0x8: {  	[smem:$0x3FA8] =	sst s0  }
0x9: {  	[smem:$0x3FA9] =	sst s1  }
0xa: {  	[smem:$0x3FAA] =	sst s2  }
0xb: {  	[smem:$0x3FAB] =	sst s3  }
0xc: {  	[smem:$0x3FAC] =	sst s4  }
0xd: {  	[smem:$0x3FAD] =	sst s5  }
0xe: {  	[smem:$0x3FAE] =	sst s6  }
0xf: {  	[smem:$0x3FAF] =	sst s7  }
0x10: {  	[smem:$0x3FB0] =	sst s8  }
0x11: {  	[smem:$0x3FB1] =	sst s9;
	s0 =	simm.s32 @!p0 $0x0  }
0x12: {  	s1 =	sld [smem:$0x3F97];
	s0 =	simm.s32 @p0 $0x1  }
0x13: {  	[smem:$0x3FB2] =	sst s0;
	s0 =	simm.s32 @!p1 $0x0  }
0x14: {  	s2 =	sld [smem:$0x3F96];
	s0 =	simm.s32 @p1 $0x1  }
0x15: {  	[smem:$0x3FB3] =	sst s0;
	s0 =	simm.s32 @!p2 $0x0  }
0x16: {  	s3 =	sld [smem:$0x3FDB];
	s0 =	simm.s32 @p2 $0x1  }
0x17: {  	s4 =	simm.s32 $0x1BF5;
	[smem:$0x3FB5] =	sst s0  }
0x18: {  	s0 =	sld [smem:$0x3F98];
	_ =	swait.ge [sflag:s4], $0x0  }
0x19: {  	s7 =	sld [smem:$0x3F99]  }
0x1a: {  	s8 =	sadd.s32 $0xFFFFE003, lr  }
0x1b: {  	s9 =	sadd.s32 $0xFFFFFEF7, lr;
	s5 =	simm.s32 $0xFFFFFFFF;
	p2 =	slt.u32 s8, $0xFFFFF086  }
0x1c: {  	p1 =	slt.u32 s9, $0xF7A;
	s5 =	simm.s32 @!p2 $0x0  }
0x1d: {  	s5 =	simm.s32 @p1 $0x1;
	p0 =	seq.s32 s7, s2  }
0x1e: {  	s7 =	smul.u32 @!p0 $0xF7A, s2;
	p2 =	seq.s32 @!p0 s5, $0x0  }
0x1f: {  	s9 =	smul.u32 $0xF7A, s1;
	s8 =	simm.s32 @!p0 $0x1BF5;
	p2 =	por !p2, p0  }
0x20: {  	[sflag:s8] =	ssyncset.s32 @!p0 $0xFFFFF086;
	s6 =	sadd.s32 @!p0 s3, s7;
	s7 =	simm.s32 @!p0 $0x108  }
0x21: {  	s3 =	sadd.s32 s3, s9;
	s6 =	sadd.s32 @!p0 $0x88, s6;
	s7 =	simm.s32 @p2 $0x1082  }
0x22: {  	[simem:s7], [sflag:s8] =	dma.local @!p0 [hbm:s6], $0xF7A  }
0x23: {  	s9 =	sor.u32 $0xD0000000, s2;
	s6 =	simm.s32 $0x108;
	_ =	swait.ge @!p0 [sflag:s8], $0x0  }
0x24: {  	s3 =	sadd.s32 $0x88, s3;
	s6 =	simm.s32 @!p1 $0x1082;
	[sflag:s4] =	ssyncset.s32 $0xFFFFF086  }
0x25: {  	[simem:s6], [sflag:s4] =	dma.local [hbm:s3], $0xF7A  }
0x26: {  	[smem:$0x3F99] =	sst s1;
	(tag) =	ssettag s2;
	_ =	strace s9  }
0x27: {  	s1 =	sld [smem:$0x3FA9]  }
0x28: {  	s2 =	sld [smem:$0x3FAA]  }
0x29: {  	s4 =	sld [smem:$0x3FAC]  }
0x2a: {  	p0 =	seq.s32 s5, $0x0;
	s5 =	sld [smem:$0x3FAD]  }
0x2b: {  	s6 =	sld [smem:$0x3FAE]  }
0x2c: {  	s7 =	sld [smem:$0x3FAF]  }
0x2d: {  	s3 =	simm.s32 $0x108;
	s8 =	sld [smem:$0x3FB0]  }
0x2e: {  	s3 =	simm.s32 @!p0 $0x1082;
	s9 =	sld [smem:$0x3FB1]  }
0x2f: {  	lr =	sadd.s32 s0, s3;
	s0 =	sld [smem:$0x3FA8]  }
0x30: {  	s3 =	sld [smem:$0x3FAB]  }
0x31: {  	[smem:$0x3FB4] =	sst s10  }
0x32: {  	s10 =	sld [smem:$0x3FB2];
	_ =	sdelay $0x3  }
0x33: {  	p0 =	seq.s32 s10, $0x1;
	s10 =	sld [smem:$0x3FB4];
	_ =	sdelay $0x3  }
0x34: {  	[smem:$0x3FB4] =	sst s10  }
0x35: {  	s10 =	sld [smem:$0x3FB3];
	_ =	sdelay $0x3  }
0x36: {  	p1 =	seq.s32 s10, $0x1;
	s10 =	sld [smem:$0x3FB4];
	_ =	sdelay $0x3  }
0x37: {  	[smem:$0x3FB4] =	sst s10  }
0x38: {  	s10 =	sld [smem:$0x3FB5]  }
0x39: {  	_ = 	snop;
	(pc) =	sbr.ind lr, $3  }
0x3a: {  	_ = 	snop  }
0x3b: {  	_ = 	snop  }
0x3c: {  	p2 =	seq.s32 s10, $0x1;
	s10 =	sld [smem:$0x3FB4]  }
0x3d: {  	_ =	shalt  }
0x3e: {  	_ =	shalt  }
0x3f: {  	_ =	shalt  }
0x40: {  	_ =	shalt  }
0x41: {  	_ =	shalt  }
0x42: {  	_ =	shalt  }
0x43: {  	_ =	shalt  }
0x44: {  	_ =	shalt  }
0x45: {  	_ =	shalt  }
0x46: {  	_ =	shalt  }
0x47: {  	_ =	shalt  }
0x48: {  	_ =	shalt  }
0x49: {  	_ =	shalt  }
0x4a: {  	_ =	shalt  }
0x4b: {  	_ =	shalt  }
0x4c: {  	_ =	shalt  }
0x4d: {  	_ =	shalt  }
0x4e: {  	_ =	shalt  }
0x4f: {  	_ =	shalt  }
0x50: {  	_ =	shalt  }
0x51: {  	_ =	shalt  }
0x52: {  	_ =	shalt  }
0x53: {  	_ =	shalt  }
0x54: {  	_ =	shalt  }
0x55: {  	_ =	shalt  }
0x56: {  	_ =	shalt  }
0x57: {  	_ =	shalt  }
0x58: {  	_ =	shalt  }
0x59: {  	_ =	shalt  }
0x5a: {  	_ =	shalt  }
0x5b: {  	_ =	shalt  }
0x5c: {  	_ =	shalt  }
0x5d: {  	_ =	shalt  }
0x5e: {  	_ =	shalt  }
0x5f: {  	_ =	shalt  }
0x60: {  	_ =	shalt  }
0x61: {  	_ =	shalt  }
0x62: {  	_ =	shalt  }
0x63: {  	_ =	shalt  }
0x64: {  	_ =	shalt  }
0x65: {  	_ =	shalt  }
0x66: {  	_ =	shalt  }
0x67: {  	_ =	shalt  }
0x68: {  	_ =	shalt  }
0x69: {  	_ =	shalt  }
0x6a: {  	_ =	shalt  }
0x6b: {  	_ =	shalt  }
0x6c: {  	_ =	shalt  }
0x6d: {  	_ =	shalt  }
0x6e: {  	_ =	shalt  }
0x6f: {  	_ =	shalt  }
0x70: {  	_ =	shalt  }
0x71: {  	_ =	shalt  }
0x72: {  	_ =	shalt  }
0x73: {  	_ =	shalt  }
0x74: {  	_ =	shalt  }
0x75: {  	_ =	shalt  }
0x76: {  	_ =	shalt  }
0x77: {  	_ =	shalt  }
0x78: {  	_ =	shalt  }
0x79: {  	_ =	shalt  }
0x7a: {  	_ =	shalt  }
0x7b: {  	_ =	shalt  }
0x7c: {  	_ =	shalt  }
0x7d: {  	_ =	shalt  }
0x7e: {  	_ =	shalt  }
0x7f: {  	_ =	shalt  }
0x80: {  	_ =	shalt  }
0x81: {  	_ =	shalt  }
0x82: {  	_ =	shalt  }
0x83: {  	_ =	shalt  }
0x84: {  	_ =	shalt  }
0x85: {  	_ =	shalt  }
0x86: {  	_ =	shalt  }
0x87: {  	_ =	shalt  }
.Lfunc_end0:
.L_simem_size_0:
called_computation.2_lowered:
.L_overlay_start_0:
0x88: {  	s2 =	sld [smem:$0x3FD9]  }
0x89: {  	s3 =	sld [smem:$0x3FFE];
	_ =	sdelay $0x1  }
0x8a: {  	s1 =	srdreg.scid  }
0x8b: {  	s0 =	sand.u32 $0x1, s1  }
0x8c: {  	s17 =	sshll.u32 s0, $0xA;
	s2 =	sadd.s32 s3, s2  }
0x8d: {  	s2 =	sadd.s32 s2, s17  }
0x8e: {  	[smem:$0x3FC0] =	sst s2  }
0x8f: {  	_ = 	snop  }
0x90: {  	s2 =	sld [smem:$0x3FD0];
	(tm) =	ssettm $0x1  }
0x91: {  	s18 =	sld [smem:$0x3FFB];
	_ =	sdelay $0x3  }
0x92: {  	_ =	strace s18  }
0x93: {  	s3 =	sld [smem:$0x3FFC];
	_ =	sdelay $0x3  }
0x94: {  	_ =	strace s3  }
0x95: {  	s3 =	sld [smem:$0x3FFD];
	_ =	sdelay $0x3  }
0x96: {  	_ =	strace s3  }
0x97: {  	_ =	strace $0x8FFFFFFF  }
0x98: {  	s19 =	sld [smem:$0x3FDB];
	_ =	sdelay $0x1  }
0x99: {  	s4 =	simm.s32 $_scs_section_size  }
0x9a: {  	s5 =	simm.s32 $_size__tile_overlayer_lowered;
	s6 =	simm.s32 $_tile_overlayer_lowered  }
0x9b: {  	s22 =	simm.s32 $0x1BFF;
	s21 =	sshll.u32 s6, $0x1;
	s3 =	sadd.s32 s4, s19  }
0x9c: {  	s7 =	simm.s32 $0x0;
	s20 =	sshll.u32 s5, $0x1;
	s5 =	sadd.s32 s21, s3  }
0x9d: {  	[timem:s7], [sflag:s22] =	dma.local [hbm:s5], s20  }
0x9e: {  	_ =	swait.ge [sflag:s22], s20  }
0x9f: {  	s4 =	ssub.s32 $0x0, s20;
	[sflag:s22] =	ssyncset.done $0x0  }
0xa0: {  	[sflag:s22] =	ssyncadd.s32 s4;
	_ =	sdelay $0x1  }
0xa1: {  	s23 =	simm.s32 $0x1B8B  }
0xa2: {  	_ =	swait.ge [sflag:s23], $0x1  }
0xa3: {  	[sflag:s23] =	ssyncset.done $0x0  }
0xa4: {  	s25 =	simm.s32 $0x1B8E;
	s24 =	sld [smem:$0x3FFE];
	[sflag:s23] =	ssyncadd.s32 $0xFFFFFFFF  }
0xa5: {  	s26 =	simm.s32 $execute0_lowered;
	[smem:$0x3FD2] =	sst s25  }
0xa6: {  	s5 =	sshll.u32 s26, $0x1;
	_ =	strace $0x8000004C;
	[dreg:$0x1] =	wrdreg $0xFFFFFFFF  }
0xa7: {  	s28 =	simm.s32 $_size_execute0_lowered;
	s3 =	sadd.s32 s3, s5;
	[dreg:$0x0] =	wrdreg $0x0  }
0xa8: {  	s5 =	sshll.u32 s28, $0x1;
	[dreg:$0x2] =	wrdreg s3  }
0xa9: {  	[dreg:$0x3] =	wrdreg s5  }
0xaa: {  	[dreg:$0x4] =	wrdreg $0xC0  }
0xab: {  	_ =	task [dreg:s7], $0x5FFFF  }
0xac: {  	[dreg:$0x1] =	wrdreg $0xFFFFFFFF  }
0xad: {  	[dreg:$0x0] =	wrdreg $0x60  }
0xae: {  	[dreg:$0x2] =	wrdreg s2  }
0xaf: {  	[dreg:$0x3] =	wrdreg s24  }
0xb0: {  	[dreg:$0x4] =	wrdreg $0x7C000  }
0xb1: {  	[dreg:$0x5] =	wrdreg $0x9  }
0xb2: {  	_ =	task.clear_ibuf [dreg:s7], $0x6FFFF;
	_ =	strace $0x9000004C  }
0xb3: {  	s29 =	simm.s32 $0x9;
	_ =	strace $0x8000004E  }
0xb4: {  	_ =	swait.ge [sflag:s29], $0x1  }
0xb5: {  	[sflag:s29] =	ssyncadd.s32 $0xFFFFFFFF  }
0xb6: {  	_ =	strace $0x9000004E  }
0xb7: {  	_ =	sfence  }
0xb8: {  	s30 =	sld [smem:$0x0];
	_ =	sdelay $0x2  }
0xb9: {  	s31 =	sshll.u32 s1, $0xD;
	s1 =	sshrl.u32 s1, $0x2  }
0xba: {  	s3 =	sand.u32 $0x4000, s31;
	s1 =	sadd.s32 s1, s30  }
0xbb: {  	s0 =	sor.u32 s3, s0;
	s1 =	sshll.u32 s1, $0x11  }
0xbc: {  	s0 =	sor.u32 s1, s0  }
0xbd: {  	s0 =	sadd.s32 $0x8F2B, s0  }
0xbe: {  	[sflag:s0] =	ssyncadd.remote.s32 $0x1  }
0xbf: {  	_ =	sfence.sel $0xFFFF  }
0xc0: {  	[dreg:$0x0] =	wrdreg $0xFFFFFFFF;
	(pc) =	sbr.abs _section_cstart, $3  }
0xc1: {  	[dreg:$0x1] =	wrdreg $0xFFFFFFFF  }
0xc2: {  	_ =	task.clear_ibuf [dreg:s7], $0x2FFFF;
	_ =	strace $0x9FFFFFFF  }
0xc3: {  	(tm) =	ssettm $0x7FFFFFFF  }
tec
execute0_lowered:
.L_overlay_start_1:
0x0: {  	(tag) =	ssettag $0x1  }
0x1: {  	s1 =	rddreg [dreg:$0x0]  }
0x2: {  	s13 =	rddreg [dreg:$0x1]  }
0x3: {  	s2 =	rddreg [dreg:$0x2];
	s3 =	simm.s32 $0x0;
	s0 =	srdreg.scid  }
0x4: {  	s5 =	stileid.u32;
	s29 =	simm.s32 $0x5;
	s30 =	simm.s32 $0x2800  }
0x5: {  	s31 =	simm.s32 $0x6;
	[smem:$0x7FF] =	sst s3;
	s4 =	sand.u32 $0x1, s0  }
0x6: {  	s6 =	sadd.s32 $0x2200, s13;
	s28 =	sadd.s32 $0xC000, s13;
	s9 =	smul.u32 $0x4E20, s5  }
0x7: {  	s23 =	sshll.u32 s5, $0x1;
	s15 =	sor.u32 $0x10, s5;
	s17 =	smul.u32 $0x2800, s5  }
0x8: {  	s14 =	sor.u32 $0x20, s5;
	s12 =	sor.u32 $0x30, s5;
	s16 =	smul.u32 $0x138800, s4  }
0x9: {  	s11 =	sor.u32 $0x40, s5;
	s10 =	sor.u32 $0x50, s5;
	s19 =	smul.u32 $0x2800, s15  }
0xa: {  	s8 =	sor.u32 $0x60, s5;
	s13 =	sadd.s32 $0x64000, s13;
	s21 =	smul.u32 $0x2800, s12  }
0xb: {  	p0 =	sgt.u32 s5, $0xC;
	s0 =	ssub.s32 $0x2, s4;
	s15 =	smul.u32 $0xA000, s15  }
0xc: {  	_ =	strace $0x8000004D;
	s12 =	smul.u32 $0xA000, s12;
	s7 =	sshrl.u32 s0, $0x1  }
0xd: {  	s0 =	ssub.s32 s0, s7;
	s7 =	sor.u32 s4, s23;
	s4 =	smul.u32 $0x2710, s4  }
0xe: {  	s18 =	sadd.s32 s17, s16;
	s17 =	sadd.s32 s16, s19;
	s19 =	smul.u32 $0x2800, s14  }
0xf: {  	[dreg:$0x1b] =	wrdreg s6;
	s21 =	sadd.s32 s16, s21;
	s14 =	smul.u32 $0xA000, s14  }
0x10: {  	s15 =	sshrl.u32 s15, $0x2;
	s12 =	sshrl.u32 s12, $0x2;
	s18 =	sshrl.u32 s18, $0x3  }
0x11: {  	s17 =	sshrl.u32 s17, $0x3;
	s12 =	sadd.s32 s12, s2;
	s7 =	smul.u32 $0x2710, s7  }
0x12: {  	s0 =	smax.u32 s0, $0x1;
	s4 =	sadd.s32 s4, s9;
	[smem:$0x7ED] =	sst s12  }
0x13: {  	s18 =	sadd.s32 s13, s18;
	[smem:$0x7FC] =	sst s0;
	s20 =	sadd.s32 $0x4B0, s4  }
0x14: {  	s17 =	sadd.s32 s13, s17;
	[dreg:$0x1c] =	wrdreg s18;
	s20 =	sshrl.u32 s20, $0x3  }
0x15: {  	s23 =	sadd.s32 $0x460, s4;
	[dreg:$0x1d] =	wrdreg s17;
	s22 =	sadd.s32 s20, s28  }
0x16: {  	s24 =	sshrl.u32 s23, $0x3;
	s20 =	sadd.s32 s20, s6;
	[dreg:$0x4] =	wrdreg s22  }
0x17: {  	s9 =	sor.u32 $0x70, s5;
	s25 =	sadd.s32 s24, s28;
	[dreg:$0x5] =	wrdreg s20  }
0x18: {  	s19 =	sadd.s32 s16, s19;
	s26 =	sadd.s32 $0x410, s4;
	[dreg:$0x6] =	wrdreg s25  }
0x19: {  	s22 =	sadd.s32 s24, s6;
	s24 =	sshrl.u32 s26, $0x3;
	s26 =	sadd.s32 $0x370, s4  }
0x1a: {  	[dreg:$0x7] =	wrdreg s22;
	s25 =	sadd.s32 s24, s28;
	s22 =	sadd.s32 s24, s6  }
0x1b: {  	s24 =	sshrl.u32 s26, $0x3;
	s26 =	sadd.s32 $0x320, s4;
	[dreg:$0x8] =	wrdreg s25  }
0x1c: {  	[dreg:$0x9] =	wrdreg s22;
	s25 =	sadd.s32 s24, s28;
	s22 =	sadd.s32 s24, s6  }
0x1d: {  	s24 =	sshrl.u32 s26, $0x3;
	s26 =	sadd.s32 $0x2D0, s4;
	[dreg:$0xa] =	wrdreg s25  }
0x1e: {  	[dreg:$0xb] =	wrdreg s22;
	s25 =	sadd.s32 s24, s28;
	s22 =	sadd.s32 s24, s6  }
0x1f: {  	s24 =	sshrl.u32 s26, $0x3;
	s26 =	sadd.s32 $0x280, s4;
	[dreg:$0xc] =	wrdreg s25  }
0x20: {  	[dreg:$0xd] =	wrdreg s22;
	s25 =	sadd.s32 s24, s28;
	s22 =	sadd.s32 s24, s6  }
0x21: {  	s24 =	sshrl.u32 s26, $0x3;
	s26 =	sadd.s32 $0x230, s4;
	[dreg:$0xe] =	wrdreg s25  }
0x22: {  	s12 =	simm.s32 $0x7880;
	[dreg:$0xf] =	wrdreg s22;
	s23 =	sshrl.u32 s26, $0x3  }
0x23: {  	s25 =	sadd.s32 s24, s28;
	s22 =	sadd.s32 s24, s6;
	s24 =	sadd.s32 s23, s28  }
0x24: {  	s26 =	sadd.s32 s23, s6;
	[dreg:$0x12] =	wrdreg s24;
	s24 =	smul.u32 $0x2800, s11  }
0x25: {  	s0 =	simm.s32 $0x5000;
	[dreg:$0x13] =	wrdreg s26;
	s26 =	smul.u32 $0x2800, s10  }
0x26: {  	[dreg:$0x10] =	wrdreg s25;
	s25 =	sadd.s32 $0x1E0, s4;
	s11 =	smul.u32 $0xA000, s11  }
0x27: {  	[dreg:$0x11] =	wrdreg s22;
	s22 =	sshrl.u32 s25, $0x3;
	s10 =	smul.u32 $0xA000, s10  }
0x28: {  	s25 =	sadd.s32 s22, s28;
	s23 =	sadd.s32 s16, s24;
	s24 =	smul.u32 $0x2800, s8  }
0x29: {  	s7 =	sshrl.u32 s7, $0x3;
	[dreg:$0x14] =	wrdreg s25;
	s25 =	smul.u32 $0x2800, s9  }
0x2a: {  	s22 =	sadd.s32 s22, s6;
	s20 =	sadd.s32 s16, s26;
	s8 =	smul.u32 $0xA000, s8  }
0x2b: {  	s26 =	sadd.s32 $0x190, s4;
	[dreg:$0x15] =	wrdreg s22;
	s9 =	smul.u32 $0xA000, s9  }
0x2c: {  	s11 =	sshrl.u32 s11, $0x2;
	s10 =	sshrl.u32 s10, $0x2;
	s26 =	sshrl.u32 s26, $0x3  }
0x2d: {  	s23 =	sshrl.u32 s23, $0x3;
	s11 =	sadd.s32 s11, s2;
	s10 =	sadd.s32 s10, s2  }
0x2e: {  	s24 =	sadd.s32 s16, s24;
	s16 =	sadd.s32 s16, s25;
	[smem:$0x7EE] =	sst s11  }
0x2f: {  	s25 =	sadd.s32 s26, s28;
	s17 =	sadd.s32 s13, s23;
	[smem:$0x7EF] =	sst s10  }
0x30: {  	s23 =	smul.u32 $0xA000, s5;
	s8 =	sshrl.u32 s8, $0x2;
	[dreg:$0x16] =	wrdreg s25  }
0x31: {  	s25 =	sadd.s32 s26, s6;
	s26 =	sadd.s32 $0x140, s4;
	[smem:$0x7E6] =	sst s17  }
0x32: {  	s8 =	sadd.s32 s8, s2;
	[dreg:$0x17] =	wrdreg s25;
	s22 =	sshrl.u32 s26, $0x3  }
0x33: {  	s26 =	sshrl.u32 s21, $0x3;
	[smem:$0x7F0] =	sst s8;
	s25 =	sadd.s32 s22, s28  }
0x34: {  	s21 =	sadd.s32 s13, s26;
	s26 =	sshrl.u32 s24, $0x3;
	[dreg:$0x18] =	wrdreg s25  }
0x35: {  	s24 =	sshrl.u32 s23, $0x2;
	s23 =	sadd.s32 s28, s7;
	[dreg:$0x1f] =	wrdreg s21  }
0x36: {  	s10 =	simm.s32 $0x7800;
	s21 =	sadd.s32 s22, s6;
	[smem:$0x7F7] =	sst s23  }
0x37: {  	s25 =	sshrl.u32 s19, $0x3;
	s22 =	smov.u32 s28;
	[dreg:$0x19] =	wrdreg s21  }
0x38: {  	s11 =	simm.s32 $0x7A00;
	s18 =	sadd.s32 s13, s25;
	[dreg:$0x1a] =	wrdreg s22  }
0x39: {  	s25 =	sshrl.u32 s20, $0x3;
	s20 =	sadd.s32 s13, s26;
	[dreg:$0x1e] =	wrdreg s18  }
0x3a: {  	s16 =	sshrl.u32 s16, $0x3;
	s18 =	sadd.s32 s13, s25;
	[smem:$0x7E8] =	sst s20  }
0x3b: {  	s26 =	sshrl.u32 s14, $0x2;
	s13 =	sadd.s32 s13, s16;
	[smem:$0x7E7] =	sst s18  }
0x3c: {  	s14 =	sshrl.u32 s9, $0x2;
	s25 =	sadd.s32 s15, s2;
	[smem:$0x7E9] =	sst s13  }
0x3d: {  	s23 =	simm.s32 $0x7B00;
	s8 =	sadd.s32 s14, s2;
	[smem:$0x7EB] =	sst s25  }
0x3e: {  	s21 =	sadd.s32 $0x1E, s7;
	s20 =	sadd.s32 s6, s7;
	[smem:$0x7F1] =	sst s8  }
0x3f: {  	s15 =	sadd.s32 $0xA, s7;
	s13 =	sadd.s32 s24, s2;
	[smem:$0x7F6] =	sst s20  }
0x40: {  	s9 =	simm.s32 $0xC;
	s17 =	sadd.s32 s6, s15;
	[smem:$0x7EA] =	sst s13  }
0x41: {  	s16 =	sadd.s32 $0x14, s7;
	s8 =	sadd.s32 s28, s15;
	[smem:$0x7F2] =	sst s17  }
0x42: {  	s7 =	sadd.s32 $0x4D8, s7;
	s18 =	sadd.s32 s6, s16;
	[smem:$0x7F3] =	sst s8  }
0x43: {  	s14 =	simm.s32 $0x7900;
	s19 =	sadd.s32 s28, s16;
	[smem:$0x7F4] =	sst s18  }
0x44: {  	s24 =	sadd.s32 s6, s21;
	s25 =	sadd.s32 s6, s7;
	[smem:$0x7F5] =	sst s19  }
0x45: {  	s7 =	sadd.s32 s28, s7;
	s15 =	simm.s32 $0x7;
	[smem:$0x7F8] =	sst s24  }
0x46: {  	s16 =	simm.s32 $0x2;
	s20 =	simm.s32 $0xB;
	[smem:$0x7FA] =	sst s25  }
0x47: {  	s13 =	sadd.s32 s26, s2;
	s8 =	sadd.s32 s28, s21;
	[smem:$0x7FB] =	sst s7  }
0x48: {  	s26 =	sadd.s32 $0x3C0, s4;
	s24 =	simm.s32 $0x7980;
	s25 =	simm.s32 $0x7B80  }
0x49: {  	s28 =	simm.s32 $0x50;
	s4 =	simm.s32 $0x1;
	[smem:$0x7EC] =	sst s13  }
0x4a: {  	s7 =	simm.s32 $0x8;
	s17 =	simm.s32 $0x9;
	[smem:$0x7F9] =	sst s8  }
0x4b: {  	s18 =	simm.s32 $0x3;
	s19 =	simm.s32 $0xA;
	[smem:$0x7FD] =	sst s26  }
0x4c: {  	v0 =	vimm.f32 $0.0e+00;
	s13 =	simm.s32 $0x7A80;
	s26 =	simm.s32 $0x4;
	s8 =	simm.s32 $0x0  }
.LBB2_1:
0x4d: {  	[smem:$0x7E5] =	sst s8;
	s8 =	simm.s32 $0x0;
	s21 =	simm.s32 $0x200  }
.LBB2_2:
0x4e: {  	p1 =	sne.s32 s21, $0x9E00;
	[tilespmem:s8+$0x70] =	vst v0  }
0x4f: {  	[tilespmem:s8+$0x0] =	vst v0  }
0x50: {  	[tilespmem:s8+$0x10] =	vst v0  }
.Ltmp0:
0x51: {  	[tilespmem:s8+$0x20] =	vst v0;
	(pc) =	sbr.rel @p1 .LBB2_2-.Ltmp0, $4  }
0x52: {  	[tilespmem:s8+$0x30] =	vst v0  }
0x53: {  	[tilespmem:s8+$0x40] =	vst v0  }
0x54: {  	[tilespmem:s8+$0x50] =	vst v0  }
0x55: {  	[tilespmem:s8+$0x60] =	vst v0;
	s8 =	sshra.s32 s21, $0x2;
	s21 =	sadd.s32 $0x200, s21  }
0x56: {  	[tilespmem:s8+$0x70] =	vst v0  }
0x57: {  	[tilespmem:s8+$0x0] =	vst v0  }
0x58: {  	[tilespmem:s8+$0x10] =	vst v0  }
0x59: {  	[tilespmem:s8+$0x20] =	vst v0  }
0x5a: {  	[tilespmem:s8+$0x30] =	vst v0  }
0x5b: {  	[tilespmem:s8+$0x40] =	vst v0;
	s5 =	sld [smem:$0x7EA]  }
0x5c: {  	[tilespmem:s8+$0x50] =	vst v0  }
0x5d: {  	[tilespmem:s8+$0x60] =	vst v0  }
0x5e: {  	[spmem:s5] =	stream.linear.scatter [tilespmem:s3], [sflag:$0xC], $0x2800, $0x38;
	[tilespmem:$0x1B480] =	vst v63  }
0x5f: {  	_ =	swait.ge [sflag:s9], $0x2800  }
0x60: {  	s21 =	sld [smem:$0x7EB]  }
0x61: {  	[sflag:s9] =	ssyncset.done $0x0  }
0x62: {  	[sflag:s9] =	ssyncadd.s32 $0xFFFFD800  }
0x63: {  	[spmem:s21] =	stream.linear.scatter [tilespmem:s3], [sflag:$0xC], $0x2800, $0x38;
	[tilespmem:$0x1B480] =	vst v63  }
0x64: {  	_ =	swait.ge [sflag:s9], $0x2800  }
0x65: {  	s8 =	sld [smem:$0x7EC]  }
0x66: {  	[sflag:s9] =	ssyncset.done $0x0  }
0x67: {  	[sflag:s9] =	ssyncadd.s32 $0xFFFFD800  }
0x68: {  	[spmem:s8] =	stream.linear.scatter [tilespmem:s3], [sflag:$0xC], $0x2800, $0x38;
	[tilespmem:$0x1B480] =	vst v63  }
0x69: {  	_ =	swait.ge [sflag:s9], $0x2800  }
0x6a: {  	s21 =	sld [smem:$0x7ED]  }
0x6b: {  	[sflag:s9] =	ssyncset.done $0x0  }
0x6c: {  	[sflag:s9] =	ssyncadd.s32 $0xFFFFD800  }
0x6d: {  	[spmem:s21] =	stream.linear.scatter [tilespmem:s3], [sflag:$0xC], $0x2800, $0x38;
	[tilespmem:$0x1B480] =	vst v63  }
0x6e: {  	_ =	swait.ge [sflag:s9], $0x2800  }
0x6f: {  	s8 =	sld [smem:$0x7EE]  }
0x70: {  	[sflag:s9] =	ssyncset.done $0x0  }
0x71: {  	[sflag:s9] =	ssyncadd.s32 $0xFFFFD800  }
0x72: {  	[spmem:s8] =	stream.linear.scatter [tilespmem:s3], [sflag:$0xC], $0x2800, $0x38;
	[tilespmem:$0x1B480] =	vst v63  }
0x73: {  	_ =	swait.ge [sflag:s9], $0x2800  }
0x74: {  	s21 =	sld [smem:$0x7EF]  }
0x75: {  	[sflag:s9] =	ssyncset.done $0x0  }
0x76: {  	[sflag:s9] =	ssyncadd.s32 $0xFFFFD800  }
0x77: {  	[spmem:s21] =	stream.linear.scatter [tilespmem:s3], [sflag:$0xC], $0x2800, $0x38;
	[tilespmem:$0x1B480] =	vst v63  }
0x78: {  	_ =	swait.ge [sflag:s9], $0x2800  }
0x79: {  	s8 =	sld [smem:$0x7F0]  }
0x7a: {  	[sflag:s9] =	ssyncset.done $0x0  }
0x7b: {  	[sflag:s9] =	ssyncadd.s32 $0xFFFFD800  }
0x7c: {  	[spmem:s8] =	stream.linear.scatter [tilespmem:s3], [sflag:$0xC], $0x2800, $0x38;
	[tilespmem:$0x1B480] =	vst v63  }
0x7d: {  	_ =	swait.ge [sflag:s9], $0x2800  }
0x7e: {  	s5 =	sld [smem:$0x7F1]  }
0x7f: {  	[sflag:s9] =	ssyncset.done $0x0  }
0x80: {  	s8 =	simm.s32 @!p0 $0x0;
	[sflag:s9] =	ssyncadd.s32 $0xFFFFD800  }
0x81: {  	[spmem:s5] =	stream.linear.scatter @!p0 [tilespmem:s8], [sflag:$0xC], $0x2800, $0x38;
	[tilespmem:$0x1B480] =	vst v63  }
0x82: {  	s8 =	simm.s32 @!p0 $0xC  }
0x83: {  	_ =	swait.ge @!p0 [sflag:s8], $0x2800  }
0x84: {  	[sflag:s8] =	ssyncset.done @!p0 $0x0  }
0x85: {  	[sflag:s8] =	ssyncadd.s32 @!p0 $0xFFFFD800  }
0x86: {  	[bflag:$0x0] =	sbarrier.arrive $0xFFFF  }
0x87: {  	s21 =	sld [smem:$0x7F6];
	_ =	sdelay $0x1  }
0x88: {  	s8 =	simm.s32 $0x0  }
0x89: {  	[tilespmem:s10], [sflag:$0x4] =	stream.linear.gather [hbm4b:s21+s8], $0x50, $0x38;
	[tilespmem:$0x1B480] =	vst v63  }
0x8a: {  	s21 =	sld [smem:$0x7F7];
	_ =	sdelay $0x2  }
0x8b: {  	[tilespmem:s11], [sflag:$0x8] =	stream.linear.gather [hbm4b:s21+s8], $0x50, $0x38;
	[tilespmem:$0x1B480] =	vst v63  }
0x8c: {  	s21 =	sld [smem:$0x7F2];
	_ =	sdelay $0x2  }
0x8d: {  	[tilespmem:s12], [sflag:$0x5] =	stream.linear.gather [hbm4b:s21+s8], $0x50, $0x38;
	[tilespmem:$0x1B480] =	vst v63  }
0x8e: {  	s21 =	sld [smem:$0x7F3];
	_ =	sdelay $0x2  }
0x8f: {  	[tilespmem:s13], [sflag:$0x9] =	stream.linear.gather [hbm4b:s21+s8], $0x50, $0x38;
	[tilespmem:$0x1B480] =	vst v63  }
0x90: {  	s21 =	sld [smem:$0x7F4];
	_ =	sdelay $0x2  }
0x91: {  	[tilespmem:s14], [sflag:$0x6] =	stream.linear.gather [hbm4b:s21+s8], $0x50, $0x38;
	[tilespmem:$0x1B480] =	vst v63  }
0x92: {  	s21 =	sld [smem:$0x7F5];
	_ =	sdelay $0x2  }
0x93: {  	[tilespmem:s23], [sflag:$0xA] =	stream.linear.gather [hbm4b:s21+s8], $0x50, $0x38;
	[tilespmem:$0x1B480] =	vst v63  }
0x94: {  	s21 =	sld [smem:$0x7F8];
	_ =	sdelay $0x2  }
0x95: {  	[tilespmem:s24], [sflag:$0x7] =	stream.linear.gather [hbm4b:s21+s8], $0x50, $0x38;
	[tilespmem:$0x1B480] =	vst v63  }
0x96: {  	s21 =	sld [smem:$0x7F9];
	_ =	sdelay $0x2  }
0x97: {  	[tilespmem:s25], [sflag:$0xB] =	stream.linear.gather [hbm4b:s21+s8], $0x50, $0x38;
	[tilespmem:$0x1B480] =	vst v63  }
0x98: {  	_ =	swait.ge [sflag:s26], $0x50  }
0x99: {  	[sflag:s26] =	ssyncset.done $0x0  }
0x9a: {  	[sflag:s26] =	ssyncadd.s32 $0xFFFFFFB0  }
0x9b: {  	[tilespmem:s8], [sflag:$0x1] =	stream.indirect.gather [hbm4b:s1+s28], $0x80, s10, s28, $0xb8;
	[tilespmem:$0x1B480] =	vst v63  }
0x9c: {  	_ =	swait.ge [sflag:s29], $0x50  }
0x9d: {  	[sflag:s29] =	ssyncset.done $0x0  }
0x9e: {  	[sflag:s29] =	ssyncadd.s32 $0xFFFFFFB0  }
0x9f: {  	[tilespmem:s30], [sflag:$0x2] =	stream.indirect.gather [hbm4b:s1+s28], $0x80, s12, s28, $0xb8;
	[tilespmem:$0x1B480] =	vst v63  }
0xa0: {  	_ =	swait.ge [sflag:s31], $0x50  }
0xa1: {  	[sflag:s31] =	ssyncset.done $0x0  }
0xa2: {  	[sflag:s31] =	ssyncadd.s32 $0xFFFFFFB0  }
0xa3: {  	[tilespmem:s0], [sflag:$0x3] =	stream.indirect.gather [hbm4b:s1+s28], $0x80, s14, s28, $0xb8;
	[tilespmem:$0x1B480] =	vst v63  }
0xa4: {  	_ =	swait.ge [sflag:s4], $0x2800  }
0xa5: {  	[sflag:s4] =	ssyncset.done $0x0  }
0xa6: {  	[sflag:s4] =	ssyncadd.s32 $0xFFFFD800  }
0xa7: {  	_ =	swait.ge [sflag:s7], $0x50  }
0xa8: {  	[sflag:s7] =	ssyncset.done $0x0  }
0xa9: {  	[sflag:s7] =	ssyncadd.s32 $0xFFFFFFB0  }
0xaa: {  	[spmem:s2] =	stream.indirect.scatter.add.f32 [tilespmem:s3], [sflag:$0xC], $0x80, s11, s28, $0xb8;
	[tilespmem:$0x1B480] =	vst v63  }
0xab: {  	_ =	swait.ge [sflag:s9], $0x2800  }
0xac: {  	s5 =	rddreg [dreg:$0x19];
	[sflag:s9] =	ssyncset.done $0x0  }
0xad: {  	s21 =	rddreg [dreg:$0x18];
	[sflag:s9] =	ssyncadd.s32 $0xFFFFD800;
	s8 =	sadd.s32 $0x0, s5  }
0xae: {  	[tilespmem:s10], [sflag:$0x4] =	stream.linear.gather [hbm4b:s8+s3], $0x50, $0x38;
	[tilespmem:$0x1B480] =	vst v63  }
0xaf: {  	s5 =	sadd.s32 $0x0, s21  }
0xb0: {  	[tilespmem:s11], [sflag:$0x8] =	stream.linear.gather [hbm4b:s5+s3], $0x50, $0x38;
	[tilespmem:$0x1B480] =	vst v63  }
0xb1: {  	_ =	swait.ge [sflag:s15], $0x50  }
0xb2: {  	[sflag:s15] =	ssyncset.done $0x0  }
0xb3: {  	[sflag:s15] =	ssyncadd.s32 $0xFFFFFFB0  }
0xb4: {  	[tilespmem:s3], [sflag:$0x1] =	stream.indirect.gather [hbm4b:s1+s28], $0x80, s24, s28, $0xb8;
	[tilespmem:$0x1B480] =	vst v63  }
0xb5: {  	_ =	swait.ge [sflag:s16], $0x2800  }
0xb6: {  	[sflag:s16] =	ssyncset.done $0x0  }
0xb7: {  	[sflag:s16] =	ssyncadd.s32 $0xFFFFD800  }
0xb8: {  	_ =	swait.ge [sflag:s17], $0x50  }
0xb9: {  	[sflag:s17] =	ssyncset.done $0x0  }
0xba: {  	[sflag:s17] =	ssyncadd.s32 $0xFFFFFFB0  }
0xbb: {  	[spmem:s2] =	stream.indirect.scatter.add.f32 [tilespmem:s30], [sflag:$0xC], $0x80, s13, s28, $0xb8;
	[tilespmem:$0x1B480] =	vst v63  }
0xbc: {  	_ =	swait.ge [sflag:s9], $0x2800  }
0xbd: {  	s21 =	rddreg [dreg:$0x17];
	[sflag:s9] =	ssyncset.done $0x0  }
0xbe: {  	s5 =	rddreg [dreg:$0x16];
	[sflag:s9] =	ssyncadd.s32 $0xFFFFD800;
	s8 =	sadd.s32 $0x0, s21  }
0xbf: {  	[tilespmem:s12], [sflag:$0x5] =	stream.linear.gather [hbm4b:s8+s3], $0x50, $0x38;
	[tilespmem:$0x1B480] =	vst v63  }
0xc0: {  	s5 =	sadd.s32 $0x0, s5  }
0xc1: {  	[tilespmem:s13], [sflag:$0x9] =	stream.linear.gather [hbm4b:s5+s3], $0x50, $0x38;
	[tilespmem:$0x1B480] =	vst v63  }
0xc2: {  	_ =	swait.ge [sflag:s26], $0x50  }
0xc3: {  	[sflag:s26] =	ssyncset.done $0x0  }
0xc4: {  	[sflag:s26] =	ssyncadd.s32 $0xFFFFFFB0  }
0xc5: {  	[tilespmem:s30], [sflag:$0x2] =	stream.indirect.gather [hbm4b:s1+s28], $0x80, s10, s28, $0xb8;
	[tilespmem:$0x1B480] =	vst v63  }
0xc6: {  	_ =	swait.ge [sflag:s18], $0x2800  }
0xc7: {  	[sflag:s18] =	ssyncset.done $0x0  }
0xc8: {  	[sflag:s18] =	ssyncadd.s32 $0xFFFFD800  }
0xc9: {  	_ =	swait.ge [sflag:s19], $0x50  }
0xca: {  	[sflag:s19] =	ssyncset.done $0x0  }
0xcb: {  	[sflag:s19] =	ssyncadd.s32 $0xFFFFFFB0  }
0xcc: {  	[spmem:s2] =	stream.indirect.scatter.add.f32 [tilespmem:s0], [sflag:$0xC], $0x80, s23, s28, $0xb8;
	[tilespmem:$0x1B480] =	vst v63  }
0xcd: {  	_ =	swait.ge [sflag:s9], $0x2800  }
0xce: {  	s21 =	rddreg [dreg:$0x15];
	[sflag:s9] =	ssyncset.done $0x0  }
0xcf: {  	s5 =	rddreg [dreg:$0x14];
	[sflag:s9] =	ssyncadd.s32 $0xFFFFD800;
	s8 =	sadd.s32 $0x0, s21  }
0xd0: {  	[tilespmem:s14], [sflag:$0x6] =	stream.linear.gather [hbm4b:s8+s3], $0x50, $0x38;
	[tilespmem:$0x1B480] =	vst v63  }
0xd1: {  	s5 =	sadd.s32 $0x0, s5  }
0xd2: {  	[tilespmem:s23], [sflag:$0xA] =	stream.linear.gather [hbm4b:s5+s3], $0x50, $0x38;
	[tilespmem:$0x1B480] =	vst v63  }
0xd3: {  	_ =	swait.ge [sflag:s29], $0x50  }
0xd4: {  	[sflag:s29] =	ssyncset.done $0x0  }
0xd5: {  	[sflag:s29] =	ssyncadd.s32 $0xFFFFFFB0  }
0xd6: {  	[tilespmem:s0], [sflag:$0x3] =	stream.indirect.gather [hbm4b:s1+s28], $0x80, s12, s28, $0xb8;
	[tilespmem:$0x1B480] =	vst v63  }
0xd7: {  	_ =	swait.ge [sflag:s4], $0x2800  }
0xd8: {  	[sflag:s4] =	ssyncset.done $0x0  }
0xd9: {  	[sflag:s4] =	ssyncadd.s32 $0xFFFFD800  }
0xda: {  	_ =	swait.ge [sflag:s20], $0x50  }
0xdb: {  	[sflag:s20] =	ssyncset.done $0x0  }
0xdc: {  	[sflag:s20] =	ssyncadd.s32 $0xFFFFFFB0  }
0xdd: {  	[spmem:s2] =	stream.indirect.scatter.add.f32 [tilespmem:s3], [sflag:$0xC], $0x80, s25, s28, $0xb8;
	[tilespmem:$0x1B480] =	vst v63  }
0xde: {  	_ =	swait.ge [sflag:s9], $0x2800  }
0xdf: {  	s21 =	rddreg [dreg:$0x13];
	[sflag:s9] =	ssyncset.done $0x0  }
0xe0: {  	s5 =	rddreg [dreg:$0x12];
	[sflag:s9] =	ssyncadd.s32 $0xFFFFD800;
	s8 =	sadd.s32 $0x0, s21  }
0xe1: {  	[tilespmem:s24], [sflag:$0x7] =	stream.linear.gather [hbm4b:s8+s3], $0x50, $0x38;
	[tilespmem:$0x1B480] =	vst v63  }
0xe2: {  	s5 =	sadd.s32 $0x0, s5  }
0xe3: {  	[tilespmem:s25], [sflag:$0xB] =	stream.linear.gather [hbm4b:s5+s3], $0x50, $0x38;
	[tilespmem:$0x1B480] =	vst v63  }
0xe4: {  	_ =	swait.ge [sflag:s31], $0x50  }
0xe5: {  	[sflag:s31] =	ssyncset.done $0x0  }
0xe6: {  	[sflag:s31] =	ssyncadd.s32 $0xFFFFFFB0  }
0xe7: {  	[tilespmem:s3], [sflag:$0x1] =	stream.indirect.gather [hbm4b:s1+s28], $0x80, s14, s28, $0xb8;
	[tilespmem:$0x1B480] =	vst v63  }
0xe8: {  	_ =	swait.ge [sflag:s16], $0x2800  }
0xe9: {  	[sflag:s16] =	ssyncset.done $0x0  }
0xea: {  	[sflag:s16] =	ssyncadd.s32 $0xFFFFD800  }
0xeb: {  	_ =	swait.ge [sflag:s7], $0x50  }
0xec: {  	[sflag:s7] =	ssyncset.done $0x0  }
0xed: {  	[sflag:s7] =	ssyncadd.s32 $0xFFFFFFB0  }
0xee: {  	[spmem:s2] =	stream.indirect.scatter.add.f32 [tilespmem:s30], [sflag:$0xC], $0x80, s11, s28, $0xb8;
	[tilespmem:$0x1B480] =	vst v63  }
0xef: {  	_ =	swait.ge [sflag:s9], $0x2800  }
0xf0: {  	s21 =	rddreg [dreg:$0x11];
	[sflag:s9] =	ssyncset.done $0x0  }
0xf1: {  	s5 =	rddreg [dreg:$0x10];
	[sflag:s9] =	ssyncadd.s32 $0xFFFFD800;
	s8 =	sadd.s32 $0x0, s21  }
0xf2: {  	[tilespmem:s10], [sflag:$0x4] =	stream.linear.gather [hbm4b:s8+s3], $0x50, $0x38;
	[tilespmem:$0x1B480] =	vst v63  }
0xf3: {  	s5 =	sadd.s32 $0x0, s5  }
0xf4: {  	[tilespmem:s11], [sflag:$0x8] =	stream.linear.gather [hbm4b:s5+s3], $0x50, $0x38;
	[tilespmem:$0x1B480] =	vst v63  }
0xf5: {  	_ =	swait.ge [sflag:s15], $0x50  }
0xf6: {  	[sflag:s15] =	ssyncset.done $0x0  }
0xf7: {  	[sflag:s15] =	ssyncadd.s32 $0xFFFFFFB0  }
0xf8: {  	[tilespmem:s30], [sflag:$0x2] =	stream.indirect.gather [hbm4b:s1+s28], $0x80, s24, s28, $0xb8;
	[tilespmem:$0x1B480] =	vst v63  }
0xf9: {  	_ =	swait.ge [sflag:s18], $0x2800  }
0xfa: {  	[sflag:s18] =	ssyncset.done $0x0  }
0xfb: {  	[sflag:s18] =	ssyncadd.s32 $0xFFFFD800  }
0xfc: {  	_ =	swait.ge [sflag:s17], $0x50  }
0xfd: {  	[sflag:s17] =	ssyncset.done $0x0  }
0xfe: {  	[sflag:s17] =	ssyncadd.s32 $0xFFFFFFB0  }
0xff: {  	[spmem:s2] =	stream.indirect.scatter.add.f32 [tilespmem:s0], [sflag:$0xC], $0x80, s13, s28, $0xb8;
	[tilespmem:$0x1B480] =	vst v63  }
0x100: {  	_ =	swait.ge [sflag:s9], $0x2800  }
0x101: {  	s21 =	rddreg [dreg:$0xf];
	[sflag:s9] =	ssyncset.done $0x0  }
0x102: {  	s5 =	rddreg [dreg:$0xe];
	[sflag:s9] =	ssyncadd.s32 $0xFFFFD800;
	s8 =	sadd.s32 $0x0, s21  }
0x103: {  	[tilespmem:s12], [sflag:$0x5] =	stream.linear.gather [hbm4b:s8+s3], $0x50, $0x38;
	[tilespmem:$0x1B480] =	vst v63  }
0x104: {  	s5 =	sadd.s32 $0x0, s5  }
0x105: {  	[tilespmem:s13], [sflag:$0x9] =	stream.linear.gather [hbm4b:s5+s3], $0x50, $0x38;
	[tilespmem:$0x1B480] =	vst v63  }
0x106: {  	_ =	swait.ge [sflag:s26], $0x50  }
0x107: {  	[sflag:s26] =	ssyncset.done $0x0  }
0x108: {  	[sflag:s26] =	ssyncadd.s32 $0xFFFFFFB0  }
0x109: {  	[tilespmem:s0], [sflag:$0x3] =	stream.indirect.gather [hbm4b:s1+s28], $0x80, s10, s28, $0xb8;
	[tilespmem:$0x1B480] =	vst v63  }
0x10a: {  	_ =	swait.ge [sflag:s4], $0x2800  }
0x10b: {  	[sflag:s4] =	ssyncset.done $0x0  }
0x10c: {  	[sflag:s4] =	ssyncadd.s32 $0xFFFFD800  }
0x10d: {  	_ =	swait.ge [sflag:s19], $0x50  }
0x10e: {  	[sflag:s19] =	ssyncset.done $0x0  }
0x10f: {  	[sflag:s19] =	ssyncadd.s32 $0xFFFFFFB0  }
0x110: {  	[spmem:s2] =	stream.indirect.scatter.add.f32 [tilespmem:s3], [sflag:$0xC], $0x80, s23, s28, $0xb8;
	[tilespmem:$0x1B480] =	vst v63  }
0x111: {  	_ =	swait.ge [sflag:s9], $0x2800  }
0x112: {  	s21 =	rddreg [dreg:$0xd];
	[sflag:s9] =	ssyncset.done $0x0  }
0x113: {  	s5 =	rddreg [dreg:$0xc];
	[sflag:s9] =	ssyncadd.s32 $0xFFFFD800;
	s8 =	sadd.s32 $0x0, s21  }
0x114: {  	[tilespmem:s14], [sflag:$0x6] =	stream.linear.gather [hbm4b:s8+s3], $0x50, $0x38;
	[tilespmem:$0x1B480] =	vst v63  }
0x115: {  	s5 =	sadd.s32 $0x0, s5  }
0x116: {  	[tilespmem:s23], [sflag:$0xA] =	stream.linear.gather [hbm4b:s5+s3], $0x50, $0x38;
	[tilespmem:$0x1B480] =	vst v63  }
0x117: {  	_ =	swait.ge [sflag:s29], $0x50  }
0x118: {  	[sflag:s29] =	ssyncset.done $0x0  }
0x119: {  	[sflag:s29] =	ssyncadd.s32 $0xFFFFFFB0  }
0x11a: {  	[tilespmem:s3], [sflag:$0x1] =	stream.indirect.gather [hbm4b:s1+s28], $0x80, s12, s28, $0xb8;
	[tilespmem:$0x1B480] =	vst v63  }
0x11b: {  	_ =	swait.ge [sflag:s16], $0x2800  }
0x11c: {  	[sflag:s16] =	ssyncset.done $0x0  }
0x11d: {  	[sflag:s16] =	ssyncadd.s32 $0xFFFFD800  }
0x11e: {  	_ =	swait.ge [sflag:s20], $0x50  }
0x11f: {  	[sflag:s20] =	ssyncset.done $0x0  }
0x120: {  	[sflag:s20] =	ssyncadd.s32 $0xFFFFFFB0  }
0x121: {  	[spmem:s2] =	stream.indirect.scatter.add.f32 [tilespmem:s30], [sflag:$0xC], $0x80, s25, s28, $0xb8;
	[tilespmem:$0x1B480] =	vst v63  }
0x122: {  	_ =	swait.ge [sflag:s9], $0x2800  }
0x123: {  	s21 =	rddreg [dreg:$0xb];
	[sflag:s9] =	ssyncset.done $0x0  }
0x124: {  	s5 =	rddreg [dreg:$0xa];
	[sflag:s9] =	ssyncadd.s32 $0xFFFFD800;
	s8 =	sadd.s32 $0x0, s21  }
0x125: {  	[tilespmem:s24], [sflag:$0x7] =	stream.linear.gather [hbm4b:s8+s3], $0x50, $0x38;
	[tilespmem:$0x1B480] =	vst v63  }
0x126: {  	s5 =	sadd.s32 $0x0, s5  }
0x127: {  	[tilespmem:s25], [sflag:$0xB] =	stream.linear.gather [hbm4b:s5+s3], $0x50, $0x38;
	[tilespmem:$0x1B480] =	vst v63  }
0x128: {  	_ =	swait.ge [sflag:s31], $0x50  }
0x129: {  	[sflag:s31] =	ssyncset.done $0x0  }
0x12a: {  	[sflag:s31] =	ssyncadd.s32 $0xFFFFFFB0  }
0x12b: {  	[tilespmem:s30], [sflag:$0x2] =	stream.indirect.gather [hbm4b:s1+s28], $0x80, s14, s28, $0xb8;
	[tilespmem:$0x1B480] =	vst v63  }
0x12c: {  	_ =	swait.ge [sflag:s18], $0x2800  }
0x12d: {  	[sflag:s18] =	ssyncset.done $0x0  }
0x12e: {  	[sflag:s18] =	ssyncadd.s32 $0xFFFFD800  }
0x12f: {  	_ =	swait.ge [sflag:s7], $0x50  }
0x130: {  	[sflag:s7] =	ssyncset.done $0x0  }
0x131: {  	[sflag:s7] =	ssyncadd.s32 $0xFFFFFFB0  }
0x132: {  	[spmem:s2] =	stream.indirect.scatter.add.f32 [tilespmem:s0], [sflag:$0xC], $0x80, s11, s28, $0xb8;
	[tilespmem:$0x1B480] =	vst v63  }
0x133: {  	_ =	swait.ge [sflag:s9], $0x2800  }
0x134: {  	s5 =	sld [smem:$0x7FD];
	_ =	sdelay $0x2  }
0x135: {  	[sflag:s9] =	ssyncset.done $0x0;
	s8 =	sshrl.u32 s5, $0x3  }
0x136: {  	[sflag:s9] =	ssyncadd.s32 $0xFFFFD800;
	s6 =	sadd.s32 s6, s8  }
0x137: {  	[tilespmem:s10], [sflag:$0x4] =	stream.linear.gather [hbm4b:s6+s3], $0x50, $0x38;
	[tilespmem:$0x1B480] =	vst v63  }
0x138: {  	s8 =	sadd.s32 s22, s8  }
0x139: {  	[tilespmem:s11], [sflag:$0x8] =	stream.linear.gather [hbm4b:s8+s3], $0x50, $0x38;
	[tilespmem:$0x1B480] =	vst v63  }
0x13a: {  	_ =	swait.ge [sflag:s15], $0x50  }
0x13b: {  	[sflag:s15] =	ssyncset.done $0x0  }
0x13c: {  	[sflag:s15] =	ssyncadd.s32 $0xFFFFFFB0  }
0x13d: {  	[tilespmem:s0], [sflag:$0x3] =	stream.indirect.gather [hbm4b:s1+s28], $0x80, s24, s28, $0xb8;
	[tilespmem:$0x1B480] =	vst v63  }
0x13e: {  	_ =	swait.ge [sflag:s4], $0x2800  }
0x13f: {  	[sflag:s4] =	ssyncset.done $0x0  }
0x140: {  	[sflag:s4] =	ssyncadd.s32 $0xFFFFD800  }
0x141: {  	_ =	swait.ge [sflag:s17], $0x50  }
0x142: {  	[sflag:s17] =	ssyncset.done $0x0  }
0x143: {  	[sflag:s17] =	ssyncadd.s32 $0xFFFFFFB0  }
0x144: {  	[spmem:s2] =	stream.indirect.scatter.add.f32 [tilespmem:s3], [sflag:$0xC], $0x80, s13, s28, $0xb8;
	[tilespmem:$0x1B480] =	vst v63  }
0x145: {  	_ =	swait.ge [sflag:s9], $0x2800  }
0x146: {  	s22 =	rddreg [dreg:$0x9];
	[sflag:s9] =	ssyncset.done $0x0  }
0x147: {  	s6 =	rddreg [dreg:$0x8];
	[sflag:s9] =	ssyncadd.s32 $0xFFFFD800;
	s8 =	sadd.s32 $0x0, s22  }
0x148: {  	[tilespmem:s12], [sflag:$0x5] =	stream.linear.gather [hbm4b:s8+s3], $0x50, $0x38;
	[tilespmem:$0x1B480] =	vst v63  }
0x149: {  	s21 =	sadd.s32 $0x0, s6  }
0x14a: {  	[tilespmem:s13], [sflag:$0x9] =	stream.linear.gather [hbm4b:s21+s3], $0x50, $0x38;
	[tilespmem:$0x1B480] =	vst v63  }
0x14b: {  	_ =	swait.ge [sflag:s26], $0x50  }
0x14c: {  	[sflag:s26] =	ssyncset.done $0x0  }
0x14d: {  	[sflag:s26] =	ssyncadd.s32 $0xFFFFFFB0  }
0x14e: {  	[tilespmem:s3], [sflag:$0x1] =	stream.indirect.gather [hbm4b:s1+s28], $0x80, s10, s28, $0xb8;
	[tilespmem:$0x1B480] =	vst v63  }
0x14f: {  	_ =	swait.ge [sflag:s16], $0x2800  }
0x150: {  	[sflag:s16] =	ssyncset.done $0x0  }
0x151: {  	[sflag:s16] =	ssyncadd.s32 $0xFFFFD800  }
0x152: {  	_ =	swait.ge [sflag:s19], $0x50  }
0x153: {  	[sflag:s19] =	ssyncset.done $0x0  }
0x154: {  	[sflag:s19] =	ssyncadd.s32 $0xFFFFFFB0  }
0x155: {  	[spmem:s2] =	stream.indirect.scatter.add.f32 [tilespmem:s30], [sflag:$0xC], $0x80, s23, s28, $0xb8;
	[tilespmem:$0x1B480] =	vst v63  }
0x156: {  	_ =	swait.ge [sflag:s9], $0x2800  }
0x157: {  	s22 =	rddreg [dreg:$0x7];
	[sflag:s9] =	ssyncset.done $0x0  }
0x158: {  	s6 =	rddreg [dreg:$0x6];
	[sflag:s9] =	ssyncadd.s32 $0xFFFFD800;
	s8 =	sadd.s32 $0x0, s22  }
0x159: {  	[tilespmem:s14], [sflag:$0x6] =	stream.linear.gather [hbm4b:s8+s3], $0x50, $0x38;
	[tilespmem:$0x1B480] =	vst v63  }
0x15a: {  	s21 =	sadd.s32 $0x0, s6  }
0x15b: {  	[tilespmem:s23], [sflag:$0xA] =	stream.linear.gather [hbm4b:s21+s3], $0x50, $0x38;
	[tilespmem:$0x1B480] =	vst v63  }
0x15c: {  	_ =	swait.ge [sflag:s29], $0x50  }
0x15d: {  	[sflag:s29] =	ssyncset.done $0x0  }
0x15e: {  	[sflag:s29] =	ssyncadd.s32 $0xFFFFFFB0  }
0x15f: {  	[tilespmem:s30], [sflag:$0x2] =	stream.indirect.gather [hbm4b:s1+s28], $0x80, s12, s28, $0xb8;
	[tilespmem:$0x1B480] =	vst v63  }
0x160: {  	_ =	swait.ge [sflag:s18], $0x2800  }
0x161: {  	[sflag:s18] =	ssyncset.done $0x0  }
0x162: {  	[sflag:s18] =	ssyncadd.s32 $0xFFFFD800  }
0x163: {  	_ =	swait.ge [sflag:s20], $0x50  }
0x164: {  	[sflag:s20] =	ssyncset.done $0x0  }
0x165: {  	[sflag:s20] =	ssyncadd.s32 $0xFFFFFFB0  }
0x166: {  	[spmem:s2] =	stream.indirect.scatter.add.f32 [tilespmem:s0], [sflag:$0xC], $0x80, s25, s28, $0xb8;
	[tilespmem:$0x1B480] =	vst v63  }
0x167: {  	_ =	swait.ge [sflag:s9], $0x2800  }
0x168: {  	s22 =	rddreg [dreg:$0x5];
	[sflag:s9] =	ssyncset.done $0x0  }
0x169: {  	s6 =	rddreg [dreg:$0x4];
	[sflag:s9] =	ssyncadd.s32 $0xFFFFD800;
	s8 =	sadd.s32 $0x0, s22  }
0x16a: {  	[tilespmem:s24], [sflag:$0x7] =	stream.linear.gather [hbm4b:s8+s3], $0x50, $0x38;
	[tilespmem:$0x1B480] =	vst v63  }
0x16b: {  	s22 =	sadd.s32 $0x0, s6  }
0x16c: {  	[tilespmem:s25], [sflag:$0xB] =	stream.linear.gather [hbm4b:s22+s3], $0x50, $0x38;
	[tilespmem:$0x1B480] =	vst v63  }
0x16d: {  	_ =	swait.ge [sflag:s31], $0x50  }
0x16e: {  	[sflag:s31] =	ssyncset.done $0x0  }
0x16f: {  	s8 =	sadd.s32 $0x3C0, s5;
	s22 =	simm.s32 $0x78;
	[sflag:s31] =	ssyncadd.s32 $0xFFFFFFB0  }
.LBB2_4:
0x170: {  	[tilespmem:s0], [sflag:$0x3] =	stream.indirect.gather [hbm4b:s1+s28], $0x80, s14, s28, $0xb8;
	[tilespmem:$0x1B480] =	vst v63  }
0x171: {  	_ =	swait.ge [sflag:s4], $0x2800  }
0x172: {  	[sflag:s4] =	ssyncset.done $0x0  }
0x173: {  	[sflag:s4] =	ssyncadd.s32 $0xFFFFD800  }
0x174: {  	_ =	swait.ge [sflag:s7], $0x50  }
0x175: {  	[sflag:s7] =	ssyncset.done $0x0  }
0x176: {  	[sflag:s7] =	ssyncadd.s32 $0xFFFFFFB0  }
0x177: {  	[spmem:s2] =	stream.indirect.scatter.add.f32 [tilespmem:s3], [sflag:$0xC], $0x80, s11, s28, $0xb8;
	[tilespmem:$0x1B480] =	vst v63  }
0x178: {  	_ =	swait.ge [sflag:s9], $0x2800  }
0x179: {  	s21 =	smov.u32 s22;
	s5 =	rddreg [dreg:$0x19];
	[sflag:s9] =	ssyncset.done $0x0  }
0x17a: {  	s6 =	rddreg [dreg:$0x18];
	[sflag:s9] =	ssyncadd.s32 $0xFFFFD800;
	s5 =	sadd.s32 s21, s5  }
0x17b: {  	[tilespmem:s10], [sflag:$0x4] =	stream.linear.gather [hbm4b:s5+s3], $0x50, $0x38;
	[tilespmem:$0x1B480] =	vst v63  }
0x17c: {  	s6 =	sadd.s32 s21, s6  }
0x17d: {  	[tilespmem:s11], [sflag:$0x8] =	stream.linear.gather [hbm4b:s6+s3], $0x50, $0x38;
	[tilespmem:$0x1B480] =	vst v63  }
0x17e: {  	_ =	swait.ge [sflag:s15], $0x50  }
0x17f: {  	[sflag:s15] =	ssyncset.done $0x0  }
0x180: {  	[sflag:s15] =	ssyncadd.s32 $0xFFFFFFB0  }
0x181: {  	[tilespmem:s3], [sflag:$0x1] =	stream.indirect.gather [hbm4b:s1+s28], $0x80, s24, s28, $0xb8;
	[tilespmem:$0x1B480] =	vst v63  }
0x182: {  	_ =	swait.ge [sflag:s16], $0x2800  }
0x183: {  	[sflag:s16] =	ssyncset.done $0x0  }
0x184: {  	[sflag:s16] =	ssyncadd.s32 $0xFFFFD800  }
0x185: {  	_ =	swait.ge [sflag:s17], $0x50  }
0x186: {  	[sflag:s17] =	ssyncset.done $0x0  }
0x187: {  	[sflag:s17] =	ssyncadd.s32 $0xFFFFFFB0  }
0x188: {  	[spmem:s2] =	stream.indirect.scatter.add.f32 [tilespmem:s30], [sflag:$0xC], $0x80, s13, s28, $0xb8;
	[tilespmem:$0x1B480] =	vst v63  }
0x189: {  	_ =	swait.ge [sflag:s9], $0x2800  }
0x18a: {  	s5 =	rddreg [dreg:$0x17];
	[sflag:s9] =	ssyncset.done $0x0  }
0x18b: {  	s6 =	rddreg [dreg:$0x16];
	[sflag:s9] =	ssyncadd.s32 $0xFFFFD800;
	s5 =	sadd.s32 s21, s5  }
0x18c: {  	[tilespmem:s12], [sflag:$0x5] =	stream.linear.gather [hbm4b:s5+s3], $0x50, $0x38;
	[tilespmem:$0x1B480] =	vst v63  }
0x18d: {  	s6 =	sadd.s32 s21, s6  }
0x18e: {  	[tilespmem:s13], [sflag:$0x9] =	stream.linear.gather [hbm4b:s6+s3], $0x50, $0x38;
	[tilespmem:$0x1B480] =	vst v63  }
0x18f: {  	_ =	swait.ge [sflag:s26], $0x50  }
0x190: {  	[sflag:s26] =	ssyncset.done $0x0  }
0x191: {  	[sflag:s26] =	ssyncadd.s32 $0xFFFFFFB0  }
0x192: {  	[tilespmem:s30], [sflag:$0x2] =	stream.indirect.gather [hbm4b:s1+s28], $0x80, s10, s28, $0xb8;
	[tilespmem:$0x1B480] =	vst v63  }
0x193: {  	_ =	swait.ge [sflag:s18], $0x2800  }
0x194: {  	[sflag:s18] =	ssyncset.done $0x0  }
0x195: {  	[sflag:s18] =	ssyncadd.s32 $0xFFFFD800  }
0x196: {  	_ =	swait.ge [sflag:s19], $0x50  }
0x197: {  	[sflag:s19] =	ssyncset.done $0x0  }
0x198: {  	[sflag:s19] =	ssyncadd.s32 $0xFFFFFFB0  }
0x199: {  	[spmem:s2] =	stream.indirect.scatter.add.f32 [tilespmem:s0], [sflag:$0xC], $0x80, s23, s28, $0xb8;
	[tilespmem:$0x1B480] =	vst v63  }
0x19a: {  	_ =	swait.ge [sflag:s9], $0x2800  }
0x19b: {  	s5 =	rddreg [dreg:$0x15];
	[sflag:s9] =	ssyncset.done $0x0  }
0x19c: {  	s6 =	rddreg [dreg:$0x14];
	[sflag:s9] =	ssyncadd.s32 $0xFFFFD800;
	s5 =	sadd.s32 s21, s5  }
0x19d: {  	[tilespmem:s14], [sflag:$0x6] =	stream.linear.gather [hbm4b:s5+s3], $0x50, $0x38;
	[tilespmem:$0x1B480] =	vst v63  }
0x19e: {  	s6 =	sadd.s32 s21, s6  }
0x19f: {  	[tilespmem:s23], [sflag:$0xA] =	stream.linear.gather [hbm4b:s6+s3], $0x50, $0x38;
	[tilespmem:$0x1B480] =	vst v63  }
0x1a0: {  	_ =	swait.ge [sflag:s29], $0x50  }
0x1a1: {  	[sflag:s29] =	ssyncset.done $0x0  }
0x1a2: {  	[sflag:s29] =	ssyncadd.s32 $0xFFFFFFB0  }
0x1a3: {  	[tilespmem:s0], [sflag:$0x3] =	stream.indirect.gather [hbm4b:s1+s28], $0x80, s12, s28, $0xb8;
	[tilespmem:$0x1B480] =	vst v63  }
0x1a4: {  	_ =	swait.ge [sflag:s4], $0x2800  }
0x1a5: {  	[sflag:s4] =	ssyncset.done $0x0  }
0x1a6: {  	[sflag:s4] =	ssyncadd.s32 $0xFFFFD800  }
0x1a7: {  	_ =	swait.ge [sflag:s20], $0x50  }
0x1a8: {  	[sflag:s20] =	ssyncset.done $0x0  }
0x1a9: {  	[sflag:s20] =	ssyncadd.s32 $0xFFFFFFB0  }
0x1aa: {  	[spmem:s2] =	stream.indirect.scatter.add.f32 [tilespmem:s3], [sflag:$0xC], $0x80, s25, s28, $0xb8;
	[tilespmem:$0x1B480] =	vst v63  }
0x1ab: {  	_ =	swait.ge [sflag:s9], $0x2800  }
0x1ac: {  	s5 =	rddreg [dreg:$0x13];
	[sflag:s9] =	ssyncset.done $0x0  }
0x1ad: {  	s6 =	rddreg [dreg:$0x12];
	[sflag:s9] =	ssyncadd.s32 $0xFFFFD800;
	s5 =	sadd.s32 s21, s5  }
0x1ae: {  	[tilespmem:s24], [sflag:$0x7] =	stream.linear.gather [hbm4b:s5+s3], $0x50, $0x38;
	[tilespmem:$0x1B480] =	vst v63  }
0x1af: {  	s6 =	sadd.s32 s21, s6  }
0x1b0: {  	[tilespmem:s25], [sflag:$0xB] =	stream.linear.gather [hbm4b:s6+s3], $0x50, $0x38;
	[tilespmem:$0x1B480] =	vst v63  }
0x1b1: {  	_ =	swait.ge [sflag:s31], $0x50  }
0x1b2: {  	[sflag:s31] =	ssyncset.done $0x0  }
0x1b3: {  	[sflag:s31] =	ssyncadd.s32 $0xFFFFFFB0  }
0x1b4: {  	[tilespmem:s3], [sflag:$0x1] =	stream.indirect.gather [hbm4b:s1+s28], $0x80, s14, s28, $0xb8;
	[tilespmem:$0x1B480] =	vst v63  }
0x1b5: {  	_ =	swait.ge [sflag:s16], $0x2800  }
0x1b6: {  	[sflag:s16] =	ssyncset.done $0x0  }
0x1b7: {  	[sflag:s16] =	ssyncadd.s32 $0xFFFFD800  }
0x1b8: {  	_ =	swait.ge [sflag:s7], $0x50  }
0x1b9: {  	[sflag:s7] =	ssyncset.done $0x0  }
0x1ba: {  	[sflag:s7] =	ssyncadd.s32 $0xFFFFFFB0  }
0x1bb: {  	[spmem:s2] =	stream.indirect.scatter.add.f32 [tilespmem:s30], [sflag:$0xC], $0x80, s11, s28, $0xb8;
	[tilespmem:$0x1B480] =	vst v63  }
0x1bc: {  	_ =	swait.ge [sflag:s9], $0x2800  }
0x1bd: {  	s5 =	rddreg [dreg:$0x11];
	[sflag:s9] =	ssyncset.done $0x0  }
0x1be: {  	s6 =	rddreg [dreg:$0x10];
	[sflag:s9] =	ssyncadd.s32 $0xFFFFD800;
	s5 =	sadd.s32 s21, s5  }
0x1bf: {  	[tilespmem:s10], [sflag:$0x4] =	stream.linear.gather [hbm4b:s5+s3], $0x50, $0x38;
	[tilespmem:$0x1B480] =	vst v63  }
0x1c0: {  	s6 =	sadd.s32 s21, s6  }
0x1c1: {  	[tilespmem:s11], [sflag:$0x8] =	stream.linear.gather [hbm4b:s6+s3], $0x50, $0x38;
	[tilespmem:$0x1B480] =	vst v63  }
0x1c2: {  	_ =	swait.ge [sflag:s15], $0x50  }
0x1c3: {  	[sflag:s15] =	ssyncset.done $0x0  }
0x1c4: {  	[sflag:s15] =	ssyncadd.s32 $0xFFFFFFB0  }
0x1c5: {  	[tilespmem:s30], [sflag:$0x2] =	stream.indirect.gather [hbm4b:s1+s28], $0x80, s24, s28, $0xb8;
	[tilespmem:$0x1B480] =	vst v63  }
0x1c6: {  	_ =	swait.ge [sflag:s18], $0x2800  }
0x1c7: {  	[sflag:s18] =	ssyncset.done $0x0  }
0x1c8: {  	[sflag:s18] =	ssyncadd.s32 $0xFFFFD800  }
0x1c9: {  	_ =	swait.ge [sflag:s17], $0x50  }
0x1ca: {  	[sflag:s17] =	ssyncset.done $0x0  }
0x1cb: {  	[sflag:s17] =	ssyncadd.s32 $0xFFFFFFB0  }
0x1cc: {  	[spmem:s2] =	stream.indirect.scatter.add.f32 [tilespmem:s0], [sflag:$0xC], $0x80, s13, s28, $0xb8;
	[tilespmem:$0x1B480] =	vst v63  }
0x1cd: {  	_ =	swait.ge [sflag:s9], $0x2800  }
0x1ce: {  	s5 =	rddreg [dreg:$0xf];
	[sflag:s9] =	ssyncset.done $0x0  }
0x1cf: {  	s6 =	rddreg [dreg:$0xe];
	[sflag:s9] =	ssyncadd.s32 $0xFFFFD800;
	s5 =	sadd.s32 s21, s5  }
0x1d0: {  	[tilespmem:s12], [sflag:$0x5] =	stream.linear.gather [hbm4b:s5+s3], $0x50, $0x38;
	[tilespmem:$0x1B480] =	vst v63  }
0x1d1: {  	s6 =	sadd.s32 s21, s6  }
0x1d2: {  	[tilespmem:s13], [sflag:$0x9] =	stream.linear.gather [hbm4b:s6+s3], $0x50, $0x38;
	[tilespmem:$0x1B480] =	vst v63  }
0x1d3: {  	_ =	swait.ge [sflag:s26], $0x50  }
0x1d4: {  	[sflag:s26] =	ssyncset.done $0x0  }
0x1d5: {  	[sflag:s26] =	ssyncadd.s32 $0xFFFFFFB0  }
0x1d6: {  	[tilespmem:s0], [sflag:$0x3] =	stream.indirect.gather [hbm4b:s1+s28], $0x80, s10, s28, $0xb8;
	[tilespmem:$0x1B480] =	vst v63  }
0x1d7: {  	_ =	swait.ge [sflag:s4], $0x2800  }
0x1d8: {  	[sflag:s4] =	ssyncset.done $0x0  }
0x1d9: {  	[sflag:s4] =	ssyncadd.s32 $0xFFFFD800  }
0x1da: {  	_ =	swait.ge [sflag:s19], $0x50  }
0x1db: {  	[sflag:s19] =	ssyncset.done $0x0  }
0x1dc: {  	[sflag:s19] =	ssyncadd.s32 $0xFFFFFFB0  }
0x1dd: {  	[spmem:s2] =	stream.indirect.scatter.add.f32 [tilespmem:s3], [sflag:$0xC], $0x80, s23, s28, $0xb8;
	[tilespmem:$0x1B480] =	vst v63  }
0x1de: {  	_ =	swait.ge [sflag:s9], $0x2800  }
0x1df: {  	s5 =	rddreg [dreg:$0xd];
	[sflag:s9] =	ssyncset.done $0x0  }
0x1e0: {  	s6 =	rddreg [dreg:$0xc];
	[sflag:s9] =	ssyncadd.s32 $0xFFFFD800;
	s5 =	sadd.s32 s21, s5  }
0x1e1: {  	[tilespmem:s14], [sflag:$0x6] =	stream.linear.gather [hbm4b:s5+s3], $0x50, $0x38;
	[tilespmem:$0x1B480] =	vst v63  }
0x1e2: {  	s6 =	sadd.s32 s21, s6  }
0x1e3: {  	[tilespmem:s23], [sflag:$0xA] =	stream.linear.gather [hbm4b:s6+s3], $0x50, $0x38;
	[tilespmem:$0x1B480] =	vst v63  }
0x1e4: {  	_ =	swait.ge [sflag:s29], $0x50  }
0x1e5: {  	[sflag:s29] =	ssyncset.done $0x0  }
0x1e6: {  	[sflag:s29] =	ssyncadd.s32 $0xFFFFFFB0  }
0x1e7: {  	[tilespmem:s3], [sflag:$0x1] =	stream.indirect.gather [hbm4b:s1+s28], $0x80, s12, s28, $0xb8;
	[tilespmem:$0x1B480] =	vst v63  }
0x1e8: {  	_ =	swait.ge [sflag:s16], $0x2800  }
0x1e9: {  	[sflag:s16] =	ssyncset.done $0x0  }
0x1ea: {  	[sflag:s16] =	ssyncadd.s32 $0xFFFFD800  }
0x1eb: {  	_ =	swait.ge [sflag:s20], $0x50  }
0x1ec: {  	[sflag:s20] =	ssyncset.done $0x0  }
0x1ed: {  	[sflag:s20] =	ssyncadd.s32 $0xFFFFFFB0  }
0x1ee: {  	[spmem:s2] =	stream.indirect.scatter.add.f32 [tilespmem:s30], [sflag:$0xC], $0x80, s25, s28, $0xb8;
	[tilespmem:$0x1B480] =	vst v63  }
0x1ef: {  	_ =	swait.ge [sflag:s9], $0x2800  }
0x1f0: {  	s5 =	rddreg [dreg:$0xb];
	[sflag:s9] =	ssyncset.done $0x0  }
0x1f1: {  	s6 =	rddreg [dreg:$0xa];
	[sflag:s9] =	ssyncadd.s32 $0xFFFFD800;
	s5 =	sadd.s32 s21, s5  }
0x1f2: {  	[tilespmem:s24], [sflag:$0x7] =	stream.linear.gather [hbm4b:s5+s3], $0x50, $0x38;
	[tilespmem:$0x1B480] =	vst v63  }
0x1f3: {  	s6 =	sadd.s32 s21, s6  }
0x1f4: {  	[tilespmem:s25], [sflag:$0xB] =	stream.linear.gather [hbm4b:s6+s3], $0x50, $0x38;
	[tilespmem:$0x1B480] =	vst v63  }
0x1f5: {  	_ =	swait.ge [sflag:s31], $0x50  }
0x1f6: {  	[sflag:s31] =	ssyncset.done $0x0  }
0x1f7: {  	[sflag:s31] =	ssyncadd.s32 $0xFFFFFFB0  }
0x1f8: {  	[tilespmem:s30], [sflag:$0x2] =	stream.indirect.gather [hbm4b:s1+s28], $0x80, s14, s28, $0xb8;
	[tilespmem:$0x1B480] =	vst v63  }
0x1f9: {  	_ =	swait.ge [sflag:s18], $0x2800  }
0x1fa: {  	[sflag:s18] =	ssyncset.done $0x0  }
0x1fb: {  	[sflag:s18] =	ssyncadd.s32 $0xFFFFD800  }
0x1fc: {  	_ =	swait.ge [sflag:s7], $0x50  }
0x1fd: {  	[sflag:s7] =	ssyncset.done $0x0  }
0x1fe: {  	[sflag:s7] =	ssyncadd.s32 $0xFFFFFFB0  }
0x1ff: {  	[spmem:s2] =	stream.indirect.scatter.add.f32 [tilespmem:s0], [sflag:$0xC], $0x80, s11, s28, $0xb8;
	[tilespmem:$0x1B480] =	vst v63  }
0x200: {  	_ =	swait.ge [sflag:s9], $0x2800  }
0x201: {  	s5 =	sshrl.u32 s8, $0x3;
	[sflag:s9] =	ssyncset.done $0x0;
	s6 =	rddreg [dreg:$0x1b]  }
0x202: {  	[sflag:s9] =	ssyncadd.s32 $0xFFFFD800;
	s6 =	sadd.s32 s6, s5  }
0x203: {  	[tilespmem:s10], [sflag:$0x4] =	stream.linear.gather [hbm4b:s6+s3], $0x50, $0x38;
	[tilespmem:$0x1B480] =	vst v63  }
0x204: {  	s6 =	rddreg [dreg:$0x1a]  }
0x205: {  	s5 =	sadd.s32 s6, s5  }
0x206: {  	[tilespmem:s11], [sflag:$0x8] =	stream.linear.gather [hbm4b:s5+s3], $0x50, $0x38;
	[tilespmem:$0x1B480] =	vst v63  }
0x207: {  	_ =	swait.ge [sflag:s15], $0x50  }
0x208: {  	[sflag:s15] =	ssyncset.done $0x0  }
0x209: {  	[sflag:s15] =	ssyncadd.s32 $0xFFFFFFB0  }
0x20a: {  	[tilespmem:s0], [sflag:$0x3] =	stream.indirect.gather [hbm4b:s1+s28], $0x80, s24, s28, $0xb8;
	[tilespmem:$0x1B480] =	vst v63  }
0x20b: {  	_ =	swait.ge [sflag:s4], $0x2800  }
0x20c: {  	[sflag:s4] =	ssyncset.done $0x0  }
0x20d: {  	[sflag:s4] =	ssyncadd.s32 $0xFFFFD800  }
0x20e: {  	_ =	swait.ge [sflag:s17], $0x50  }
0x20f: {  	[sflag:s17] =	ssyncset.done $0x0  }
0x210: {  	[sflag:s17] =	ssyncadd.s32 $0xFFFFFFB0  }
0x211: {  	[spmem:s2] =	stream.indirect.scatter.add.f32 [tilespmem:s3], [sflag:$0xC], $0x80, s13, s28, $0xb8;
	[tilespmem:$0x1B480] =	vst v63  }
0x212: {  	_ =	swait.ge [sflag:s9], $0x2800  }
0x213: {  	s5 =	rddreg [dreg:$0x9];
	[sflag:s9] =	ssyncset.done $0x0  }
0x214: {  	s6 =	rddreg [dreg:$0x8];
	[sflag:s9] =	ssyncadd.s32 $0xFFFFD800;
	s5 =	sadd.s32 s21, s5  }
0x215: {  	[tilespmem:s12], [sflag:$0x5] =	stream.linear.gather [hbm4b:s5+s3], $0x50, $0x38;
	[tilespmem:$0x1B480] =	vst v63  }
0x216: {  	s6 =	sadd.s32 s21, s6  }
0x217: {  	[tilespmem:s13], [sflag:$0x9] =	stream.linear.gather [hbm4b:s6+s3], $0x50, $0x38;
	[tilespmem:$0x1B480] =	vst v63  }
0x218: {  	_ =	swait.ge [sflag:s26], $0x50  }
0x219: {  	[sflag:s26] =	ssyncset.done $0x0  }
0x21a: {  	[sflag:s26] =	ssyncadd.s32 $0xFFFFFFB0  }
0x21b: {  	[tilespmem:s3], [sflag:$0x1] =	stream.indirect.gather [hbm4b:s1+s28], $0x80, s10, s28, $0xb8;
	[tilespmem:$0x1B480] =	vst v63  }
0x21c: {  	_ =	swait.ge [sflag:s16], $0x2800  }
0x21d: {  	[sflag:s16] =	ssyncset.done $0x0  }
0x21e: {  	[sflag:s16] =	ssyncadd.s32 $0xFFFFD800  }
0x21f: {  	_ =	swait.ge [sflag:s19], $0x50  }
0x220: {  	[sflag:s19] =	ssyncset.done $0x0  }
0x221: {  	[sflag:s19] =	ssyncadd.s32 $0xFFFFFFB0  }
0x222: {  	[spmem:s2] =	stream.indirect.scatter.add.f32 [tilespmem:s30], [sflag:$0xC], $0x80, s23, s28, $0xb8;
	[tilespmem:$0x1B480] =	vst v63  }
0x223: {  	_ =	swait.ge [sflag:s9], $0x2800  }
0x224: {  	s5 =	rddreg [dreg:$0x7];
	[sflag:s9] =	ssyncset.done $0x0  }
0x225: {  	s6 =	rddreg [dreg:$0x6];
	[sflag:s9] =	ssyncadd.s32 $0xFFFFD800;
	s5 =	sadd.s32 s21, s5  }
0x226: {  	[tilespmem:s14], [sflag:$0x6] =	stream.linear.gather [hbm4b:s5+s3], $0x50, $0x38;
	[tilespmem:$0x1B480] =	vst v63  }
0x227: {  	s6 =	sadd.s32 s21, s6  }
0x228: {  	[tilespmem:s23], [sflag:$0xA] =	stream.linear.gather [hbm4b:s6+s3], $0x50, $0x38;
	[tilespmem:$0x1B480] =	vst v63  }
0x229: {  	_ =	swait.ge [sflag:s29], $0x50  }
0x22a: {  	[sflag:s29] =	ssyncset.done $0x0  }
0x22b: {  	[sflag:s29] =	ssyncadd.s32 $0xFFFFFFB0  }
0x22c: {  	[tilespmem:s30], [sflag:$0x2] =	stream.indirect.gather [hbm4b:s1+s28], $0x80, s12, s28, $0xb8;
	[tilespmem:$0x1B480] =	vst v63  }
0x22d: {  	_ =	swait.ge [sflag:s18], $0x2800  }
0x22e: {  	[sflag:s18] =	ssyncset.done $0x0  }
0x22f: {  	[sflag:s18] =	ssyncadd.s32 $0xFFFFD800  }
0x230: {  	_ =	swait.ge [sflag:s20], $0x50  }
0x231: {  	[sflag:s20] =	ssyncset.done $0x0  }
0x232: {  	[sflag:s20] =	ssyncadd.s32 $0xFFFFFFB0  }
0x233: {  	[spmem:s2] =	stream.indirect.scatter.add.f32 [tilespmem:s0], [sflag:$0xC], $0x80, s25, s28, $0xb8;
	[tilespmem:$0x1B480] =	vst v63  }
0x234: {  	_ =	swait.ge [sflag:s9], $0x2800  }
0x235: {  	p1 =	sne.s32 s22, $0x438;
	s5 =	rddreg [dreg:$0x5];
	[sflag:s9] =	ssyncset.done $0x0  }
0x236: {  	s6 =	rddreg [dreg:$0x4];
	[sflag:s9] =	ssyncadd.s32 $0xFFFFD800;
	s5 =	sadd.s32 s21, s5  }
0x237: {  	[tilespmem:s24], [sflag:$0x7] =	stream.linear.gather [hbm4b:s5+s3], $0x50, $0x38;
	[tilespmem:$0x1B480] =	vst v63  }
.Ltmp1:
0x238: {  	s21 =	sadd.s32 s21, s6;
	(pc) =	sbr.rel @p1 .LBB2_4-.Ltmp1, $4  }
0x239: {  	[tilespmem:s25], [sflag:$0xB] =	stream.linear.gather [hbm4b:s21+s3], $0x50, $0x38;
	[tilespmem:$0x1B480] =	vst v63  }
0x23a: {  	_ =	swait.ge [sflag:s31], $0x50  }
0x23b: {  	[sflag:s31] =	ssyncset.done $0x0  }
0x23c: {  	s22 =	sadd.s32 $0x78, s22;
	s8 =	sadd.s32 $0x3C0, s8;
	[sflag:s31] =	ssyncadd.s32 $0xFFFFFFB0  }
0x23d: {  	[tilespmem:s0], [sflag:$0x3] =	stream.indirect.gather [hbm4b:s1+s28], $0x80, s14, s28, $0xb8;
	[tilespmem:$0x1B480] =	vst v63  }
0x23e: {  	_ =	swait.ge [sflag:s4], $0x2800  }
0x23f: {  	[sflag:s4] =	ssyncset.done $0x0  }
0x240: {  	[sflag:s4] =	ssyncadd.s32 $0xFFFFD800  }
0x241: {  	_ =	swait.ge [sflag:s7], $0x50  }
0x242: {  	[sflag:s7] =	ssyncset.done $0x0  }
0x243: {  	[sflag:s7] =	ssyncadd.s32 $0xFFFFFFB0  }
0x244: {  	[spmem:s2] =	stream.indirect.scatter.add.f32 [tilespmem:s3], [sflag:$0xC], $0x80, s11, s28, $0xb8;
	[tilespmem:$0x1B480] =	vst v63  }
0x245: {  	_ =	swait.ge [sflag:s9], $0x2800  }
0x246: {  	s5 =	sld [smem:$0x7FA]  }
0x247: {  	[sflag:s9] =	ssyncset.done $0x0  }
0x248: {  	s6 =	sld [smem:$0x7FB];
	[sflag:s9] =	ssyncadd.s32 $0xFFFFD800  }
0x249: {  	[tilespmem:s10], [sflag:$0x4] =	stream.linear.gather [hbm4b:s5+s3], $0x50, $0x38;
	[tilespmem:$0x1B480] =	vst v63  }
0x24a: {  	_ = 	snop  }
0x24b: {  	[tilespmem:s11], [sflag:$0x8] =	stream.linear.gather [hbm4b:s6+s3], $0x50, $0x38;
	[tilespmem:$0x1B480] =	vst v63  }
0x24c: {  	_ =	swait.ge [sflag:s15], $0x50  }
0x24d: {  	[sflag:s15] =	ssyncset.done $0x0  }
0x24e: {  	[sflag:s15] =	ssyncadd.s32 $0xFFFFFFB0  }
0x24f: {  	[tilespmem:s3], [sflag:$0x1] =	stream.indirect.gather [hbm4b:s1+s28], $0x80, s24, s28, $0xb8;
	[tilespmem:$0x1B480] =	vst v63  }
0x250: {  	_ =	swait.ge [sflag:s16], $0x2800  }
0x251: {  	[sflag:s16] =	ssyncset.done $0x0  }
0x252: {  	[sflag:s16] =	ssyncadd.s32 $0xFFFFD800  }
0x253: {  	_ =	swait.ge [sflag:s17], $0x50  }
0x254: {  	[sflag:s17] =	ssyncset.done $0x0  }
0x255: {  	[sflag:s17] =	ssyncadd.s32 $0xFFFFFFB0  }
0x256: {  	[spmem:s2] =	stream.indirect.scatter.add.f32 [tilespmem:s30], [sflag:$0xC], $0x80, s13, s28, $0xb8;
	[tilespmem:$0x1B480] =	vst v63  }
0x257: {  	_ =	swait.ge [sflag:s9], $0x2800  }
0x258: {  	[sflag:s9] =	ssyncset.done $0x0  }
0x259: {  	[sflag:s9] =	ssyncadd.s32 $0xFFFFD800  }
0x25a: {  	_ =	swait.ge [sflag:s26], $0x50  }
0x25b: {  	[sflag:s26] =	ssyncset.done $0x0  }
0x25c: {  	[sflag:s26] =	ssyncadd.s32 $0xFFFFFFB0  }
0x25d: {  	[tilespmem:s30], [sflag:$0x2] =	stream.indirect.gather [hbm4b:s1+s28], $0x80, s10, s28, $0xb8;
	[tilespmem:$0x1B480] =	vst v63  }
0x25e: {  	_ =	swait.ge [sflag:s18], $0x2800  }
0x25f: {  	[sflag:s18] =	ssyncset.done $0x0  }
0x260: {  	[sflag:s18] =	ssyncadd.s32 $0xFFFFD800  }
0x261: {  	_ =	swait.ge [sflag:s19], $0x50  }
0x262: {  	[sflag:s19] =	ssyncset.done $0x0  }
0x263: {  	[sflag:s19] =	ssyncadd.s32 $0xFFFFFFB0  }
0x264: {  	[spmem:s2] =	stream.indirect.scatter.add.f32 [tilespmem:s0], [sflag:$0xC], $0x80, s23, s28, $0xb8;
	[tilespmem:$0x1B480] =	vst v63  }
0x265: {  	_ =	swait.ge [sflag:s9], $0x2800  }
0x266: {  	[sflag:s9] =	ssyncset.done $0x0  }
0x267: {  	[sflag:s9] =	ssyncadd.s32 $0xFFFFD800  }
0x268: {  	_ =	swait.ge [sflag:s4], $0x2800  }
0x269: {  	[sflag:s4] =	ssyncset.done $0x0  }
0x26a: {  	[sflag:s4] =	ssyncadd.s32 $0xFFFFD800  }
0x26b: {  	_ =	swait.ge [sflag:s20], $0x50  }
0x26c: {  	[sflag:s20] =	ssyncset.done $0x0  }
0x26d: {  	[sflag:s20] =	ssyncadd.s32 $0xFFFFFFB0  }
0x26e: {  	[spmem:s2] =	stream.indirect.scatter.add.f32 [tilespmem:s3], [sflag:$0xC], $0x80, s25, s28, $0xb8;
	[tilespmem:$0x1B480] =	vst v63  }
0x26f: {  	_ =	swait.ge [sflag:s9], $0x2800  }
0x270: {  	[sflag:s9] =	ssyncset.done $0x0  }
0x271: {  	[sflag:s9] =	ssyncadd.s32 $0xFFFFD800  }
0x272: {  	_ =	swait.ge [sflag:s16], $0x2800  }
0x273: {  	[sflag:s16] =	ssyncset.done $0x0  }
0x274: {  	[sflag:s16] =	ssyncadd.s32 $0xFFFFD800  }
0x275: {  	_ =	swait.ge [sflag:s7], $0x50  }
0x276: {  	[sflag:s7] =	ssyncset.done $0x0  }
0x277: {  	[sflag:s7] =	ssyncadd.s32 $0xFFFFFFB0  }
0x278: {  	[spmem:s2] =	stream.indirect.scatter.add.f32 [tilespmem:s30], [sflag:$0xC], $0x80, s11, s28, $0xb8;
	[tilespmem:$0x1B480] =	vst v63  }
0x279: {  	_ =	swait.ge [sflag:s9], $0x2800  }
0x27a: {  	[sflag:s9] =	ssyncset.done $0x0  }
0x27b: {  	[sflag:s9] =	ssyncadd.s32 $0xFFFFD800  }
0x27c: {  	[bflag:$0x0] =	sbarrier.arrive $0xFFFF  }
0x27d: {  	s6 =	sld [smem:$0x7EA]  }
0x27e: {  	s8 =	stileid.u32  }
0x27f: {  	s5 =	sshll.u32 s8, $0x6  }
0x280: {  	s5 =	sor.u32 $0x1C0C, s5;
	s8 =	rddreg [dreg:$0x1c];
	s6 =	sshrl.u32 s6, $0x3  }
0x281: {  	[hbm:s8], [sflag:s5] =	dma.local [spmem:s6], $0x500  }
0x282: {  	_ =	swait.ge [sflag:s9], $0x500  }
0x283: {  	s21 =	sld [smem:$0x7EB];
	_ =	sdelay $0x1  }
0x284: {  	[sflag:s9] =	ssyncset.done $0x0  }
0x285: {  	s22 =	rddreg [dreg:$0x1d];
	[sflag:s9] =	ssyncadd.s32 $0xFFFFFB00;
	s6 =	sshrl.u32 s21, $0x3  }
0x286: {  	[hbm:s22], [sflag:s5] =	dma.local [spmem:s6], $0x500  }
0x287: {  	_ =	swait.ge [sflag:s9], $0x500  }
0x288: {  	s21 =	sld [smem:$0x7EC];
	_ =	sdelay $0x1  }
0x289: {  	[sflag:s9] =	ssyncset.done $0x0  }
0x28a: {  	s22 =	rddreg [dreg:$0x1e];
	[sflag:s9] =	ssyncadd.s32 $0xFFFFFB00;
	s6 =	sshrl.u32 s21, $0x3  }
0x28b: {  	[hbm:s22], [sflag:s5] =	dma.local [spmem:s6], $0x500  }
0x28c: {  	_ =	swait.ge [sflag:s9], $0x500  }
0x28d: {  	s21 =	sld [smem:$0x7ED];
	_ =	sdelay $0x1  }
0x28e: {  	[sflag:s9] =	ssyncset.done $0x0  }
0x28f: {  	s22 =	rddreg [dreg:$0x1f];
	[sflag:s9] =	ssyncadd.s32 $0xFFFFFB00;
	s6 =	sshrl.u32 s21, $0x3  }
0x290: {  	[hbm:s22], [sflag:s5] =	dma.local [spmem:s6], $0x500  }
0x291: {  	_ =	swait.ge [sflag:s9], $0x500  }
0x292: {  	s21 =	sld [smem:$0x7EE]  }
0x293: {  	s22 =	sld [smem:$0x7E6]  }
0x294: {  	[sflag:s9] =	ssyncset.done $0x0  }
0x295: {  	[sflag:s9] =	ssyncadd.s32 $0xFFFFFB00;
	s6 =	sshrl.u32 s21, $0x3  }
0x296: {  	[hbm:s22], [sflag:s5] =	dma.local [spmem:s6], $0x500  }
0x297: {  	_ =	swait.ge [sflag:s9], $0x500  }
0x298: {  	s21 =	sld [smem:$0x7EF]  }
0x299: {  	s22 =	sld [smem:$0x7E7]  }
0x29a: {  	[sflag:s9] =	ssyncset.done $0x0  }
0x29b: {  	[sflag:s9] =	ssyncadd.s32 $0xFFFFFB00;
	s6 =	sshrl.u32 s21, $0x3  }
0x29c: {  	[hbm:s22], [sflag:s5] =	dma.local [spmem:s6], $0x500  }
0x29d: {  	_ =	swait.ge [sflag:s9], $0x500  }
0x29e: {  	s21 =	sld [smem:$0x7F0]  }
0x29f: {  	s22 =	sld [smem:$0x7E8]  }
0x2a0: {  	[sflag:s9] =	ssyncset.done $0x0  }
0x2a1: {  	[sflag:s9] =	ssyncadd.s32 $0xFFFFFB00;
	s6 =	sshrl.u32 s21, $0x3  }
0x2a2: {  	[hbm:s22], [sflag:s5] =	dma.local [spmem:s6], $0x500  }
0x2a3: {  	_ =	swait.ge [sflag:s9], $0x500  }
0x2a4: {  	s6 =	sld [smem:$0x7F1]  }
0x2a5: {  	s8 =	sld [smem:$0x7E9]  }
0x2a6: {  	[sflag:s9] =	ssyncset.done $0x0  }
0x2a7: {  	[sflag:s9] =	ssyncadd.s32 $0xFFFFFB00;
	s6 =	sshrl.u32 @!p0 s6, $0x3  }
0x2a8: {  	[hbm:s8], [sflag:s5] =	dma.local @!p0 [spmem:s6], $0x500  }
0x2a9: {  	s5 =	simm.s32 @!p0 $0xC  }
0x2aa: {  	_ =	swait.ge @!p0 [sflag:s5], $0x500  }
0x2ab: {  	s21 =	sld [smem:$0x7E5]  }
0x2ac: {  	s22 =	sld [smem:$0x7FC];
	_ =	sdelay $0x1  }
0x2ad: {  	s8 =	sadd.s32 $0x1, s21  }
0x2ae: {  	p1 =	sne.s32 s8, s22  }
.Ltmp2:
0x2af: {  	_ = 	snop;
	(pc) =	sbr.rel @p1 .LBB2_1-.Ltmp2, $3  }
0x2b0: {  	_ =	sdelay $0x1  }
0x2b1: {  	[sflag:s5] =	ssyncset.done @!p0 $0x0;
	s6 =	rddreg [dreg:$0x1b]  }
0x2b2: {  	[sflag:s5] =	ssyncadd.s32 @!p0 $0xFFFFFB00;
	s22 =	rddreg [dreg:$0x1a]  }
0x2b3: {  	_ =	sfence.sel $0x180000  }
0x2b4: {  	[bflag:$0x0] =	sbarrier.arrive $0xFFFF  }
0x2b5: {  	_ =	strace $0x9000004D  }
0x2b6: {  	s0 =	stileid.u32;
	[bflag:$0x2] =	sbarrier.arrive $0xFFFF  }
0x2b7: {  	p0 =	sne.s32 s0, $0x0;
	s0 =	rddreg [dreg:$0x3]  }
0x2b8: {  	s0 =	sadd.s32 @!p0 $0x100000, s0  }
0x2b9: {  	[sflag:s0] =	ssyncadd.tile.s32 @!p0 $0x1;
	_ =	shalt  }
.Lfunc_end2:
_tile_overlayer_lowered:
.L_overlay_start_2:
0x2ba: {  	(tag) =	ssettag $0x2  }
0x2bb: {  	s0 =	rddreg [dreg:$0x0];
	s2 =	stileid.u32  }
0x2bc: {  	s1 =	rddreg [dreg:$0x1];
	p0 =	sne.s32 s2, $0x0  }
0x2bd: {  	s3 =	rddreg [dreg:$0x2];
	[bflag:$0x3] =	sbarrier.arrive $0xFFFF;
	s2 =	simm.s32 @!p0 $0x1C0C  }
0x2be: {  	[timem:s3], [sflag:s2] =	dma.local @!p0 [hbm:s0], s1  }
0x2bf: {  	s0 =	simm.s32 @!p0 $0xC  }
0x2c0: {  	_ =	swait.ge @!p0 [sflag:s0], s1  }
0x2c1: {  	s1 =	ssub.s32 @!p0 $0x0, s1;
	[sflag:s0] =	ssyncset.done @!p0 $0x0  }
0x2c2: {  	[sflag:s0] =	ssyncadd.s32 @!p0 s1  }
0x2c3: {  	[bflag:$0x3] =	sbarrier.arrive $0xFFFF  }
0x2c4: {  	_ =	shalt  }

// kernel: kernel.7.cloned.1.call-start
scs
__scs_entry_jumppad:
0x0: {  	(pc) =	sbr.rel $0x88, $3  }
0x1: {  	(tag) =	ssettag $0x0;
	lr =	simm.s32 $0x1  }
0x2: {  	[smem:$0x3F99] =	sst lr;
	_ =	strace $0xD0000000  }
0x3: {  	_ = 	snop  }
0x4: {  	_ = 	snop  }
0x5: {  	_ = 	snop  }
0x6: {  	_ = 	snop  }
0x7: {  	_ = 	snop  }
__scs_overlays_trampoline_lowered:
0x8: {  	[smem:$0x3FA8] =	sst s0  }
0x9: {  	[smem:$0x3FA9] =	sst s1  }
0xa: {  	[smem:$0x3FAA] =	sst s2  }
0xb: {  	[smem:$0x3FAB] =	sst s3  }
0xc: {  	[smem:$0x3FAC] =	sst s4  }
0xd: {  	[smem:$0x3FAD] =	sst s5  }
0xe: {  	[smem:$0x3FAE] =	sst s6  }
0xf: {  	[smem:$0x3FAF] =	sst s7  }
0x10: {  	[smem:$0x3FB0] =	sst s8  }
0x11: {  	[smem:$0x3FB1] =	sst s9;
	s0 =	simm.s32 @!p0 $0x0  }
0x12: {  	s1 =	sld [smem:$0x3F97];
	s0 =	simm.s32 @p0 $0x1  }
0x13: {  	[smem:$0x3FB2] =	sst s0;
	s0 =	simm.s32 @!p1 $0x0  }
0x14: {  	s2 =	sld [smem:$0x3F96];
	s0 =	simm.s32 @p1 $0x1  }
0x15: {  	[smem:$0x3FB3] =	sst s0;
	s0 =	simm.s32 @!p2 $0x0  }
0x16: {  	s3 =	sld [smem:$0x3FDB];
	s0 =	simm.s32 @p2 $0x1  }
0x17: {  	s4 =	simm.s32 $0x1BF5;
	[smem:$0x3FB5] =	sst s0  }
0x18: {  	s0 =	sld [smem:$0x3F98];
	_ =	swait.ge [sflag:s4], $0x0  }
0x19: {  	s7 =	sld [smem:$0x3F99]  }
0x1a: {  	s8 =	sadd.s32 $0xFFFFE003, lr  }
0x1b: {  	s9 =	sadd.s32 $0xFFFFFEF7, lr;
	s5 =	simm.s32 $0xFFFFFFFF;
	p2 =	slt.u32 s8, $0xFFFFF086  }
0x1c: {  	p1 =	slt.u32 s9, $0xF7A;
	s5 =	simm.s32 @!p2 $0x0  }
0x1d: {  	s5 =	simm.s32 @p1 $0x1;
	p0 =	seq.s32 s7, s2  }
0x1e: {  	s7 =	smul.u32 @!p0 $0xF7A, s2;
	p2 =	seq.s32 @!p0 s5, $0x0  }
0x1f: {  	s9 =	smul.u32 $0xF7A, s1;
	s8 =	simm.s32 @!p0 $0x1BF5;
	p2 =	por !p2, p0  }
0x20: {  	[sflag:s8] =	ssyncset.s32 @!p0 $0xFFFFF086;
	s6 =	sadd.s32 @!p0 s3, s7;
	s7 =	simm.s32 @!p0 $0x108  }
0x21: {  	s3 =	sadd.s32 s3, s9;
	s6 =	sadd.s32 @!p0 $0x88, s6;
	s7 =	simm.s32 @p2 $0x1082  }
0x22: {  	[simem:s7], [sflag:s8] =	dma.local @!p0 [hbm:s6], $0xF7A  }
0x23: {  	s9 =	sor.u32 $0xD0000000, s2;
	s6 =	simm.s32 $0x108;
	_ =	swait.ge @!p0 [sflag:s8], $0x0  }
0x24: {  	s3 =	sadd.s32 $0x88, s3;
	s6 =	simm.s32 @!p1 $0x1082;
	[sflag:s4] =	ssyncset.s32 $0xFFFFF086  }
0x25: {  	[simem:s6], [sflag:s4] =	dma.local [hbm:s3], $0xF7A  }
0x26: {  	[smem:$0x3F99] =	sst s1;
	(tag) =	ssettag s2;
	_ =	strace s9  }
0x27: {  	s1 =	sld [smem:$0x3FA9]  }
0x28: {  	s2 =	sld [smem:$0x3FAA]  }
0x29: {  	s4 =	sld [smem:$0x3FAC]  }
0x2a: {  	p0 =	seq.s32 s5, $0x0;
	s5 =	sld [smem:$0x3FAD]  }
0x2b: {  	s6 =	sld [smem:$0x3FAE]  }
0x2c: {  	s7 =	sld [smem:$0x3FAF]  }
0x2d: {  	s3 =	simm.s32 $0x108;
	s8 =	sld [smem:$0x3FB0]  }
0x2e: {  	s3 =	simm.s32 @!p0 $0x1082;
	s9 =	sld [smem:$0x3FB1]  }
0x2f: {  	lr =	sadd.s32 s0, s3;
	s0 =	sld [smem:$0x3FA8]  }
0x30: {  	s3 =	sld [smem:$0x3FAB]  }
0x31: {  	[smem:$0x3FB4] =	sst s10  }
0x32: {  	s10 =	sld [smem:$0x3FB2];
	_ =	sdelay $0x3  }
0x33: {  	p0 =	seq.s32 s10, $0x1;
	s10 =	sld [smem:$0x3FB4];
	_ =	sdelay $0x3  }
0x34: {  	[smem:$0x3FB4] =	sst s10  }
0x35: {  	s10 =	sld [smem:$0x3FB3];
	_ =	sdelay $0x3  }
0x36: {  	p1 =	seq.s32 s10, $0x1;
	s10 =	sld [smem:$0x3FB4];
	_ =	sdelay $0x3  }
0x37: {  	[smem:$0x3FB4] =	sst s10  }
0x38: {  	s10 =	sld [smem:$0x3FB5]  }
0x39: {  	_ = 	snop;
	(pc) =	sbr.ind lr, $3  }
0x3a: {  	_ = 	snop  }
0x3b: {  	_ = 	snop  }
0x3c: {  	p2 =	seq.s32 s10, $0x1;
	s10 =	sld [smem:$0x3FB4]  }
0x3d: {  	_ =	shalt  }
0x3e: {  	_ =	shalt  }
0x3f: {  	_ =	shalt  }
0x40: {  	_ =	shalt  }
0x41: {  	_ =	shalt  }
0x42: {  	_ =	shalt  }
0x43: {  	_ =	shalt  }
0x44: {  	_ =	shalt  }
0x45: {  	_ =	shalt  }
0x46: {  	_ =	shalt  }
0x47: {  	_ =	shalt  }
0x48: {  	_ =	shalt  }
0x49: {  	_ =	shalt  }
0x4a: {  	_ =	shalt  }
0x4b: {  	_ =	shalt  }
0x4c: {  	_ =	shalt  }
0x4d: {  	_ =	shalt  }
0x4e: {  	_ =	shalt  }
0x4f: {  	_ =	shalt  }
0x50: {  	_ =	shalt  }
0x51: {  	_ =	shalt  }
0x52: {  	_ =	shalt  }
0x53: {  	_ =	shalt  }
0x54: {  	_ =	shalt  }
0x55: {  	_ =	shalt  }
0x56: {  	_ =	shalt  }
0x57: {  	_ =	shalt  }
0x58: {  	_ =	shalt  }
0x59: {  	_ =	shalt  }
0x5a: {  	_ =	shalt  }
0x5b: {  	_ =	shalt  }
0x5c: {  	_ =	shalt  }
0x5d: {  	_ =	shalt  }
0x5e: {  	_ =	shalt  }
0x5f: {  	_ =	shalt  }
0x60: {  	_ =	shalt  }
0x61: {  	_ =	shalt  }
0x62: {  	_ =	shalt  }
0x63: {  	_ =	shalt  }
0x64: {  	_ =	shalt  }
0x65: {  	_ =	shalt  }
0x66: {  	_ =	shalt  }
0x67: {  	_ =	shalt  }
0x68: {  	_ =	shalt  }
0x69: {  	_ =	shalt  }
0x6a: {  	_ =	shalt  }
0x6b: {  	_ =	shalt  }
0x6c: {  	_ =	shalt  }
0x6d: {  	_ =	shalt  }
0x6e: {  	_ =	shalt  }
0x6f: {  	_ =	shalt  }
0x70: {  	_ =	shalt  }
0x71: {  	_ =	shalt  }
0x72: {  	_ =	shalt  }
0x73: {  	_ =	shalt  }
0x74: {  	_ =	shalt  }
0x75: {  	_ =	shalt  }
0x76: {  	_ =	shalt  }
0x77: {  	_ =	shalt  }
0x78: {  	_ =	shalt  }
0x79: {  	_ =	shalt  }
0x7a: {  	_ =	shalt  }
0x7b: {  	_ =	shalt  }
0x7c: {  	_ =	shalt  }
0x7d: {  	_ =	shalt  }
0x7e: {  	_ =	shalt  }
0x7f: {  	_ =	shalt  }
0x80: {  	_ =	shalt  }
0x81: {  	_ =	shalt  }
0x82: {  	_ =	shalt  }
0x83: {  	_ =	shalt  }
0x84: {  	_ =	shalt  }
0x85: {  	_ =	shalt  }
0x86: {  	_ =	shalt  }
0x87: {  	_ =	shalt  }
.Lfunc_end0:
.L_simem_size_0:
called_computation_lowered:
.L_overlay_start_0:
0x88: {  	s2 =	sld [smem:$0x3FD9]  }
0x89: {  	s3 =	sld [smem:$0x3FFE];
	_ =	sdelay $0x1  }
0x8a: {  	s1 =	srdreg.scid  }
0x8b: {  	s0 =	sand.u32 $0x1, s1  }
0x8c: {  	s17 =	sshll.u32 s0, $0xA;
	s2 =	sadd.s32 s3, s2  }
0x8d: {  	s2 =	sadd.s32 s2, s17  }
0x8e: {  	[smem:$0x3FC0] =	sst s2  }
0x8f: {  	_ = 	snop  }
0x90: {  	s2 =	sld [smem:$0x3FD0];
	(tm) =	ssettm $0x1  }
0x91: {  	s18 =	sld [smem:$0x3FFB];
	_ =	sdelay $0x3  }
0x92: {  	_ =	strace s18  }
0x93: {  	s3 =	sld [smem:$0x3FFC];
	_ =	sdelay $0x3  }
0x94: {  	_ =	strace s3  }
0x95: {  	s3 =	sld [smem:$0x3FFD];
	_ =	sdelay $0x3  }
0x96: {  	_ =	strace s3  }
0x97: {  	_ =	strace $0x8FFFFFFF  }
0x98: {  	s19 =	sld [smem:$0x3FDB];
	_ =	sdelay $0x1  }
0x99: {  	s4 =	simm.s32 $_scs_section_size  }
0x9a: {  	s5 =	simm.s32 $_size__tile_overlayer_lowered;
	s6 =	simm.s32 $_tile_overlayer_lowered  }
0x9b: {  	s22 =	simm.s32 $0x1BFF;
	s21 =	sshll.u32 s6, $0x1;
	s3 =	sadd.s32 s4, s19  }
0x9c: {  	s7 =	simm.s32 $0x0;
	s20 =	sshll.u32 s5, $0x1;
	s5 =	sadd.s32 s21, s3  }
0x9d: {  	[timem:s7], [sflag:s22] =	dma.local [hbm:s5], s20  }
0x9e: {  	_ =	swait.ge [sflag:s22], s20  }
0x9f: {  	s4 =	ssub.s32 $0x0, s20;
	[sflag:s22] =	ssyncset.done $0x0  }
0xa0: {  	[sflag:s22] =	ssyncadd.s32 s4;
	_ =	sdelay $0x1  }
0xa1: {  	s23 =	simm.s32 $0x1B8B  }
0xa2: {  	_ =	swait.ge [sflag:s23], $0x1  }
0xa3: {  	[sflag:s23] =	ssyncset.done $0x0  }
0xa4: {  	s25 =	simm.s32 $0x1B8E;
	s24 =	sld [smem:$0x3FFE];
	[sflag:s23] =	ssyncadd.s32 $0xFFFFFFFF  }
0xa5: {  	s26 =	simm.s32 $execute0_lowered;
	[smem:$0x3FD2] =	sst s25  }
0xa6: {  	s5 =	sshll.u32 s26, $0x1;
	_ =	strace $0x80000046;
	[dreg:$0x1] =	wrdreg $0xFFFFFFFF  }
0xa7: {  	s28 =	simm.s32 $_size_execute0_lowered;
	s3 =	sadd.s32 s3, s5;
	[dreg:$0x0] =	wrdreg $0x0  }
0xa8: {  	s5 =	sshll.u32 s28, $0x1;
	[dreg:$0x2] =	wrdreg s3  }
0xa9: {  	[dreg:$0x3] =	wrdreg s5  }
0xaa: {  	[dreg:$0x4] =	wrdreg $0xC0  }
0xab: {  	_ =	task [dreg:s7], $0x5FFFF  }
0xac: {  	[dreg:$0x1] =	wrdreg $0xFFFFFFFF  }
0xad: {  	[dreg:$0x0] =	wrdreg $0x60  }
0xae: {  	[dreg:$0x2] =	wrdreg s2  }
0xaf: {  	[dreg:$0x3] =	wrdreg s24  }
0xb0: {  	[dreg:$0x4] =	wrdreg $0x90000  }
0xb1: {  	[dreg:$0x5] =	wrdreg $0x9  }
0xb2: {  	_ =	task.clear_ibuf [dreg:s7], $0x6FFFF;
	_ =	strace $0x90000046  }
0xb3: {  	s29 =	simm.s32 $0x9;
	_ =	strace $0x80000048  }
0xb4: {  	_ =	swait.ge [sflag:s29], $0x1  }
0xb5: {  	[sflag:s29] =	ssyncadd.s32 $0xFFFFFFFF  }
0xb6: {  	_ =	strace $0x90000048  }
0xb7: {  	_ =	sfence  }
0xb8: {  	s30 =	sld [smem:$0x0];
	_ =	sdelay $0x2  }
0xb9: {  	s31 =	sshll.u32 s1, $0xD;
	s1 =	sshrl.u32 s1, $0x2  }
0xba: {  	s3 =	sand.u32 $0x4000, s31;
	s1 =	sadd.s32 s1, s30  }
0xbb: {  	s0 =	sor.u32 s3, s0;
	s1 =	sshll.u32 s1, $0x11  }
0xbc: {  	s0 =	sor.u32 s1, s0  }
0xbd: {  	s0 =	sadd.s32 $0x8F2B, s0  }
0xbe: {  	[sflag:s0] =	ssyncadd.remote.s32 $0x1  }
0xbf: {  	_ =	sfence.sel $0xFFFF  }
0xc0: {  	[dreg:$0x0] =	wrdreg $0xFFFFFFFF;
	(pc) =	sbr.abs _section_cstart, $3  }
0xc1: {  	[dreg:$0x1] =	wrdreg $0xFFFFFFFF  }
0xc2: {  	_ =	task.clear_ibuf [dreg:s7], $0x2FFFF;
	_ =	strace $0x9FFFFFFF  }
0xc3: {  	(tm) =	ssettm $0x7FFFFFFF  }
tec
execute0_lowered:
.L_overlay_start_1:
0x0: {  	(tag) =	ssettag $0x1  }
0x1: {  	s3 =	rddreg [dreg:$0x1]  }
0x2: {  	s4 =	srdreg.scid;
	s20 =	sadd.s32 $0x15E00, s3;
	s3 =	stileid.u32  }
0x3: {  	s13 =	sand.u32 $0x1, s4;
	s25 =	smul.u32 $0xA000, s3  }
0x4: {  	s23 =	smul.u32 $0x138800, s13  }
0x5: {  	s14 =	sor.u32 $0x10, s3;
	s24 =	smul.u32 $0x2800, s3  }
0x6: {  	s15 =	sor.u32 $0x20, s3;
	s6 =	smul.u32 $0xA000, s14  }
0x7: {  	s16 =	sor.u32 $0x30, s3;
	s8 =	smul.u32 $0xA000, s15  }
0x8: {  	s17 =	sor.u32 $0x40, s3;
	s29 =	smul.u32 $0xA000, s16  }
0x9: {  	s18 =	sor.u32 $0x50, s3;
	s30 =	smul.u32 $0xA000, s17  }
0xa: {  	s19 =	sor.u32 $0x60, s3;
	s9 =	smul.u32 $0xA000, s18  }
0xb: {  	s22 =	sor.u32 $0x70, s3;
	s10 =	smul.u32 $0xA000, s19  }
0xc: {  	s11 =	smul.u32 $0xA000, s22  }
0xd: {  	s12 =	rddreg [dreg:$0x0];
	s14 =	smul.u32 $0x2800, s14  }
0xe: {  	s1 =	rddreg [dreg:$0x2];
	s15 =	smul.u32 $0x2800, s15  }
0xf: {  	s0 =	rddreg [dreg:$0x3];
	s2 =	simm.s32 $0x0;
	s16 =	smul.u32 $0x2800, s16  }
0x10: {  	[smem:$0x7FF] =	sst s2;
	s17 =	smul.u32 $0x2800, s17  }
0x11: {  	_ =	strace $0x80000047;
	s5 =	ssub.s32 $0x2, s13;
	s18 =	smul.u32 $0x2800, s18  }
0x12: {  	s13 =	sshll.u32 s13, $0xB;
	p0 =	sgt.u32 s3, $0xC;
	s19 =	smul.u32 $0x2800, s19  }
0x13: {  	s7 =	sshrl.u32 s5, $0x1;
	s12 =	sadd.s32 s12, s13;
	s22 =	smul.u32 $0x2800, s22  }
0x14: {  	s4 =	sshrl.u32 s25, $0x2;
	s21 =	ssub.s32 s5, s7;
	s25 =	sshll.u32 s3, $0xC  }
0x15: {  	s31 =	sadd.s32 s24, s23;
	s24 =	simm.s32 $0x50;
	s4 =	sadd.s32 s4, s1  }
0x16: {  	s26 =	sshrl.u32 s6, $0x2;
	s28 =	sshrl.u32 s8, $0x2;
	s7 =	sshrl.u32 s29, $0x2  }
0x17: {  	s8 =	sshrl.u32 s30, $0x2;
	s9 =	sshrl.u32 s9, $0x2;
	s10 =	sshrl.u32 s10, $0x2  }
0x18: {  	s11 =	sshrl.u32 s11, $0x2;
	s12 =	sadd.s32 s25, s12;
	s13 =	sshrl.u32 s31, $0x3  }
0x19: {  	s14 =	sadd.s32 s23, s14;
	s15 =	sadd.s32 s23, s15;
	s16 =	sadd.s32 s23, s16  }
0x1a: {  	s17 =	sadd.s32 s23, s17;
	s18 =	sadd.s32 s23, s18;
	s19 =	sadd.s32 s23, s19  }
0x1b: {  	s22 =	sadd.s32 s23, s22;
	s21 =	smax.u32 s21, $0x1;
	s23 =	simm.s32 $0x1  }
0x1c: {  	s25 =	simm.s32 $0x4000;
	s5 =	sadd.s32 s26, s1;
	s6 =	sadd.s32 s28, s1  }
0x1d: {  	s7 =	sadd.s32 s7, s1;
	s8 =	sadd.s32 s8, s1;
	s9 =	sadd.s32 s9, s1  }
0x1e: {  	s10 =	sadd.s32 s10, s1;
	s11 =	sadd.s32 s11, s1;
	s13 =	sadd.s32 s20, s13  }
0x1f: {  	s14 =	sshrl.u32 s14, $0x3;
	s15 =	sshrl.u32 s15, $0x3;
	s16 =	sshrl.u32 s16, $0x3  }
0x20: {  	s17 =	sshrl.u32 s17, $0x3;
	s18 =	sshrl.u32 s18, $0x3;
	s19 =	sshrl.u32 s19, $0x3  }
0x21: {  	s22 =	sshrl.u32 s22, $0x3;
	s14 =	sadd.s32 s20, s14;
	s15 =	sadd.s32 s20, s15  }
0x22: {  	s16 =	sadd.s32 s20, s16;
	s17 =	sadd.s32 s20, s17;
	s18 =	sadd.s32 s20, s18  }
0x23: {  	v0 =	vimm.f32 $1.000000000e+00;
	v1 =	vimm.f32 $0.0e+00;
	s19 =	sadd.s32 s20, s19;
	s20 =	sadd.s32 s20, s22;
	s22 =	simm.s32 $0x6800  }
.LBB2_1:
0x24: {  	s26 =	simm.s32 $0x0;
	s28 =	simm.s32 $0x200  }
.LBB2_2:
0x25: {  	p1 =	sne.s32 s28, $0x9E00;
	[tilespmem:s26+$0x4070] =	vst v0  }
0x26: {  	[tilespmem:s26+$0x4000] =	vst v0  }
0x27: {  	[tilespmem:s26+$0x4010] =	vst v0  }
.Ltmp0:
0x28: {  	[tilespmem:s26+$0x4020] =	vst v0;
	(pc) =	sbr.rel @p1 .LBB2_2-.Ltmp0, $4  }
0x29: {  	[tilespmem:s26+$0x4030] =	vst v0  }
0x2a: {  	[tilespmem:s26+$0x4040] =	vst v0  }
0x2b: {  	[tilespmem:s26+$0x4050] =	vst v0  }
0x2c: {  	[tilespmem:s26+$0x4060] =	vst v0;
	s26 =	sshra.s32 s28, $0x2;
	s28 =	sadd.s32 $0x200, s28  }
0x2d: {  	[tilespmem:s26+$0x4070] =	vst v0  }
0x2e: {  	[tilespmem:s26+$0x4000] =	vst v0  }
0x2f: {  	[tilespmem:s26+$0x4010] =	vst v0  }
0x30: {  	[tilespmem:s26+$0x4020] =	vst v0  }
0x31: {  	[tilespmem:s26+$0x4030] =	vst v0  }
0x32: {  	[tilespmem:s26+$0x4040] =	vst v0  }
0x33: {  	[tilespmem:s26+$0x4050] =	vst v0  }
0x34: {  	[tilespmem:s26+$0x4060] =	vst v0;
	s26 =	simm.s32 $0x0;
	s28 =	simm.s32 $0x200  }
.LBB2_4:
0x35: {  	p1 =	sne.s32 s28, $0x9E00;
	[tilespmem:s26+$0x6870] =	vst v1  }
0x36: {  	[tilespmem:s26+$0x6800] =	vst v1  }
0x37: {  	[tilespmem:s26+$0x6810] =	vst v1  }
.Ltmp1:
0x38: {  	[tilespmem:s26+$0x6820] =	vst v1;
	(pc) =	sbr.rel @p1 .LBB2_4-.Ltmp1, $4  }
0x39: {  	[tilespmem:s26+$0x6830] =	vst v1  }
0x3a: {  	[tilespmem:s26+$0x6840] =	vst v1  }
0x3b: {  	[tilespmem:s26+$0x6850] =	vst v1  }
0x3c: {  	[tilespmem:s26+$0x6860] =	vst v1;
	s26 =	sshra.s32 s28, $0x2;
	s28 =	sadd.s32 $0x200, s28  }
0x3d: {  	[tilespmem:s26+$0x6870] =	vst v1  }
0x3e: {  	[tilespmem:s26+$0x6800] =	vst v1  }
0x3f: {  	[tilespmem:s26+$0x6810] =	vst v1  }
0x40: {  	[tilespmem:s26+$0x6820] =	vst v1  }
0x41: {  	[tilespmem:s26+$0x6830] =	vst v1  }
0x42: {  	[tilespmem:s26+$0x6840] =	vst v1  }
0x43: {  	[tilespmem:s26+$0x6850] =	vst v1  }
0x44: {  	[tilespmem:s26+$0x6860] =	vst v1  }
0x45: {  	[spmem:s4] =	stream.linear.scatter [tilespmem:s22], [sflag:$0x1], $0x2800, $0x38;
	[tilespmem:$0x1C880] =	vst v63  }
0x46: {  	_ =	swait.ge [sflag:s23], $0x2800  }
0x47: {  	[sflag:s23] =	ssyncset.done $0x0  }
0x48: {  	[sflag:s23] =	ssyncadd.s32 $0xFFFFD800  }
0x49: {  	[spmem:s5] =	stream.linear.scatter [tilespmem:s22], [sflag:$0x1], $0x2800, $0x38;
	[tilespmem:$0x1C880] =	vst v63  }
0x4a: {  	_ =	swait.ge [sflag:s23], $0x2800  }
0x4b: {  	[sflag:s23] =	ssyncset.done $0x0  }
0x4c: {  	[sflag:s23] =	ssyncadd.s32 $0xFFFFD800  }
0x4d: {  	[spmem:s6] =	stream.linear.scatter [tilespmem:s22], [sflag:$0x1], $0x2800, $0x38;
	[tilespmem:$0x1C880] =	vst v63  }
0x4e: {  	_ =	swait.ge [sflag:s23], $0x2800  }
0x4f: {  	[sflag:s23] =	ssyncset.done $0x0  }
0x50: {  	[sflag:s23] =	ssyncadd.s32 $0xFFFFD800  }
0x51: {  	[spmem:s7] =	stream.linear.scatter [tilespmem:s22], [sflag:$0x1], $0x2800, $0x38;
	[tilespmem:$0x1C880] =	vst v63  }
0x52: {  	_ =	swait.ge [sflag:s23], $0x2800  }
0x53: {  	[sflag:s23] =	ssyncset.done $0x0  }
0x54: {  	[sflag:s23] =	ssyncadd.s32 $0xFFFFD800  }
0x55: {  	[spmem:s8] =	stream.linear.scatter [tilespmem:s22], [sflag:$0x1], $0x2800, $0x38;
	[tilespmem:$0x1C880] =	vst v63  }
0x56: {  	_ =	swait.ge [sflag:s23], $0x2800  }
0x57: {  	[sflag:s23] =	ssyncset.done $0x0  }
0x58: {  	[sflag:s23] =	ssyncadd.s32 $0xFFFFD800  }
0x59: {  	[spmem:s9] =	stream.linear.scatter [tilespmem:s22], [sflag:$0x1], $0x2800, $0x38;
	[tilespmem:$0x1C880] =	vst v63  }
0x5a: {  	_ =	swait.ge [sflag:s23], $0x2800  }
0x5b: {  	[sflag:s23] =	ssyncset.done $0x0  }
0x5c: {  	[sflag:s23] =	ssyncadd.s32 $0xFFFFD800  }
0x5d: {  	[spmem:s10] =	stream.linear.scatter [tilespmem:s22], [sflag:$0x1], $0x2800, $0x38;
	[tilespmem:$0x1C880] =	vst v63  }
0x5e: {  	_ =	swait.ge [sflag:s23], $0x2800  }
0x5f: {  	[sflag:s23] =	ssyncset.done $0x0  }
0x60: {  	s26 =	simm.s32 @!p0 $0x6800;
	[sflag:s23] =	ssyncadd.s32 $0xFFFFD800  }
0x61: {  	[spmem:s11] =	stream.linear.scatter @!p0 [tilespmem:s26], [sflag:$0x1], $0x2800, $0x38;
	[tilespmem:$0x1C880] =	vst v63  }
0x62: {  	s26 =	simm.s32 @!p0 $0x1  }
0x63: {  	_ =	swait.ge @!p0 [sflag:s26], $0x2800  }
0x64: {  	[sflag:s26] =	ssyncset.done @!p0 $0x0  }
0x65: {  	[sflag:s26] =	ssyncadd.s32 @!p0 $0xFFFFD800  }
0x66: {  	s30 =	simm.s32 $0x0;
	[bflag:$0x0] =	sbarrier.arrive $0xFFFF  }
0x67: {  	[tilespmem:s30], [sflag:$0x1] =	stream.linear.gather [hbm4b:s12+s30], $0x3E80, $0x38;
	[tilespmem:$0x1C880] =	vst v63  }
0x68: {  	_ =	swait.ge [sflag:s23], $0x3E80  }
0x69: {  	[sflag:s23] =	ssyncset.done $0x0  }
0x6a: {  	s31 =	simm.s32 $0x0;
	[sflag:s23] =	ssyncadd.s32 $0xFFFFC180  }
0x6b: {  	[spmem:s1] =	stream.indirect.scatter.add.f32 [tilespmem:s25], [sflag:$0x1], $0x80, s31, s24, $0xb8;
	[tilespmem:$0x1C880] =	vst v63  }
0x6c: {  	_ =	swait.ge [sflag:s23], $0x2800  }
0x6d: {  	s26 =	simm.s32 $0x200;
	[sflag:s23] =	ssyncset.done $0x0  }
.LBB2_6:
0x6e: {  	s28 =	sshra.s32 s26, $0x2;
	[sflag:s23] =	ssyncadd.s32 $0xFFFFD800;
	p1 =	sne.s32 s26, $0xF800  }
0x6f: {  	[spmem:s1] =	stream.indirect.scatter.add.f32 [tilespmem:s25], [sflag:$0x1], $0x80, s28, s24, $0xb8;
	[tilespmem:$0x1C880] =	vst v63  }
.Ltmp2:
0x70: {  	_ = 	snop;
	(pc) =	sbr.rel @p1 .LBB2_6-.Ltmp2, $4  }
0x71: {  	_ = 	snop  }
0x72: {  	s26 =	sadd.s32 $0x200, s26  }
0x73: {  	_ =	swait.ge [sflag:s23], $0x2800  }
0x74: {  	[sflag:s23] =	ssyncset.done $0x0  }
0x75: {  	[sflag:s23] =	ssyncadd.s32 $0xFFFFD800;
	s26 =	sshll.u32 s3, $0x6  }
0x76: {  	s28 =	sshrl.u32 s4, $0x3;
	[bflag:$0x0] =	sbarrier.arrive $0xFFFF;
	s26 =	sor.u32 $0x1C01, s26  }
0x77: {  	[hbm:s13], [sflag:s26] =	dma.local [spmem:s28], $0x500  }
0x78: {  	_ =	swait.ge [sflag:s23], $0x500  }
0x79: {  	[sflag:s23] =	ssyncset.done $0x0  }
0x7a: {  	s29 =	sshrl.u32 s5, $0x3;
	[sflag:s23] =	ssyncadd.s32 $0xFFFFFB00  }
0x7b: {  	[hbm:s14], [sflag:s26] =	dma.local [spmem:s29], $0x500  }
0x7c: {  	_ =	swait.ge [sflag:s23], $0x500  }
0x7d: {  	[sflag:s23] =	ssyncset.done $0x0  }
0x7e: {  	s30 =	sshrl.u32 s6, $0x3;
	[sflag:s23] =	ssyncadd.s32 $0xFFFFFB00  }
0x7f: {  	[hbm:s15], [sflag:s26] =	dma.local [spmem:s30], $0x500  }
0x80: {  	_ =	swait.ge [sflag:s23], $0x500  }
0x81: {  	[sflag:s23] =	ssyncset.done $0x0  }
0x82: {  	s31 =	sshrl.u32 s7, $0x3;
	[sflag:s23] =	ssyncadd.s32 $0xFFFFFB00  }
0x83: {  	[hbm:s16], [sflag:s26] =	dma.local [spmem:s31], $0x500  }
0x84: {  	_ =	swait.ge [sflag:s23], $0x500  }
0x85: {  	[sflag:s23] =	ssyncset.done $0x0  }
0x86: {  	s29 =	sshrl.u32 s8, $0x3;
	[sflag:s23] =	ssyncadd.s32 $0xFFFFFB00  }
0x87: {  	[hbm:s17], [sflag:s26] =	dma.local [spmem:s29], $0x500  }
0x88: {  	_ =	swait.ge [sflag:s23], $0x500  }
0x89: {  	[sflag:s23] =	ssyncset.done $0x0  }
0x8a: {  	s30 =	sshrl.u32 s9, $0x3;
	[sflag:s23] =	ssyncadd.s32 $0xFFFFFB00  }
0x8b: {  	[hbm:s18], [sflag:s26] =	dma.local [spmem:s30], $0x500  }
0x8c: {  	_ =	swait.ge [sflag:s23], $0x500  }
0x8d: {  	[sflag:s23] =	ssyncset.done $0x0  }
0x8e: {  	s31 =	sshrl.u32 s10, $0x3;
	[sflag:s23] =	ssyncadd.s32 $0xFFFFFB00  }
0x8f: {  	[hbm:s19], [sflag:s26] =	dma.local [spmem:s31], $0x500  }
0x90: {  	_ =	swait.ge [sflag:s23], $0x500  }
0x91: {  	s2 =	sadd.s32 $0x1, s2;
	[sflag:s23] =	ssyncset.done $0x0  }
0x92: {  	p1 =	sne.s32 s2, s21;
	s28 =	sshrl.u32 @!p0 s11, $0x3;
	[sflag:s23] =	ssyncadd.s32 $0xFFFFFB00  }
0x93: {  	[hbm:s20], [sflag:s26] =	dma.local @!p0 [spmem:s28], $0x500  }
.Ltmp3:
0x94: {  	_ = 	snop;
	(pc) =	sbr.rel @p1 .LBB2_1-.Ltmp3, $4  }
0x95: {  	s26 =	simm.s32 @!p0 $0x1  }
0x96: {  	_ =	swait.ge @!p0 [sflag:s26], $0x500  }
0x97: {  	[sflag:s26] =	ssyncset.done @!p0 $0x0  }
0x98: {  	[sflag:s26] =	ssyncadd.s32 @!p0 $0xFFFFFB00  }
0x99: {  	_ =	sfence.sel $0x180000  }
0x9a: {  	[bflag:$0x0] =	sbarrier.arrive $0xFFFF  }
0x9b: {  	p0 =	sne.s32 s3, $0x0;
	_ =	strace $0x90000047  }
0x9c: {  	s0 =	sadd.s32 @!p0 $0x100000, s0;
	[bflag:$0x2] =	sbarrier.arrive $0xFFFF  }
0x9d: {  	[sflag:s0] =	ssyncadd.tile.s32 @!p0 $0x1;
	_ =	shalt  }
.Lfunc_end2:
_tile_overlayer_lowered:
.L_overlay_start_2:
0x9e: {  	(tag) =	ssettag $0x2  }
0x9f: {  	s0 =	rddreg [dreg:$0x0];
	s2 =	stileid.u32  }
0xa0: {  	s1 =	rddreg [dreg:$0x1];
	p0 =	sne.s32 s2, $0x0  }
0xa1: {  	s3 =	rddreg [dreg:$0x2];
	[bflag:$0x3] =	sbarrier.arrive $0xFFFF;
	s2 =	simm.s32 @!p0 $0x1C01  }
0xa2: {  	[timem:s3], [sflag:s2] =	dma.local @!p0 [hbm:s0], s1  }
0xa3: {  	s0 =	simm.s32 @!p0 $0x1  }
0xa4: {  	_ =	swait.ge @!p0 [sflag:s0], s1  }
0xa5: {  	s1 =	ssub.s32 @!p0 $0x0, s1;
	[sflag:s0] =	ssyncset.done @!p0 $0x0  }
0xa6: {  	[sflag:s0] =	ssyncadd.s32 @!p0 s1  }
0xa7: {  	[bflag:$0x3] =	sbarrier.arrive $0xFFFF  }
0xa8: {  	_ =	shalt  }

</sc_bundles>
